<compile_context>
chip_gen: v7x
topology: tpu7x:2x2x1
jax: 0.10.2.dev20260603
libtpu: 0.0.44.dev20260713+nightly
codegen_flags: <defaults>
</compile_context>

<pallas_src>
import functools

import numpy as np
import jax
import jax.numpy as jnp
from jax import lax
from jax.experimental import pallas as pl
from jax.experimental.pallas import tpu as pltpu
from jax.experimental.pallas import tpu_sc as plsc

_N = 5000
_LANES = 16
_NPAD = 5008
_NCHUNK = _NPAD // _LANES
_MIN_LEN = 6.0
_SUPPRESS_LT = float(np.nextafter(np.float32(4.0), np.float32(0.0)))
_G = 64
_CAP = 4
_GSLOTS = _G * _G * _CAP
_GPAD = _GSLOTS + _LANES
_OV = 256
_OVPAD = _OV + _LANES
_SENT = 1e18
_FULL = 8.9e17


def _nms_kernel_body(xys_hbm, order_hbm, sent_hbm,
                     keep_hbm, xyout_hbm, idxout_hbm,
                     xy_v, ord_v, alive_v, gx_v, gy_v, ox_v, oy_v,
                     xyout_v, idout_v, cnt_v, ovs):
    lane_iota = lax.iota(jnp.int32, _LANES)
    ones = jnp.broadcast_to(jnp.float32(1.0), (_LANES,))
    zeros = jnp.broadcast_to(jnp.float32(0.0), (_LANES,))

    @pl.when((lax.axis_index("c") == 0) & (lax.axis_index("s") == 0))
    def _work():
        pltpu.sync_copy(xys_hbm, xy_v)
        pltpu.sync_copy(order_hbm, ord_v)
        pltpu.sync_copy(sent_hbm, gx_v)
        pltpu.sync_copy(sent_hbm, gy_v)
        pltpu.sync_copy(sent_hbm.at[pl.ds(0, _OVPAD)], ox_v)
        pltpu.sync_copy(sent_hbm.at[pl.ds(0, _OVPAD)], oy_v)
        ovs[0] = jnp.int32(0)

        def _zc(c, carry):
            cnt_v[pl.ds(c * _LANES, _LANES)] = lane_iota * 0
            return carry

        lax.fori_loop(0, (_G * _G) // _LANES, _zc, 0)

        def _outer(cj, nselv):
            base = cj * _LANES
            sl = pl.ds(base, _LANES)
            ovi = ord_v[sl]
            xv = plsc.load_gather(xy_v, [ovi << 1])
            yv = plsc.load_gather(xy_v, [(ovi << 1) + 1])

            fxv = xv * 0.5
            fyv = yv * 0.5
            txv = fxv.astype(jnp.int32)
            tyv = fyv.astype(jnp.int32)
            ixv = txv - jnp.where(fxv < txv.astype(jnp.float32), 1, 0)
            iyv = tyv - jnp.where(fyv < tyv.astype(jnp.float32), 1, 0)
            hitv = zeros
            homebase = None
            cells = []
            for dyy in (-1, 0, 1):
                rowv = ((iyv + dyy) & (_G - 1)) << 6
                for dxx in (-1, 0, 1):
                    cellv = rowv + ((ixv + dxx) & (_G - 1))
                    cells.append(cellv)
                    if dxx == 0 and dyy == 0:
                        homebase = cellv << 2
            mc = plsc.load_gather(cnt_v, [cells[0]])
            for cv in cells[1:]:
                mc = jnp.maximum(mc, plsc.load_gather(cnt_v, [cv]))
            for s in (8, 4, 2, 1):
                mc = jnp.maximum(
                    mc, mc.at[lane_iota ^ s].get(mode="promise_in_bounds"))
            smax = jnp.minimum(mc[0], jnp.int32(_CAP))

            def _slot(s, hv):
                for cv in cells:
                    idxv = (cv << 2) + s
                    gxs = plsc.load_gather(gx_v, [idxv])
                    gys = plsc.load_gather(gy_v, [idxv])
                    ddx = gxs - xv
                    ddy = gys - yv
                    d2 = ddx * ddx + ddy * ddy
                    hv = jnp.where(d2 < _SUPPRESS_LT, ones, hv)
                return hv

            hitv = lax.fori_loop(0, smax, _slot, hitv)

            ovcnt = ovs[0]

            def _ovchunk(c, hv):
                o = pl.ds(c * _LANES, _LANES)
                oxc = ox_v[o]
                oyc = oy_v[o]
                for e in range(_LANES):
                    dxe = xv - oxc[e]
                    dye = yv - oyc[e]
                    d2e = dxe * dxe + dye * dye
                    hv = jnp.where(d2e < _SUPPRESS_LT, ones, hv)
                return hv

            hitv = lax.fori_loop(0, (ovcnt + 15) >> 4, _ovchunk, hitv)

            validv = jnp.where((base + lane_iota) < _N, ones, zeros)
            avp = (ones - hitv) * validv
            confv = zeros
            for o in range(1, 9):
                sh = (lane_iota + o) & (_LANES - 1)
                xr = xv.at[sh].get(mode="promise_in_bounds")
                yr = yv.at[sh].get(mode="promise_in_bounds")
                dxr = xv - xr
                dyr = yv - yr
                d2r = dxr * dxr + dyr * dyr
                confv = jnp.where(d2r < _SUPPRESS_LT, ones, confv)
            for s in (8, 4, 2, 1):
                confv = jnp.maximum(
                    confv, confv.at[lane_iota ^ s].get(mode="promise_in_bounds"))
            alive_v[sl] = avp

            @pl.when(confv[0] > 0.5)
            def _resolve():
                av = avp
                for l in range(_LANES):
                    dx = xv - xv[l]
                    dy = yv - yv[l]
                    d2 = dx * dx + dy * dy
                    gate = jnp.where(lane_iota > l, av[l], jnp.float32(0.0))
                    hitf = jnp.where(d2 < _SUPPRESS_LT, gate, zeros)
                    av = av * (ones - hitf)
                alive_v[sl] = av

            av = alive_v[sl]

            homecell = homebase >> 2
            cntv = plsc.load_gather(cnt_v, [homecell])
            izeros = lane_iota * 0
            iones = izeros + 1
            dupoff = izeros
            for o in range(1, _LANES):
                shl = (lane_iota - o) & (_LANES - 1)
                hb_b = homecell.at[shl].get(mode="promise_in_bounds")
                av_b = av.at[shl].get(mode="promise_in_bounds")
                sb = jnp.where(homecell == hb_b, av_b, jnp.float32(0.0))
                sb = jnp.where(lane_iota >= o, sb, jnp.float32(0.0))
                dupoff = dupoff + jnp.where(sb > 0.5, iones, izeros)
            slotv = cntv + dupoff
            okf = jnp.where(slotv < _CAP, av, zeros)
            plsc.store_scatter(gx_v, [homebase + slotv], xv, mask=okf > 0.5)
            plsc.store_scatter(gy_v, [homebase + slotv], yv, mask=okf > 0.5)
            plsc.addupdate_scatter(cnt_v, [homecell], iones, mask=av > 0.5)

            ovff = av - okf
            ovfs = ovff[0]
            for l in range(1, _LANES):
                ovfs = ovfs + ovff[l]

            @pl.when(ovfs > 0.5)
            def _ov_all():
                for l in range(_LANES):
                    @pl.when(ovff[l] > 0.5)
                    def _ov_ins(l=l):
                        ovc = ovs[0]

                        @pl.when(ovc < _OV)
                        def _ov_ins2():
                            ob = (ovc >> 4) << 4
                            olane = ovc - ob
                            osl = pl.ds(ob, _LANES)
                            ox_v[osl] = jnp.where(lane_iota == olane, xv[l],
                                                  ox_v[osl])
                            oy_v[osl] = jnp.where(lane_iota == olane, yv[l],
                                                  oy_v[osl])

                        ovs[0] = ovc + 1

            idout_v[sl] = jnp.where(av > 0.5, ovi, izeros - 1)
            oidx = (base + lane_iota) << 1
            plsc.store_scatter(xyout_v, [oidx], xv * av)
            plsc.store_scatter(xyout_v, [oidx + 1], yv * av)

            return nselv + av

        nselv = lax.fori_loop(0, _NCHUNK, _outer, zeros)
        nsel = nselv[0]
        for l in range(1, _LANES):
            nsel = nsel + nselv[l]

        need = jnp.maximum(jnp.float32(_MIN_LEN) - nsel, 0.0)

        @pl.when(need > 0.5)
        def _backfill():
            def _bf(c, run):
                base = c * _LANES
                sl = pl.ds(base, _LANES)
                av = alive_v[sl]
                newav = av
                for l in range(_LANES):
                    valid = (base + l) < _N
                    notk = valid & (av[l] < 0.5)
                    takef = jnp.where(notk & (run < need),
                                      jnp.float32(1.0), jnp.float32(0.0))
                    newav = newav + jnp.where(lane_iota == l, takef,
                                              jnp.float32(0.0))
                    run = run + jnp.where(notk, jnp.float32(1.0),
                                          jnp.float32(0.0))
                alive_v[sl] = newav
                ovi = ord_v[sl]
                xv = plsc.load_gather(xy_v, [ovi << 1])
                yv = plsc.load_gather(xy_v, [(ovi << 1) + 1])
                idout_v[sl] = jnp.where(newav > 0.5, ovi, (lane_iota * 0) - 1)
                oidx = (base + lane_iota) << 1
                plsc.store_scatter(xyout_v, [oidx], xv * newav)
                plsc.store_scatter(xyout_v, [oidx + 1], yv * newav)
                return run

            lax.fori_loop(0, _NCHUNK, _bf, jnp.float32(0.0))

        pltpu.sync_copy(alive_v.at[pl.ds(0, _N)], keep_hbm)
        pltpu.sync_copy(xyout_v.at[pl.ds(0, 2 * _N)], xyout_hbm)
        pltpu.sync_copy(idout_v.at[pl.ds(0, _N)], idxout_hbm)


@jax.jit
def _nms_run(xys_flat, order_pad, sent):
    fn = pl.kernel(
        _nms_kernel_body,
        out_type=(
            jax.ShapeDtypeStruct((_N,), jnp.float32),
            jax.ShapeDtypeStruct((2 * _N,), jnp.float32),
            jax.ShapeDtypeStruct((_N,), jnp.int32),
        ),
        mesh=plsc.VectorSubcoreMesh(core_axis_name="c", subcore_axis_name="s"),
        compiler_params=pltpu.CompilerParams(needs_layout_passes=False),
        scratch_types=[
            pltpu.VMEM((2 * _NPAD,), jnp.float32),
            pltpu.VMEM((_NPAD,), jnp.int32),
            pltpu.VMEM((_NPAD,), jnp.float32),
            pltpu.VMEM((_GPAD,), jnp.float32),
            pltpu.VMEM((_GPAD,), jnp.float32),
            pltpu.VMEM((_OVPAD,), jnp.float32),
            pltpu.VMEM((_OVPAD,), jnp.float32),
            pltpu.VMEM((2 * _NPAD,), jnp.float32),
            pltpu.VMEM((_NPAD,), jnp.int32),
            pltpu.VMEM((_G * _G,), jnp.int32),
            pltpu.SMEM((1,), jnp.int32),
        ],
    )
    return fn(xys_flat, order_pad, sent)


def kernel(xys, logits):
    order = jnp.argsort(-logits)
    order_pad = jnp.concatenate(
        [order, jnp.full((_NPAD - _N,), _N, dtype=jnp.int32)])
    xys_flat = jnp.concatenate(
        [jnp.reshape(xys, (-1,)),
         jnp.full((2 * (_NPAD - _N),), 1e9, dtype=jnp.float32)])
    sent = jnp.full((_GPAD,), _SENT, dtype=jnp.float32)
    keep_f, xy_flat, selected_idcs = _nms_run(xys_flat, order_pad, sent)
    keep_final = keep_f > 0.5
    selected_xys = jnp.reshape(xy_flat, (_N, 2))
    return selected_idcs, selected_xys, keep_final

# --- scband reference (transcript-rebuilt; emitter-appended) ---
"""Pipeline reference for scband-net-79577154060428 (READ-ONLY COPY).

The authoritative reference and input builder live on the scoring server;
editing this copy changes nothing except your own understanding.
"""

import jax, jax.numpy as jnp
import numpy as np

N = 5000
THRESHOLD = 2.0
MIN_LEN = 6


def setup_inputs(seed: int = 0) -> dict:
    key = jax.random.key(seed)
    k1, k2 = jax.random.split(key)
    # 2D endpoint coordinates (meters-scale so threshold=2.0 is meaningful)
    xys = jax.random.normal(k1, (N, 2), dtype=jnp.float32) * 50.0
    logits = jax.random.normal(k2, (N,), dtype=jnp.float32)
    return {"xys": xys, "logits": logits}


def _nms_select(xys, logits, threshold, min_len):
    # Faithful jax version of nms_select: greedy distance-based suppression
    # over candidates sorted by descending logit, then backfill to min_len.
    n = xys.shape[0]
    order = jnp.argsort(-logits)
    xys_sorted = jnp.take(xys, order, axis=0)
    idx = jnp.arange(n)

    def step(carry, x):
        sel_buf, count = carry
        d2 = jnp.sum((sel_buf - x[None, :]) ** 2, axis=-1)
        d2 = jnp.where(idx < count, d2, jnp.inf)
        min_dist = jnp.sqrt(jnp.min(d2))
        keep = jnp.logical_or(count == 0, min_dist >= threshold)
        new_buf = jax.lax.dynamic_update_slice(sel_buf, x[None, :], (count, jnp.int32(0)))
        sel_buf = jnp.where(keep, new_buf, sel_buf)
        count = count + keep.astype(jnp.int32)
        return (sel_buf, count), keep

    init = (jnp.zeros((n, 2), dtype=xys.dtype), jnp.int32(0))
    (sel_buf, num_sel), keep = jax.lax.scan(step, init, xys_sorted)

    # Backfill: if fewer than min_len selected, take top-scored unselected
    need = jnp.maximum(min_len - num_sel, 0)
    not_keep = jnp.logical_not(keep)
    rank_among_rejected = jnp.cumsum(not_keep.astype(jnp.int32))
    extra = jnp.logical_and(not_keep, rank_among_rejected <= need)
    keep_final = jnp.logical_or(keep, extra)

    selected_idcs = jnp.where(keep_final, order, -1)
    selected_xys = xys_sorted * keep_final[:, None].astype(xys.dtype)
    return selected_idcs, selected_xys, keep_final


def reference(xys, logits):
    return _nms_select(xys, logits, THRESHOLD, MIN_LEN)

if __name__ == "__main__":
    import jax
    _d = setup_inputs()
    print(jax.jit(kernel)(*tuple(_d.values())))

</pallas_src>

<mosaic_0001>
#map = affine_map<(d0, d1) -> (0)>
module attributes {stable_mosaic.version = 14 : i64} {
  func.func @_nms_kernel_body(%arg0: i32, %arg1: i32, %arg2: memref<10016xf32, #tpu.memory_space<hbm>>, %arg3: memref<5008xi32, #tpu.memory_space<hbm>>, %arg4: memref<16400xf32, #tpu.memory_space<hbm>>, %arg5: memref<5000xf32, #tpu.memory_space<hbm>>, %arg6: memref<10000xf32, #tpu.memory_space<hbm>>, %arg7: memref<5000xi32, #tpu.memory_space<hbm>>, %arg8: memref<10016xf32, #tpu.memory_space<vmem>>, %arg9: memref<5008xi32, #tpu.memory_space<vmem>>, %arg10: memref<5008xf32, #tpu.memory_space<vmem>>, %arg11: memref<16400xf32, #tpu.memory_space<vmem>>, %arg12: memref<16400xf32, #tpu.memory_space<vmem>>, %arg13: memref<272xf32, #tpu.memory_space<vmem>>, %arg14: memref<272xf32, #tpu.memory_space<vmem>>, %arg15: memref<10016xf32, #tpu.memory_space<vmem>>, %arg16: memref<5008xi32, #tpu.memory_space<vmem>>, %arg17: memref<4096xi32, #tpu.memory_space<vmem>>, %arg18: memref<1xi32, #tpu.memory_space<smem>>) attributes {dimension_semantics = [#tpu.dimension_semantics<core_parallel>, #tpu.dimension_semantics<subcore_parallel>], iteration_bounds = array<i64: 2, 16>, scalar_prefetch = 0 : i64, scratch_operands = 11 : i64, tpu.core_type = #tpu.core_type<sc_vector_subcore>, window_params = [{transform_indices = #map}, {transform_indices = #map}, {transform_indices = #map}, {transform_indices = #map}, {transform_indices = #map}, {transform_indices = #map}]} {
    %iota3A = tpu.iota {dimensions = array<i32: 0>} : vector<16xi32>
    %broadcast_in_dim3A = arith.constant 1.000000e+00 : f32
    %broadcast_in_dim3A_0 = vector.broadcast %broadcast_in_dim3A : f32 to vector<16xf32>
    %broadcast_in_dim3A_1 = arith.constant 0.000000e+00 : f32
    %broadcast_in_dim3A_2 = vector.broadcast %broadcast_in_dim3A_1 : f32 to vector<16xf32>
    %eq3A = arith.constant 0 : i32
    %eq3A_3 = arith.cmpi eq, %arg0, %eq3A : i32
    %eq3A_4 = arith.constant 0 : i32
    %eq3A_5 = arith.cmpi eq, %arg1, %eq3A_4 : i32
    %and3A = arith.andi %eq3A_3, %eq3A_5 : i1
    %convert_element_type3A = arith.extui %and3A : i1 to i32
    %cond3A = arith.constant 0 : i32
    %cond3A_6 = arith.cmpi ne, %convert_element_type3A, %cond3A : i32
    scf.if %cond3A_6 {
      "tpu.region"() ({
        %run_scoped3A = tpu.sem_alloc : memref<!tpu.dma_semaphore, #tpu.memory_space<semaphore_mem>>
        tpu.enqueue_dma source(%arg2 : memref<10016xf32, #tpu.memory_space<hbm>>) target(%arg8 : memref<10016xf32, #tpu.memory_space<vmem>>) target_semaphore(%run_scoped3A : memref<!tpu.dma_semaphore, #tpu.memory_space<semaphore_mem>>)
        tpu.wait_dma2 semaphore(%run_scoped3A : memref<!tpu.dma_semaphore, #tpu.memory_space<semaphore_mem>>) src(%arg2 : memref<10016xf32, #tpu.memory_space<hbm>>) dst(%arg8 : memref<10016xf32, #tpu.memory_space<vmem>>)
        tpu.yield
      }) : () -> ()
      "tpu.region"() ({
        %run_scoped3A = tpu.sem_alloc : memref<!tpu.dma_semaphore, #tpu.memory_space<semaphore_mem>>
        tpu.enqueue_dma source(%arg3 : memref<5008xi32, #tpu.memory_space<hbm>>) target(%arg9 : memref<5008xi32, #tpu.memory_space<vmem>>) target_semaphore(%run_scoped3A : memref<!tpu.dma_semaphore, #tpu.memory_space<semaphore_mem>>)
        tpu.wait_dma2 semaphore(%run_scoped3A : memref<!tpu.dma_semaphore, #tpu.memory_space<semaphore_mem>>) src(%arg3 : memref<5008xi32, #tpu.memory_space<hbm>>) dst(%arg9 : memref<5008xi32, #tpu.memory_space<vmem>>)
        tpu.yield
      }) : () -> ()
      "tpu.region"() ({
        %run_scoped3A = tpu.sem_alloc : memref<!tpu.dma_semaphore, #tpu.memory_space<semaphore_mem>>
        tpu.enqueue_dma source(%arg4 : memref<16400xf32, #tpu.memory_space<hbm>>) target(%arg11 : memref<16400xf32, #tpu.memory_space<vmem>>) target_semaphore(%run_scoped3A : memref<!tpu.dma_semaphore, #tpu.memory_space<semaphore_mem>>)
        tpu.wait_dma2 semaphore(%run_scoped3A : memref<!tpu.dma_semaphore, #tpu.memory_space<semaphore_mem>>) src(%arg4 : memref<16400xf32, #tpu.memory_space<hbm>>) dst(%arg11 : memref<16400xf32, #tpu.memory_space<vmem>>)
        tpu.yield
      }) : () -> ()
      "tpu.region"() ({
        %run_scoped3A = tpu.sem_alloc : memref<!tpu.dma_semaphore, #tpu.memory_space<semaphore_mem>>
        tpu.enqueue_dma source(%arg4 : memref<16400xf32, #tpu.memory_space<hbm>>) target(%arg12 : memref<16400xf32, #tpu.memory_space<vmem>>) target_semaphore(%run_scoped3A : memref<!tpu.dma_semaphore, #tpu.memory_space<semaphore_mem>>)
        tpu.wait_dma2 semaphore(%run_scoped3A : memref<!tpu.dma_semaphore, #tpu.memory_space<semaphore_mem>>) src(%arg4 : memref<16400xf32, #tpu.memory_space<hbm>>) dst(%arg12 : memref<16400xf32, #tpu.memory_space<vmem>>)
        tpu.yield
      }) : () -> ()
      "tpu.region"() ({
        %run_scoped3A = tpu.sem_alloc : memref<!tpu.dma_semaphore, #tpu.memory_space<semaphore_mem>>
        %dma_start3A = arith.constant 0 : i32
        %dma_start3A_71 = tpu.memref_slice %arg4[%dma_start3A] : memref<16400xf32, #tpu.memory_space<hbm>> -> memref<272xf32, #tpu.memory_space<hbm>>
        %dma_start3A_72 = arith.constant 0 : i32
        %dma_start3A_73 = tpu.memref_slice %arg4[%dma_start3A_72] : memref<16400xf32, #tpu.memory_space<hbm>> -> memref<272xf32, #tpu.memory_space<hbm>>
        tpu.enqueue_dma source(%dma_start3A_73 : memref<272xf32, #tpu.memory_space<hbm>>) target(%arg13 : memref<272xf32, #tpu.memory_space<vmem>>) target_semaphore(%run_scoped3A : memref<!tpu.dma_semaphore, #tpu.memory_space<semaphore_mem>>)
        %dma_wait3A = arith.constant 0 : i32
        %dma_wait3A_74 = tpu.memref_slice %arg4[%dma_wait3A] : memref<16400xf32, #tpu.memory_space<hbm>> -> memref<272xf32, #tpu.memory_space<hbm>>
        %dma_wait3A_75 = arith.constant 0 : i32
        %dma_wait3A_76 = tpu.memref_slice %arg4[%dma_wait3A_75] : memref<16400xf32, #tpu.memory_space<hbm>> -> memref<272xf32, #tpu.memory_space<hbm>>
        tpu.wait_dma2 semaphore(%run_scoped3A : memref<!tpu.dma_semaphore, #tpu.memory_space<semaphore_mem>>) src(%dma_wait3A_76 : memref<272xf32, #tpu.memory_space<hbm>>) dst(%arg13 : memref<272xf32, #tpu.memory_space<vmem>>)
        tpu.yield
      }) : () -> ()
      "tpu.region"() ({
        %run_scoped3A = tpu.sem_alloc : memref<!tpu.dma_semaphore, #tpu.memory_space<semaphore_mem>>
        %dma_start3A = arith.constant 0 : i32
        %dma_start3A_71 = tpu.memref_slice %arg4[%dma_start3A] : memref<16400xf32, #tpu.memory_space<hbm>> -> memref<272xf32, #tpu.memory_space<hbm>>
        %dma_start3A_72 = arith.constant 0 : i32
        %dma_start3A_73 = tpu.memref_slice %arg4[%dma_start3A_72] : memref<16400xf32, #tpu.memory_space<hbm>> -> memref<272xf32, #tpu.memory_space<hbm>>
        tpu.enqueue_dma source(%dma_start3A_73 : memref<272xf32, #tpu.memory_space<hbm>>) target(%arg14 : memref<272xf32, #tpu.memory_space<vmem>>) target_semaphore(%run_scoped3A : memref<!tpu.dma_semaphore, #tpu.memory_space<semaphore_mem>>)
        %dma_wait3A = arith.constant 0 : i32
        %dma_wait3A_74 = tpu.memref_slice %arg4[%dma_wait3A] : memref<16400xf32, #tpu.memory_space<hbm>> -> memref<272xf32, #tpu.memory_space<hbm>>
        %dma_wait3A_75 = arith.constant 0 : i32
        %dma_wait3A_76 = tpu.memref_slice %arg4[%dma_wait3A_75] : memref<16400xf32, #tpu.memory_space<hbm>> -> memref<272xf32, #tpu.memory_space<hbm>>
        tpu.wait_dma2 semaphore(%run_scoped3A : memref<!tpu.dma_semaphore, #tpu.memory_space<semaphore_mem>>) src(%dma_wait3A_76 : memref<272xf32, #tpu.memory_space<hbm>>) dst(%arg14 : memref<272xf32, #tpu.memory_space<vmem>>)
        tpu.yield
      }) : () -> ()
      %swap3A = arith.constant 0 : i32
      %swap3A_7 = arith.constant 0 : i32
      %swap3A_8 = arith.index_cast %swap3A_7 : i32 to index
      %swap3A_9 = memref.load %arg18[%swap3A_8] : memref<1xi32, #tpu.memory_space<smem>>
      memref.store %swap3A, %arg18[%swap3A_8] : memref<1xi32, #tpu.memory_space<smem>>
      %scan3A = arith.constant 0 : i32
      %scan3A_10 = arith.constant 0 : i32
      %scan3A_11 = arith.constant 256 : i32
      %scan3A_12 = arith.addi %scan3A_10, %scan3A_11 : i32
      %scan3A_13 = arith.constant 1 : i32
      scf.for %scan3A_71 = %scan3A_10 to %scan3A_12 step %scan3A_13  : i32 {
        %mul3A = arith.constant 0 : i32
        %mul3A_72 = vector.broadcast %mul3A : i32 to vector<16xi32>
        %mul3A_73 = arith.muli %iota3A, %mul3A_72 : vector<16xi32>
        %mul3A_74 = arith.constant 16 : i32
        %mul3A_75 = arith.muli %scan3A_71, %mul3A_74 : i32
        %swap3A_76 = arith.index_cast %mul3A_75 : i32 to index
        %swap3A_77 = tpu.vector_load %arg17[%swap3A_76] {strides = array<i32>} : memref<4096xi32, #tpu.memory_space<vmem>>, vector<16xi32>,
        tpu.vector_store %arg17[%swap3A_76], %mul3A_73 {strides = array<i32>} : memref<4096xi32, #tpu.memory_space<vmem>>, vector<16xi32>,
      }
      %scan3A_14 = arith.constant 256 : i32
      %scan3A_15 = arith.constant 0 : i32
      %scan3A_16 = arith.constant 313 : i32
      %scan3A_17 = arith.addi %scan3A_15, %scan3A_16 : i32
      %scan3A_18 = arith.constant 1 : i32
      %scan3A_19 = scf.for %scan3A_71 = %scan3A_15 to %scan3A_17 step %scan3A_18 iter_args(%scan3A_72 = %broadcast_in_dim3A_2) -> (vector<16xf32>)  : i32 {
        %mul3A = arith.constant 16 : i32
        %mul3A_73 = arith.muli %scan3A_71, %mul3A : i32
        %get3A = arith.index_cast %mul3A_73 : i32 to index
        %get3A_74 = tpu.vector_load %arg9[%get3A] {strides = array<i32>} : memref<5008xi32, #tpu.memory_space<vmem>>, vector<16xi32>,
        %shift_left3A = arith.constant 1 : i32
        %shift_left3A_75 = vector.broadcast %shift_left3A : i32 to vector<16xi32>
        %shift_left3A_76 = arith.shli %get3A_74, %shift_left3A_75 : vector<16xi32>
        %gather3A = tpu.vector_load_idx %arg8[%shift_left3A_76] : memref<10016xf32, #tpu.memory_space<vmem>>[vector<16xi32>], vector<16xf32>,
        %shift_left3A_77 = arith.constant 1 : i32
        %shift_left3A_78 = vector.broadcast %shift_left3A_77 : i32 to vector<16xi32>
        %shift_left3A_79 = arith.shli %get3A_74, %shift_left3A_78 : vector<16xi32>
        %add3A_80 = arith.constant 1 : i32
        %add3A_81 = vector.broadcast %add3A_80 : i32 to vector<16xi32>
        %add3A_82 = arith.addi %shift_left3A_79, %add3A_81 : vector<16xi32>
        %gather3A_83 = tpu.vector_load_idx %arg8[%add3A_82] : memref<10016xf32, #tpu.memory_space<vmem>>[vector<16xi32>], vector<16xf32>,
        %mul3A_84 = arith.constant 5.000000e-01 : f32
        %mul3A_85 = vector.broadcast %mul3A_84 : f32 to vector<16xf32>
        %mul3A_86 = arith.mulf %gather3A, %mul3A_85 : vector<16xf32>
        %mul3A_87 = arith.constant 5.000000e-01 : f32
        %mul3A_88 = vector.broadcast %mul3A_87 : f32 to vector<16xf32>
        %mul3A_89 = arith.mulf %gather3A_83, %mul3A_88 : vector<16xf32>
        %convert_element_type3A_90 = arith.fptosi %mul3A_86 : vector<16xf32> to vector<16xi32>
        %convert_element_type3A_91 = arith.fptosi %mul3A_89 : vector<16xf32> to vector<16xi32>
        %convert_element_type3A_92 = arith.sitofp %convert_element_type3A_90 : vector<16xi32> to vector<16xf32>
        %lt3A = arith.cmpf olt, %mul3A_86, %convert_element_type3A_92 : vector<16xf32>
        %jit3A = arith.constant 1 : i32
        %jit3A_93 = arith.constant 0 : i32
        %broadcast_in_dim3A_94 = vector.broadcast %jit3A : i32 to vector<16xi32>
        %broadcast_in_dim3A_95 = vector.broadcast %jit3A_93 : i32 to vector<16xi32>
        %select_n3A = arith.select %lt3A, %broadcast_in_dim3A_94, %broadcast_in_dim3A_95 : vector<16xi1>, vector<16xi32>
        %sub3A_96 = arith.subi %convert_element_type3A_90, %select_n3A : vector<16xi32>
        %convert_element_type3A_97 = arith.sitofp %convert_element_type3A_91 : vector<16xi32> to vector<16xf32>
        %lt3A_98 = arith.cmpf olt, %mul3A_89, %convert_element_type3A_97 : vector<16xf32>
        %jit3A_99 = arith.constant 1 : i32
        %jit3A_100 = arith.constant 0 : i32
        %broadcast_in_dim3A_101 = vector.broadcast %jit3A_99 : i32 to vector<16xi32>
        %broadcast_in_dim3A_102 = vector.broadcast %jit3A_100 : i32 to vector<16xi32>
        %select_n3A_103 = arith.select %lt3A_98, %broadcast_in_dim3A_101, %broadcast_in_dim3A_102 : vector<16xi1>, vector<16xi32>
        %sub3A_104 = arith.subi %convert_element_type3A_91, %select_n3A_103 : vector<16xi32>
        %add3A_105 = arith.constant -1 : i32
        %add3A_106 = vector.broadcast %add3A_105 : i32 to vector<16xi32>
        %add3A_107 = arith.addi %sub3A_104, %add3A_106 : vector<16xi32>
        %and3A_108 = arith.constant 63 : i32
        %and3A_109 = vector.broadcast %and3A_108 : i32 to vector<16xi32>
        %and3A_110 = arith.andi %add3A_107, %and3A_109 : vector<16xi32>
        %shift_left3A_111 = arith.constant 6 : i32
        %shift_left3A_112 = vector.broadcast %shift_left3A_111 : i32 to vector<16xi32>
        %shift_left3A_113 = arith.shli %and3A_110, %shift_left3A_112 : vector<16xi32>
        %add3A_114 = arith.constant -1 : i32
        %add3A_115 = vector.broadcast %add3A_114 : i32 to vector<16xi32>
        %add3A_116 = arith.addi %sub3A_96, %add3A_115 : vector<16xi32>
        %and3A_117 = arith.constant 63 : i32
        %and3A_118 = vector.broadcast %and3A_117 : i32 to vector<16xi32>
        %and3A_119 = arith.andi %add3A_116, %and3A_118 : vector<16xi32>
        %add3A_120 = arith.addi %shift_left3A_113, %and3A_119 : vector<16xi32>
        %add3A_121 = arith.constant 0 : i32
        %add3A_122 = vector.broadcast %add3A_121 : i32 to vector<16xi32>
        %add3A_123 = arith.addi %sub3A_96, %add3A_122 : vector<16xi32>
        %and3A_124 = arith.constant 63 : i32
        %and3A_125 = vector.broadcast %and3A_124 : i32 to vector<16xi32>
        %and3A_126 = arith.andi %add3A_123, %and3A_125 : vector<16xi32>
        %add3A_127 = arith.addi %shift_left3A_113, %and3A_126 : vector<16xi32>
        %add3A_128 = arith.constant 1 : i32
        %add3A_129 = vector.broadcast %add3A_128 : i32 to vector<16xi32>
        %add3A_130 = arith.addi %sub3A_96, %add3A_129 : vector<16xi32>
        %and3A_131 = arith.constant 63 : i32
        %and3A_132 = vector.broadcast %and3A_131 : i32 to vector<16xi32>
        %and3A_133 = arith.andi %add3A_130, %and3A_132 : vector<16xi32>
        %add3A_134 = arith.addi %shift_left3A_113, %and3A_133 : vector<16xi32>
        %add3A_135 = arith.constant 0 : i32
        %add3A_136 = vector.broadcast %add3A_135 : i32 to vector<16xi32>
        %add3A_137 = arith.addi %sub3A_104, %add3A_136 : vector<16xi32>
        %and3A_138 = arith.constant 63 : i32
        %and3A_139 = vector.broadcast %and3A_138 : i32 to vector<16xi32>
        %and3A_140 = arith.andi %add3A_137, %and3A_139 : vector<16xi32>
        %shift_left3A_141 = arith.constant 6 : i32
        %shift_left3A_142 = vector.broadcast %shift_left3A_141 : i32 to vector<16xi32>
        %shift_left3A_143 = arith.shli %and3A_140, %shift_left3A_142 : vector<16xi32>
        %add3A_144 = arith.constant -1 : i32
        %add3A_145 = vector.broadcast %add3A_144 : i32 to vector<16xi32>
        %add3A_146 = arith.addi %sub3A_96, %add3A_145 : vector<16xi32>
        %and3A_147 = arith.constant 63 : i32
        %and3A_148 = vector.broadcast %and3A_147 : i32 to vector<16xi32>
        %and3A_149 = arith.andi %add3A_146, %and3A_148 : vector<16xi32>
        %add3A_150 = arith.addi %shift_left3A_143, %and3A_149 : vector<16xi32>
        %add3A_151 = arith.constant 0 : i32
        %add3A_152 = vector.broadcast %add3A_151 : i32 to vector<16xi32>
        %add3A_153 = arith.addi %sub3A_96, %add3A_152 : vector<16xi32>
        %and3A_154 = arith.constant 63 : i32
        %and3A_155 = vector.broadcast %and3A_154 : i32 to vector<16xi32>
        %and3A_156 = arith.andi %add3A_153, %and3A_155 : vector<16xi32>
        %add3A_157 = arith.addi %shift_left3A_143, %and3A_156 : vector<16xi32>
        %shift_left3A_158 = arith.constant 2 : i32
        %shift_left3A_159 = vector.broadcast %shift_left3A_158 : i32 to vector<16xi32>
        %shift_left3A_160 = arith.shli %add3A_157, %shift_left3A_159 : vector<16xi32>
        %add3A_161 = arith.constant 1 : i32
        %add3A_162 = vector.broadcast %add3A_161 : i32 to vector<16xi32>
        %add3A_163 = arith.addi %sub3A_96, %add3A_162 : vector<16xi32>
        %and3A_164 = arith.constant 63 : i32
        %and3A_165 = vector.broadcast %and3A_164 : i32 to vector<16xi32>
        %and3A_166 = arith.andi %add3A_163, %and3A_165 : vector<16xi32>
        %add3A_167 = arith.addi %shift_left3A_143, %and3A_166 : vector<16xi32>
        %add3A_168 = arith.constant 1 : i32
        %add3A_169 = vector.broadcast %add3A_168 : i32 to vector<16xi32>
        %add3A_170 = arith.addi %sub3A_104, %add3A_169 : vector<16xi32>
        %and3A_171 = arith.constant 63 : i32
        %and3A_172 = vector.broadcast %and3A_171 : i32 to vector<16xi32>
        %and3A_173 = arith.andi %add3A_170, %and3A_172 : vector<16xi32>
        %shift_left3A_174 = arith.constant 6 : i32
        %shift_left3A_175 = vector.broadcast %shift_left3A_174 : i32 to vector<16xi32>
        %shift_left3A_176 = arith.shli %and3A_173, %shift_left3A_175 : vector<16xi32>
        %add3A_177 = arith.constant -1 : i32
        %add3A_178 = vector.broadcast %add3A_177 : i32 to vector<16xi32>
        %add3A_179 = arith.addi %sub3A_96, %add3A_178 : vector<16xi32>
        %and3A_180 = arith.constant 63 : i32
        %and3A_181 = vector.broadcast %and3A_180 : i32 to vector<16xi32>
        %and3A_182 = arith.andi %add3A_179, %and3A_181 : vector<16xi32>
        %add3A_183 = arith.addi %shift_left3A_176, %and3A_182 : vector<16xi32>
        %add3A_184 = arith.constant 0 : i32
        %add3A_185 = vector.broadcast %add3A_184 : i32 to vector<16xi32>
        %add3A_186 = arith.addi %sub3A_96, %add3A_185 : vector<16xi32>
        %and3A_187 = arith.constant 63 : i32
        %and3A_188 = vector.broadcast %and3A_187 : i32 to vector<16xi32>
        %and3A_189 = arith.andi %add3A_186, %and3A_188 : vector<16xi32>
        %add3A_190 = arith.addi %shift_left3A_176, %and3A_189 : vector<16xi32>
        %add3A_191 = arith.constant 1 : i32
        %add3A_192 = vector.broadcast %add3A_191 : i32 to vector<16xi32>
        %add3A_193 = arith.addi %sub3A_96, %add3A_192 : vector<16xi32>
        %and3A_194 = arith.constant 63 : i32
        %and3A_195 = vector.broadcast %and3A_194 : i32 to vector<16xi32>
        %and3A_196 = arith.andi %add3A_193, %and3A_195 : vector<16xi32>
        %add3A_197 = arith.addi %shift_left3A_176, %and3A_196 : vector<16xi32>
        %gather3A_198 = tpu.vector_load_idx %arg17[%add3A_120] : memref<4096xi32, #tpu.memory_space<vmem>>[vector<16xi32>], vector<16xi32>,
        %gather3A_199 = tpu.vector_load_idx %arg17[%add3A_127] : memref<4096xi32, #tpu.memory_space<vmem>>[vector<16xi32>], vector<16xi32>,
        %max3A_200 = arith.maxsi %gather3A_198, %gather3A_199 : vector<16xi32>
        %gather3A_201 = tpu.vector_load_idx %arg17[%add3A_134] : memref<4096xi32, #tpu.memory_space<vmem>>[vector<16xi32>], vector<16xi32>,
        %max3A_202 = arith.maxsi %max3A_200, %gather3A_201 : vector<16xi32>
        %gather3A_203 = tpu.vector_load_idx %arg17[%add3A_150] : memref<4096xi32, #tpu.memory_space<vmem>>[vector<16xi32>], vector<16xi32>,
        %max3A_204 = arith.maxsi %max3A_202, %gather3A_203 : vector<16xi32>
        %gather3A_205 = tpu.vector_load_idx %arg17[%add3A_157] : memref<4096xi32, #tpu.memory_space<vmem>>[vector<16xi32>], vector<16xi32>,
        %max3A_206 = arith.maxsi %max3A_204, %gather3A_205 : vector<16xi32>
        %gather3A_207 = tpu.vector_load_idx %arg17[%add3A_167] : memref<4096xi32, #tpu.memory_space<vmem>>[vector<16xi32>], vector<16xi32>,
        %max3A_208 = arith.maxsi %max3A_206, %gather3A_207 : vector<16xi32>
        %gather3A_209 = tpu.vector_load_idx %arg17[%add3A_183] : memref<4096xi32, #tpu.memory_space<vmem>>[vector<16xi32>], vector<16xi32>,
        %max3A_210 = arith.maxsi %max3A_208, %gather3A_209 : vector<16xi32>
        %gather3A_211 = tpu.vector_load_idx %arg17[%add3A_190] : memref<4096xi32, #tpu.memory_space<vmem>>[vector<16xi32>], vector<16xi32>,
        %max3A_212 = arith.maxsi %max3A_210, %gather3A_211 : vector<16xi32>
        %gather3A_213 = tpu.vector_load_idx %arg17[%add3A_197] : memref<4096xi32, #tpu.memory_space<vmem>>[vector<16xi32>], vector<16xi32>,
        %max3A_214 = arith.maxsi %max3A_212, %gather3A_213 : vector<16xi32>
        %xor3A = arith.constant 8 : i32
        %xor3A_215 = vector.broadcast %xor3A : i32 to vector<16xi32>
        %xor3A_216 = arith.xori %iota3A, %xor3A_215 : vector<16xi32>
        %lt3A_217 = arith.constant 0 : i32
        %lt3A_218 = vector.broadcast %lt3A_217 : i32 to vector<16xi32>
        %lt3A_219 = arith.cmpi slt, %xor3A_216, %lt3A_218 : vector<16xi32>
        %add3A_220 = arith.constant 16 : i32
        %add3A_221 = vector.broadcast %add3A_220 : i32 to vector<16xi32>
        %add3A_222 = arith.addi %xor3A_216, %add3A_221 : vector<16xi32>
        %select_n3A_223 = arith.select %lt3A_219, %add3A_222, %xor3A_216 : vector<16xi1>, vector<16xi32>
        %broadcast_in_dim3A_224 = vector.shape_cast %select_n3A_223 : vector<16xi32> to vector<16x1xi32>
        %gather3A_225 = vector.shape_cast %broadcast_in_dim3A_224 : vector<16x1xi32> to vector<16xi32>
        %gather3A_226 = tpu.dynamic_gather %max3A_214[%gather3A_225] in [0] : vector<16xi32>, vector<16xi32> -> vector<16xi32>
        %max3A_227 = arith.maxsi %max3A_214, %gather3A_226 : vector<16xi32>
        %xor3A_228 = arith.constant 4 : i32
        %xor3A_229 = vector.broadcast %xor3A_228 : i32 to vector<16xi32>
        %xor3A_230 = arith.xori %iota3A, %xor3A_229 : vector<16xi32>
        %lt3A_231 = arith.constant 0 : i32
        %lt3A_232 = vector.broadcast %lt3A_231 : i32 to vector<16xi32>
        %lt3A_233 = arith.cmpi slt, %xor3A_230, %lt3A_232 : vector<16xi32>
        %add3A_234 = arith.constant 16 : i32
        %add3A_235 = vector.broadcast %add3A_234 : i32 to vector<16xi32>
        %add3A_236 = arith.addi %xor3A_230, %add3A_235 : vector<16xi32>
        %select_n3A_237 = arith.select %lt3A_233, %add3A_236, %xor3A_230 : vector<16xi1>, vector<16xi32>
        %broadcast_in_dim3A_238 = vector.shape_cast %select_n3A_237 : vector<16xi32> to vector<16x1xi32>
        %gather3A_239 = vector.shape_cast %broadcast_in_dim3A_238 : vector<16x1xi32> to vector<16xi32>
        %gather3A_240 = tpu.dynamic_gather %max3A_227[%gather3A_239] in [0] : vector<16xi32>, vector<16xi32> -> vector<16xi32>
        %max3A_241 = arith.maxsi %max3A_227, %gather3A_240 : vector<16xi32>
        %xor3A_242 = arith.constant 2 : i32
        %xor3A_243 = vector.broadcast %xor3A_242 : i32 to vector<16xi32>
        %xor3A_244 = arith.xori %iota3A, %xor3A_243 : vector<16xi32>
        %lt3A_245 = arith.constant 0 : i32
        %lt3A_246 = vector.broadcast %lt3A_245 : i32 to vector<16xi32>
        %lt3A_247 = arith.cmpi slt, %xor3A_244, %lt3A_246 : vector<16xi32>
        %add3A_248 = arith.constant 16 : i32
        %add3A_249 = vector.broadcast %add3A_248 : i32 to vector<16xi32>
        %add3A_250 = arith.addi %xor3A_244, %add3A_249 : vector<16xi32>
        %select_n3A_251 = arith.select %lt3A_247, %add3A_250, %xor3A_244 : vector<16xi1>, vector<16xi32>
        %broadcast_in_dim3A_252 = vector.shape_cast %select_n3A_251 : vector<16xi32> to vector<16x1xi32>
        %gather3A_253 = vector.shape_cast %broadcast_in_dim3A_252 : vector<16x1xi32> to vector<16xi32>
        %gather3A_254 = tpu.dynamic_gather %max3A_241[%gather3A_253] in [0] : vector<16xi32>, vector<16xi32> -> vector<16xi32>
        %max3A_255 = arith.maxsi %max3A_241, %gather3A_254 : vector<16xi32>
        %xor3A_256 = arith.constant 1 : i32
        %xor3A_257 = vector.broadcast %xor3A_256 : i32 to vector<16xi32>
        %xor3A_258 = arith.xori %iota3A, %xor3A_257 : vector<16xi32>
        %lt3A_259 = arith.constant 0 : i32
        %lt3A_260 = vector.broadcast %lt3A_259 : i32 to vector<16xi32>
        %lt3A_261 = arith.cmpi slt, %xor3A_258, %lt3A_260 : vector<16xi32>
        %add3A_262 = arith.constant 16 : i32
        %add3A_263 = vector.broadcast %add3A_262 : i32 to vector<16xi32>
        %add3A_264 = arith.addi %xor3A_258, %add3A_263 : vector<16xi32>
        %select_n3A_265 = arith.select %lt3A_261, %add3A_264, %xor3A_258 : vector<16xi1>, vector<16xi32>
        %broadcast_in_dim3A_266 = vector.shape_cast %select_n3A_265 : vector<16xi32> to vector<16x1xi32>
        %gather3A_267 = vector.shape_cast %broadcast_in_dim3A_266 : vector<16x1xi32> to vector<16xi32>
        %gather3A_268 = tpu.dynamic_gather %max3A_255[%gather3A_267] in [0] : vector<16xi32>, vector<16xi32> -> vector<16xi32>
        %max3A_269 = arith.maxsi %max3A_255, %gather3A_268 : vector<16xi32>
        %slice3A_270 = vector.extract_strided_slice %max3A_269 {offsets = [0], sizes = [1], strides = [1]} : vector<16xi32> to vector<1xi32>
        %squeeze3A_271 = vector.extract %slice3A_270[0] : i32 from vector<1xi32>
        %min3A = arith.constant 4 : i32
        %min3A_272 = arith.minsi %squeeze3A_271, %min3A : i32
        %while3A = arith.constant 0 : i32
        %while3A_273 = arith.subi %min3A_272, %while3A : i32
        %while3A_274 = arith.addi %while3A, %while3A_273 : i32
        %while3A_275 = arith.constant 1 : i32
        %while3A_276 = arith.divsi %while3A_273, %while3A_275 : i32
        %while3A_277 = arith.muli %while3A_276, %while3A_275 : i32
        %while3A_278 = arith.addi %while3A, %while3A_277 : i32
        %while3A_279 = arith.constant 1 : i32
        %while3A_280 = scf.for %while3A_1368 = %while3A to %while3A_278 step %while3A_279 iter_args(%while3A_1369 = %broadcast_in_dim3A_2) -> (vector<16xf32>)  : i32 {
          %shift_left3A_1370 = arith.constant 2 : i32
          %shift_left3A_1371 = vector.broadcast %shift_left3A_1370 : i32 to vector<16xi32>
          %shift_left3A_1372 = arith.shli %add3A_120, %shift_left3A_1371 : vector<16xi32>
          %add3A_1373 = vector.broadcast %while3A_1368 : i32 to vector<16xi32>
          %add3A_1374 = arith.addi %shift_left3A_1372, %add3A_1373 : vector<16xi32>
          %gather3A_1375 = tpu.vector_load_idx %arg11[%add3A_1374] : memref<16400xf32, #tpu.memory_space<vmem>>[vector<16xi32>], vector<16xf32>,
          %gather3A_1376 = tpu.vector_load_idx %arg12[%add3A_1374] : memref<16400xf32, #tpu.memory_space<vmem>>[vector<16xi32>], vector<16xf32>,
          %sub3A_1377 = arith.subf %gather3A_1375, %gather3A : vector<16xf32>
          %sub3A_1378 = arith.subf %gather3A_1376, %gather3A_83 : vector<16xf32>
          %mul3A_1379 = arith.mulf %sub3A_1377, %sub3A_1377 : vector<16xf32>
          %mul3A_1380 = arith.mulf %sub3A_1378, %sub3A_1378 : vector<16xf32>
          %add3A_1381 = arith.addf %mul3A_1379, %mul3A_1380 : vector<16xf32>
          %lt3A_1382 = arith.constant 3.99999976 : f32
          %lt3A_1383 = vector.broadcast %lt3A_1382 : f32 to vector<16xf32>
          %lt3A_1384 = arith.cmpf olt, %add3A_1381, %lt3A_1383 : vector<16xf32>
          %select_n3A_1385 = arith.select %lt3A_1384, %broadcast_in_dim3A_0, %while3A_1369 : vector<16xi1>, vector<16xf32>
          %shift_left3A_1386 = arith.constant 2 : i32
          %shift_left3A_1387 = vector.broadcast %shift_left3A_1386 : i32 to vector<16xi32>
          %shift_left3A_1388 = arith.shli %add3A_127, %shift_left3A_1387 : vector<16xi32>
          %add3A_1389 = vector.broadcast %while3A_1368 : i32 to vector<16xi32>
          %add3A_1390 = arith.addi %shift_left3A_1388, %add3A_1389 : vector<16xi32>
          %gather3A_1391 = tpu.vector_load_idx %arg11[%add3A_1390] : memref<16400xf32, #tpu.memory_space<vmem>>[vector<16xi32>], vector<16xf32>,
          %gather3A_1392 = tpu.vector_load_idx %arg12[%add3A_1390] : memref<16400xf32, #tpu.memory_space<vmem>>[vector<16xi32>], vector<16xf32>,
          %sub3A_1393 = arith.subf %gather3A_1391, %gather3A : vector<16xf32>
          %sub3A_1394 = arith.subf %gather3A_1392, %gather3A_83 : vector<16xf32>
          %mul3A_1395 = arith.mulf %sub3A_1393, %sub3A_1393 : vector<16xf32>
          %mul3A_1396 = arith.mulf %sub3A_1394, %sub3A_1394 : vector<16xf32>
          %add3A_1397 = arith.addf %mul3A_1395, %mul3A_1396 : vector<16xf32>
          %lt3A_1398 = arith.constant 3.99999976 : f32
          %lt3A_1399 = vector.broadcast %lt3A_1398 : f32 to vector<16xf32>
          %lt3A_1400 = arith.cmpf olt, %add3A_1397, %lt3A_1399 : vector<16xf32>
          %select_n3A_1401 = arith.select %lt3A_1400, %broadcast_in_dim3A_0, %select_n3A_1385 : vector<16xi1>, vector<16xf32>
          %shift_left3A_1402 = arith.constant 2 : i32
          %shift_left3A_1403 = vector.broadcast %shift_left3A_1402 : i32 to vector<16xi32>
          %shift_left3A_1404 = arith.shli %add3A_134, %shift_left3A_1403 : vector<16xi32>
          %add3A_1405 = vector.broadcast %while3A_1368 : i32 to vector<16xi32>
          %add3A_1406 = arith.addi %shift_left3A_1404, %add3A_1405 : vector<16xi32>
          %gather3A_1407 = tpu.vector_load_idx %arg11[%add3A_1406] : memref<16400xf32, #tpu.memory_space<vmem>>[vector<16xi32>], vector<16xf32>,
          %gather3A_1408 = tpu.vector_load_idx %arg12[%add3A_1406] : memref<16400xf32, #tpu.memory_space<vmem>>[vector<16xi32>], vector<16xf32>,
          %sub3A_1409 = arith.subf %gather3A_1407, %gather3A : vector<16xf32>
          %sub3A_1410 = arith.subf %gather3A_1408, %gather3A_83 : vector<16xf32>
          %mul3A_1411 = arith.mulf %sub3A_1409, %sub3A_1409 : vector<16xf32>
          %mul3A_1412 = arith.mulf %sub3A_1410, %sub3A_1410 : vector<16xf32>
          %add3A_1413 = arith.addf %mul3A_1411, %mul3A_1412 : vector<16xf32>
          %lt3A_1414 = arith.constant 3.99999976 : f32
          %lt3A_1415 = vector.broadcast %lt3A_1414 : f32 to vector<16xf32>
          %lt3A_1416 = arith.cmpf olt, %add3A_1413, %lt3A_1415 : vector<16xf32>
          %select_n3A_1417 = arith.select %lt3A_1416, %broadcast_in_dim3A_0, %select_n3A_1401 : vector<16xi1>, vector<16xf32>
          %shift_left3A_1418 = arith.constant 2 : i32
          %shift_left3A_1419 = vector.broadcast %shift_left3A_1418 : i32 to vector<16xi32>
          %shift_left3A_1420 = arith.shli %add3A_150, %shift_left3A_1419 : vector<16xi32>
          %add3A_1421 = vector.broadcast %while3A_1368 : i32 to vector<16xi32>
          %add3A_1422 = arith.addi %shift_left3A_1420, %add3A_1421 : vector<16xi32>
          %gather3A_1423 = tpu.vector_load_idx %arg11[%add3A_1422] : memref<16400xf32, #tpu.memory_space<vmem>>[vector<16xi32>], vector<16xf32>,
          %gather3A_1424 = tpu.vector_load_idx %arg12[%add3A_1422] : memref<16400xf32, #tpu.memory_space<vmem>>[vector<16xi32>], vector<16xf32>,
          %sub3A_1425 = arith.subf %gather3A_1423, %gather3A : vector<16xf32>
          %sub3A_1426 = arith.subf %gather3A_1424, %gather3A_83 : vector<16xf32>
          %mul3A_1427 = arith.mulf %sub3A_1425, %sub3A_1425 : vector<16xf32>
          %mul3A_1428 = arith.mulf %sub3A_1426, %sub3A_1426 : vector<16xf32>
          %add3A_1429 = arith.addf %mul3A_1427, %mul3A_1428 : vector<16xf32>
          %lt3A_1430 = arith.constant 3.99999976 : f32
          %lt3A_1431 = vector.broadcast %lt3A_1430 : f32 to vector<16xf32>
          %lt3A_1432 = arith.cmpf olt, %add3A_1429, %lt3A_1431 : vector<16xf32>
          %select_n3A_1433 = arith.select %lt3A_1432, %broadcast_in_dim3A_0, %select_n3A_1417 : vector<16xi1>, vector<16xf32>
          %shift_left3A_1434 = arith.constant 2 : i32
          %shift_left3A_1435 = vector.broadcast %shift_left3A_1434 : i32 to vector<16xi32>
          %shift_left3A_1436 = arith.shli %add3A_157, %shift_left3A_1435 : vector<16xi32>
          %add3A_1437 = vector.broadcast %while3A_1368 : i32 to vector<16xi32>
          %add3A_1438 = arith.addi %shift_left3A_1436, %add3A_1437 : vector<16xi32>
          %gather3A_1439 = tpu.vector_load_idx %arg11[%add3A_1438] : memref<16400xf32, #tpu.memory_space<vmem>>[vector<16xi32>], vector<16xf32>,
          %gather3A_1440 = tpu.vector_load_idx %arg12[%add3A_1438] : memref<16400xf32, #tpu.memory_space<vmem>>[vector<16xi32>], vector<16xf32>,
          %sub3A_1441 = arith.subf %gather3A_1439, %gather3A : vector<16xf32>
          %sub3A_1442 = arith.subf %gather3A_1440, %gather3A_83 : vector<16xf32>
          %mul3A_1443 = arith.mulf %sub3A_1441, %sub3A_1441 : vector<16xf32>
          %mul3A_1444 = arith.mulf %sub3A_1442, %sub3A_1442 : vector<16xf32>
          %add3A_1445 = arith.addf %mul3A_1443, %mul3A_1444 : vector<16xf32>
          %lt3A_1446 = arith.constant 3.99999976 : f32
          %lt3A_1447 = vector.broadcast %lt3A_1446 : f32 to vector<16xf32>
          %lt3A_1448 = arith.cmpf olt, %add3A_1445, %lt3A_1447 : vector<16xf32>
          %select_n3A_1449 = arith.select %lt3A_1448, %broadcast_in_dim3A_0, %select_n3A_1433 : vector<16xi1>, vector<16xf32>
          %shift_left3A_1450 = arith.constant 2 : i32
          %shift_left3A_1451 = vector.broadcast %shift_left3A_1450 : i32 to vector<16xi32>
          %shift_left3A_1452 = arith.shli %add3A_167, %shift_left3A_1451 : vector<16xi32>
          %add3A_1453 = vector.broadcast %while3A_1368 : i32 to vector<16xi32>
          %add3A_1454 = arith.addi %shift_left3A_1452, %add3A_1453 : vector<16xi32>
          %gather3A_1455 = tpu.vector_load_idx %arg11[%add3A_1454] : memref<16400xf32, #tpu.memory_space<vmem>>[vector<16xi32>], vector<16xf32>,
          %gather3A_1456 = tpu.vector_load_idx %arg12[%add3A_1454] : memref<16400xf32, #tpu.memory_space<vmem>>[vector<16xi32>], vector<16xf32>,
          %sub3A_1457 = arith.subf %gather3A_1455, %gather3A : vector<16xf32>
          %sub3A_1458 = arith.subf %gather3A_1456, %gather3A_83 : vector<16xf32>
          %mul3A_1459 = arith.mulf %sub3A_1457, %sub3A_1457 : vector<16xf32>
          %mul3A_1460 = arith.mulf %sub3A_1458, %sub3A_1458 : vector<16xf32>
          %add3A_1461 = arith.addf %mul3A_1459, %mul3A_1460 : vector<16xf32>
          %lt3A_1462 = arith.constant 3.99999976 : f32
          %lt3A_1463 = vector.broadcast %lt3A_1462 : f32 to vector<16xf32>
          %lt3A_1464 = arith.cmpf olt, %add3A_1461, %lt3A_1463 : vector<16xf32>
          %select_n3A_1465 = arith.select %lt3A_1464, %broadcast_in_dim3A_0, %select_n3A_1449 : vector<16xi1>, vector<16xf32>
          %shift_left3A_1466 = arith.constant 2 : i32
          %shift_left3A_1467 = vector.broadcast %shift_left3A_1466 : i32 to vector<16xi32>
          %shift_left3A_1468 = arith.shli %add3A_183, %shift_left3A_1467 : vector<16xi32>
          %add3A_1469 = vector.broadcast %while3A_1368 : i32 to vector<16xi32>
          %add3A_1470 = arith.addi %shift_left3A_1468, %add3A_1469 : vector<16xi32>
          %gather3A_1471 = tpu.vector_load_idx %arg11[%add3A_1470] : memref<16400xf32, #tpu.memory_space<vmem>>[vector<16xi32>], vector<16xf32>,
          %gather3A_1472 = tpu.vector_load_idx %arg12[%add3A_1470] : memref<16400xf32, #tpu.memory_space<vmem>>[vector<16xi32>], vector<16xf32>,
          %sub3A_1473 = arith.subf %gather3A_1471, %gather3A : vector<16xf32>
          %sub3A_1474 = arith.subf %gather3A_1472, %gather3A_83 : vector<16xf32>
          %mul3A_1475 = arith.mulf %sub3A_1473, %sub3A_1473 : vector<16xf32>
          %mul3A_1476 = arith.mulf %sub3A_1474, %sub3A_1474 : vector<16xf32>
          %add3A_1477 = arith.addf %mul3A_1475, %mul3A_1476 : vector<16xf32>
          %lt3A_1478 = arith.constant 3.99999976 : f32
          %lt3A_1479 = vector.broadcast %lt3A_1478 : f32 to vector<16xf32>
          %lt3A_1480 = arith.cmpf olt, %add3A_1477, %lt3A_1479 : vector<16xf32>
          %select_n3A_1481 = arith.select %lt3A_1480, %broadcast_in_dim3A_0, %select_n3A_1465 : vector<16xi1>, vector<16xf32>
          %shift_left3A_1482 = arith.constant 2 : i32
          %shift_left3A_1483 = vector.broadcast %shift_left3A_1482 : i32 to vector<16xi32>
          %shift_left3A_1484 = arith.shli %add3A_190, %shift_left3A_1483 : vector<16xi32>
          %add3A_1485 = vector.broadcast %while3A_1368 : i32 to vector<16xi32>
          %add3A_1486 = arith.addi %shift_left3A_1484, %add3A_1485 : vector<16xi32>
          %gather3A_1487 = tpu.vector_load_idx %arg11[%add3A_1486] : memref<16400xf32, #tpu.memory_space<vmem>>[vector<16xi32>], vector<16xf32>,
          %gather3A_1488 = tpu.vector_load_idx %arg12[%add3A_1486] : memref<16400xf32, #tpu.memory_space<vmem>>[vector<16xi32>], vector<16xf32>,
          %sub3A_1489 = arith.subf %gather3A_1487, %gather3A : vector<16xf32>
          %sub3A_1490 = arith.subf %gather3A_1488, %gather3A_83 : vector<16xf32>
          %mul3A_1491 = arith.mulf %sub3A_1489, %sub3A_1489 : vector<16xf32>
          %mul3A_1492 = arith.mulf %sub3A_1490, %sub3A_1490 : vector<16xf32>
          %add3A_1493 = arith.addf %mul3A_1491, %mul3A_1492 : vector<16xf32>
          %lt3A_1494 = arith.constant 3.99999976 : f32
          %lt3A_1495 = vector.broadcast %lt3A_1494 : f32 to vector<16xf32>
          %lt3A_1496 = arith.cmpf olt, %add3A_1493, %lt3A_1495 : vector<16xf32>
          %select_n3A_1497 = arith.select %lt3A_1496, %broadcast_in_dim3A_0, %select_n3A_1481 : vector<16xi1>, vector<16xf32>
          %shift_left3A_1498 = arith.constant 2 : i32
          %shift_left3A_1499 = vector.broadcast %shift_left3A_1498 : i32 to vector<16xi32>
          %shift_left3A_1500 = arith.shli %add3A_197, %shift_left3A_1499 : vector<16xi32>
          %add3A_1501 = vector.broadcast %while3A_1368 : i32 to vector<16xi32>
          %add3A_1502 = arith.addi %shift_left3A_1500, %add3A_1501 : vector<16xi32>
          %gather3A_1503 = tpu.vector_load_idx %arg11[%add3A_1502] : memref<16400xf32, #tpu.memory_space<vmem>>[vector<16xi32>], vector<16xf32>,
          %gather3A_1504 = tpu.vector_load_idx %arg12[%add3A_1502] : memref<16400xf32, #tpu.memory_space<vmem>>[vector<16xi32>], vector<16xf32>,
          %sub3A_1505 = arith.subf %gather3A_1503, %gather3A : vector<16xf32>
          %sub3A_1506 = arith.subf %gather3A_1504, %gather3A_83 : vector<16xf32>
          %mul3A_1507 = arith.mulf %sub3A_1505, %sub3A_1505 : vector<16xf32>
          %mul3A_1508 = arith.mulf %sub3A_1506, %sub3A_1506 : vector<16xf32>
          %add3A_1509 = arith.addf %mul3A_1507, %mul3A_1508 : vector<16xf32>
          %lt3A_1510 = arith.constant 3.99999976 : f32
          %lt3A_1511 = vector.broadcast %lt3A_1510 : f32 to vector<16xf32>
          %lt3A_1512 = arith.cmpf olt, %add3A_1509, %lt3A_1511 : vector<16xf32>
          %select_n3A_1513 = arith.select %lt3A_1512, %broadcast_in_dim3A_0, %select_n3A_1497 : vector<16xi1>, vector<16xf32>
          scf.yield %select_n3A_1513 : vector<16xf32>
        }
        %while3A_281 = arith.constant 1 : i32
        %while3A_282 = scf.for %while3A_1368 = %while3A_278 to %while3A_274 step %while3A_281 iter_args(%while3A_1369 = %while3A_280) -> (vector<16xf32>)  : i32 {
          %shift_left3A_1370 = arith.constant 2 : i32
          %shift_left3A_1371 = vector.broadcast %shift_left3A_1370 : i32 to vector<16xi32>
          %shift_left3A_1372 = arith.shli %add3A_120, %shift_left3A_1371 : vector<16xi32>
          %add3A_1373 = vector.broadcast %while3A_1368 : i32 to vector<16xi32>
          %add3A_1374 = arith.addi %shift_left3A_1372, %add3A_1373 : vector<16xi32>
          %gather3A_1375 = tpu.vector_load_idx %arg11[%add3A_1374] : memref<16400xf32, #tpu.memory_space<vmem>>[vector<16xi32>], vector<16xf32>,
          %gather3A_1376 = tpu.vector_load_idx %arg12[%add3A_1374] : memref<16400xf32, #tpu.memory_space<vmem>>[vector<16xi32>], vector<16xf32>,
          %sub3A_1377 = arith.subf %gather3A_1375, %gather3A : vector<16xf32>
          %sub3A_1378 = arith.subf %gather3A_1376, %gather3A_83 : vector<16xf32>
          %mul3A_1379 = arith.mulf %sub3A_1377, %sub3A_1377 : vector<16xf32>
          %mul3A_1380 = arith.mulf %sub3A_1378, %sub3A_1378 : vector<16xf32>
          %add3A_1381 = arith.addf %mul3A_1379, %mul3A_1380 : vector<16xf32>
          %lt3A_1382 = arith.constant 3.99999976 : f32
          %lt3A_1383 = vector.broadcast %lt3A_1382 : f32 to vector<16xf32>
          %lt3A_1384 = arith.cmpf olt, %add3A_1381, %lt3A_1383 : vector<16xf32>
          %select_n3A_1385 = arith.select %lt3A_1384, %broadcast_in_dim3A_0, %while3A_1369 : vector<16xi1>, vector<16xf32>
          %shift_left3A_1386 = arith.constant 2 : i32
          %shift_left3A_1387 = vector.broadcast %shift_left3A_1386 : i32 to vector<16xi32>
          %shift_left3A_1388 = arith.shli %add3A_127, %shift_left3A_1387 : vector<16xi32>
          %add3A_1389 = vector.broadcast %while3A_1368 : i32 to vector<16xi32>
          %add3A_1390 = arith.addi %shift_left3A_1388, %add3A_1389 : vector<16xi32>
          %gather3A_1391 = tpu.vector_load_idx %arg11[%add3A_1390] : memref<16400xf32, #tpu.memory_space<vmem>>[vector<16xi32>], vector<16xf32>,
          %gather3A_1392 = tpu.vector_load_idx %arg12[%add3A_1390] : memref<16400xf32, #tpu.memory_space<vmem>>[vector<16xi32>], vector<16xf32>,
          %sub3A_1393 = arith.subf %gather3A_1391, %gather3A : vector<16xf32>
          %sub3A_1394 = arith.subf %gather3A_1392, %gather3A_83 : vector<16xf32>
          %mul3A_1395 = arith.mulf %sub3A_1393, %sub3A_1393 : vector<16xf32>
          %mul3A_1396 = arith.mulf %sub3A_1394, %sub3A_1394 : vector<16xf32>
          %add3A_1397 = arith.addf %mul3A_1395, %mul3A_1396 : vector<16xf32>
          %lt3A_1398 = arith.constant 3.99999976 : f32
          %lt3A_1399 = vector.broadcast %lt3A_1398 : f32 to vector<16xf32>
          %lt3A_1400 = arith.cmpf olt, %add3A_1397, %lt3A_1399 : vector<16xf32>
          %select_n3A_1401 = arith.select %lt3A_1400, %broadcast_in_dim3A_0, %select_n3A_1385 : vector<16xi1>, vector<16xf32>
          %shift_left3A_1402 = arith.constant 2 : i32
          %shift_left3A_1403 = vector.broadcast %shift_left3A_1402 : i32 to vector<16xi32>
          %shift_left3A_1404 = arith.shli %add3A_134, %shift_left3A_1403 : vector<16xi32>
          %add3A_1405 = vector.broadcast %while3A_1368 : i32 to vector<16xi32>
          %add3A_1406 = arith.addi %shift_left3A_1404, %add3A_1405 : vector<16xi32>
          %gather3A_1407 = tpu.vector_load_idx %arg11[%add3A_1406] : memref<16400xf32, #tpu.memory_space<vmem>>[vector<16xi32>], vector<16xf32>,
          %gather3A_1408 = tpu.vector_load_idx %arg12[%add3A_1406] : memref<16400xf32, #tpu.memory_space<vmem>>[vector<16xi32>], vector<16xf32>,
          %sub3A_1409 = arith.subf %gather3A_1407, %gather3A : vector<16xf32>
          %sub3A_1410 = arith.subf %gather3A_1408, %gather3A_83 : vector<16xf32>
          %mul3A_1411 = arith.mulf %sub3A_1409, %sub3A_1409 : vector<16xf32>
          %mul3A_1412 = arith.mulf %sub3A_1410, %sub3A_1410 : vector<16xf32>
          %add3A_1413 = arith.addf %mul3A_1411, %mul3A_1412 : vector<16xf32>
          %lt3A_1414 = arith.constant 3.99999976 : f32
          %lt3A_1415 = vector.broadcast %lt3A_1414 : f32 to vector<16xf32>
          %lt3A_1416 = arith.cmpf olt, %add3A_1413, %lt3A_1415 : vector<16xf32>
          %select_n3A_1417 = arith.select %lt3A_1416, %broadcast_in_dim3A_0, %select_n3A_1401 : vector<16xi1>, vector<16xf32>
          %shift_left3A_1418 = arith.constant 2 : i32
          %shift_left3A_1419 = vector.broadcast %shift_left3A_1418 : i32 to vector<16xi32>
          %shift_left3A_1420 = arith.shli %add3A_150, %shift_left3A_1419 : vector<16xi32>
          %add3A_1421 = vector.broadcast %while3A_1368 : i32 to vector<16xi32>
          %add3A_1422 = arith.addi %shift_left3A_1420, %add3A_1421 : vector<16xi32>
          %gather3A_1423 = tpu.vector_load_idx %arg11[%add3A_1422] : memref<16400xf32, #tpu.memory_space<vmem>>[vector<16xi32>], vector<16xf32>,
          %gather3A_1424 = tpu.vector_load_idx %arg12[%add3A_1422] : memref<16400xf32, #tpu.memory_space<vmem>>[vector<16xi32>], vector<16xf32>,
          %sub3A_1425 = arith.subf %gather3A_1423, %gather3A : vector<16xf32>
          %sub3A_1426 = arith.subf %gather3A_1424, %gather3A_83 : vector<16xf32>
          %mul3A_1427 = arith.mulf %sub3A_1425, %sub3A_1425 : vector<16xf32>
          %mul3A_1428 = arith.mulf %sub3A_1426, %sub3A_1426 : vector<16xf32>
          %add3A_1429 = arith.addf %mul3A_1427, %mul3A_1428 : vector<16xf32>
          %lt3A_1430 = arith.constant 3.99999976 : f32
          %lt3A_1431 = vector.broadcast %lt3A_1430 : f32 to vector<16xf32>
          %lt3A_1432 = arith.cmpf olt, %add3A_1429, %lt3A_1431 : vector<16xf32>
          %select_n3A_1433 = arith.select %lt3A_1432, %broadcast_in_dim3A_0, %select_n3A_1417 : vector<16xi1>, vector<16xf32>
          %shift_left3A_1434 = arith.constant 2 : i32
          %shift_left3A_1435 = vector.broadcast %shift_left3A_1434 : i32 to vector<16xi32>
          %shift_left3A_1436 = arith.shli %add3A_157, %shift_left3A_1435 : vector<16xi32>
          %add3A_1437 = vector.broadcast %while3A_1368 : i32 to vector<16xi32>
          %add3A_1438 = arith.addi %shift_left3A_1436, %add3A_1437 : vector<16xi32>
          %gather3A_1439 = tpu.vector_load_idx %arg11[%add3A_1438] : memref<16400xf32, #tpu.memory_space<vmem>>[vector<16xi32>], vector<16xf32>,
          %gather3A_1440 = tpu.vector_load_idx %arg12[%add3A_1438] : memref<16400xf32, #tpu.memory_space<vmem>>[vector<16xi32>], vector<16xf32>,
          %sub3A_1441 = arith.subf %gather3A_1439, %gather3A : vector<16xf32>
          %sub3A_1442 = arith.subf %gather3A_1440, %gather3A_83 : vector<16xf32>
          %mul3A_1443 = arith.mulf %sub3A_1441, %sub3A_1441 : vector<16xf32>
          %mul3A_1444 = arith.mulf %sub3A_1442, %sub3A_1442 : vector<16xf32>
          %add3A_1445 = arith.addf %mul3A_1443, %mul3A_1444 : vector<16xf32>
          %lt3A_1446 = arith.constant 3.99999976 : f32
          %lt3A_1447 = vector.broadcast %lt3A_1446 : f32 to vector<16xf32>
          %lt3A_1448 = arith.cmpf olt, %add3A_1445, %lt3A_1447 : vector<16xf32>
          %select_n3A_1449 = arith.select %lt3A_1448, %broadcast_in_dim3A_0, %select_n3A_1433 : vector<16xi1>, vector<16xf32>
          %shift_left3A_1450 = arith.constant 2 : i32
          %shift_left3A_1451 = vector.broadcast %shift_left3A_1450 : i32 to vector<16xi32>
          %shift_left3A_1452 = arith.shli %add3A_167, %shift_left3A_1451 : vector<16xi32>
          %add3A_1453 = vector.broadcast %while3A_1368 : i32 to vector<16xi32>
          %add3A_1454 = arith.addi %shift_left3A_1452, %add3A_1453 : vector<16xi32>
          %gather3A_1455 = tpu.vector_load_idx %arg11[%add3A_1454] : memref<16400xf32, #tpu.memory_space<vmem>>[vector<16xi32>], vector<16xf32>,
          %gather3A_1456 = tpu.vector_load_idx %arg12[%add3A_1454] : memref<16400xf32, #tpu.memory_space<vmem>>[vector<16xi32>], vector<16xf32>,
          %sub3A_1457 = arith.subf %gather3A_1455, %gather3A : vector<16xf32>
          %sub3A_1458 = arith.subf %gather3A_1456, %gather3A_83 : vector<16xf32>
          %mul3A_1459 = arith.mulf %sub3A_1457, %sub3A_1457 : vector<16xf32>
          %mul3A_1460 = arith.mulf %sub3A_1458, %sub3A_1458 : vector<16xf32>
          %add3A_1461 = arith.addf %mul3A_1459, %mul3A_1460 : vector<16xf32>
          %lt3A_1462 = arith.constant 3.99999976 : f32
          %lt3A_1463 = vector.broadcast %lt3A_1462 : f32 to vector<16xf32>
          %lt3A_1464 = arith.cmpf olt, %add3A_1461, %lt3A_1463 : vector<16xf32>
          %select_n3A_1465 = arith.select %lt3A_1464, %broadcast_in_dim3A_0, %select_n3A_1449 : vector<16xi1>, vector<16xf32>
          %shift_left3A_1466 = arith.constant 2 : i32
          %shift_left3A_1467 = vector.broadcast %shift_left3A_1466 : i32 to vector<16xi32>
          %shift_left3A_1468 = arith.shli %add3A_183, %shift_left3A_1467 : vector<16xi32>
          %add3A_1469 = vector.broadcast %while3A_1368 : i32 to vector<16xi32>
          %add3A_1470 = arith.addi %shift_left3A_1468, %add3A_1469 : vector<16xi32>
          %gather3A_1471 = tpu.vector_load_idx %arg11[%add3A_1470] : memref<16400xf32, #tpu.memory_space<vmem>>[vector<16xi32>], vector<16xf32>,
          %gather3A_1472 = tpu.vector_load_idx %arg12[%add3A_1470] : memref<16400xf32, #tpu.memory_space<vmem>>[vector<16xi32>], vector<16xf32>,
          %sub3A_1473 = arith.subf %gather3A_1471, %gather3A : vector<16xf32>
          %sub3A_1474 = arith.subf %gather3A_1472, %gather3A_83 : vector<16xf32>
          %mul3A_1475 = arith.mulf %sub3A_1473, %sub3A_1473 : vector<16xf32>
          %mul3A_1476 = arith.mulf %sub3A_1474, %sub3A_1474 : vector<16xf32>
          %add3A_1477 = arith.addf %mul3A_1475, %mul3A_1476 : vector<16xf32>
          %lt3A_1478 = arith.constant 3.99999976 : f32
          %lt3A_1479 = vector.broadcast %lt3A_1478 : f32 to vector<16xf32>
          %lt3A_1480 = arith.cmpf olt, %add3A_1477, %lt3A_1479 : vector<16xf32>
          %select_n3A_1481 = arith.select %lt3A_1480, %broadcast_in_dim3A_0, %select_n3A_1465 : vector<16xi1>, vector<16xf32>
          %shift_left3A_1482 = arith.constant 2 : i32
          %shift_left3A_1483 = vector.broadcast %shift_left3A_1482 : i32 to vector<16xi32>
          %shift_left3A_1484 = arith.shli %add3A_190, %shift_left3A_1483 : vector<16xi32>
          %add3A_1485 = vector.broadcast %while3A_1368 : i32 to vector<16xi32>
          %add3A_1486 = arith.addi %shift_left3A_1484, %add3A_1485 : vector<16xi32>
          %gather3A_1487 = tpu.vector_load_idx %arg11[%add3A_1486] : memref<16400xf32, #tpu.memory_space<vmem>>[vector<16xi32>], vector<16xf32>,
          %gather3A_1488 = tpu.vector_load_idx %arg12[%add3A_1486] : memref<16400xf32, #tpu.memory_space<vmem>>[vector<16xi32>], vector<16xf32>,
          %sub3A_1489 = arith.subf %gather3A_1487, %gather3A : vector<16xf32>
          %sub3A_1490 = arith.subf %gather3A_1488, %gather3A_83 : vector<16xf32>
          %mul3A_1491 = arith.mulf %sub3A_1489, %sub3A_1489 : vector<16xf32>
          %mul3A_1492 = arith.mulf %sub3A_1490, %sub3A_1490 : vector<16xf32>
          %add3A_1493 = arith.addf %mul3A_1491, %mul3A_1492 : vector<16xf32>
          %lt3A_1494 = arith.constant 3.99999976 : f32
          %lt3A_1495 = vector.broadcast %lt3A_1494 : f32 to vector<16xf32>
          %lt3A_1496 = arith.cmpf olt, %add3A_1493, %lt3A_1495 : vector<16xf32>
          %select_n3A_1497 = arith.select %lt3A_1496, %broadcast_in_dim3A_0, %select_n3A_1481 : vector<16xi1>, vector<16xf32>
          %shift_left3A_1498 = arith.constant 2 : i32
          %shift_left3A_1499 = vector.broadcast %shift_left3A_1498 : i32 to vector<16xi32>
          %shift_left3A_1500 = arith.shli %add3A_197, %shift_left3A_1499 : vector<16xi32>
          %add3A_1501 = vector.broadcast %while3A_1368 : i32 to vector<16xi32>
          %add3A_1502 = arith.addi %shift_left3A_1500, %add3A_1501 : vector<16xi32>
          %gather3A_1503 = tpu.vector_load_idx %arg11[%add3A_1502] : memref<16400xf32, #tpu.memory_space<vmem>>[vector<16xi32>], vector<16xf32>,
          %gather3A_1504 = tpu.vector_load_idx %arg12[%add3A_1502] : memref<16400xf32, #tpu.memory_space<vmem>>[vector<16xi32>], vector<16xf32>,
          %sub3A_1505 = arith.subf %gather3A_1503, %gather3A : vector<16xf32>
          %sub3A_1506 = arith.subf %gather3A_1504, %gather3A_83 : vector<16xf32>
          %mul3A_1507 = arith.mulf %sub3A_1505, %sub3A_1505 : vector<16xf32>
          %mul3A_1508 = arith.mulf %sub3A_1506, %sub3A_1506 : vector<16xf32>
          %add3A_1509 = arith.addf %mul3A_1507, %mul3A_1508 : vector<16xf32>
          %lt3A_1510 = arith.constant 3.99999976 : f32
          %lt3A_1511 = vector.broadcast %lt3A_1510 : f32 to vector<16xf32>
          %lt3A_1512 = arith.cmpf olt, %add3A_1509, %lt3A_1511 : vector<16xf32>
          %select_n3A_1513 = arith.select %lt3A_1512, %broadcast_in_dim3A_0, %select_n3A_1497 : vector<16xi1>, vector<16xf32>
          scf.yield %select_n3A_1513 : vector<16xf32>
        }
        %get3A_283 = arith.constant 0 : i32
        %get3A_284 = arith.index_cast %get3A_283 : i32 to index
        %get3A_285 = memref.load %arg18[%get3A_284] : memref<1xi32, #tpu.memory_space<smem>>
        %add3A_286 = arith.constant 15 : i32
        %add3A_287 = arith.addi %get3A_285, %add3A_286 : i32
        %shift_right_arithmetic3A = arith.constant 4 : i32
        %shift_right_arithmetic3A_288 = arith.shrsi %add3A_287, %shift_right_arithmetic3A : i32
        %while3A_289 = arith.constant 0 : i32
        %while3A_290 = arith.subi %shift_right_arithmetic3A_288, %while3A_289 : i32
        %while3A_291 = arith.addi %while3A_289, %while3A_290 : i32
        %while3A_292 = arith.constant 1 : i32
        %while3A_293 = arith.divsi %while3A_290, %while3A_292 : i32
        %while3A_294 = arith.muli %while3A_293, %while3A_292 : i32
        %while3A_295 = arith.addi %while3A_289, %while3A_294 : i32
        %while3A_296 = arith.constant 1 : i32
        %while3A_297 = scf.for %while3A_1368 = %while3A_289 to %while3A_295 step %while3A_296 iter_args(%while3A_1369 = %while3A_282) -> (vector<16xf32>)  : i32 {
          %mul3A_1370 = arith.constant 16 : i32
          %mul3A_1371 = arith.muli %while3A_1368, %mul3A_1370 : i32
          %get3A_1372 = arith.index_cast %mul3A_1371 : i32 to index
          %get3A_1373 = tpu.vector_load %arg13[%get3A_1372] {strides = array<i32>} : memref<272xf32, #tpu.memory_space<vmem>>, vector<16xf32>,
          %get3A_1374 = arith.index_cast %mul3A_1371 : i32 to index
          %get3A_1375 = tpu.vector_load %arg14[%get3A_1374] {strides = array<i32>} : memref<272xf32, #tpu.memory_space<vmem>>, vector<16xf32>,
          %slice3A_1376 = vector.extract_strided_slice %get3A_1373 {offsets = [0], sizes = [1], strides = [1]} : vector<16xf32> to vector<1xf32>
          %squeeze3A_1377 = vector.extract %slice3A_1376[0] : f32 from vector<1xf32>
          %sub3A_1378 = vector.broadcast %squeeze3A_1377 : f32 to vector<16xf32>
          %sub3A_1379 = arith.subf %gather3A, %sub3A_1378 : vector<16xf32>
          %slice3A_1380 = vector.extract_strided_slice %get3A_1375 {offsets = [0], sizes = [1], strides = [1]} : vector<16xf32> to vector<1xf32>
          %squeeze3A_1381 = vector.extract %slice3A_1380[0] : f32 from vector<1xf32>
          %sub3A_1382 = vector.broadcast %squeeze3A_1381 : f32 to vector<16xf32>
          %sub3A_1383 = arith.subf %gather3A_83, %sub3A_1382 : vector<16xf32>
          %mul3A_1384 = arith.mulf %sub3A_1379, %sub3A_1379 : vector<16xf32>
          %mul3A_1385 = arith.mulf %sub3A_1383, %sub3A_1383 : vector<16xf32>
          %add3A_1386 = arith.addf %mul3A_1384, %mul3A_1385 : vector<16xf32>
          %lt3A_1387 = arith.constant 3.99999976 : f32
          %lt3A_1388 = vector.broadcast %lt3A_1387 : f32 to vector<16xf32>
          %lt3A_1389 = arith.cmpf olt, %add3A_1386, %lt3A_1388 : vector<16xf32>
          %select_n3A_1390 = arith.select %lt3A_1389, %broadcast_in_dim3A_0, %while3A_1369 : vector<16xi1>, vector<16xf32>
          %slice3A_1391 = vector.extract_strided_slice %get3A_1373 {offsets = [1], sizes = [1], strides = [1]} : vector<16xf32> to vector<1xf32>
          %squeeze3A_1392 = vector.extract %slice3A_1391[0] : f32 from vector<1xf32>
          %sub3A_1393 = vector.broadcast %squeeze3A_1392 : f32 to vector<16xf32>
          %sub3A_1394 = arith.subf %gather3A, %sub3A_1393 : vector<16xf32>
          %slice3A_1395 = vector.extract_strided_slice %get3A_1375 {offsets = [1], sizes = [1], strides = [1]} : vector<16xf32> to vector<1xf32>
          %squeeze3A_1396 = vector.extract %slice3A_1395[0] : f32 from vector<1xf32>
          %sub3A_1397 = vector.broadcast %squeeze3A_1396 : f32 to vector<16xf32>
          %sub3A_1398 = arith.subf %gather3A_83, %sub3A_1397 : vector<16xf32>
          %mul3A_1399 = arith.mulf %sub3A_1394, %sub3A_1394 : vector<16xf32>
          %mul3A_1400 = arith.mulf %sub3A_1398, %sub3A_1398 : vector<16xf32>
          %add3A_1401 = arith.addf %mul3A_1399, %mul3A_1400 : vector<16xf32>
          %lt3A_1402 = arith.constant 3.99999976 : f32
          %lt3A_1403 = vector.broadcast %lt3A_1402 : f32 to vector<16xf32>
          %lt3A_1404 = arith.cmpf olt, %add3A_1401, %lt3A_1403 : vector<16xf32>
          %select_n3A_1405 = arith.select %lt3A_1404, %broadcast_in_dim3A_0, %select_n3A_1390 : vector<16xi1>, vector<16xf32>
          %slice3A_1406 = vector.extract_strided_slice %get3A_1373 {offsets = [2], sizes = [1], strides = [1]} : vector<16xf32> to vector<1xf32>
          %squeeze3A_1407 = vector.extract %slice3A_1406[0] : f32 from vector<1xf32>
          %sub3A_1408 = vector.broadcast %squeeze3A_1407 : f32 to vector<16xf32>
          %sub3A_1409 = arith.subf %gather3A, %sub3A_1408 : vector<16xf32>
          %slice3A_1410 = vector.extract_strided_slice %get3A_1375 {offsets = [2], sizes = [1], strides = [1]} : vector<16xf32> to vector<1xf32>
          %squeeze3A_1411 = vector.extract %slice3A_1410[0] : f32 from vector<1xf32>
          %sub3A_1412 = vector.broadcast %squeeze3A_1411 : f32 to vector<16xf32>
          %sub3A_1413 = arith.subf %gather3A_83, %sub3A_1412 : vector<16xf32>
          %mul3A_1414 = arith.mulf %sub3A_1409, %sub3A_1409 : vector<16xf32>
          %mul3A_1415 = arith.mulf %sub3A_1413, %sub3A_1413 : vector<16xf32>
          %add3A_1416 = arith.addf %mul3A_1414, %mul3A_1415 : vector<16xf32>
          %lt3A_1417 = arith.constant 3.99999976 : f32
          %lt3A_1418 = vector.broadcast %lt3A_1417 : f32 to vector<16xf32>
          %lt3A_1419 = arith.cmpf olt, %add3A_1416, %lt3A_1418 : vector<16xf32>
          %select_n3A_1420 = arith.select %lt3A_1419, %broadcast_in_dim3A_0, %select_n3A_1405 : vector<16xi1>, vector<16xf32>
          %slice3A_1421 = vector.extract_strided_slice %get3A_1373 {offsets = [3], sizes = [1], strides = [1]} : vector<16xf32> to vector<1xf32>
          %squeeze3A_1422 = vector.extract %slice3A_1421[0] : f32 from vector<1xf32>
          %sub3A_1423 = vector.broadcast %squeeze3A_1422 : f32 to vector<16xf32>
          %sub3A_1424 = arith.subf %gather3A, %sub3A_1423 : vector<16xf32>
          %slice3A_1425 = vector.extract_strided_slice %get3A_1375 {offsets = [3], sizes = [1], strides = [1]} : vector<16xf32> to vector<1xf32>
          %squeeze3A_1426 = vector.extract %slice3A_1425[0] : f32 from vector<1xf32>
          %sub3A_1427 = vector.broadcast %squeeze3A_1426 : f32 to vector<16xf32>
          %sub3A_1428 = arith.subf %gather3A_83, %sub3A_1427 : vector<16xf32>
          %mul3A_1429 = arith.mulf %sub3A_1424, %sub3A_1424 : vector<16xf32>
          %mul3A_1430 = arith.mulf %sub3A_1428, %sub3A_1428 : vector<16xf32>
          %add3A_1431 = arith.addf %mul3A_1429, %mul3A_1430 : vector<16xf32>
          %lt3A_1432 = arith.constant 3.99999976 : f32
          %lt3A_1433 = vector.broadcast %lt3A_1432 : f32 to vector<16xf32>
          %lt3A_1434 = arith.cmpf olt, %add3A_1431, %lt3A_1433 : vector<16xf32>
          %select_n3A_1435 = arith.select %lt3A_1434, %broadcast_in_dim3A_0, %select_n3A_1420 : vector<16xi1>, vector<16xf32>
          %slice3A_1436 = vector.extract_strided_slice %get3A_1373 {offsets = [4], sizes = [1], strides = [1]} : vector<16xf32> to vector<1xf32>
          %squeeze3A_1437 = vector.extract %slice3A_1436[0] : f32 from vector<1xf32>
          %sub3A_1438 = vector.broadcast %squeeze3A_1437 : f32 to vector<16xf32>
          %sub3A_1439 = arith.subf %gather3A, %sub3A_1438 : vector<16xf32>
          %slice3A_1440 = vector.extract_strided_slice %get3A_1375 {offsets = [4], sizes = [1], strides = [1]} : vector<16xf32> to vector<1xf32>
          %squeeze3A_1441 = vector.extract %slice3A_1440[0] : f32 from vector<1xf32>
          %sub3A_1442 = vector.broadcast %squeeze3A_1441 : f32 to vector<16xf32>
          %sub3A_1443 = arith.subf %gather3A_83, %sub3A_1442 : vector<16xf32>
          %mul3A_1444 = arith.mulf %sub3A_1439, %sub3A_1439 : vector<16xf32>
          %mul3A_1445 = arith.mulf %sub3A_1443, %sub3A_1443 : vector<16xf32>
          %add3A_1446 = arith.addf %mul3A_1444, %mul3A_1445 : vector<16xf32>
          %lt3A_1447 = arith.constant 3.99999976 : f32
          %lt3A_1448 = vector.broadcast %lt3A_1447 : f32 to vector<16xf32>
          %lt3A_1449 = arith.cmpf olt, %add3A_1446, %lt3A_1448 : vector<16xf32>
          %select_n3A_1450 = arith.select %lt3A_1449, %broadcast_in_dim3A_0, %select_n3A_1435 : vector<16xi1>, vector<16xf32>
          %slice3A_1451 = vector.extract_strided_slice %get3A_1373 {offsets = [5], sizes = [1], strides = [1]} : vector<16xf32> to vector<1xf32>
          %squeeze3A_1452 = vector.extract %slice3A_1451[0] : f32 from vector<1xf32>
          %sub3A_1453 = vector.broadcast %squeeze3A_1452 : f32 to vector<16xf32>
          %sub3A_1454 = arith.subf %gather3A, %sub3A_1453 : vector<16xf32>
          %slice3A_1455 = vector.extract_strided_slice %get3A_1375 {offsets = [5], sizes = [1], strides = [1]} : vector<16xf32> to vector<1xf32>
          %squeeze3A_1456 = vector.extract %slice3A_1455[0] : f32 from vector<1xf32>
          %sub3A_1457 = vector.broadcast %squeeze3A_1456 : f32 to vector<16xf32>
          %sub3A_1458 = arith.subf %gather3A_83, %sub3A_1457 : vector<16xf32>
          %mul3A_1459 = arith.mulf %sub3A_1454, %sub3A_1454 : vector<16xf32>
          %mul3A_1460 = arith.mulf %sub3A_1458, %sub3A_1458 : vector<16xf32>
          %add3A_1461 = arith.addf %mul3A_1459, %mul3A_1460 : vector<16xf32>
          %lt3A_1462 = arith.constant 3.99999976 : f32
          %lt3A_1463 = vector.broadcast %lt3A_1462 : f32 to vector<16xf32>
          %lt3A_1464 = arith.cmpf olt, %add3A_1461, %lt3A_1463 : vector<16xf32>
          %select_n3A_1465 = arith.select %lt3A_1464, %broadcast_in_dim3A_0, %select_n3A_1450 : vector<16xi1>, vector<16xf32>
          %slice3A_1466 = vector.extract_strided_slice %get3A_1373 {offsets = [6], sizes = [1], strides = [1]} : vector<16xf32> to vector<1xf32>
          %squeeze3A_1467 = vector.extract %slice3A_1466[0] : f32 from vector<1xf32>
          %sub3A_1468 = vector.broadcast %squeeze3A_1467 : f32 to vector<16xf32>
          %sub3A_1469 = arith.subf %gather3A, %sub3A_1468 : vector<16xf32>
          %slice3A_1470 = vector.extract_strided_slice %get3A_1375 {offsets = [6], sizes = [1], strides = [1]} : vector<16xf32> to vector<1xf32>
          %squeeze3A_1471 = vector.extract %slice3A_1470[0] : f32 from vector<1xf32>
          %sub3A_1472 = vector.broadcast %squeeze3A_1471 : f32 to vector<16xf32>
          %sub3A_1473 = arith.subf %gather3A_83, %sub3A_1472 : vector<16xf32>
          %mul3A_1474 = arith.mulf %sub3A_1469, %sub3A_1469 : vector<16xf32>
          %mul3A_1475 = arith.mulf %sub3A_1473, %sub3A_1473 : vector<16xf32>
          %add3A_1476 = arith.addf %mul3A_1474, %mul3A_1475 : vector<16xf32>
          %lt3A_1477 = arith.constant 3.99999976 : f32
          %lt3A_1478 = vector.broadcast %lt3A_1477 : f32 to vector<16xf32>
          %lt3A_1479 = arith.cmpf olt, %add3A_1476, %lt3A_1478 : vector<16xf32>
          %select_n3A_1480 = arith.select %lt3A_1479, %broadcast_in_dim3A_0, %select_n3A_1465 : vector<16xi1>, vector<16xf32>
          %slice3A_1481 = vector.extract_strided_slice %get3A_1373 {offsets = [7], sizes = [1], strides = [1]} : vector<16xf32> to vector<1xf32>
          %squeeze3A_1482 = vector.extract %slice3A_1481[0] : f32 from vector<1xf32>
          %sub3A_1483 = vector.broadcast %squeeze3A_1482 : f32 to vector<16xf32>
          %sub3A_1484 = arith.subf %gather3A, %sub3A_1483 : vector<16xf32>
          %slice3A_1485 = vector.extract_strided_slice %get3A_1375 {offsets = [7], sizes = [1], strides = [1]} : vector<16xf32> to vector<1xf32>
          %squeeze3A_1486 = vector.extract %slice3A_1485[0] : f32 from vector<1xf32>
          %sub3A_1487 = vector.broadcast %squeeze3A_1486 : f32 to vector<16xf32>
          %sub3A_1488 = arith.subf %gather3A_83, %sub3A_1487 : vector<16xf32>
          %mul3A_1489 = arith.mulf %sub3A_1484, %sub3A_1484 : vector<16xf32>
          %mul3A_1490 = arith.mulf %sub3A_1488, %sub3A_1488 : vector<16xf32>
          %add3A_1491 = arith.addf %mul3A_1489, %mul3A_1490 : vector<16xf32>
          %lt3A_1492 = arith.constant 3.99999976 : f32
          %lt3A_1493 = vector.broadcast %lt3A_1492 : f32 to vector<16xf32>
          %lt3A_1494 = arith.cmpf olt, %add3A_1491, %lt3A_1493 : vector<16xf32>
          %select_n3A_1495 = arith.select %lt3A_1494, %broadcast_in_dim3A_0, %select_n3A_1480 : vector<16xi1>, vector<16xf32>
          %slice3A_1496 = vector.extract_strided_slice %get3A_1373 {offsets = [8], sizes = [1], strides = [1]} : vector<16xf32> to vector<1xf32>
          %squeeze3A_1497 = vector.extract %slice3A_1496[0] : f32 from vector<1xf32>
          %sub3A_1498 = vector.broadcast %squeeze3A_1497 : f32 to vector<16xf32>
          %sub3A_1499 = arith.subf %gather3A, %sub3A_1498 : vector<16xf32>
          %slice3A_1500 = vector.extract_strided_slice %get3A_1375 {offsets = [8], sizes = [1], strides = [1]} : vector<16xf32> to vector<1xf32>
          %squeeze3A_1501 = vector.extract %slice3A_1500[0] : f32 from vector<1xf32>
          %sub3A_1502 = vector.broadcast %squeeze3A_1501 : f32 to vector<16xf32>
          %sub3A_1503 = arith.subf %gather3A_83, %sub3A_1502 : vector<16xf32>
          %mul3A_1504 = arith.mulf %sub3A_1499, %sub3A_1499 : vector<16xf32>
          %mul3A_1505 = arith.mulf %sub3A_1503, %sub3A_1503 : vector<16xf32>
          %add3A_1506 = arith.addf %mul3A_1504, %mul3A_1505 : vector<16xf32>
          %lt3A_1507 = arith.constant 3.99999976 : f32
          %lt3A_1508 = vector.broadcast %lt3A_1507 : f32 to vector<16xf32>
          %lt3A_1509 = arith.cmpf olt, %add3A_1506, %lt3A_1508 : vector<16xf32>
          %select_n3A_1510 = arith.select %lt3A_1509, %broadcast_in_dim3A_0, %select_n3A_1495 : vector<16xi1>, vector<16xf32>
          %slice3A_1511 = vector.extract_strided_slice %get3A_1373 {offsets = [9], sizes = [1], strides = [1]} : vector<16xf32> to vector<1xf32>
          %squeeze3A_1512 = vector.extract %slice3A_1511[0] : f32 from vector<1xf32>
          %sub3A_1513 = vector.broadcast %squeeze3A_1512 : f32 to vector<16xf32>
          %sub3A_1514 = arith.subf %gather3A, %sub3A_1513 : vector<16xf32>
          %slice3A_1515 = vector.extract_strided_slice %get3A_1375 {offsets = [9], sizes = [1], strides = [1]} : vector<16xf32> to vector<1xf32>
          %squeeze3A_1516 = vector.extract %slice3A_1515[0] : f32 from vector<1xf32>
          %sub3A_1517 = vector.broadcast %squeeze3A_1516 : f32 to vector<16xf32>
          %sub3A_1518 = arith.subf %gather3A_83, %sub3A_1517 : vector<16xf32>
          %mul3A_1519 = arith.mulf %sub3A_1514, %sub3A_1514 : vector<16xf32>
          %mul3A_1520 = arith.mulf %sub3A_1518, %sub3A_1518 : vector<16xf32>
          %add3A_1521 = arith.addf %mul3A_1519, %mul3A_1520 : vector<16xf32>
          %lt3A_1522 = arith.constant 3.99999976 : f32
          %lt3A_1523 = vector.broadcast %lt3A_1522 : f32 to vector<16xf32>
          %lt3A_1524 = arith.cmpf olt, %add3A_1521, %lt3A_1523 : vector<16xf32>
          %select_n3A_1525 = arith.select %lt3A_1524, %broadcast_in_dim3A_0, %select_n3A_1510 : vector<16xi1>, vector<16xf32>
          %slice3A_1526 = vector.extract_strided_slice %get3A_1373 {offsets = [10], sizes = [1], strides = [1]} : vector<16xf32> to vector<1xf32>
          %squeeze3A_1527 = vector.extract %slice3A_1526[0] : f32 from vector<1xf32>
          %sub3A_1528 = vector.broadcast %squeeze3A_1527 : f32 to vector<16xf32>
          %sub3A_1529 = arith.subf %gather3A, %sub3A_1528 : vector<16xf32>
          %slice3A_1530 = vector.extract_strided_slice %get3A_1375 {offsets = [10], sizes = [1], strides = [1]} : vector<16xf32> to vector<1xf32>
          %squeeze3A_1531 = vector.extract %slice3A_1530[0] : f32 from vector<1xf32>
          %sub3A_1532 = vector.broadcast %squeeze3A_1531 : f32 to vector<16xf32>
          %sub3A_1533 = arith.subf %gather3A_83, %sub3A_1532 : vector<16xf32>
          %mul3A_1534 = arith.mulf %sub3A_1529, %sub3A_1529 : vector<16xf32>
          %mul3A_1535 = arith.mulf %sub3A_1533, %sub3A_1533 : vector<16xf32>
          %add3A_1536 = arith.addf %mul3A_1534, %mul3A_1535 : vector<16xf32>
          %lt3A_1537 = arith.constant 3.99999976 : f32
          %lt3A_1538 = vector.broadcast %lt3A_1537 : f32 to vector<16xf32>
          %lt3A_1539 = arith.cmpf olt, %add3A_1536, %lt3A_1538 : vector<16xf32>
          %select_n3A_1540 = arith.select %lt3A_1539, %broadcast_in_dim3A_0, %select_n3A_1525 : vector<16xi1>, vector<16xf32>
          %slice3A_1541 = vector.extract_strided_slice %get3A_1373 {offsets = [11], sizes = [1], strides = [1]} : vector<16xf32> to vector<1xf32>
          %squeeze3A_1542 = vector.extract %slice3A_1541[0] : f32 from vector<1xf32>
          %sub3A_1543 = vector.broadcast %squeeze3A_1542 : f32 to vector<16xf32>
          %sub3A_1544 = arith.subf %gather3A, %sub3A_1543 : vector<16xf32>
          %slice3A_1545 = vector.extract_strided_slice %get3A_1375 {offsets = [11], sizes = [1], strides = [1]} : vector<16xf32> to vector<1xf32>
          %squeeze3A_1546 = vector.extract %slice3A_1545[0] : f32 from vector<1xf32>
          %sub3A_1547 = vector.broadcast %squeeze3A_1546 : f32 to vector<16xf32>
          %sub3A_1548 = arith.subf %gather3A_83, %sub3A_1547 : vector<16xf32>
          %mul3A_1549 = arith.mulf %sub3A_1544, %sub3A_1544 : vector<16xf32>
          %mul3A_1550 = arith.mulf %sub3A_1548, %sub3A_1548 : vector<16xf32>
          %add3A_1551 = arith.addf %mul3A_1549, %mul3A_1550 : vector<16xf32>
          %lt3A_1552 = arith.constant 3.99999976 : f32
          %lt3A_1553 = vector.broadcast %lt3A_1552 : f32 to vector<16xf32>
          %lt3A_1554 = arith.cmpf olt, %add3A_1551, %lt3A_1553 : vector<16xf32>
          %select_n3A_1555 = arith.select %lt3A_1554, %broadcast_in_dim3A_0, %select_n3A_1540 : vector<16xi1>, vector<16xf32>
          %slice3A_1556 = vector.extract_strided_slice %get3A_1373 {offsets = [12], sizes = [1], strides = [1]} : vector<16xf32> to vector<1xf32>
          %squeeze3A_1557 = vector.extract %slice3A_1556[0] : f32 from vector<1xf32>
          %sub3A_1558 = vector.broadcast %squeeze3A_1557 : f32 to vector<16xf32>
          %sub3A_1559 = arith.subf %gather3A, %sub3A_1558 : vector<16xf32>
          %slice3A_1560 = vector.extract_strided_slice %get3A_1375 {offsets = [12], sizes = [1], strides = [1]} : vector<16xf32> to vector<1xf32>
          %squeeze3A_1561 = vector.extract %slice3A_1560[0] : f32 from vector<1xf32>
          %sub3A_1562 = vector.broadcast %squeeze3A_1561 : f32 to vector<16xf32>
          %sub3A_1563 = arith.subf %gather3A_83, %sub3A_1562 : vector<16xf32>
          %mul3A_1564 = arith.mulf %sub3A_1559, %sub3A_1559 : vector<16xf32>
          %mul3A_1565 = arith.mulf %sub3A_1563, %sub3A_1563 : vector<16xf32>
          %add3A_1566 = arith.addf %mul3A_1564, %mul3A_1565 : vector<16xf32>
          %lt3A_1567 = arith.constant 3.99999976 : f32
          %lt3A_1568 = vector.broadcast %lt3A_1567 : f32 to vector<16xf32>
          %lt3A_1569 = arith.cmpf olt, %add3A_1566, %lt3A_1568 : vector<16xf32>
          %select_n3A_1570 = arith.select %lt3A_1569, %broadcast_in_dim3A_0, %select_n3A_1555 : vector<16xi1>, vector<16xf32>
          %slice3A_1571 = vector.extract_strided_slice %get3A_1373 {offsets = [13], sizes = [1], strides = [1]} : vector<16xf32> to vector<1xf32>
          %squeeze3A_1572 = vector.extract %slice3A_1571[0] : f32 from vector<1xf32>
          %sub3A_1573 = vector.broadcast %squeeze3A_1572 : f32 to vector<16xf32>
          %sub3A_1574 = arith.subf %gather3A, %sub3A_1573 : vector<16xf32>
          %slice3A_1575 = vector.extract_strided_slice %get3A_1375 {offsets = [13], sizes = [1], strides = [1]} : vector<16xf32> to vector<1xf32>
          %squeeze3A_1576 = vector.extract %slice3A_1575[0] : f32 from vector<1xf32>
          %sub3A_1577 = vector.broadcast %squeeze3A_1576 : f32 to vector<16xf32>
          %sub3A_1578 = arith.subf %gather3A_83, %sub3A_1577 : vector<16xf32>
          %mul3A_1579 = arith.mulf %sub3A_1574, %sub3A_1574 : vector<16xf32>
          %mul3A_1580 = arith.mulf %sub3A_1578, %sub3A_1578 : vector<16xf32>
          %add3A_1581 = arith.addf %mul3A_1579, %mul3A_1580 : vector<16xf32>
          %lt3A_1582 = arith.constant 3.99999976 : f32
          %lt3A_1583 = vector.broadcast %lt3A_1582 : f32 to vector<16xf32>
          %lt3A_1584 = arith.cmpf olt, %add3A_1581, %lt3A_1583 : vector<16xf32>
          %select_n3A_1585 = arith.select %lt3A_1584, %broadcast_in_dim3A_0, %select_n3A_1570 : vector<16xi1>, vector<16xf32>
          %slice3A_1586 = vector.extract_strided_slice %get3A_1373 {offsets = [14], sizes = [1], strides = [1]} : vector<16xf32> to vector<1xf32>
          %squeeze3A_1587 = vector.extract %slice3A_1586[0] : f32 from vector<1xf32>
          %sub3A_1588 = vector.broadcast %squeeze3A_1587 : f32 to vector<16xf32>
          %sub3A_1589 = arith.subf %gather3A, %sub3A_1588 : vector<16xf32>
          %slice3A_1590 = vector.extract_strided_slice %get3A_1375 {offsets = [14], sizes = [1], strides = [1]} : vector<16xf32> to vector<1xf32>
          %squeeze3A_1591 = vector.extract %slice3A_1590[0] : f32 from vector<1xf32>
          %sub3A_1592 = vector.broadcast %squeeze3A_1591 : f32 to vector<16xf32>
          %sub3A_1593 = arith.subf %gather3A_83, %sub3A_1592 : vector<16xf32>
          %mul3A_1594 = arith.mulf %sub3A_1589, %sub3A_1589 : vector<16xf32>
          %mul3A_1595 = arith.mulf %sub3A_1593, %sub3A_1593 : vector<16xf32>
          %add3A_1596 = arith.addf %mul3A_1594, %mul3A_1595 : vector<16xf32>
          %lt3A_1597 = arith.constant 3.99999976 : f32
          %lt3A_1598 = vector.broadcast %lt3A_1597 : f32 to vector<16xf32>
          %lt3A_1599 = arith.cmpf olt, %add3A_1596, %lt3A_1598 : vector<16xf32>
          %select_n3A_1600 = arith.select %lt3A_1599, %broadcast_in_dim3A_0, %select_n3A_1585 : vector<16xi1>, vector<16xf32>
          %slice3A_1601 = vector.extract_strided_slice %get3A_1373 {offsets = [15], sizes = [1], strides = [1]} : vector<16xf32> to vector<1xf32>
          %squeeze3A_1602 = vector.extract %slice3A_1601[0] : f32 from vector<1xf32>
          %sub3A_1603 = vector.broadcast %squeeze3A_1602 : f32 to vector<16xf32>
          %sub3A_1604 = arith.subf %gather3A, %sub3A_1603 : vector<16xf32>
          %slice3A_1605 = vector.extract_strided_slice %get3A_1375 {offsets = [15], sizes = [1], strides = [1]} : vector<16xf32> to vector<1xf32>
          %squeeze3A_1606 = vector.extract %slice3A_1605[0] : f32 from vector<1xf32>
          %sub3A_1607 = vector.broadcast %squeeze3A_1606 : f32 to vector<16xf32>
          %sub3A_1608 = arith.subf %gather3A_83, %sub3A_1607 : vector<16xf32>
          %mul3A_1609 = arith.mulf %sub3A_1604, %sub3A_1604 : vector<16xf32>
          %mul3A_1610 = arith.mulf %sub3A_1608, %sub3A_1608 : vector<16xf32>
          %add3A_1611 = arith.addf %mul3A_1609, %mul3A_1610 : vector<16xf32>
          %lt3A_1612 = arith.constant 3.99999976 : f32
          %lt3A_1613 = vector.broadcast %lt3A_1612 : f32 to vector<16xf32>
          %lt3A_1614 = arith.cmpf olt, %add3A_1611, %lt3A_1613 : vector<16xf32>
          %select_n3A_1615 = arith.select %lt3A_1614, %broadcast_in_dim3A_0, %select_n3A_1600 : vector<16xi1>, vector<16xf32>
          scf.yield %select_n3A_1615 : vector<16xf32>
        }
        %while3A_298 = arith.constant 1 : i32
        %while3A_299 = scf.for %while3A_1368 = %while3A_295 to %while3A_291 step %while3A_298 iter_args(%while3A_1369 = %while3A_297) -> (vector<16xf32>)  : i32 {
          %mul3A_1370 = arith.constant 16 : i32
          %mul3A_1371 = arith.muli %while3A_1368, %mul3A_1370 : i32
          %get3A_1372 = arith.index_cast %mul3A_1371 : i32 to index
          %get3A_1373 = tpu.vector_load %arg13[%get3A_1372] {strides = array<i32>} : memref<272xf32, #tpu.memory_space<vmem>>, vector<16xf32>,
          %get3A_1374 = arith.index_cast %mul3A_1371 : i32 to index
          %get3A_1375 = tpu.vector_load %arg14[%get3A_1374] {strides = array<i32>} : memref<272xf32, #tpu.memory_space<vmem>>, vector<16xf32>,
          %slice3A_1376 = vector.extract_strided_slice %get3A_1373 {offsets = [0], sizes = [1], strides = [1]} : vector<16xf32> to vector<1xf32>
          %squeeze3A_1377 = vector.extract %slice3A_1376[0] : f32 from vector<1xf32>
          %sub3A_1378 = vector.broadcast %squeeze3A_1377 : f32 to vector<16xf32>
          %sub3A_1379 = arith.subf %gather3A, %sub3A_1378 : vector<16xf32>
          %slice3A_1380 = vector.extract_strided_slice %get3A_1375 {offsets = [0], sizes = [1], strides = [1]} : vector<16xf32> to vector<1xf32>
          %squeeze3A_1381 = vector.extract %slice3A_1380[0] : f32 from vector<1xf32>
          %sub3A_1382 = vector.broadcast %squeeze3A_1381 : f32 to vector<16xf32>
          %sub3A_1383 = arith.subf %gather3A_83, %sub3A_1382 : vector<16xf32>
          %mul3A_1384 = arith.mulf %sub3A_1379, %sub3A_1379 : vector<16xf32>
          %mul3A_1385 = arith.mulf %sub3A_1383, %sub3A_1383 : vector<16xf32>
          %add3A_1386 = arith.addf %mul3A_1384, %mul3A_1385 : vector<16xf32>
          %lt3A_1387 = arith.constant 3.99999976 : f32
          %lt3A_1388 = vector.broadcast %lt3A_1387 : f32 to vector<16xf32>
          %lt3A_1389 = arith.cmpf olt, %add3A_1386, %lt3A_1388 : vector<16xf32>
          %select_n3A_1390 = arith.select %lt3A_1389, %broadcast_in_dim3A_0, %while3A_1369 : vector<16xi1>, vector<16xf32>
          %slice3A_1391 = vector.extract_strided_slice %get3A_1373 {offsets = [1], sizes = [1], strides = [1]} : vector<16xf32> to vector<1xf32>
          %squeeze3A_1392 = vector.extract %slice3A_1391[0] : f32 from vector<1xf32>
          %sub3A_1393 = vector.broadcast %squeeze3A_1392 : f32 to vector<16xf32>
          %sub3A_1394 = arith.subf %gather3A, %sub3A_1393 : vector<16xf32>
          %slice3A_1395 = vector.extract_strided_slice %get3A_1375 {offsets = [1], sizes = [1], strides = [1]} : vector<16xf32> to vector<1xf32>
          %squeeze3A_1396 = vector.extract %slice3A_1395[0] : f32 from vector<1xf32>
          %sub3A_1397 = vector.broadcast %squeeze3A_1396 : f32 to vector<16xf32>
          %sub3A_1398 = arith.subf %gather3A_83, %sub3A_1397 : vector<16xf32>
          %mul3A_1399 = arith.mulf %sub3A_1394, %sub3A_1394 : vector<16xf32>
          %mul3A_1400 = arith.mulf %sub3A_1398, %sub3A_1398 : vector<16xf32>
          %add3A_1401 = arith.addf %mul3A_1399, %mul3A_1400 : vector<16xf32>
          %lt3A_1402 = arith.constant 3.99999976 : f32
          %lt3A_1403 = vector.broadcast %lt3A_1402 : f32 to vector<16xf32>
          %lt3A_1404 = arith.cmpf olt, %add3A_1401, %lt3A_1403 : vector<16xf32>
          %select_n3A_1405 = arith.select %lt3A_1404, %broadcast_in_dim3A_0, %select_n3A_1390 : vector<16xi1>, vector<16xf32>
          %slice3A_1406 = vector.extract_strided_slice %get3A_1373 {offsets = [2], sizes = [1], strides = [1]} : vector<16xf32> to vector<1xf32>
          %squeeze3A_1407 = vector.extract %slice3A_1406[0] : f32 from vector<1xf32>
          %sub3A_1408 = vector.broadcast %squeeze3A_1407 : f32 to vector<16xf32>
          %sub3A_1409 = arith.subf %gather3A, %sub3A_1408 : vector<16xf32>
          %slice3A_1410 = vector.extract_strided_slice %get3A_1375 {offsets = [2], sizes = [1], strides = [1]} : vector<16xf32> to vector<1xf32>
          %squeeze3A_1411 = vector.extract %slice3A_1410[0] : f32 from vector<1xf32>
          %sub3A_1412 = vector.broadcast %squeeze3A_1411 : f32 to vector<16xf32>
          %sub3A_1413 = arith.subf %gather3A_83, %sub3A_1412 : vector<16xf32>
          %mul3A_1414 = arith.mulf %sub3A_1409, %sub3A_1409 : vector<16xf32>
          %mul3A_1415 = arith.mulf %sub3A_1413, %sub3A_1413 : vector<16xf32>
          %add3A_1416 = arith.addf %mul3A_1414, %mul3A_1415 : vector<16xf32>
          %lt3A_1417 = arith.constant 3.99999976 : f32
          %lt3A_1418 = vector.broadcast %lt3A_1417 : f32 to vector<16xf32>
          %lt3A_1419 = arith.cmpf olt, %add3A_1416, %lt3A_1418 : vector<16xf32>
          %select_n3A_1420 = arith.select %lt3A_1419, %broadcast_in_dim3A_0, %select_n3A_1405 : vector<16xi1>, vector<16xf32>
          %slice3A_1421 = vector.extract_strided_slice %get3A_1373 {offsets = [3], sizes = [1], strides = [1]} : vector<16xf32> to vector<1xf32>
          %squeeze3A_1422 = vector.extract %slice3A_1421[0] : f32 from vector<1xf32>
          %sub3A_1423 = vector.broadcast %squeeze3A_1422 : f32 to vector<16xf32>
          %sub3A_1424 = arith.subf %gather3A, %sub3A_1423 : vector<16xf32>
          %slice3A_1425 = vector.extract_strided_slice %get3A_1375 {offsets = [3], sizes = [1], strides = [1]} : vector<16xf32> to vector<1xf32>
          %squeeze3A_1426 = vector.extract %slice3A_1425[0] : f32 from vector<1xf32>
          %sub3A_1427 = vector.broadcast %squeeze3A_1426 : f32 to vector<16xf32>
          %sub3A_1428 = arith.subf %gather3A_83, %sub3A_1427 : vector<16xf32>
          %mul3A_1429 = arith.mulf %sub3A_1424, %sub3A_1424 : vector<16xf32>
          %mul3A_1430 = arith.mulf %sub3A_1428, %sub3A_1428 : vector<16xf32>
          %add3A_1431 = arith.addf %mul3A_1429, %mul3A_1430 : vector<16xf32>
          %lt3A_1432 = arith.constant 3.99999976 : f32
          %lt3A_1433 = vector.broadcast %lt3A_1432 : f32 to vector<16xf32>
          %lt3A_1434 = arith.cmpf olt, %add3A_1431, %lt3A_1433 : vector<16xf32>
          %select_n3A_1435 = arith.select %lt3A_1434, %broadcast_in_dim3A_0, %select_n3A_1420 : vector<16xi1>, vector<16xf32>
          %slice3A_1436 = vector.extract_strided_slice %get3A_1373 {offsets = [4], sizes = [1], strides = [1]} : vector<16xf32> to vector<1xf32>
          %squeeze3A_1437 = vector.extract %slice3A_1436[0] : f32 from vector<1xf32>
          %sub3A_1438 = vector.broadcast %squeeze3A_1437 : f32 to vector<16xf32>
          %sub3A_1439 = arith.subf %gather3A, %sub3A_1438 : vector<16xf32>
          %slice3A_1440 = vector.extract_strided_slice %get3A_1375 {offsets = [4], sizes = [1], strides = [1]} : vector<16xf32> to vector<1xf32>
          %squeeze3A_1441 = vector.extract %slice3A_1440[0] : f32 from vector<1xf32>
          %sub3A_1442 = vector.broadcast %squeeze3A_1441 : f32 to vector<16xf32>
          %sub3A_1443 = arith.subf %gather3A_83, %sub3A_1442 : vector<16xf32>
          %mul3A_1444 = arith.mulf %sub3A_1439, %sub3A_1439 : vector<16xf32>
          %mul3A_1445 = arith.mulf %sub3A_1443, %sub3A_1443 : vector<16xf32>
          %add3A_1446 = arith.addf %mul3A_1444, %mul3A_1445 : vector<16xf32>
          %lt3A_1447 = arith.constant 3.99999976 : f32
          %lt3A_1448 = vector.broadcast %lt3A_1447 : f32 to vector<16xf32>
          %lt3A_1449 = arith.cmpf olt, %add3A_1446, %lt3A_1448 : vector<16xf32>
          %select_n3A_1450 = arith.select %lt3A_1449, %broadcast_in_dim3A_0, %select_n3A_1435 : vector<16xi1>, vector<16xf32>
          %slice3A_1451 = vector.extract_strided_slice %get3A_1373 {offsets = [5], sizes = [1], strides = [1]} : vector<16xf32> to vector<1xf32>
          %squeeze3A_1452 = vector.extract %slice3A_1451[0] : f32 from vector<1xf32>
          %sub3A_1453 = vector.broadcast %squeeze3A_1452 : f32 to vector<16xf32>
          %sub3A_1454 = arith.subf %gather3A, %sub3A_1453 : vector<16xf32>
          %slice3A_1455 = vector.extract_strided_slice %get3A_1375 {offsets = [5], sizes = [1], strides = [1]} : vector<16xf32> to vector<1xf32>
          %squeeze3A_1456 = vector.extract %slice3A_1455[0] : f32 from vector<1xf32>
          %sub3A_1457 = vector.broadcast %squeeze3A_1456 : f32 to vector<16xf32>
          %sub3A_1458 = arith.subf %gather3A_83, %sub3A_1457 : vector<16xf32>
          %mul3A_1459 = arith.mulf %sub3A_1454, %sub3A_1454 : vector<16xf32>
          %mul3A_1460 = arith.mulf %sub3A_1458, %sub3A_1458 : vector<16xf32>
          %add3A_1461 = arith.addf %mul3A_1459, %mul3A_1460 : vector<16xf32>
          %lt3A_1462 = arith.constant 3.99999976 : f32
          %lt3A_1463 = vector.broadcast %lt3A_1462 : f32 to vector<16xf32>
          %lt3A_1464 = arith.cmpf olt, %add3A_1461, %lt3A_1463 : vector<16xf32>
          %select_n3A_1465 = arith.select %lt3A_1464, %broadcast_in_dim3A_0, %select_n3A_1450 : vector<16xi1>, vector<16xf32>
          %slice3A_1466 = vector.extract_strided_slice %get3A_1373 {offsets = [6], sizes = [1], strides = [1]} : vector<16xf32> to vector<1xf32>
          %squeeze3A_1467 = vector.extract %slice3A_1466[0] : f32 from vector<1xf32>
          %sub3A_1468 = vector.broadcast %squeeze3A_1467 : f32 to vector<16xf32>
          %sub3A_1469 = arith.subf %gather3A, %sub3A_1468 : vector<16xf32>
          %slice3A_1470 = vector.extract_strided_slice %get3A_1375 {offsets = [6], sizes = [1], strides = [1]} : vector<16xf32> to vector<1xf32>
          %squeeze3A_1471 = vector.extract %slice3A_1470[0] : f32 from vector<1xf32>
          %sub3A_1472 = vector.broadcast %squeeze3A_1471 : f32 to vector<16xf32>
          %sub3A_1473 = arith.subf %gather3A_83, %sub3A_1472 : vector<16xf32>
          %mul3A_1474 = arith.mulf %sub3A_1469, %sub3A_1469 : vector<16xf32>
          %mul3A_1475 = arith.mulf %sub3A_1473, %sub3A_1473 : vector<16xf32>
          %add3A_1476 = arith.addf %mul3A_1474, %mul3A_1475 : vector<16xf32>
          %lt3A_1477 = arith.constant 3.99999976 : f32
          %lt3A_1478 = vector.broadcast %lt3A_1477 : f32 to vector<16xf32>
          %lt3A_1479 = arith.cmpf olt, %add3A_1476, %lt3A_1478 : vector<16xf32>
          %select_n3A_1480 = arith.select %lt3A_1479, %broadcast_in_dim3A_0, %select_n3A_1465 : vector<16xi1>, vector<16xf32>
          %slice3A_1481 = vector.extract_strided_slice %get3A_1373 {offsets = [7], sizes = [1], strides = [1]} : vector<16xf32> to vector<1xf32>
          %squeeze3A_1482 = vector.extract %slice3A_1481[0] : f32 from vector<1xf32>
          %sub3A_1483 = vector.broadcast %squeeze3A_1482 : f32 to vector<16xf32>
          %sub3A_1484 = arith.subf %gather3A, %sub3A_1483 : vector<16xf32>
          %slice3A_1485 = vector.extract_strided_slice %get3A_1375 {offsets = [7], sizes = [1], strides = [1]} : vector<16xf32> to vector<1xf32>
          %squeeze3A_1486 = vector.extract %slice3A_1485[0] : f32 from vector<1xf32>
          %sub3A_1487 = vector.broadcast %squeeze3A_1486 : f32 to vector<16xf32>
          %sub3A_1488 = arith.subf %gather3A_83, %sub3A_1487 : vector<16xf32>
          %mul3A_1489 = arith.mulf %sub3A_1484, %sub3A_1484 : vector<16xf32>
          %mul3A_1490 = arith.mulf %sub3A_1488, %sub3A_1488 : vector<16xf32>
          %add3A_1491 = arith.addf %mul3A_1489, %mul3A_1490 : vector<16xf32>
          %lt3A_1492 = arith.constant 3.99999976 : f32
          %lt3A_1493 = vector.broadcast %lt3A_1492 : f32 to vector<16xf32>
          %lt3A_1494 = arith.cmpf olt, %add3A_1491, %lt3A_1493 : vector<16xf32>
          %select_n3A_1495 = arith.select %lt3A_1494, %broadcast_in_dim3A_0, %select_n3A_1480 : vector<16xi1>, vector<16xf32>
          %slice3A_1496 = vector.extract_strided_slice %get3A_1373 {offsets = [8], sizes = [1], strides = [1]} : vector<16xf32> to vector<1xf32>
          %squeeze3A_1497 = vector.extract %slice3A_1496[0] : f32 from vector<1xf32>
          %sub3A_1498 = vector.broadcast %squeeze3A_1497 : f32 to vector<16xf32>
          %sub3A_1499 = arith.subf %gather3A, %sub3A_1498 : vector<16xf32>
          %slice3A_1500 = vector.extract_strided_slice %get3A_1375 {offsets = [8], sizes = [1], strides = [1]} : vector<16xf32> to vector<1xf32>
          %squeeze3A_1501 = vector.extract %slice3A_1500[0] : f32 from vector<1xf32>
          %sub3A_1502 = vector.broadcast %squeeze3A_1501 : f32 to vector<16xf32>
          %sub3A_1503 = arith.subf %gather3A_83, %sub3A_1502 : vector<16xf32>
          %mul3A_1504 = arith.mulf %sub3A_1499, %sub3A_1499 : vector<16xf32>
          %mul3A_1505 = arith.mulf %sub3A_1503, %sub3A_1503 : vector<16xf32>
          %add3A_1506 = arith.addf %mul3A_1504, %mul3A_1505 : vector<16xf32>
          %lt3A_1507 = arith.constant 3.99999976 : f32
          %lt3A_1508 = vector.broadcast %lt3A_1507 : f32 to vector<16xf32>
          %lt3A_1509 = arith.cmpf olt, %add3A_1506, %lt3A_1508 : vector<16xf32>
          %select_n3A_1510 = arith.select %lt3A_1509, %broadcast_in_dim3A_0, %select_n3A_1495 : vector<16xi1>, vector<16xf32>
          %slice3A_1511 = vector.extract_strided_slice %get3A_1373 {offsets = [9], sizes = [1], strides = [1]} : vector<16xf32> to vector<1xf32>
          %squeeze3A_1512 = vector.extract %slice3A_1511[0] : f32 from vector<1xf32>
          %sub3A_1513 = vector.broadcast %squeeze3A_1512 : f32 to vector<16xf32>
          %sub3A_1514 = arith.subf %gather3A, %sub3A_1513 : vector<16xf32>
          %slice3A_1515 = vector.extract_strided_slice %get3A_1375 {offsets = [9], sizes = [1], strides = [1]} : vector<16xf32> to vector<1xf32>
          %squeeze3A_1516 = vector.extract %slice3A_1515[0] : f32 from vector<1xf32>
          %sub3A_1517 = vector.broadcast %squeeze3A_1516 : f32 to vector<16xf32>
          %sub3A_1518 = arith.subf %gather3A_83, %sub3A_1517 : vector<16xf32>
          %mul3A_1519 = arith.mulf %sub3A_1514, %sub3A_1514 : vector<16xf32>
          %mul3A_1520 = arith.mulf %sub3A_1518, %sub3A_1518 : vector<16xf32>
          %add3A_1521 = arith.addf %mul3A_1519, %mul3A_1520 : vector<16xf32>
          %lt3A_1522 = arith.constant 3.99999976 : f32
          %lt3A_1523 = vector.broadcast %lt3A_1522 : f32 to vector<16xf32>
          %lt3A_1524 = arith.cmpf olt, %add3A_1521, %lt3A_1523 : vector<16xf32>
          %select_n3A_1525 = arith.select %lt3A_1524, %broadcast_in_dim3A_0, %select_n3A_1510 : vector<16xi1>, vector<16xf32>
          %slice3A_1526 = vector.extract_strided_slice %get3A_1373 {offsets = [10], sizes = [1], strides = [1]} : vector<16xf32> to vector<1xf32>
          %squeeze3A_1527 = vector.extract %slice3A_1526[0] : f32 from vector<1xf32>
          %sub3A_1528 = vector.broadcast %squeeze3A_1527 : f32 to vector<16xf32>
          %sub3A_1529 = arith.subf %gather3A, %sub3A_1528 : vector<16xf32>
          %slice3A_1530 = vector.extract_strided_slice %get3A_1375 {offsets = [10], sizes = [1], strides = [1]} : vector<16xf32> to vector<1xf32>
          %squeeze3A_1531 = vector.extract %slice3A_1530[0] : f32 from vector<1xf32>
          %sub3A_1532 = vector.broadcast %squeeze3A_1531 : f32 to vector<16xf32>
          %sub3A_1533 = arith.subf %gather3A_83, %sub3A_1532 : vector<16xf32>
          %mul3A_1534 = arith.mulf %sub3A_1529, %sub3A_1529 : vector<16xf32>
          %mul3A_1535 = arith.mulf %sub3A_1533, %sub3A_1533 : vector<16xf32>
          %add3A_1536 = arith.addf %mul3A_1534, %mul3A_1535 : vector<16xf32>
          %lt3A_1537 = arith.constant 3.99999976 : f32
          %lt3A_1538 = vector.broadcast %lt3A_1537 : f32 to vector<16xf32>
          %lt3A_1539 = arith.cmpf olt, %add3A_1536, %lt3A_1538 : vector<16xf32>
          %select_n3A_1540 = arith.select %lt3A_1539, %broadcast_in_dim3A_0, %select_n3A_1525 : vector<16xi1>, vector<16xf32>
          %slice3A_1541 = vector.extract_strided_slice %get3A_1373 {offsets = [11], sizes = [1], strides = [1]} : vector<16xf32> to vector<1xf32>
          %squeeze3A_1542 = vector.extract %slice3A_1541[0] : f32 from vector<1xf32>
          %sub3A_1543 = vector.broadcast %squeeze3A_1542 : f32 to vector<16xf32>
          %sub3A_1544 = arith.subf %gather3A, %sub3A_1543 : vector<16xf32>
          %slice3A_1545 = vector.extract_strided_slice %get3A_1375 {offsets = [11], sizes = [1], strides = [1]} : vector<16xf32> to vector<1xf32>
          %squeeze3A_1546 = vector.extract %slice3A_1545[0] : f32 from vector<1xf32>
          %sub3A_1547 = vector.broadcast %squeeze3A_1546 : f32 to vector<16xf32>
          %sub3A_1548 = arith.subf %gather3A_83, %sub3A_1547 : vector<16xf32>
          %mul3A_1549 = arith.mulf %sub3A_1544, %sub3A_1544 : vector<16xf32>
          %mul3A_1550 = arith.mulf %sub3A_1548, %sub3A_1548 : vector<16xf32>
          %add3A_1551 = arith.addf %mul3A_1549, %mul3A_1550 : vector<16xf32>
          %lt3A_1552 = arith.constant 3.99999976 : f32
          %lt3A_1553 = vector.broadcast %lt3A_1552 : f32 to vector<16xf32>
          %lt3A_1554 = arith.cmpf olt, %add3A_1551, %lt3A_1553 : vector<16xf32>
          %select_n3A_1555 = arith.select %lt3A_1554, %broadcast_in_dim3A_0, %select_n3A_1540 : vector<16xi1>, vector<16xf32>
          %slice3A_1556 = vector.extract_strided_slice %get3A_1373 {offsets = [12], sizes = [1], strides = [1]} : vector<16xf32> to vector<1xf32>
          %squeeze3A_1557 = vector.extract %slice3A_1556[0] : f32 from vector<1xf32>
          %sub3A_1558 = vector.broadcast %squeeze3A_1557 : f32 to vector<16xf32>
          %sub3A_1559 = arith.subf %gather3A, %sub3A_1558 : vector<16xf32>
          %slice3A_1560 = vector.extract_strided_slice %get3A_1375 {offsets = [12], sizes = [1], strides = [1]} : vector<16xf32> to vector<1xf32>
          %squeeze3A_1561 = vector.extract %slice3A_1560[0] : f32 from vector<1xf32>
          %sub3A_1562 = vector.broadcast %squeeze3A_1561 : f32 to vector<16xf32>
          %sub3A_1563 = arith.subf %gather3A_83, %sub3A_1562 : vector<16xf32>
          %mul3A_1564 = arith.mulf %sub3A_1559, %sub3A_1559 : vector<16xf32>
          %mul3A_1565 = arith.mulf %sub3A_1563, %sub3A_1563 : vector<16xf32>
          %add3A_1566 = arith.addf %mul3A_1564, %mul3A_1565 : vector<16xf32>
          %lt3A_1567 = arith.constant 3.99999976 : f32
          %lt3A_1568 = vector.broadcast %lt3A_1567 : f32 to vector<16xf32>
          %lt3A_1569 = arith.cmpf olt, %add3A_1566, %lt3A_1568 : vector<16xf32>
          %select_n3A_1570 = arith.select %lt3A_1569, %broadcast_in_dim3A_0, %select_n3A_1555 : vector<16xi1>, vector<16xf32>
          %slice3A_1571 = vector.extract_strided_slice %get3A_1373 {offsets = [13], sizes = [1], strides = [1]} : vector<16xf32> to vector<1xf32>
          %squeeze3A_1572 = vector.extract %slice3A_1571[0] : f32 from vector<1xf32>
          %sub3A_1573 = vector.broadcast %squeeze3A_1572 : f32 to vector<16xf32>
          %sub3A_1574 = arith.subf %gather3A, %sub3A_1573 : vector<16xf32>
          %slice3A_1575 = vector.extract_strided_slice %get3A_1375 {offsets = [13], sizes = [1], strides = [1]} : vector<16xf32> to vector<1xf32>
          %squeeze3A_1576 = vector.extract %slice3A_1575[0] : f32 from vector<1xf32>
          %sub3A_1577 = vector.broadcast %squeeze3A_1576 : f32 to vector<16xf32>
          %sub3A_1578 = arith.subf %gather3A_83, %sub3A_1577 : vector<16xf32>
          %mul3A_1579 = arith.mulf %sub3A_1574, %sub3A_1574 : vector<16xf32>
          %mul3A_1580 = arith.mulf %sub3A_1578, %sub3A_1578 : vector<16xf32>
          %add3A_1581 = arith.addf %mul3A_1579, %mul3A_1580 : vector<16xf32>
          %lt3A_1582 = arith.constant 3.99999976 : f32
          %lt3A_1583 = vector.broadcast %lt3A_1582 : f32 to vector<16xf32>
          %lt3A_1584 = arith.cmpf olt, %add3A_1581, %lt3A_1583 : vector<16xf32>
          %select_n3A_1585 = arith.select %lt3A_1584, %broadcast_in_dim3A_0, %select_n3A_1570 : vector<16xi1>, vector<16xf32>
          %slice3A_1586 = vector.extract_strided_slice %get3A_1373 {offsets = [14], sizes = [1], strides = [1]} : vector<16xf32> to vector<1xf32>
          %squeeze3A_1587 = vector.extract %slice3A_1586[0] : f32 from vector<1xf32>
          %sub3A_1588 = vector.broadcast %squeeze3A_1587 : f32 to vector<16xf32>
          %sub3A_1589 = arith.subf %gather3A, %sub3A_1588 : vector<16xf32>
          %slice3A_1590 = vector.extract_strided_slice %get3A_1375 {offsets = [14], sizes = [1], strides = [1]} : vector<16xf32> to vector<1xf32>
          %squeeze3A_1591 = vector.extract %slice3A_1590[0] : f32 from vector<1xf32>
          %sub3A_1592 = vector.broadcast %squeeze3A_1591 : f32 to vector<16xf32>
          %sub3A_1593 = arith.subf %gather3A_83, %sub3A_1592 : vector<16xf32>
          %mul3A_1594 = arith.mulf %sub3A_1589, %sub3A_1589 : vector<16xf32>
          %mul3A_1595 = arith.mulf %sub3A_1593, %sub3A_1593 : vector<16xf32>
          %add3A_1596 = arith.addf %mul3A_1594, %mul3A_1595 : vector<16xf32>
          %lt3A_1597 = arith.constant 3.99999976 : f32
          %lt3A_1598 = vector.broadcast %lt3A_1597 : f32 to vector<16xf32>
          %lt3A_1599 = arith.cmpf olt, %add3A_1596, %lt3A_1598 : vector<16xf32>
          %select_n3A_1600 = arith.select %lt3A_1599, %broadcast_in_dim3A_0, %select_n3A_1585 : vector<16xi1>, vector<16xf32>
          %slice3A_1601 = vector.extract_strided_slice %get3A_1373 {offsets = [15], sizes = [1], strides = [1]} : vector<16xf32> to vector<1xf32>
          %squeeze3A_1602 = vector.extract %slice3A_1601[0] : f32 from vector<1xf32>
          %sub3A_1603 = vector.broadcast %squeeze3A_1602 : f32 to vector<16xf32>
          %sub3A_1604 = arith.subf %gather3A, %sub3A_1603 : vector<16xf32>
          %slice3A_1605 = vector.extract_strided_slice %get3A_1375 {offsets = [15], sizes = [1], strides = [1]} : vector<16xf32> to vector<1xf32>
          %squeeze3A_1606 = vector.extract %slice3A_1605[0] : f32 from vector<1xf32>
          %sub3A_1607 = vector.broadcast %squeeze3A_1606 : f32 to vector<16xf32>
          %sub3A_1608 = arith.subf %gather3A_83, %sub3A_1607 : vector<16xf32>
          %mul3A_1609 = arith.mulf %sub3A_1604, %sub3A_1604 : vector<16xf32>
          %mul3A_1610 = arith.mulf %sub3A_1608, %sub3A_1608 : vector<16xf32>
          %add3A_1611 = arith.addf %mul3A_1609, %mul3A_1610 : vector<16xf32>
          %lt3A_1612 = arith.constant 3.99999976 : f32
          %lt3A_1613 = vector.broadcast %lt3A_1612 : f32 to vector<16xf32>
          %lt3A_1614 = arith.cmpf olt, %add3A_1611, %lt3A_1613 : vector<16xf32>
          %select_n3A_1615 = arith.select %lt3A_1614, %broadcast_in_dim3A_0, %select_n3A_1600 : vector<16xi1>, vector<16xf32>
          scf.yield %select_n3A_1615 : vector<16xf32>
        }
        %add3A_300 = vector.broadcast %mul3A_73 : i32 to vector<16xi32>
        %add3A_301 = arith.addi %add3A_300, %iota3A : vector<16xi32>
        %lt3A_302 = arith.constant 5000 : i32
        %lt3A_303 = vector.broadcast %lt3A_302 : i32 to vector<16xi32>
        %lt3A_304 = arith.cmpi slt, %add3A_301, %lt3A_303 : vector<16xi32>
        %select_n3A_305 = arith.select %lt3A_304, %broadcast_in_dim3A_0, %broadcast_in_dim3A_2 : vector<16xi1>, vector<16xf32>
        %sub3A_306 = arith.subf %broadcast_in_dim3A_0, %while3A_299 : vector<16xf32>
        %mul3A_307 = arith.mulf %sub3A_306, %select_n3A_305 : vector<16xf32>
        %add3A_308 = arith.constant 1 : i32
        %add3A_309 = vector.broadcast %add3A_308 : i32 to vector<16xi32>
        %add3A_310 = arith.addi %iota3A, %add3A_309 : vector<16xi32>
        %and3A_311 = arith.constant 15 : i32
        %and3A_312 = vector.broadcast %and3A_311 : i32 to vector<16xi32>
        %and3A_313 = arith.andi %add3A_310, %and3A_312 : vector<16xi32>
        %lt3A_314 = arith.constant 0 : i32
        %lt3A_315 = vector.broadcast %lt3A_314 : i32 to vector<16xi32>
        %lt3A_316 = arith.cmpi slt, %and3A_313, %lt3A_315 : vector<16xi32>
        %add3A_317 = arith.constant 16 : i32
        %add3A_318 = vector.broadcast %add3A_317 : i32 to vector<16xi32>
        %add3A_319 = arith.addi %and3A_313, %add3A_318 : vector<16xi32>
        %select_n3A_320 = arith.select %lt3A_316, %add3A_319, %and3A_313 : vector<16xi1>, vector<16xi32>
        %broadcast_in_dim3A_321 = vector.shape_cast %select_n3A_320 : vector<16xi32> to vector<16x1xi32>
        %gather3A_322 = vector.shape_cast %broadcast_in_dim3A_321 : vector<16x1xi32> to vector<16xi32>
        %gather3A_323 = tpu.dynamic_gather %gather3A[%gather3A_322] in [0] : vector<16xf32>, vector<16xi32> -> vector<16xf32>
        %lt3A_324 = arith.constant 0 : i32
        %lt3A_325 = vector.broadcast %lt3A_324 : i32 to vector<16xi32>
        %lt3A_326 = arith.cmpi slt, %and3A_313, %lt3A_325 : vector<16xi32>
        %add3A_327 = arith.constant 16 : i32
        %add3A_328 = vector.broadcast %add3A_327 : i32 to vector<16xi32>
        %add3A_329 = arith.addi %and3A_313, %add3A_328 : vector<16xi32>
        %select_n3A_330 = arith.select %lt3A_326, %add3A_329, %and3A_313 : vector<16xi1>, vector<16xi32>
        %broadcast_in_dim3A_331 = vector.shape_cast %select_n3A_330 : vector<16xi32> to vector<16x1xi32>
        %gather3A_332 = vector.shape_cast %broadcast_in_dim3A_331 : vector<16x1xi32> to vector<16xi32>
        %gather3A_333 = tpu.dynamic_gather %gather3A_83[%gather3A_332] in [0] : vector<16xf32>, vector<16xi32> -> vector<16xf32>
        %sub3A_334 = arith.subf %gather3A, %gather3A_323 : vector<16xf32>
        %sub3A_335 = arith.subf %gather3A_83, %gather3A_333 : vector<16xf32>
        %mul3A_336 = arith.mulf %sub3A_334, %sub3A_334 : vector<16xf32>
        %mul3A_337 = arith.mulf %sub3A_335, %sub3A_335 : vector<16xf32>
        %add3A_338 = arith.addf %mul3A_336, %mul3A_337 : vector<16xf32>
        %lt3A_339 = arith.constant 3.99999976 : f32
        %lt3A_340 = vector.broadcast %lt3A_339 : f32 to vector<16xf32>
        %lt3A_341 = arith.cmpf olt, %add3A_338, %lt3A_340 : vector<16xf32>
        %select_n3A_342 = arith.select %lt3A_341, %broadcast_in_dim3A_0, %broadcast_in_dim3A_2 : vector<16xi1>, vector<16xf32>
        %add3A_343 = arith.constant 2 : i32
        %add3A_344 = vector.broadcast %add3A_343 : i32 to vector<16xi32>
        %add3A_345 = arith.addi %iota3A, %add3A_344 : vector<16xi32>
        %and3A_346 = arith.constant 15 : i32
        %and3A_347 = vector.broadcast %and3A_346 : i32 to vector<16xi32>
        %and3A_348 = arith.andi %add3A_345, %and3A_347 : vector<16xi32>
        %lt3A_349 = arith.constant 0 : i32
        %lt3A_350 = vector.broadcast %lt3A_349 : i32 to vector<16xi32>
        %lt3A_351 = arith.cmpi slt, %and3A_348, %lt3A_350 : vector<16xi32>
        %add3A_352 = arith.constant 16 : i32
        %add3A_353 = vector.broadcast %add3A_352 : i32 to vector<16xi32>
        %add3A_354 = arith.addi %and3A_348, %add3A_353 : vector<16xi32>
        %select_n3A_355 = arith.select %lt3A_351, %add3A_354, %and3A_348 : vector<16xi1>, vector<16xi32>
        %broadcast_in_dim3A_356 = vector.shape_cast %select_n3A_355 : vector<16xi32> to vector<16x1xi32>
        %gather3A_357 = vector.shape_cast %broadcast_in_dim3A_356 : vector<16x1xi32> to vector<16xi32>
        %gather3A_358 = tpu.dynamic_gather %gather3A[%gather3A_357] in [0] : vector<16xf32>, vector<16xi32> -> vector<16xf32>
        %lt3A_359 = arith.constant 0 : i32
        %lt3A_360 = vector.broadcast %lt3A_359 : i32 to vector<16xi32>
        %lt3A_361 = arith.cmpi slt, %and3A_348, %lt3A_360 : vector<16xi32>
        %add3A_362 = arith.constant 16 : i32
        %add3A_363 = vector.broadcast %add3A_362 : i32 to vector<16xi32>
        %add3A_364 = arith.addi %and3A_348, %add3A_363 : vector<16xi32>
        %select_n3A_365 = arith.select %lt3A_361, %add3A_364, %and3A_348 : vector<16xi1>, vector<16xi32>
        %broadcast_in_dim3A_366 = vector.shape_cast %select_n3A_365 : vector<16xi32> to vector<16x1xi32>
        %gather3A_367 = vector.shape_cast %broadcast_in_dim3A_366 : vector<16x1xi32> to vector<16xi32>
        %gather3A_368 = tpu.dynamic_gather %gather3A_83[%gather3A_367] in [0] : vector<16xf32>, vector<16xi32> -> vector<16xf32>
        %sub3A_369 = arith.subf %gather3A, %gather3A_358 : vector<16xf32>
        %sub3A_370 = arith.subf %gather3A_83, %gather3A_368 : vector<16xf32>
        %mul3A_371 = arith.mulf %sub3A_369, %sub3A_369 : vector<16xf32>
        %mul3A_372 = arith.mulf %sub3A_370, %sub3A_370 : vector<16xf32>
        %add3A_373 = arith.addf %mul3A_371, %mul3A_372 : vector<16xf32>
        %lt3A_374 = arith.constant 3.99999976 : f32
        %lt3A_375 = vector.broadcast %lt3A_374 : f32 to vector<16xf32>
        %lt3A_376 = arith.cmpf olt, %add3A_373, %lt3A_375 : vector<16xf32>
        %select_n3A_377 = arith.select %lt3A_376, %broadcast_in_dim3A_0, %select_n3A_342 : vector<16xi1>, vector<16xf32>
        %add3A_378 = arith.constant 3 : i32
        %add3A_379 = vector.broadcast %add3A_378 : i32 to vector<16xi32>
        %add3A_380 = arith.addi %iota3A, %add3A_379 : vector<16xi32>
        %and3A_381 = arith.constant 15 : i32
        %and3A_382 = vector.broadcast %and3A_381 : i32 to vector<16xi32>
        %and3A_383 = arith.andi %add3A_380, %and3A_382 : vector<16xi32>
        %lt3A_384 = arith.constant 0 : i32
        %lt3A_385 = vector.broadcast %lt3A_384 : i32 to vector<16xi32>
        %lt3A_386 = arith.cmpi slt, %and3A_383, %lt3A_385 : vector<16xi32>
        %add3A_387 = arith.constant 16 : i32
        %add3A_388 = vector.broadcast %add3A_387 : i32 to vector<16xi32>
        %add3A_389 = arith.addi %and3A_383, %add3A_388 : vector<16xi32>
        %select_n3A_390 = arith.select %lt3A_386, %add3A_389, %and3A_383 : vector<16xi1>, vector<16xi32>
        %broadcast_in_dim3A_391 = vector.shape_cast %select_n3A_390 : vector<16xi32> to vector<16x1xi32>
        %gather3A_392 = vector.shape_cast %broadcast_in_dim3A_391 : vector<16x1xi32> to vector<16xi32>
        %gather3A_393 = tpu.dynamic_gather %gather3A[%gather3A_392] in [0] : vector<16xf32>, vector<16xi32> -> vector<16xf32>
        %lt3A_394 = arith.constant 0 : i32
        %lt3A_395 = vector.broadcast %lt3A_394 : i32 to vector<16xi32>
        %lt3A_396 = arith.cmpi slt, %and3A_383, %lt3A_395 : vector<16xi32>
        %add3A_397 = arith.constant 16 : i32
        %add3A_398 = vector.broadcast %add3A_397 : i32 to vector<16xi32>
        %add3A_399 = arith.addi %and3A_383, %add3A_398 : vector<16xi32>
        %select_n3A_400 = arith.select %lt3A_396, %add3A_399, %and3A_383 : vector<16xi1>, vector<16xi32>
        %broadcast_in_dim3A_401 = vector.shape_cast %select_n3A_400 : vector<16xi32> to vector<16x1xi32>
        %gather3A_402 = vector.shape_cast %broadcast_in_dim3A_401 : vector<16x1xi32> to vector<16xi32>
        %gather3A_403 = tpu.dynamic_gather %gather3A_83[%gather3A_402] in [0] : vector<16xf32>, vector<16xi32> -> vector<16xf32>
        %sub3A_404 = arith.subf %gather3A, %gather3A_393 : vector<16xf32>
        %sub3A_405 = arith.subf %gather3A_83, %gather3A_403 : vector<16xf32>
        %mul3A_406 = arith.mulf %sub3A_404, %sub3A_404 : vector<16xf32>
        %mul3A_407 = arith.mulf %sub3A_405, %sub3A_405 : vector<16xf32>
        %add3A_408 = arith.addf %mul3A_406, %mul3A_407 : vector<16xf32>
        %lt3A_409 = arith.constant 3.99999976 : f32
        %lt3A_410 = vector.broadcast %lt3A_409 : f32 to vector<16xf32>
        %lt3A_411 = arith.cmpf olt, %add3A_408, %lt3A_410 : vector<16xf32>
        %select_n3A_412 = arith.select %lt3A_411, %broadcast_in_dim3A_0, %select_n3A_377 : vector<16xi1>, vector<16xf32>
        %add3A_413 = arith.constant 4 : i32
        %add3A_414 = vector.broadcast %add3A_413 : i32 to vector<16xi32>
        %add3A_415 = arith.addi %iota3A, %add3A_414 : vector<16xi32>
        %and3A_416 = arith.constant 15 : i32
        %and3A_417 = vector.broadcast %and3A_416 : i32 to vector<16xi32>
        %and3A_418 = arith.andi %add3A_415, %and3A_417 : vector<16xi32>
        %lt3A_419 = arith.constant 0 : i32
        %lt3A_420 = vector.broadcast %lt3A_419 : i32 to vector<16xi32>
        %lt3A_421 = arith.cmpi slt, %and3A_418, %lt3A_420 : vector<16xi32>
        %add3A_422 = arith.constant 16 : i32
        %add3A_423 = vector.broadcast %add3A_422 : i32 to vector<16xi32>
        %add3A_424 = arith.addi %and3A_418, %add3A_423 : vector<16xi32>
        %select_n3A_425 = arith.select %lt3A_421, %add3A_424, %and3A_418 : vector<16xi1>, vector<16xi32>
        %broadcast_in_dim3A_426 = vector.shape_cast %select_n3A_425 : vector<16xi32> to vector<16x1xi32>
        %gather3A_427 = vector.shape_cast %broadcast_in_dim3A_426 : vector<16x1xi32> to vector<16xi32>
        %gather3A_428 = tpu.dynamic_gather %gather3A[%gather3A_427] in [0] : vector<16xf32>, vector<16xi32> -> vector<16xf32>
        %lt3A_429 = arith.constant 0 : i32
        %lt3A_430 = vector.broadcast %lt3A_429 : i32 to vector<16xi32>
        %lt3A_431 = arith.cmpi slt, %and3A_418, %lt3A_430 : vector<16xi32>
        %add3A_432 = arith.constant 16 : i32
        %add3A_433 = vector.broadcast %add3A_432 : i32 to vector<16xi32>
        %add3A_434 = arith.addi %and3A_418, %add3A_433 : vector<16xi32>
        %select_n3A_435 = arith.select %lt3A_431, %add3A_434, %and3A_418 : vector<16xi1>, vector<16xi32>
        %broadcast_in_dim3A_436 = vector.shape_cast %select_n3A_435 : vector<16xi32> to vector<16x1xi32>
        %gather3A_437 = vector.shape_cast %broadcast_in_dim3A_436 : vector<16x1xi32> to vector<16xi32>
        %gather3A_438 = tpu.dynamic_gather %gather3A_83[%gather3A_437] in [0] : vector<16xf32>, vector<16xi32> -> vector<16xf32>
        %sub3A_439 = arith.subf %gather3A, %gather3A_428 : vector<16xf32>
        %sub3A_440 = arith.subf %gather3A_83, %gather3A_438 : vector<16xf32>
        %mul3A_441 = arith.mulf %sub3A_439, %sub3A_439 : vector<16xf32>
        %mul3A_442 = arith.mulf %sub3A_440, %sub3A_440 : vector<16xf32>
        %add3A_443 = arith.addf %mul3A_441, %mul3A_442 : vector<16xf32>
        %lt3A_444 = arith.constant 3.99999976 : f32
        %lt3A_445 = vector.broadcast %lt3A_444 : f32 to vector<16xf32>
        %lt3A_446 = arith.cmpf olt, %add3A_443, %lt3A_445 : vector<16xf32>
        %select_n3A_447 = arith.select %lt3A_446, %broadcast_in_dim3A_0, %select_n3A_412 : vector<16xi1>, vector<16xf32>
        %add3A_448 = arith.constant 5 : i32
        %add3A_449 = vector.broadcast %add3A_448 : i32 to vector<16xi32>
        %add3A_450 = arith.addi %iota3A, %add3A_449 : vector<16xi32>
        %and3A_451 = arith.constant 15 : i32
        %and3A_452 = vector.broadcast %and3A_451 : i32 to vector<16xi32>
        %and3A_453 = arith.andi %add3A_450, %and3A_452 : vector<16xi32>
        %lt3A_454 = arith.constant 0 : i32
        %lt3A_455 = vector.broadcast %lt3A_454 : i32 to vector<16xi32>
        %lt3A_456 = arith.cmpi slt, %and3A_453, %lt3A_455 : vector<16xi32>
        %add3A_457 = arith.constant 16 : i32
        %add3A_458 = vector.broadcast %add3A_457 : i32 to vector<16xi32>
        %add3A_459 = arith.addi %and3A_453, %add3A_458 : vector<16xi32>
        %select_n3A_460 = arith.select %lt3A_456, %add3A_459, %and3A_453 : vector<16xi1>, vector<16xi32>
        %broadcast_in_dim3A_461 = vector.shape_cast %select_n3A_460 : vector<16xi32> to vector<16x1xi32>
        %gather3A_462 = vector.shape_cast %broadcast_in_dim3A_461 : vector<16x1xi32> to vector<16xi32>
        %gather3A_463 = tpu.dynamic_gather %gather3A[%gather3A_462] in [0] : vector<16xf32>, vector<16xi32> -> vector<16xf32>
        %lt3A_464 = arith.constant 0 : i32
        %lt3A_465 = vector.broadcast %lt3A_464 : i32 to vector<16xi32>
        %lt3A_466 = arith.cmpi slt, %and3A_453, %lt3A_465 : vector<16xi32>
        %add3A_467 = arith.constant 16 : i32
        %add3A_468 = vector.broadcast %add3A_467 : i32 to vector<16xi32>
        %add3A_469 = arith.addi %and3A_453, %add3A_468 : vector<16xi32>
        %select_n3A_470 = arith.select %lt3A_466, %add3A_469, %and3A_453 : vector<16xi1>, vector<16xi32>
        %broadcast_in_dim3A_471 = vector.shape_cast %select_n3A_470 : vector<16xi32> to vector<16x1xi32>
        %gather3A_472 = vector.shape_cast %broadcast_in_dim3A_471 : vector<16x1xi32> to vector<16xi32>
        %gather3A_473 = tpu.dynamic_gather %gather3A_83[%gather3A_472] in [0] : vector<16xf32>, vector<16xi32> -> vector<16xf32>
        %sub3A_474 = arith.subf %gather3A, %gather3A_463 : vector<16xf32>
        %sub3A_475 = arith.subf %gather3A_83, %gather3A_473 : vector<16xf32>
        %mul3A_476 = arith.mulf %sub3A_474, %sub3A_474 : vector<16xf32>
        %mul3A_477 = arith.mulf %sub3A_475, %sub3A_475 : vector<16xf32>
        %add3A_478 = arith.addf %mul3A_476, %mul3A_477 : vector<16xf32>
        %lt3A_479 = arith.constant 3.99999976 : f32
        %lt3A_480 = vector.broadcast %lt3A_479 : f32 to vector<16xf32>
        %lt3A_481 = arith.cmpf olt, %add3A_478, %lt3A_480 : vector<16xf32>
        %select_n3A_482 = arith.select %lt3A_481, %broadcast_in_dim3A_0, %select_n3A_447 : vector<16xi1>, vector<16xf32>
        %add3A_483 = arith.constant 6 : i32
        %add3A_484 = vector.broadcast %add3A_483 : i32 to vector<16xi32>
        %add3A_485 = arith.addi %iota3A, %add3A_484 : vector<16xi32>
        %and3A_486 = arith.constant 15 : i32
        %and3A_487 = vector.broadcast %and3A_486 : i32 to vector<16xi32>
        %and3A_488 = arith.andi %add3A_485, %and3A_487 : vector<16xi32>
        %lt3A_489 = arith.constant 0 : i32
        %lt3A_490 = vector.broadcast %lt3A_489 : i32 to vector<16xi32>
        %lt3A_491 = arith.cmpi slt, %and3A_488, %lt3A_490 : vector<16xi32>
        %add3A_492 = arith.constant 16 : i32
        %add3A_493 = vector.broadcast %add3A_492 : i32 to vector<16xi32>
        %add3A_494 = arith.addi %and3A_488, %add3A_493 : vector<16xi32>
        %select_n3A_495 = arith.select %lt3A_491, %add3A_494, %and3A_488 : vector<16xi1>, vector<16xi32>
        %broadcast_in_dim3A_496 = vector.shape_cast %select_n3A_495 : vector<16xi32> to vector<16x1xi32>
        %gather3A_497 = vector.shape_cast %broadcast_in_dim3A_496 : vector<16x1xi32> to vector<16xi32>
        %gather3A_498 = tpu.dynamic_gather %gather3A[%gather3A_497] in [0] : vector<16xf32>, vector<16xi32> -> vector<16xf32>
        %lt3A_499 = arith.constant 0 : i32
        %lt3A_500 = vector.broadcast %lt3A_499 : i32 to vector<16xi32>
        %lt3A_501 = arith.cmpi slt, %and3A_488, %lt3A_500 : vector<16xi32>
        %add3A_502 = arith.constant 16 : i32
        %add3A_503 = vector.broadcast %add3A_502 : i32 to vector<16xi32>
        %add3A_504 = arith.addi %and3A_488, %add3A_503 : vector<16xi32>
        %select_n3A_505 = arith.select %lt3A_501, %add3A_504, %and3A_488 : vector<16xi1>, vector<16xi32>
        %broadcast_in_dim3A_506 = vector.shape_cast %select_n3A_505 : vector<16xi32> to vector<16x1xi32>
        %gather3A_507 = vector.shape_cast %broadcast_in_dim3A_506 : vector<16x1xi32> to vector<16xi32>
        %gather3A_508 = tpu.dynamic_gather %gather3A_83[%gather3A_507] in [0] : vector<16xf32>, vector<16xi32> -> vector<16xf32>
        %sub3A_509 = arith.subf %gather3A, %gather3A_498 : vector<16xf32>
        %sub3A_510 = arith.subf %gather3A_83, %gather3A_508 : vector<16xf32>
        %mul3A_511 = arith.mulf %sub3A_509, %sub3A_509 : vector<16xf32>
        %mul3A_512 = arith.mulf %sub3A_510, %sub3A_510 : vector<16xf32>
        %add3A_513 = arith.addf %mul3A_511, %mul3A_512 : vector<16xf32>
        %lt3A_514 = arith.constant 3.99999976 : f32
        %lt3A_515 = vector.broadcast %lt3A_514 : f32 to vector<16xf32>
        %lt3A_516 = arith.cmpf olt, %add3A_513, %lt3A_515 : vector<16xf32>
        %select_n3A_517 = arith.select %lt3A_516, %broadcast_in_dim3A_0, %select_n3A_482 : vector<16xi1>, vector<16xf32>
        %add3A_518 = arith.constant 7 : i32
        %add3A_519 = vector.broadcast %add3A_518 : i32 to vector<16xi32>
        %add3A_520 = arith.addi %iota3A, %add3A_519 : vector<16xi32>
        %and3A_521 = arith.constant 15 : i32
        %and3A_522 = vector.broadcast %and3A_521 : i32 to vector<16xi32>
        %and3A_523 = arith.andi %add3A_520, %and3A_522 : vector<16xi32>
        %lt3A_524 = arith.constant 0 : i32
        %lt3A_525 = vector.broadcast %lt3A_524 : i32 to vector<16xi32>
        %lt3A_526 = arith.cmpi slt, %and3A_523, %lt3A_525 : vector<16xi32>
        %add3A_527 = arith.constant 16 : i32
        %add3A_528 = vector.broadcast %add3A_527 : i32 to vector<16xi32>
        %add3A_529 = arith.addi %and3A_523, %add3A_528 : vector<16xi32>
        %select_n3A_530 = arith.select %lt3A_526, %add3A_529, %and3A_523 : vector<16xi1>, vector<16xi32>
        %broadcast_in_dim3A_531 = vector.shape_cast %select_n3A_530 : vector<16xi32> to vector<16x1xi32>
        %gather3A_532 = vector.shape_cast %broadcast_in_dim3A_531 : vector<16x1xi32> to vector<16xi32>
        %gather3A_533 = tpu.dynamic_gather %gather3A[%gather3A_532] in [0] : vector<16xf32>, vector<16xi32> -> vector<16xf32>
        %lt3A_534 = arith.constant 0 : i32
        %lt3A_535 = vector.broadcast %lt3A_534 : i32 to vector<16xi32>
        %lt3A_536 = arith.cmpi slt, %and3A_523, %lt3A_535 : vector<16xi32>
        %add3A_537 = arith.constant 16 : i32
        %add3A_538 = vector.broadcast %add3A_537 : i32 to vector<16xi32>
        %add3A_539 = arith.addi %and3A_523, %add3A_538 : vector<16xi32>
        %select_n3A_540 = arith.select %lt3A_536, %add3A_539, %and3A_523 : vector<16xi1>, vector<16xi32>
        %broadcast_in_dim3A_541 = vector.shape_cast %select_n3A_540 : vector<16xi32> to vector<16x1xi32>
        %gather3A_542 = vector.shape_cast %broadcast_in_dim3A_541 : vector<16x1xi32> to vector<16xi32>
        %gather3A_543 = tpu.dynamic_gather %gather3A_83[%gather3A_542] in [0] : vector<16xf32>, vector<16xi32> -> vector<16xf32>
        %sub3A_544 = arith.subf %gather3A, %gather3A_533 : vector<16xf32>
        %sub3A_545 = arith.subf %gather3A_83, %gather3A_543 : vector<16xf32>
        %mul3A_546 = arith.mulf %sub3A_544, %sub3A_544 : vector<16xf32>
        %mul3A_547 = arith.mulf %sub3A_545, %sub3A_545 : vector<16xf32>
        %add3A_548 = arith.addf %mul3A_546, %mul3A_547 : vector<16xf32>
        %lt3A_549 = arith.constant 3.99999976 : f32
        %lt3A_550 = vector.broadcast %lt3A_549 : f32 to vector<16xf32>
        %lt3A_551 = arith.cmpf olt, %add3A_548, %lt3A_550 : vector<16xf32>
        %select_n3A_552 = arith.select %lt3A_551, %broadcast_in_dim3A_0, %select_n3A_517 : vector<16xi1>, vector<16xf32>
        %add3A_553 = arith.constant 8 : i32
        %add3A_554 = vector.broadcast %add3A_553 : i32 to vector<16xi32>
        %add3A_555 = arith.addi %iota3A, %add3A_554 : vector<16xi32>
        %and3A_556 = arith.constant 15 : i32
        %and3A_557 = vector.broadcast %and3A_556 : i32 to vector<16xi32>
        %and3A_558 = arith.andi %add3A_555, %and3A_557 : vector<16xi32>
        %lt3A_559 = arith.constant 0 : i32
        %lt3A_560 = vector.broadcast %lt3A_559 : i32 to vector<16xi32>
        %lt3A_561 = arith.cmpi slt, %and3A_558, %lt3A_560 : vector<16xi32>
        %add3A_562 = arith.constant 16 : i32
        %add3A_563 = vector.broadcast %add3A_562 : i32 to vector<16xi32>
        %add3A_564 = arith.addi %and3A_558, %add3A_563 : vector<16xi32>
        %select_n3A_565 = arith.select %lt3A_561, %add3A_564, %and3A_558 : vector<16xi1>, vector<16xi32>
        %broadcast_in_dim3A_566 = vector.shape_cast %select_n3A_565 : vector<16xi32> to vector<16x1xi32>
        %gather3A_567 = vector.shape_cast %broadcast_in_dim3A_566 : vector<16x1xi32> to vector<16xi32>
        %gather3A_568 = tpu.dynamic_gather %gather3A[%gather3A_567] in [0] : vector<16xf32>, vector<16xi32> -> vector<16xf32>
        %lt3A_569 = arith.constant 0 : i32
        %lt3A_570 = vector.broadcast %lt3A_569 : i32 to vector<16xi32>
        %lt3A_571 = arith.cmpi slt, %and3A_558, %lt3A_570 : vector<16xi32>
        %add3A_572 = arith.constant 16 : i32
        %add3A_573 = vector.broadcast %add3A_572 : i32 to vector<16xi32>
        %add3A_574 = arith.addi %and3A_558, %add3A_573 : vector<16xi32>
        %select_n3A_575 = arith.select %lt3A_571, %add3A_574, %and3A_558 : vector<16xi1>, vector<16xi32>
        %broadcast_in_dim3A_576 = vector.shape_cast %select_n3A_575 : vector<16xi32> to vector<16x1xi32>
        %gather3A_577 = vector.shape_cast %broadcast_in_dim3A_576 : vector<16x1xi32> to vector<16xi32>
        %gather3A_578 = tpu.dynamic_gather %gather3A_83[%gather3A_577] in [0] : vector<16xf32>, vector<16xi32> -> vector<16xf32>
        %sub3A_579 = arith.subf %gather3A, %gather3A_568 : vector<16xf32>
        %sub3A_580 = arith.subf %gather3A_83, %gather3A_578 : vector<16xf32>
        %mul3A_581 = arith.mulf %sub3A_579, %sub3A_579 : vector<16xf32>
        %mul3A_582 = arith.mulf %sub3A_580, %sub3A_580 : vector<16xf32>
        %add3A_583 = arith.addf %mul3A_581, %mul3A_582 : vector<16xf32>
        %lt3A_584 = arith.constant 3.99999976 : f32
        %lt3A_585 = vector.broadcast %lt3A_584 : f32 to vector<16xf32>
        %lt3A_586 = arith.cmpf olt, %add3A_583, %lt3A_585 : vector<16xf32>
        %select_n3A_587 = arith.select %lt3A_586, %broadcast_in_dim3A_0, %select_n3A_552 : vector<16xi1>, vector<16xf32>
        %xor3A_588 = arith.constant 8 : i32
        %xor3A_589 = vector.broadcast %xor3A_588 : i32 to vector<16xi32>
        %xor3A_590 = arith.xori %iota3A, %xor3A_589 : vector<16xi32>
        %lt3A_591 = arith.constant 0 : i32
        %lt3A_592 = vector.broadcast %lt3A_591 : i32 to vector<16xi32>
        %lt3A_593 = arith.cmpi slt, %xor3A_590, %lt3A_592 : vector<16xi32>
        %add3A_594 = arith.constant 16 : i32
        %add3A_595 = vector.broadcast %add3A_594 : i32 to vector<16xi32>
        %add3A_596 = arith.addi %xor3A_590, %add3A_595 : vector<16xi32>
        %select_n3A_597 = arith.select %lt3A_593, %add3A_596, %xor3A_590 : vector<16xi1>, vector<16xi32>
        %broadcast_in_dim3A_598 = vector.shape_cast %select_n3A_597 : vector<16xi32> to vector<16x1xi32>
        %gather3A_599 = vector.shape_cast %broadcast_in_dim3A_598 : vector<16x1xi32> to vector<16xi32>
        %gather3A_600 = tpu.dynamic_gather %select_n3A_587[%gather3A_599] in [0] : vector<16xf32>, vector<16xi32> -> vector<16xf32>
        %max3A_601 = arith.maximumf %select_n3A_587, %gather3A_600 : vector<16xf32>
        %xor3A_602 = arith.constant 4 : i32
        %xor3A_603 = vector.broadcast %xor3A_602 : i32 to vector<16xi32>
        %xor3A_604 = arith.xori %iota3A, %xor3A_603 : vector<16xi32>
        %lt3A_605 = arith.constant 0 : i32
        %lt3A_606 = vector.broadcast %lt3A_605 : i32 to vector<16xi32>
        %lt3A_607 = arith.cmpi slt, %xor3A_604, %lt3A_606 : vector<16xi32>
        %add3A_608 = arith.constant 16 : i32
        %add3A_609 = vector.broadcast %add3A_608 : i32 to vector<16xi32>
        %add3A_610 = arith.addi %xor3A_604, %add3A_609 : vector<16xi32>
        %select_n3A_611 = arith.select %lt3A_607, %add3A_610, %xor3A_604 : vector<16xi1>, vector<16xi32>
        %broadcast_in_dim3A_612 = vector.shape_cast %select_n3A_611 : vector<16xi32> to vector<16x1xi32>
        %gather3A_613 = vector.shape_cast %broadcast_in_dim3A_612 : vector<16x1xi32> to vector<16xi32>
        %gather3A_614 = tpu.dynamic_gather %max3A_601[%gather3A_613] in [0] : vector<16xf32>, vector<16xi32> -> vector<16xf32>
        %max3A_615 = arith.maximumf %max3A_601, %gather3A_614 : vector<16xf32>
        %xor3A_616 = arith.constant 2 : i32
        %xor3A_617 = vector.broadcast %xor3A_616 : i32 to vector<16xi32>
        %xor3A_618 = arith.xori %iota3A, %xor3A_617 : vector<16xi32>
        %lt3A_619 = arith.constant 0 : i32
        %lt3A_620 = vector.broadcast %lt3A_619 : i32 to vector<16xi32>
        %lt3A_621 = arith.cmpi slt, %xor3A_618, %lt3A_620 : vector<16xi32>
        %add3A_622 = arith.constant 16 : i32
        %add3A_623 = vector.broadcast %add3A_622 : i32 to vector<16xi32>
        %add3A_624 = arith.addi %xor3A_618, %add3A_623 : vector<16xi32>
        %select_n3A_625 = arith.select %lt3A_621, %add3A_624, %xor3A_618 : vector<16xi1>, vector<16xi32>
        %broadcast_in_dim3A_626 = vector.shape_cast %select_n3A_625 : vector<16xi32> to vector<16x1xi32>
        %gather3A_627 = vector.shape_cast %broadcast_in_dim3A_626 : vector<16x1xi32> to vector<16xi32>
        %gather3A_628 = tpu.dynamic_gather %max3A_615[%gather3A_627] in [0] : vector<16xf32>, vector<16xi32> -> vector<16xf32>
        %max3A_629 = arith.maximumf %max3A_615, %gather3A_628 : vector<16xf32>
        %xor3A_630 = arith.constant 1 : i32
        %xor3A_631 = vector.broadcast %xor3A_630 : i32 to vector<16xi32>
        %xor3A_632 = arith.xori %iota3A, %xor3A_631 : vector<16xi32>
        %lt3A_633 = arith.constant 0 : i32
        %lt3A_634 = vector.broadcast %lt3A_633 : i32 to vector<16xi32>
        %lt3A_635 = arith.cmpi slt, %xor3A_632, %lt3A_634 : vector<16xi32>
        %add3A_636 = arith.constant 16 : i32
        %add3A_637 = vector.broadcast %add3A_636 : i32 to vector<16xi32>
        %add3A_638 = arith.addi %xor3A_632, %add3A_637 : vector<16xi32>
        %select_n3A_639 = arith.select %lt3A_635, %add3A_638, %xor3A_632 : vector<16xi1>, vector<16xi32>
        %broadcast_in_dim3A_640 = vector.shape_cast %select_n3A_639 : vector<16xi32> to vector<16x1xi32>
        %gather3A_641 = vector.shape_cast %broadcast_in_dim3A_640 : vector<16x1xi32> to vector<16xi32>
        %gather3A_642 = tpu.dynamic_gather %max3A_629[%gather3A_641] in [0] : vector<16xf32>, vector<16xi32> -> vector<16xf32>
        %max3A_643 = arith.maximumf %max3A_629, %gather3A_642 : vector<16xf32>
        %swap3A_644 = arith.index_cast %mul3A_73 : i32 to index
        %swap3A_645 = tpu.vector_load %arg10[%swap3A_644] {strides = array<i32>} : memref<5008xf32, #tpu.memory_space<vmem>>, vector<16xf32>,
        tpu.vector_store %arg10[%swap3A_644], %mul3A_307 {strides = array<i32>} : memref<5008xf32, #tpu.memory_space<vmem>>, vector<16xf32>,
        %slice3A_646 = vector.extract_strided_slice %max3A_643 {offsets = [0], sizes = [1], strides = [1]} : vector<16xf32> to vector<1xf32>
        %squeeze3A_647 = vector.extract %slice3A_646[0] : f32 from vector<1xf32>
        %gt3A_648 = arith.constant 5.000000e-01 : f32
        %gt3A_649 = arith.cmpf ogt, %squeeze3A_647, %gt3A_648 : f32
        %convert_element_type3A_650 = arith.extui %gt3A_649 : i1 to i32
        %cond3A_651 = arith.constant 0 : i32
        %cond3A_652 = arith.cmpi ne, %convert_element_type3A_650, %cond3A_651 : i32
        scf.if %cond3A_652 {
          %slice3A_1368 = vector.extract_strided_slice %gather3A {offsets = [0], sizes = [1], strides = [1]} : vector<16xf32> to vector<1xf32>
          %squeeze3A_1369 = vector.extract %slice3A_1368[0] : f32 from vector<1xf32>
          %sub3A_1370 = vector.broadcast %squeeze3A_1369 : f32 to vector<16xf32>
          %sub3A_1371 = arith.subf %gather3A, %sub3A_1370 : vector<16xf32>
          %slice3A_1372 = vector.extract_strided_slice %gather3A_83 {offsets = [0], sizes = [1], strides = [1]} : vector<16xf32> to vector<1xf32>
          %squeeze3A_1373 = vector.extract %slice3A_1372[0] : f32 from vector<1xf32>
          %sub3A_1374 = vector.broadcast %squeeze3A_1373 : f32 to vector<16xf32>
          %sub3A_1375 = arith.subf %gather3A_83, %sub3A_1374 : vector<16xf32>
          %mul3A_1376 = arith.mulf %sub3A_1371, %sub3A_1371 : vector<16xf32>
          %mul3A_1377 = arith.mulf %sub3A_1375, %sub3A_1375 : vector<16xf32>
          %add3A_1378 = arith.addf %mul3A_1376, %mul3A_1377 : vector<16xf32>
          %gt3A_1379 = arith.constant 0 : i32
          %gt3A_1380 = vector.broadcast %gt3A_1379 : i32 to vector<16xi32>
          %gt3A_1381 = arith.cmpi sgt, %iota3A, %gt3A_1380 : vector<16xi32>
          %slice3A_1382 = vector.extract_strided_slice %mul3A_307 {offsets = [0], sizes = [1], strides = [1]} : vector<16xf32> to vector<1xf32>
          %squeeze3A_1383 = vector.extract %slice3A_1382[0] : f32 from vector<1xf32>
          %jit3A_1384 = arith.constant 0.000000e+00 : f32
          %broadcast_in_dim3A_1385 = vector.broadcast %squeeze3A_1383 : f32 to vector<16xf32>
          %broadcast_in_dim3A_1386 = vector.broadcast %jit3A_1384 : f32 to vector<16xf32>
          %select_n3A_1387 = arith.select %gt3A_1381, %broadcast_in_dim3A_1385, %broadcast_in_dim3A_1386 : vector<16xi1>, vector<16xf32>
          %lt3A_1388 = arith.constant 3.99999976 : f32
          %lt3A_1389 = vector.broadcast %lt3A_1388 : f32 to vector<16xf32>
          %lt3A_1390 = arith.cmpf olt, %add3A_1378, %lt3A_1389 : vector<16xf32>
          %select_n3A_1391 = arith.select %lt3A_1390, %select_n3A_1387, %broadcast_in_dim3A_2 : vector<16xi1>, vector<16xf32>
          %sub3A_1392 = arith.subf %broadcast_in_dim3A_0, %select_n3A_1391 : vector<16xf32>
          %mul3A_1393 = arith.mulf %mul3A_307, %sub3A_1392 : vector<16xf32>
          %slice3A_1394 = vector.extract_strided_slice %gather3A {offsets = [1], sizes = [1], strides = [1]} : vector<16xf32> to vector<1xf32>
          %squeeze3A_1395 = vector.extract %slice3A_1394[0] : f32 from vector<1xf32>
          %sub3A_1396 = vector.broadcast %squeeze3A_1395 : f32 to vector<16xf32>
          %sub3A_1397 = arith.subf %gather3A, %sub3A_1396 : vector<16xf32>
          %slice3A_1398 = vector.extract_strided_slice %gather3A_83 {offsets = [1], sizes = [1], strides = [1]} : vector<16xf32> to vector<1xf32>
          %squeeze3A_1399 = vector.extract %slice3A_1398[0] : f32 from vector<1xf32>
          %sub3A_1400 = vector.broadcast %squeeze3A_1399 : f32 to vector<16xf32>
          %sub3A_1401 = arith.subf %gather3A_83, %sub3A_1400 : vector<16xf32>
          %mul3A_1402 = arith.mulf %sub3A_1397, %sub3A_1397 : vector<16xf32>
          %mul3A_1403 = arith.mulf %sub3A_1401, %sub3A_1401 : vector<16xf32>
          %add3A_1404 = arith.addf %mul3A_1402, %mul3A_1403 : vector<16xf32>
          %gt3A_1405 = arith.constant 1 : i32
          %gt3A_1406 = vector.broadcast %gt3A_1405 : i32 to vector<16xi32>
          %gt3A_1407 = arith.cmpi sgt, %iota3A, %gt3A_1406 : vector<16xi32>
          %slice3A_1408 = vector.extract_strided_slice %mul3A_1393 {offsets = [1], sizes = [1], strides = [1]} : vector<16xf32> to vector<1xf32>
          %squeeze3A_1409 = vector.extract %slice3A_1408[0] : f32 from vector<1xf32>
          %jit3A_1410 = arith.constant 0.000000e+00 : f32
          %broadcast_in_dim3A_1411 = vector.broadcast %squeeze3A_1409 : f32 to vector<16xf32>
          %broadcast_in_dim3A_1412 = vector.broadcast %jit3A_1410 : f32 to vector<16xf32>
          %select_n3A_1413 = arith.select %gt3A_1407, %broadcast_in_dim3A_1411, %broadcast_in_dim3A_1412 : vector<16xi1>, vector<16xf32>
          %lt3A_1414 = arith.constant 3.99999976 : f32
          %lt3A_1415 = vector.broadcast %lt3A_1414 : f32 to vector<16xf32>
          %lt3A_1416 = arith.cmpf olt, %add3A_1404, %lt3A_1415 : vector<16xf32>
          %select_n3A_1417 = arith.select %lt3A_1416, %select_n3A_1413, %broadcast_in_dim3A_2 : vector<16xi1>, vector<16xf32>
          %sub3A_1418 = arith.subf %broadcast_in_dim3A_0, %select_n3A_1417 : vector<16xf32>
          %mul3A_1419 = arith.mulf %mul3A_1393, %sub3A_1418 : vector<16xf32>
          %slice3A_1420 = vector.extract_strided_slice %gather3A {offsets = [2], sizes = [1], strides = [1]} : vector<16xf32> to vector<1xf32>
          %squeeze3A_1421 = vector.extract %slice3A_1420[0] : f32 from vector<1xf32>
          %sub3A_1422 = vector.broadcast %squeeze3A_1421 : f32 to vector<16xf32>
          %sub3A_1423 = arith.subf %gather3A, %sub3A_1422 : vector<16xf32>
          %slice3A_1424 = vector.extract_strided_slice %gather3A_83 {offsets = [2], sizes = [1], strides = [1]} : vector<16xf32> to vector<1xf32>
          %squeeze3A_1425 = vector.extract %slice3A_1424[0] : f32 from vector<1xf32>
          %sub3A_1426 = vector.broadcast %squeeze3A_1425 : f32 to vector<16xf32>
          %sub3A_1427 = arith.subf %gather3A_83, %sub3A_1426 : vector<16xf32>
          %mul3A_1428 = arith.mulf %sub3A_1423, %sub3A_1423 : vector<16xf32>
          %mul3A_1429 = arith.mulf %sub3A_1427, %sub3A_1427 : vector<16xf32>
          %add3A_1430 = arith.addf %mul3A_1428, %mul3A_1429 : vector<16xf32>
          %gt3A_1431 = arith.constant 2 : i32
          %gt3A_1432 = vector.broadcast %gt3A_1431 : i32 to vector<16xi32>
          %gt3A_1433 = arith.cmpi sgt, %iota3A, %gt3A_1432 : vector<16xi32>
          %slice3A_1434 = vector.extract_strided_slice %mul3A_1419 {offsets = [2], sizes = [1], strides = [1]} : vector<16xf32> to vector<1xf32>
          %squeeze3A_1435 = vector.extract %slice3A_1434[0] : f32 from vector<1xf32>
          %jit3A_1436 = arith.constant 0.000000e+00 : f32
          %broadcast_in_dim3A_1437 = vector.broadcast %squeeze3A_1435 : f32 to vector<16xf32>
          %broadcast_in_dim3A_1438 = vector.broadcast %jit3A_1436 : f32 to vector<16xf32>
          %select_n3A_1439 = arith.select %gt3A_1433, %broadcast_in_dim3A_1437, %broadcast_in_dim3A_1438 : vector<16xi1>, vector<16xf32>
          %lt3A_1440 = arith.constant 3.99999976 : f32
          %lt3A_1441 = vector.broadcast %lt3A_1440 : f32 to vector<16xf32>
          %lt3A_1442 = arith.cmpf olt, %add3A_1430, %lt3A_1441 : vector<16xf32>
          %select_n3A_1443 = arith.select %lt3A_1442, %select_n3A_1439, %broadcast_in_dim3A_2 : vector<16xi1>, vector<16xf32>
          %sub3A_1444 = arith.subf %broadcast_in_dim3A_0, %select_n3A_1443 : vector<16xf32>
          %mul3A_1445 = arith.mulf %mul3A_1419, %sub3A_1444 : vector<16xf32>
          %slice3A_1446 = vector.extract_strided_slice %gather3A {offsets = [3], sizes = [1], strides = [1]} : vector<16xf32> to vector<1xf32>
          %squeeze3A_1447 = vector.extract %slice3A_1446[0] : f32 from vector<1xf32>
          %sub3A_1448 = vector.broadcast %squeeze3A_1447 : f32 to vector<16xf32>
          %sub3A_1449 = arith.subf %gather3A, %sub3A_1448 : vector<16xf32>
          %slice3A_1450 = vector.extract_strided_slice %gather3A_83 {offsets = [3], sizes = [1], strides = [1]} : vector<16xf32> to vector<1xf32>
          %squeeze3A_1451 = vector.extract %slice3A_1450[0] : f32 from vector<1xf32>
          %sub3A_1452 = vector.broadcast %squeeze3A_1451 : f32 to vector<16xf32>
          %sub3A_1453 = arith.subf %gather3A_83, %sub3A_1452 : vector<16xf32>
          %mul3A_1454 = arith.mulf %sub3A_1449, %sub3A_1449 : vector<16xf32>
          %mul3A_1455 = arith.mulf %sub3A_1453, %sub3A_1453 : vector<16xf32>
          %add3A_1456 = arith.addf %mul3A_1454, %mul3A_1455 : vector<16xf32>
          %gt3A_1457 = arith.constant 3 : i32
          %gt3A_1458 = vector.broadcast %gt3A_1457 : i32 to vector<16xi32>
          %gt3A_1459 = arith.cmpi sgt, %iota3A, %gt3A_1458 : vector<16xi32>
          %slice3A_1460 = vector.extract_strided_slice %mul3A_1445 {offsets = [3], sizes = [1], strides = [1]} : vector<16xf32> to vector<1xf32>
          %squeeze3A_1461 = vector.extract %slice3A_1460[0] : f32 from vector<1xf32>
          %jit3A_1462 = arith.constant 0.000000e+00 : f32
          %broadcast_in_dim3A_1463 = vector.broadcast %squeeze3A_1461 : f32 to vector<16xf32>
          %broadcast_in_dim3A_1464 = vector.broadcast %jit3A_1462 : f32 to vector<16xf32>
          %select_n3A_1465 = arith.select %gt3A_1459, %broadcast_in_dim3A_1463, %broadcast_in_dim3A_1464 : vector<16xi1>, vector<16xf32>
          %lt3A_1466 = arith.constant 3.99999976 : f32
          %lt3A_1467 = vector.broadcast %lt3A_1466 : f32 to vector<16xf32>
          %lt3A_1468 = arith.cmpf olt, %add3A_1456, %lt3A_1467 : vector<16xf32>
          %select_n3A_1469 = arith.select %lt3A_1468, %select_n3A_1465, %broadcast_in_dim3A_2 : vector<16xi1>, vector<16xf32>
          %sub3A_1470 = arith.subf %broadcast_in_dim3A_0, %select_n3A_1469 : vector<16xf32>
          %mul3A_1471 = arith.mulf %mul3A_1445, %sub3A_1470 : vector<16xf32>
          %slice3A_1472 = vector.extract_strided_slice %gather3A {offsets = [4], sizes = [1], strides = [1]} : vector<16xf32> to vector<1xf32>
          %squeeze3A_1473 = vector.extract %slice3A_1472[0] : f32 from vector<1xf32>
          %sub3A_1474 = vector.broadcast %squeeze3A_1473 : f32 to vector<16xf32>
          %sub3A_1475 = arith.subf %gather3A, %sub3A_1474 : vector<16xf32>
          %slice3A_1476 = vector.extract_strided_slice %gather3A_83 {offsets = [4], sizes = [1], strides = [1]} : vector<16xf32> to vector<1xf32>
          %squeeze3A_1477 = vector.extract %slice3A_1476[0] : f32 from vector<1xf32>
          %sub3A_1478 = vector.broadcast %squeeze3A_1477 : f32 to vector<16xf32>
          %sub3A_1479 = arith.subf %gather3A_83, %sub3A_1478 : vector<16xf32>
          %mul3A_1480 = arith.mulf %sub3A_1475, %sub3A_1475 : vector<16xf32>
          %mul3A_1481 = arith.mulf %sub3A_1479, %sub3A_1479 : vector<16xf32>
          %add3A_1482 = arith.addf %mul3A_1480, %mul3A_1481 : vector<16xf32>
          %gt3A_1483 = arith.constant 4 : i32
          %gt3A_1484 = vector.broadcast %gt3A_1483 : i32 to vector<16xi32>
          %gt3A_1485 = arith.cmpi sgt, %iota3A, %gt3A_1484 : vector<16xi32>
          %slice3A_1486 = vector.extract_strided_slice %mul3A_1471 {offsets = [4], sizes = [1], strides = [1]} : vector<16xf32> to vector<1xf32>
          %squeeze3A_1487 = vector.extract %slice3A_1486[0] : f32 from vector<1xf32>
          %jit3A_1488 = arith.constant 0.000000e+00 : f32
          %broadcast_in_dim3A_1489 = vector.broadcast %squeeze3A_1487 : f32 to vector<16xf32>
          %broadcast_in_dim3A_1490 = vector.broadcast %jit3A_1488 : f32 to vector<16xf32>
          %select_n3A_1491 = arith.select %gt3A_1485, %broadcast_in_dim3A_1489, %broadcast_in_dim3A_1490 : vector<16xi1>, vector<16xf32>
          %lt3A_1492 = arith.constant 3.99999976 : f32
          %lt3A_1493 = vector.broadcast %lt3A_1492 : f32 to vector<16xf32>
          %lt3A_1494 = arith.cmpf olt, %add3A_1482, %lt3A_1493 : vector<16xf32>
          %select_n3A_1495 = arith.select %lt3A_1494, %select_n3A_1491, %broadcast_in_dim3A_2 : vector<16xi1>, vector<16xf32>
          %sub3A_1496 = arith.subf %broadcast_in_dim3A_0, %select_n3A_1495 : vector<16xf32>
          %mul3A_1497 = arith.mulf %mul3A_1471, %sub3A_1496 : vector<16xf32>
          %slice3A_1498 = vector.extract_strided_slice %gather3A {offsets = [5], sizes = [1], strides = [1]} : vector<16xf32> to vector<1xf32>
          %squeeze3A_1499 = vector.extract %slice3A_1498[0] : f32 from vector<1xf32>
          %sub3A_1500 = vector.broadcast %squeeze3A_1499 : f32 to vector<16xf32>
          %sub3A_1501 = arith.subf %gather3A, %sub3A_1500 : vector<16xf32>
          %slice3A_1502 = vector.extract_strided_slice %gather3A_83 {offsets = [5], sizes = [1], strides = [1]} : vector<16xf32> to vector<1xf32>
          %squeeze3A_1503 = vector.extract %slice3A_1502[0] : f32 from vector<1xf32>
          %sub3A_1504 = vector.broadcast %squeeze3A_1503 : f32 to vector<16xf32>
          %sub3A_1505 = arith.subf %gather3A_83, %sub3A_1504 : vector<16xf32>
          %mul3A_1506 = arith.mulf %sub3A_1501, %sub3A_1501 : vector<16xf32>
          %mul3A_1507 = arith.mulf %sub3A_1505, %sub3A_1505 : vector<16xf32>
          %add3A_1508 = arith.addf %mul3A_1506, %mul3A_1507 : vector<16xf32>
          %gt3A_1509 = arith.constant 5 : i32
          %gt3A_1510 = vector.broadcast %gt3A_1509 : i32 to vector<16xi32>
          %gt3A_1511 = arith.cmpi sgt, %iota3A, %gt3A_1510 : vector<16xi32>
          %slice3A_1512 = vector.extract_strided_slice %mul3A_1497 {offsets = [5], sizes = [1], strides = [1]} : vector<16xf32> to vector<1xf32>
          %squeeze3A_1513 = vector.extract %slice3A_1512[0] : f32 from vector<1xf32>
          %jit3A_1514 = arith.constant 0.000000e+00 : f32
          %broadcast_in_dim3A_1515 = vector.broadcast %squeeze3A_1513 : f32 to vector<16xf32>
          %broadcast_in_dim3A_1516 = vector.broadcast %jit3A_1514 : f32 to vector<16xf32>
          %select_n3A_1517 = arith.select %gt3A_1511, %broadcast_in_dim3A_1515, %broadcast_in_dim3A_1516 : vector<16xi1>, vector<16xf32>
          %lt3A_1518 = arith.constant 3.99999976 : f32
          %lt3A_1519 = vector.broadcast %lt3A_1518 : f32 to vector<16xf32>
          %lt3A_1520 = arith.cmpf olt, %add3A_1508, %lt3A_1519 : vector<16xf32>
          %select_n3A_1521 = arith.select %lt3A_1520, %select_n3A_1517, %broadcast_in_dim3A_2 : vector<16xi1>, vector<16xf32>
          %sub3A_1522 = arith.subf %broadcast_in_dim3A_0, %select_n3A_1521 : vector<16xf32>
          %mul3A_1523 = arith.mulf %mul3A_1497, %sub3A_1522 : vector<16xf32>
          %slice3A_1524 = vector.extract_strided_slice %gather3A {offsets = [6], sizes = [1], strides = [1]} : vector<16xf32> to vector<1xf32>
          %squeeze3A_1525 = vector.extract %slice3A_1524[0] : f32 from vector<1xf32>
          %sub3A_1526 = vector.broadcast %squeeze3A_1525 : f32 to vector<16xf32>
          %sub3A_1527 = arith.subf %gather3A, %sub3A_1526 : vector<16xf32>
          %slice3A_1528 = vector.extract_strided_slice %gather3A_83 {offsets = [6], sizes = [1], strides = [1]} : vector<16xf32> to vector<1xf32>
          %squeeze3A_1529 = vector.extract %slice3A_1528[0] : f32 from vector<1xf32>
          %sub3A_1530 = vector.broadcast %squeeze3A_1529 : f32 to vector<16xf32>
          %sub3A_1531 = arith.subf %gather3A_83, %sub3A_1530 : vector<16xf32>
          %mul3A_1532 = arith.mulf %sub3A_1527, %sub3A_1527 : vector<16xf32>
          %mul3A_1533 = arith.mulf %sub3A_1531, %sub3A_1531 : vector<16xf32>
          %add3A_1534 = arith.addf %mul3A_1532, %mul3A_1533 : vector<16xf32>
          %gt3A_1535 = arith.constant 6 : i32
          %gt3A_1536 = vector.broadcast %gt3A_1535 : i32 to vector<16xi32>
          %gt3A_1537 = arith.cmpi sgt, %iota3A, %gt3A_1536 : vector<16xi32>
          %slice3A_1538 = vector.extract_strided_slice %mul3A_1523 {offsets = [6], sizes = [1], strides = [1]} : vector<16xf32> to vector<1xf32>
          %squeeze3A_1539 = vector.extract %slice3A_1538[0] : f32 from vector<1xf32>
          %jit3A_1540 = arith.constant 0.000000e+00 : f32
          %broadcast_in_dim3A_1541 = vector.broadcast %squeeze3A_1539 : f32 to vector<16xf32>
          %broadcast_in_dim3A_1542 = vector.broadcast %jit3A_1540 : f32 to vector<16xf32>
          %select_n3A_1543 = arith.select %gt3A_1537, %broadcast_in_dim3A_1541, %broadcast_in_dim3A_1542 : vector<16xi1>, vector<16xf32>
          %lt3A_1544 = arith.constant 3.99999976 : f32
          %lt3A_1545 = vector.broadcast %lt3A_1544 : f32 to vector<16xf32>
          %lt3A_1546 = arith.cmpf olt, %add3A_1534, %lt3A_1545 : vector<16xf32>
          %select_n3A_1547 = arith.select %lt3A_1546, %select_n3A_1543, %broadcast_in_dim3A_2 : vector<16xi1>, vector<16xf32>
          %sub3A_1548 = arith.subf %broadcast_in_dim3A_0, %select_n3A_1547 : vector<16xf32>
          %mul3A_1549 = arith.mulf %mul3A_1523, %sub3A_1548 : vector<16xf32>
          %slice3A_1550 = vector.extract_strided_slice %gather3A {offsets = [7], sizes = [1], strides = [1]} : vector<16xf32> to vector<1xf32>
          %squeeze3A_1551 = vector.extract %slice3A_1550[0] : f32 from vector<1xf32>
          %sub3A_1552 = vector.broadcast %squeeze3A_1551 : f32 to vector<16xf32>
          %sub3A_1553 = arith.subf %gather3A, %sub3A_1552 : vector<16xf32>
          %slice3A_1554 = vector.extract_strided_slice %gather3A_83 {offsets = [7], sizes = [1], strides = [1]} : vector<16xf32> to vector<1xf32>
          %squeeze3A_1555 = vector.extract %slice3A_1554[0] : f32 from vector<1xf32>
          %sub3A_1556 = vector.broadcast %squeeze3A_1555 : f32 to vector<16xf32>
          %sub3A_1557 = arith.subf %gather3A_83, %sub3A_1556 : vector<16xf32>
          %mul3A_1558 = arith.mulf %sub3A_1553, %sub3A_1553 : vector<16xf32>
          %mul3A_1559 = arith.mulf %sub3A_1557, %sub3A_1557 : vector<16xf32>
          %add3A_1560 = arith.addf %mul3A_1558, %mul3A_1559 : vector<16xf32>
          %gt3A_1561 = arith.constant 7 : i32
          %gt3A_1562 = vector.broadcast %gt3A_1561 : i32 to vector<16xi32>
          %gt3A_1563 = arith.cmpi sgt, %iota3A, %gt3A_1562 : vector<16xi32>
          %slice3A_1564 = vector.extract_strided_slice %mul3A_1549 {offsets = [7], sizes = [1], strides = [1]} : vector<16xf32> to vector<1xf32>
          %squeeze3A_1565 = vector.extract %slice3A_1564[0] : f32 from vector<1xf32>
          %jit3A_1566 = arith.constant 0.000000e+00 : f32
          %broadcast_in_dim3A_1567 = vector.broadcast %squeeze3A_1565 : f32 to vector<16xf32>
          %broadcast_in_dim3A_1568 = vector.broadcast %jit3A_1566 : f32 to vector<16xf32>
          %select_n3A_1569 = arith.select %gt3A_1563, %broadcast_in_dim3A_1567, %broadcast_in_dim3A_1568 : vector<16xi1>, vector<16xf32>
          %lt3A_1570 = arith.constant 3.99999976 : f32
          %lt3A_1571 = vector.broadcast %lt3A_1570 : f32 to vector<16xf32>
          %lt3A_1572 = arith.cmpf olt, %add3A_1560, %lt3A_1571 : vector<16xf32>
          %select_n3A_1573 = arith.select %lt3A_1572, %select_n3A_1569, %broadcast_in_dim3A_2 : vector<16xi1>, vector<16xf32>
          %sub3A_1574 = arith.subf %broadcast_in_dim3A_0, %select_n3A_1573 : vector<16xf32>
          %mul3A_1575 = arith.mulf %mul3A_1549, %sub3A_1574 : vector<16xf32>
          %slice3A_1576 = vector.extract_strided_slice %gather3A {offsets = [8], sizes = [1], strides = [1]} : vector<16xf32> to vector<1xf32>
          %squeeze3A_1577 = vector.extract %slice3A_1576[0] : f32 from vector<1xf32>
          %sub3A_1578 = vector.broadcast %squeeze3A_1577 : f32 to vector<16xf32>
          %sub3A_1579 = arith.subf %gather3A, %sub3A_1578 : vector<16xf32>
          %slice3A_1580 = vector.extract_strided_slice %gather3A_83 {offsets = [8], sizes = [1], strides = [1]} : vector<16xf32> to vector<1xf32>
          %squeeze3A_1581 = vector.extract %slice3A_1580[0] : f32 from vector<1xf32>
          %sub3A_1582 = vector.broadcast %squeeze3A_1581 : f32 to vector<16xf32>
          %sub3A_1583 = arith.subf %gather3A_83, %sub3A_1582 : vector<16xf32>
          %mul3A_1584 = arith.mulf %sub3A_1579, %sub3A_1579 : vector<16xf32>
          %mul3A_1585 = arith.mulf %sub3A_1583, %sub3A_1583 : vector<16xf32>
          %add3A_1586 = arith.addf %mul3A_1584, %mul3A_1585 : vector<16xf32>
          %gt3A_1587 = arith.constant 8 : i32
          %gt3A_1588 = vector.broadcast %gt3A_1587 : i32 to vector<16xi32>
          %gt3A_1589 = arith.cmpi sgt, %iota3A, %gt3A_1588 : vector<16xi32>
          %slice3A_1590 = vector.extract_strided_slice %mul3A_1575 {offsets = [8], sizes = [1], strides = [1]} : vector<16xf32> to vector<1xf32>
          %squeeze3A_1591 = vector.extract %slice3A_1590[0] : f32 from vector<1xf32>
          %jit3A_1592 = arith.constant 0.000000e+00 : f32
          %broadcast_in_dim3A_1593 = vector.broadcast %squeeze3A_1591 : f32 to vector<16xf32>
          %broadcast_in_dim3A_1594 = vector.broadcast %jit3A_1592 : f32 to vector<16xf32>
          %select_n3A_1595 = arith.select %gt3A_1589, %broadcast_in_dim3A_1593, %broadcast_in_dim3A_1594 : vector<16xi1>, vector<16xf32>
          %lt3A_1596 = arith.constant 3.99999976 : f32
          %lt3A_1597 = vector.broadcast %lt3A_1596 : f32 to vector<16xf32>
          %lt3A_1598 = arith.cmpf olt, %add3A_1586, %lt3A_1597 : vector<16xf32>
          %select_n3A_1599 = arith.select %lt3A_1598, %select_n3A_1595, %broadcast_in_dim3A_2 : vector<16xi1>, vector<16xf32>
          %sub3A_1600 = arith.subf %broadcast_in_dim3A_0, %select_n3A_1599 : vector<16xf32>
          %mul3A_1601 = arith.mulf %mul3A_1575, %sub3A_1600 : vector<16xf32>
          %slice3A_1602 = vector.extract_strided_slice %gather3A {offsets = [9], sizes = [1], strides = [1]} : vector<16xf32> to vector<1xf32>
          %squeeze3A_1603 = vector.extract %slice3A_1602[0] : f32 from vector<1xf32>
          %sub3A_1604 = vector.broadcast %squeeze3A_1603 : f32 to vector<16xf32>
          %sub3A_1605 = arith.subf %gather3A, %sub3A_1604 : vector<16xf32>
          %slice3A_1606 = vector.extract_strided_slice %gather3A_83 {offsets = [9], sizes = [1], strides = [1]} : vector<16xf32> to vector<1xf32>
          %squeeze3A_1607 = vector.extract %slice3A_1606[0] : f32 from vector<1xf32>
          %sub3A_1608 = vector.broadcast %squeeze3A_1607 : f32 to vector<16xf32>
          %sub3A_1609 = arith.subf %gather3A_83, %sub3A_1608 : vector<16xf32>
          %mul3A_1610 = arith.mulf %sub3A_1605, %sub3A_1605 : vector<16xf32>
          %mul3A_1611 = arith.mulf %sub3A_1609, %sub3A_1609 : vector<16xf32>
          %add3A_1612 = arith.addf %mul3A_1610, %mul3A_1611 : vector<16xf32>
          %gt3A_1613 = arith.constant 9 : i32
          %gt3A_1614 = vector.broadcast %gt3A_1613 : i32 to vector<16xi32>
          %gt3A_1615 = arith.cmpi sgt, %iota3A, %gt3A_1614 : vector<16xi32>
          %slice3A_1616 = vector.extract_strided_slice %mul3A_1601 {offsets = [9], sizes = [1], strides = [1]} : vector<16xf32> to vector<1xf32>
          %squeeze3A_1617 = vector.extract %slice3A_1616[0] : f32 from vector<1xf32>
          %jit3A_1618 = arith.constant 0.000000e+00 : f32
          %broadcast_in_dim3A_1619 = vector.broadcast %squeeze3A_1617 : f32 to vector<16xf32>
          %broadcast_in_dim3A_1620 = vector.broadcast %jit3A_1618 : f32 to vector<16xf32>
          %select_n3A_1621 = arith.select %gt3A_1615, %broadcast_in_dim3A_1619, %broadcast_in_dim3A_1620 : vector<16xi1>, vector<16xf32>
          %lt3A_1622 = arith.constant 3.99999976 : f32
          %lt3A_1623 = vector.broadcast %lt3A_1622 : f32 to vector<16xf32>
          %lt3A_1624 = arith.cmpf olt, %add3A_1612, %lt3A_1623 : vector<16xf32>
          %select_n3A_1625 = arith.select %lt3A_1624, %select_n3A_1621, %broadcast_in_dim3A_2 : vector<16xi1>, vector<16xf32>
          %sub3A_1626 = arith.subf %broadcast_in_dim3A_0, %select_n3A_1625 : vector<16xf32>
          %mul3A_1627 = arith.mulf %mul3A_1601, %sub3A_1626 : vector<16xf32>
          %slice3A_1628 = vector.extract_strided_slice %gather3A {offsets = [10], sizes = [1], strides = [1]} : vector<16xf32> to vector<1xf32>
          %squeeze3A_1629 = vector.extract %slice3A_1628[0] : f32 from vector<1xf32>
          %sub3A_1630 = vector.broadcast %squeeze3A_1629 : f32 to vector<16xf32>
          %sub3A_1631 = arith.subf %gather3A, %sub3A_1630 : vector<16xf32>
          %slice3A_1632 = vector.extract_strided_slice %gather3A_83 {offsets = [10], sizes = [1], strides = [1]} : vector<16xf32> to vector<1xf32>
          %squeeze3A_1633 = vector.extract %slice3A_1632[0] : f32 from vector<1xf32>
          %sub3A_1634 = vector.broadcast %squeeze3A_1633 : f32 to vector<16xf32>
          %sub3A_1635 = arith.subf %gather3A_83, %sub3A_1634 : vector<16xf32>
          %mul3A_1636 = arith.mulf %sub3A_1631, %sub3A_1631 : vector<16xf32>
          %mul3A_1637 = arith.mulf %sub3A_1635, %sub3A_1635 : vector<16xf32>
          %add3A_1638 = arith.addf %mul3A_1636, %mul3A_1637 : vector<16xf32>
          %gt3A_1639 = arith.constant 10 : i32
          %gt3A_1640 = vector.broadcast %gt3A_1639 : i32 to vector<16xi32>
          %gt3A_1641 = arith.cmpi sgt, %iota3A, %gt3A_1640 : vector<16xi32>
          %slice3A_1642 = vector.extract_strided_slice %mul3A_1627 {offsets = [10], sizes = [1], strides = [1]} : vector<16xf32> to vector<1xf32>
          %squeeze3A_1643 = vector.extract %slice3A_1642[0] : f32 from vector<1xf32>
          %jit3A_1644 = arith.constant 0.000000e+00 : f32
          %broadcast_in_dim3A_1645 = vector.broadcast %squeeze3A_1643 : f32 to vector<16xf32>
          %broadcast_in_dim3A_1646 = vector.broadcast %jit3A_1644 : f32 to vector<16xf32>
          %select_n3A_1647 = arith.select %gt3A_1641, %broadcast_in_dim3A_1645, %broadcast_in_dim3A_1646 : vector<16xi1>, vector<16xf32>
          %lt3A_1648 = arith.constant 3.99999976 : f32
          %lt3A_1649 = vector.broadcast %lt3A_1648 : f32 to vector<16xf32>
          %lt3A_1650 = arith.cmpf olt, %add3A_1638, %lt3A_1649 : vector<16xf32>
          %select_n3A_1651 = arith.select %lt3A_1650, %select_n3A_1647, %broadcast_in_dim3A_2 : vector<16xi1>, vector<16xf32>
          %sub3A_1652 = arith.subf %broadcast_in_dim3A_0, %select_n3A_1651 : vector<16xf32>
          %mul3A_1653 = arith.mulf %mul3A_1627, %sub3A_1652 : vector<16xf32>
          %slice3A_1654 = vector.extract_strided_slice %gather3A {offsets = [11], sizes = [1], strides = [1]} : vector<16xf32> to vector<1xf32>
          %squeeze3A_1655 = vector.extract %slice3A_1654[0] : f32 from vector<1xf32>
          %sub3A_1656 = vector.broadcast %squeeze3A_1655 : f32 to vector<16xf32>
          %sub3A_1657 = arith.subf %gather3A, %sub3A_1656 : vector<16xf32>
          %slice3A_1658 = vector.extract_strided_slice %gather3A_83 {offsets = [11], sizes = [1], strides = [1]} : vector<16xf32> to vector<1xf32>
          %squeeze3A_1659 = vector.extract %slice3A_1658[0] : f32 from vector<1xf32>
          %sub3A_1660 = vector.broadcast %squeeze3A_1659 : f32 to vector<16xf32>
          %sub3A_1661 = arith.subf %gather3A_83, %sub3A_1660 : vector<16xf32>
          %mul3A_1662 = arith.mulf %sub3A_1657, %sub3A_1657 : vector<16xf32>
          %mul3A_1663 = arith.mulf %sub3A_1661, %sub3A_1661 : vector<16xf32>
          %add3A_1664 = arith.addf %mul3A_1662, %mul3A_1663 : vector<16xf32>
          %gt3A_1665 = arith.constant 11 : i32
          %gt3A_1666 = vector.broadcast %gt3A_1665 : i32 to vector<16xi32>
          %gt3A_1667 = arith.cmpi sgt, %iota3A, %gt3A_1666 : vector<16xi32>
          %slice3A_1668 = vector.extract_strided_slice %mul3A_1653 {offsets = [11], sizes = [1], strides = [1]} : vector<16xf32> to vector<1xf32>
          %squeeze3A_1669 = vector.extract %slice3A_1668[0] : f32 from vector<1xf32>
          %jit3A_1670 = arith.constant 0.000000e+00 : f32
          %broadcast_in_dim3A_1671 = vector.broadcast %squeeze3A_1669 : f32 to vector<16xf32>
          %broadcast_in_dim3A_1672 = vector.broadcast %jit3A_1670 : f32 to vector<16xf32>
          %select_n3A_1673 = arith.select %gt3A_1667, %broadcast_in_dim3A_1671, %broadcast_in_dim3A_1672 : vector<16xi1>, vector<16xf32>
          %lt3A_1674 = arith.constant 3.99999976 : f32
          %lt3A_1675 = vector.broadcast %lt3A_1674 : f32 to vector<16xf32>
          %lt3A_1676 = arith.cmpf olt, %add3A_1664, %lt3A_1675 : vector<16xf32>
          %select_n3A_1677 = arith.select %lt3A_1676, %select_n3A_1673, %broadcast_in_dim3A_2 : vector<16xi1>, vector<16xf32>
          %sub3A_1678 = arith.subf %broadcast_in_dim3A_0, %select_n3A_1677 : vector<16xf32>
          %mul3A_1679 = arith.mulf %mul3A_1653, %sub3A_1678 : vector<16xf32>
          %slice3A_1680 = vector.extract_strided_slice %gather3A {offsets = [12], sizes = [1], strides = [1]} : vector<16xf32> to vector<1xf32>
          %squeeze3A_1681 = vector.extract %slice3A_1680[0] : f32 from vector<1xf32>
          %sub3A_1682 = vector.broadcast %squeeze3A_1681 : f32 to vector<16xf32>
          %sub3A_1683 = arith.subf %gather3A, %sub3A_1682 : vector<16xf32>
          %slice3A_1684 = vector.extract_strided_slice %gather3A_83 {offsets = [12], sizes = [1], strides = [1]} : vector<16xf32> to vector<1xf32>
          %squeeze3A_1685 = vector.extract %slice3A_1684[0] : f32 from vector<1xf32>
          %sub3A_1686 = vector.broadcast %squeeze3A_1685 : f32 to vector<16xf32>
          %sub3A_1687 = arith.subf %gather3A_83, %sub3A_1686 : vector<16xf32>
          %mul3A_1688 = arith.mulf %sub3A_1683, %sub3A_1683 : vector<16xf32>
          %mul3A_1689 = arith.mulf %sub3A_1687, %sub3A_1687 : vector<16xf32>
          %add3A_1690 = arith.addf %mul3A_1688, %mul3A_1689 : vector<16xf32>
          %gt3A_1691 = arith.constant 12 : i32
          %gt3A_1692 = vector.broadcast %gt3A_1691 : i32 to vector<16xi32>
          %gt3A_1693 = arith.cmpi sgt, %iota3A, %gt3A_1692 : vector<16xi32>
          %slice3A_1694 = vector.extract_strided_slice %mul3A_1679 {offsets = [12], sizes = [1], strides = [1]} : vector<16xf32> to vector<1xf32>
          %squeeze3A_1695 = vector.extract %slice3A_1694[0] : f32 from vector<1xf32>
          %jit3A_1696 = arith.constant 0.000000e+00 : f32
          %broadcast_in_dim3A_1697 = vector.broadcast %squeeze3A_1695 : f32 to vector<16xf32>
          %broadcast_in_dim3A_1698 = vector.broadcast %jit3A_1696 : f32 to vector<16xf32>
          %select_n3A_1699 = arith.select %gt3A_1693, %broadcast_in_dim3A_1697, %broadcast_in_dim3A_1698 : vector<16xi1>, vector<16xf32>
          %lt3A_1700 = arith.constant 3.99999976 : f32
          %lt3A_1701 = vector.broadcast %lt3A_1700 : f32 to vector<16xf32>
          %lt3A_1702 = arith.cmpf olt, %add3A_1690, %lt3A_1701 : vector<16xf32>
          %select_n3A_1703 = arith.select %lt3A_1702, %select_n3A_1699, %broadcast_in_dim3A_2 : vector<16xi1>, vector<16xf32>
          %sub3A_1704 = arith.subf %broadcast_in_dim3A_0, %select_n3A_1703 : vector<16xf32>
          %mul3A_1705 = arith.mulf %mul3A_1679, %sub3A_1704 : vector<16xf32>
          %slice3A_1706 = vector.extract_strided_slice %gather3A {offsets = [13], sizes = [1], strides = [1]} : vector<16xf32> to vector<1xf32>
          %squeeze3A_1707 = vector.extract %slice3A_1706[0] : f32 from vector<1xf32>
          %sub3A_1708 = vector.broadcast %squeeze3A_1707 : f32 to vector<16xf32>
          %sub3A_1709 = arith.subf %gather3A, %sub3A_1708 : vector<16xf32>
          %slice3A_1710 = vector.extract_strided_slice %gather3A_83 {offsets = [13], sizes = [1], strides = [1]} : vector<16xf32> to vector<1xf32>
          %squeeze3A_1711 = vector.extract %slice3A_1710[0] : f32 from vector<1xf32>
          %sub3A_1712 = vector.broadcast %squeeze3A_1711 : f32 to vector<16xf32>
          %sub3A_1713 = arith.subf %gather3A_83, %sub3A_1712 : vector<16xf32>
          %mul3A_1714 = arith.mulf %sub3A_1709, %sub3A_1709 : vector<16xf32>
          %mul3A_1715 = arith.mulf %sub3A_1713, %sub3A_1713 : vector<16xf32>
          %add3A_1716 = arith.addf %mul3A_1714, %mul3A_1715 : vector<16xf32>
          %gt3A_1717 = arith.constant 13 : i32
          %gt3A_1718 = vector.broadcast %gt3A_1717 : i32 to vector<16xi32>
          %gt3A_1719 = arith.cmpi sgt, %iota3A, %gt3A_1718 : vector<16xi32>
          %slice3A_1720 = vector.extract_strided_slice %mul3A_1705 {offsets = [13], sizes = [1], strides = [1]} : vector<16xf32> to vector<1xf32>
          %squeeze3A_1721 = vector.extract %slice3A_1720[0] : f32 from vector<1xf32>
          %jit3A_1722 = arith.constant 0.000000e+00 : f32
          %broadcast_in_dim3A_1723 = vector.broadcast %squeeze3A_1721 : f32 to vector<16xf32>
          %broadcast_in_dim3A_1724 = vector.broadcast %jit3A_1722 : f32 to vector<16xf32>
          %select_n3A_1725 = arith.select %gt3A_1719, %broadcast_in_dim3A_1723, %broadcast_in_dim3A_1724 : vector<16xi1>, vector<16xf32>
          %lt3A_1726 = arith.constant 3.99999976 : f32
          %lt3A_1727 = vector.broadcast %lt3A_1726 : f32 to vector<16xf32>
          %lt3A_1728 = arith.cmpf olt, %add3A_1716, %lt3A_1727 : vector<16xf32>
          %select_n3A_1729 = arith.select %lt3A_1728, %select_n3A_1725, %broadcast_in_dim3A_2 : vector<16xi1>, vector<16xf32>
          %sub3A_1730 = arith.subf %broadcast_in_dim3A_0, %select_n3A_1729 : vector<16xf32>
          %mul3A_1731 = arith.mulf %mul3A_1705, %sub3A_1730 : vector<16xf32>
          %slice3A_1732 = vector.extract_strided_slice %gather3A {offsets = [14], sizes = [1], strides = [1]} : vector<16xf32> to vector<1xf32>
          %squeeze3A_1733 = vector.extract %slice3A_1732[0] : f32 from vector<1xf32>
          %sub3A_1734 = vector.broadcast %squeeze3A_1733 : f32 to vector<16xf32>
          %sub3A_1735 = arith.subf %gather3A, %sub3A_1734 : vector<16xf32>
          %slice3A_1736 = vector.extract_strided_slice %gather3A_83 {offsets = [14], sizes = [1], strides = [1]} : vector<16xf32> to vector<1xf32>
          %squeeze3A_1737 = vector.extract %slice3A_1736[0] : f32 from vector<1xf32>
          %sub3A_1738 = vector.broadcast %squeeze3A_1737 : f32 to vector<16xf32>
          %sub3A_1739 = arith.subf %gather3A_83, %sub3A_1738 : vector<16xf32>
          %mul3A_1740 = arith.mulf %sub3A_1735, %sub3A_1735 : vector<16xf32>
          %mul3A_1741 = arith.mulf %sub3A_1739, %sub3A_1739 : vector<16xf32>
          %add3A_1742 = arith.addf %mul3A_1740, %mul3A_1741 : vector<16xf32>
          %gt3A_1743 = arith.constant 14 : i32
          %gt3A_1744 = vector.broadcast %gt3A_1743 : i32 to vector<16xi32>
          %gt3A_1745 = arith.cmpi sgt, %iota3A, %gt3A_1744 : vector<16xi32>
          %slice3A_1746 = vector.extract_strided_slice %mul3A_1731 {offsets = [14], sizes = [1], strides = [1]} : vector<16xf32> to vector<1xf32>
          %squeeze3A_1747 = vector.extract %slice3A_1746[0] : f32 from vector<1xf32>
          %jit3A_1748 = arith.constant 0.000000e+00 : f32
          %broadcast_in_dim3A_1749 = vector.broadcast %squeeze3A_1747 : f32 to vector<16xf32>
          %broadcast_in_dim3A_1750 = vector.broadcast %jit3A_1748 : f32 to vector<16xf32>
          %select_n3A_1751 = arith.select %gt3A_1745, %broadcast_in_dim3A_1749, %broadcast_in_dim3A_1750 : vector<16xi1>, vector<16xf32>
          %lt3A_1752 = arith.constant 3.99999976 : f32
          %lt3A_1753 = vector.broadcast %lt3A_1752 : f32 to vector<16xf32>
          %lt3A_1754 = arith.cmpf olt, %add3A_1742, %lt3A_1753 : vector<16xf32>
          %select_n3A_1755 = arith.select %lt3A_1754, %select_n3A_1751, %broadcast_in_dim3A_2 : vector<16xi1>, vector<16xf32>
          %sub3A_1756 = arith.subf %broadcast_in_dim3A_0, %select_n3A_1755 : vector<16xf32>
          %mul3A_1757 = arith.mulf %mul3A_1731, %sub3A_1756 : vector<16xf32>
          %slice3A_1758 = vector.extract_strided_slice %gather3A {offsets = [15], sizes = [1], strides = [1]} : vector<16xf32> to vector<1xf32>
          %squeeze3A_1759 = vector.extract %slice3A_1758[0] : f32 from vector<1xf32>
          %sub3A_1760 = vector.broadcast %squeeze3A_1759 : f32 to vector<16xf32>
          %sub3A_1761 = arith.subf %gather3A, %sub3A_1760 : vector<16xf32>
          %slice3A_1762 = vector.extract_strided_slice %gather3A_83 {offsets = [15], sizes = [1], strides = [1]} : vector<16xf32> to vector<1xf32>
          %squeeze3A_1763 = vector.extract %slice3A_1762[0] : f32 from vector<1xf32>
          %sub3A_1764 = vector.broadcast %squeeze3A_1763 : f32 to vector<16xf32>
          %sub3A_1765 = arith.subf %gather3A_83, %sub3A_1764 : vector<16xf32>
          %mul3A_1766 = arith.mulf %sub3A_1761, %sub3A_1761 : vector<16xf32>
          %mul3A_1767 = arith.mulf %sub3A_1765, %sub3A_1765 : vector<16xf32>
          %add3A_1768 = arith.addf %mul3A_1766, %mul3A_1767 : vector<16xf32>
          %gt3A_1769 = arith.constant 15 : i32
          %gt3A_1770 = vector.broadcast %gt3A_1769 : i32 to vector<16xi32>
          %gt3A_1771 = arith.cmpi sgt, %iota3A, %gt3A_1770 : vector<16xi32>
          %slice3A_1772 = vector.extract_strided_slice %mul3A_1757 {offsets = [15], sizes = [1], strides = [1]} : vector<16xf32> to vector<1xf32>
          %squeeze3A_1773 = vector.extract %slice3A_1772[0] : f32 from vector<1xf32>
          %jit3A_1774 = arith.constant 0.000000e+00 : f32
          %broadcast_in_dim3A_1775 = vector.broadcast %squeeze3A_1773 : f32 to vector<16xf32>
          %broadcast_in_dim3A_1776 = vector.broadcast %jit3A_1774 : f32 to vector<16xf32>
          %select_n3A_1777 = arith.select %gt3A_1771, %broadcast_in_dim3A_1775, %broadcast_in_dim3A_1776 : vector<16xi1>, vector<16xf32>
          %lt3A_1778 = arith.constant 3.99999976 : f32
          %lt3A_1779 = vector.broadcast %lt3A_1778 : f32 to vector<16xf32>
          %lt3A_1780 = arith.cmpf olt, %add3A_1768, %lt3A_1779 : vector<16xf32>
          %select_n3A_1781 = arith.select %lt3A_1780, %select_n3A_1777, %broadcast_in_dim3A_2 : vector<16xi1>, vector<16xf32>
          %sub3A_1782 = arith.subf %broadcast_in_dim3A_0, %select_n3A_1781 : vector<16xf32>
          %mul3A_1783 = arith.mulf %mul3A_1757, %sub3A_1782 : vector<16xf32>
          %swap3A_1784 = arith.index_cast %mul3A_73 : i32 to index
          %swap3A_1785 = tpu.vector_load %arg10[%swap3A_1784] {strides = array<i32>} : memref<5008xf32, #tpu.memory_space<vmem>>, vector<16xf32>,
          tpu.vector_store %arg10[%swap3A_1784], %mul3A_1783 {strides = array<i32>} : memref<5008xf32, #tpu.memory_space<vmem>>, vector<16xf32>,
        } else {
        }
        %get3A_653 = arith.index_cast %mul3A_73 : i32 to index
        %get3A_654 = tpu.vector_load %arg10[%get3A_653] {strides = array<i32>} : memref<5008xf32, #tpu.memory_space<vmem>>, vector<16xf32>,
        %shift_right_arithmetic3A_655 = arith.constant 2 : i32
        %shift_right_arithmetic3A_656 = vector.broadcast %shift_right_arithmetic3A_655 : i32 to vector<16xi32>
        %shift_right_arithmetic3A_657 = arith.shrsi %shift_left3A_160, %shift_right_arithmetic3A_656 : vector<16xi32>
        %gather3A_658 = tpu.vector_load_idx %arg17[%shift_right_arithmetic3A_657] : memref<4096xi32, #tpu.memory_space<vmem>>[vector<16xi32>], vector<16xi32>,
        %mul3A_659 = arith.constant 0 : i32
        %mul3A_660 = vector.broadcast %mul3A_659 : i32 to vector<16xi32>
        %mul3A_661 = arith.muli %iota3A, %mul3A_660 : vector<16xi32>
        %add3A_662 = arith.constant 1 : i32
        %add3A_663 = vector.broadcast %add3A_662 : i32 to vector<16xi32>
        %add3A_664 = arith.addi %mul3A_661, %add3A_663 : vector<16xi32>
        %sub3A_665 = arith.constant 1 : i32
        %sub3A_666 = vector.broadcast %sub3A_665 : i32 to vector<16xi32>
        %sub3A_667 = arith.subi %iota3A, %sub3A_666 : vector<16xi32>
        %and3A_668 = arith.constant 15 : i32
        %and3A_669 = vector.broadcast %and3A_668 : i32 to vector<16xi32>
        %and3A_670 = arith.andi %sub3A_667, %and3A_669 : vector<16xi32>
        %lt3A_671 = arith.constant 0 : i32
        %lt3A_672 = vector.broadcast %lt3A_671 : i32 to vector<16xi32>
        %lt3A_673 = arith.cmpi slt, %and3A_670, %lt3A_672 : vector<16xi32>
        %add3A_674 = arith.constant 16 : i32
        %add3A_675 = vector.broadcast %add3A_674 : i32 to vector<16xi32>
        %add3A_676 = arith.addi %and3A_670, %add3A_675 : vector<16xi32>
        %select_n3A_677 = arith.select %lt3A_673, %add3A_676, %and3A_670 : vector<16xi1>, vector<16xi32>
        %broadcast_in_dim3A_678 = vector.shape_cast %select_n3A_677 : vector<16xi32> to vector<16x1xi32>
        %gather3A_679 = vector.shape_cast %broadcast_in_dim3A_678 : vector<16x1xi32> to vector<16xi32>
        %gather3A_680 = tpu.dynamic_gather %shift_right_arithmetic3A_657[%gather3A_679] in [0] : vector<16xi32>, vector<16xi32> -> vector<16xi32>
        %lt3A_681 = arith.constant 0 : i32
        %lt3A_682 = vector.broadcast %lt3A_681 : i32 to vector<16xi32>
        %lt3A_683 = arith.cmpi slt, %and3A_670, %lt3A_682 : vector<16xi32>
        %add3A_684 = arith.constant 16 : i32
        %add3A_685 = vector.broadcast %add3A_684 : i32 to vector<16xi32>
        %add3A_686 = arith.addi %and3A_670, %add3A_685 : vector<16xi32>
        %select_n3A_687 = arith.select %lt3A_683, %add3A_686, %and3A_670 : vector<16xi1>, vector<16xi32>
        %broadcast_in_dim3A_688 = vector.shape_cast %select_n3A_687 : vector<16xi32> to vector<16x1xi32>
        %gather3A_689 = vector.shape_cast %broadcast_in_dim3A_688 : vector<16x1xi32> to vector<16xi32>
        %gather3A_690 = tpu.dynamic_gather %get3A_654[%gather3A_689] in [0] : vector<16xf32>, vector<16xi32> -> vector<16xf32>
        %eq3A_691 = arith.cmpi eq, %shift_right_arithmetic3A_657, %gather3A_680 : vector<16xi32>
        %jit3A_692 = arith.constant 0.000000e+00 : f32
        %broadcast_in_dim3A_693 = vector.broadcast %jit3A_692 : f32 to vector<16xf32>
        %select_n3A_694 = arith.select %eq3A_691, %gather3A_690, %broadcast_in_dim3A_693 : vector<16xi1>, vector<16xf32>
        %ge3A = arith.constant 1 : i32
        %ge3A_695 = vector.broadcast %ge3A : i32 to vector<16xi32>
        %ge3A_696 = arith.cmpi sge, %iota3A, %ge3A_695 : vector<16xi32>
        %jit3A_697 = arith.constant 0.000000e+00 : f32
        %broadcast_in_dim3A_698 = vector.broadcast %jit3A_697 : f32 to vector<16xf32>
        %select_n3A_699 = arith.select %ge3A_696, %select_n3A_694, %broadcast_in_dim3A_698 : vector<16xi1>, vector<16xf32>
        %gt3A_700 = arith.constant 5.000000e-01 : f32
        %gt3A_701 = vector.broadcast %gt3A_700 : f32 to vector<16xf32>
        %gt3A_702 = arith.cmpf ogt, %select_n3A_699, %gt3A_701 : vector<16xf32>
        %select_n3A_703 = arith.select %gt3A_702, %add3A_664, %mul3A_661 : vector<16xi1>, vector<16xi32>
        %add3A_704 = arith.addi %mul3A_661, %select_n3A_703 : vector<16xi32>
        %sub3A_705 = arith.constant 2 : i32
        %sub3A_706 = vector.broadcast %sub3A_705 : i32 to vector<16xi32>
        %sub3A_707 = arith.subi %iota3A, %sub3A_706 : vector<16xi32>
        %and3A_708 = arith.constant 15 : i32
        %and3A_709 = vector.broadcast %and3A_708 : i32 to vector<16xi32>
        %and3A_710 = arith.andi %sub3A_707, %and3A_709 : vector<16xi32>
        %lt3A_711 = arith.constant 0 : i32
        %lt3A_712 = vector.broadcast %lt3A_711 : i32 to vector<16xi32>
        %lt3A_713 = arith.cmpi slt, %and3A_710, %lt3A_712 : vector<16xi32>
        %add3A_714 = arith.constant 16 : i32
        %add3A_715 = vector.broadcast %add3A_714 : i32 to vector<16xi32>
        %add3A_716 = arith.addi %and3A_710, %add3A_715 : vector<16xi32>
        %select_n3A_717 = arith.select %lt3A_713, %add3A_716, %and3A_710 : vector<16xi1>, vector<16xi32>
        %broadcast_in_dim3A_718 = vector.shape_cast %select_n3A_717 : vector<16xi32> to vector<16x1xi32>
        %gather3A_719 = vector.shape_cast %broadcast_in_dim3A_718 : vector<16x1xi32> to vector<16xi32>
        %gather3A_720 = tpu.dynamic_gather %shift_right_arithmetic3A_657[%gather3A_719] in [0] : vector<16xi32>, vector<16xi32> -> vector<16xi32>
        %lt3A_721 = arith.constant 0 : i32
        %lt3A_722 = vector.broadcast %lt3A_721 : i32 to vector<16xi32>
        %lt3A_723 = arith.cmpi slt, %and3A_710, %lt3A_722 : vector<16xi32>
        %add3A_724 = arith.constant 16 : i32
        %add3A_725 = vector.broadcast %add3A_724 : i32 to vector<16xi32>
        %add3A_726 = arith.addi %and3A_710, %add3A_725 : vector<16xi32>
        %select_n3A_727 = arith.select %lt3A_723, %add3A_726, %and3A_710 : vector<16xi1>, vector<16xi32>
        %broadcast_in_dim3A_728 = vector.shape_cast %select_n3A_727 : vector<16xi32> to vector<16x1xi32>
        %gather3A_729 = vector.shape_cast %broadcast_in_dim3A_728 : vector<16x1xi32> to vector<16xi32>
        %gather3A_730 = tpu.dynamic_gather %get3A_654[%gather3A_729] in [0] : vector<16xf32>, vector<16xi32> -> vector<16xf32>
        %eq3A_731 = arith.cmpi eq, %shift_right_arithmetic3A_657, %gather3A_720 : vector<16xi32>
        %jit3A_732 = arith.constant 0.000000e+00 : f32
        %broadcast_in_dim3A_733 = vector.broadcast %jit3A_732 : f32 to vector<16xf32>
        %select_n3A_734 = arith.select %eq3A_731, %gather3A_730, %broadcast_in_dim3A_733 : vector<16xi1>, vector<16xf32>
        %ge3A_735 = arith.constant 2 : i32
        %ge3A_736 = vector.broadcast %ge3A_735 : i32 to vector<16xi32>
        %ge3A_737 = arith.cmpi sge, %iota3A, %ge3A_736 : vector<16xi32>
        %jit3A_738 = arith.constant 0.000000e+00 : f32
        %broadcast_in_dim3A_739 = vector.broadcast %jit3A_738 : f32 to vector<16xf32>
        %select_n3A_740 = arith.select %ge3A_737, %select_n3A_734, %broadcast_in_dim3A_739 : vector<16xi1>, vector<16xf32>
        %gt3A_741 = arith.constant 5.000000e-01 : f32
        %gt3A_742 = vector.broadcast %gt3A_741 : f32 to vector<16xf32>
        %gt3A_743 = arith.cmpf ogt, %select_n3A_740, %gt3A_742 : vector<16xf32>
        %select_n3A_744 = arith.select %gt3A_743, %add3A_664, %mul3A_661 : vector<16xi1>, vector<16xi32>
        %add3A_745 = arith.addi %add3A_704, %select_n3A_744 : vector<16xi32>
        %sub3A_746 = arith.constant 3 : i32
        %sub3A_747 = vector.broadcast %sub3A_746 : i32 to vector<16xi32>
        %sub3A_748 = arith.subi %iota3A, %sub3A_747 : vector<16xi32>
        %and3A_749 = arith.constant 15 : i32
        %and3A_750 = vector.broadcast %and3A_749 : i32 to vector<16xi32>
        %and3A_751 = arith.andi %sub3A_748, %and3A_750 : vector<16xi32>
        %lt3A_752 = arith.constant 0 : i32
        %lt3A_753 = vector.broadcast %lt3A_752 : i32 to vector<16xi32>
        %lt3A_754 = arith.cmpi slt, %and3A_751, %lt3A_753 : vector<16xi32>
        %add3A_755 = arith.constant 16 : i32
        %add3A_756 = vector.broadcast %add3A_755 : i32 to vector<16xi32>
        %add3A_757 = arith.addi %and3A_751, %add3A_756 : vector<16xi32>
        %select_n3A_758 = arith.select %lt3A_754, %add3A_757, %and3A_751 : vector<16xi1>, vector<16xi32>
        %broadcast_in_dim3A_759 = vector.shape_cast %select_n3A_758 : vector<16xi32> to vector<16x1xi32>
        %gather3A_760 = vector.shape_cast %broadcast_in_dim3A_759 : vector<16x1xi32> to vector<16xi32>
        %gather3A_761 = tpu.dynamic_gather %shift_right_arithmetic3A_657[%gather3A_760] in [0] : vector<16xi32>, vector<16xi32> -> vector<16xi32>
        %lt3A_762 = arith.constant 0 : i32
        %lt3A_763 = vector.broadcast %lt3A_762 : i32 to vector<16xi32>
        %lt3A_764 = arith.cmpi slt, %and3A_751, %lt3A_763 : vector<16xi32>
        %add3A_765 = arith.constant 16 : i32
        %add3A_766 = vector.broadcast %add3A_765 : i32 to vector<16xi32>
        %add3A_767 = arith.addi %and3A_751, %add3A_766 : vector<16xi32>
        %select_n3A_768 = arith.select %lt3A_764, %add3A_767, %and3A_751 : vector<16xi1>, vector<16xi32>
        %broadcast_in_dim3A_769 = vector.shape_cast %select_n3A_768 : vector<16xi32> to vector<16x1xi32>
        %gather3A_770 = vector.shape_cast %broadcast_in_dim3A_769 : vector<16x1xi32> to vector<16xi32>
        %gather3A_771 = tpu.dynamic_gather %get3A_654[%gather3A_770] in [0] : vector<16xf32>, vector<16xi32> -> vector<16xf32>
        %eq3A_772 = arith.cmpi eq, %shift_right_arithmetic3A_657, %gather3A_761 : vector<16xi32>
        %jit3A_773 = arith.constant 0.000000e+00 : f32
        %broadcast_in_dim3A_774 = vector.broadcast %jit3A_773 : f32 to vector<16xf32>
        %select_n3A_775 = arith.select %eq3A_772, %gather3A_771, %broadcast_in_dim3A_774 : vector<16xi1>, vector<16xf32>
        %ge3A_776 = arith.constant 3 : i32
        %ge3A_777 = vector.broadcast %ge3A_776 : i32 to vector<16xi32>
        %ge3A_778 = arith.cmpi sge, %iota3A, %ge3A_777 : vector<16xi32>
        %jit3A_779 = arith.constant 0.000000e+00 : f32
        %broadcast_in_dim3A_780 = vector.broadcast %jit3A_779 : f32 to vector<16xf32>
        %select_n3A_781 = arith.select %ge3A_778, %select_n3A_775, %broadcast_in_dim3A_780 : vector<16xi1>, vector<16xf32>
        %gt3A_782 = arith.constant 5.000000e-01 : f32
        %gt3A_783 = vector.broadcast %gt3A_782 : f32 to vector<16xf32>
        %gt3A_784 = arith.cmpf ogt, %select_n3A_781, %gt3A_783 : vector<16xf32>
        %select_n3A_785 = arith.select %gt3A_784, %add3A_664, %mul3A_661 : vector<16xi1>, vector<16xi32>
        %add3A_786 = arith.addi %add3A_745, %select_n3A_785 : vector<16xi32>
        %sub3A_787 = arith.constant 4 : i32
        %sub3A_788 = vector.broadcast %sub3A_787 : i32 to vector<16xi32>
        %sub3A_789 = arith.subi %iota3A, %sub3A_788 : vector<16xi32>
        %and3A_790 = arith.constant 15 : i32
        %and3A_791 = vector.broadcast %and3A_790 : i32 to vector<16xi32>
        %and3A_792 = arith.andi %sub3A_789, %and3A_791 : vector<16xi32>
        %lt3A_793 = arith.constant 0 : i32
        %lt3A_794 = vector.broadcast %lt3A_793 : i32 to vector<16xi32>
        %lt3A_795 = arith.cmpi slt, %and3A_792, %lt3A_794 : vector<16xi32>
        %add3A_796 = arith.constant 16 : i32
        %add3A_797 = vector.broadcast %add3A_796 : i32 to vector<16xi32>
        %add3A_798 = arith.addi %and3A_792, %add3A_797 : vector<16xi32>
        %select_n3A_799 = arith.select %lt3A_795, %add3A_798, %and3A_792 : vector<16xi1>, vector<16xi32>
        %broadcast_in_dim3A_800 = vector.shape_cast %select_n3A_799 : vector<16xi32> to vector<16x1xi32>
        %gather3A_801 = vector.shape_cast %broadcast_in_dim3A_800 : vector<16x1xi32> to vector<16xi32>
        %gather3A_802 = tpu.dynamic_gather %shift_right_arithmetic3A_657[%gather3A_801] in [0] : vector<16xi32>, vector<16xi32> -> vector<16xi32>
        %lt3A_803 = arith.constant 0 : i32
        %lt3A_804 = vector.broadcast %lt3A_803 : i32 to vector<16xi32>
        %lt3A_805 = arith.cmpi slt, %and3A_792, %lt3A_804 : vector<16xi32>
        %add3A_806 = arith.constant 16 : i32
        %add3A_807 = vector.broadcast %add3A_806 : i32 to vector<16xi32>
        %add3A_808 = arith.addi %and3A_792, %add3A_807 : vector<16xi32>
        %select_n3A_809 = arith.select %lt3A_805, %add3A_808, %and3A_792 : vector<16xi1>, vector<16xi32>
        %broadcast_in_dim3A_810 = vector.shape_cast %select_n3A_809 : vector<16xi32> to vector<16x1xi32>
        %gather3A_811 = vector.shape_cast %broadcast_in_dim3A_810 : vector<16x1xi32> to vector<16xi32>
        %gather3A_812 = tpu.dynamic_gather %get3A_654[%gather3A_811] in [0] : vector<16xf32>, vector<16xi32> -> vector<16xf32>
        %eq3A_813 = arith.cmpi eq, %shift_right_arithmetic3A_657, %gather3A_802 : vector<16xi32>
        %jit3A_814 = arith.constant 0.000000e+00 : f32
        %broadcast_in_dim3A_815 = vector.broadcast %jit3A_814 : f32 to vector<16xf32>
        %select_n3A_816 = arith.select %eq3A_813, %gather3A_812, %broadcast_in_dim3A_815 : vector<16xi1>, vector<16xf32>
        %ge3A_817 = arith.constant 4 : i32
        %ge3A_818 = vector.broadcast %ge3A_817 : i32 to vector<16xi32>
        %ge3A_819 = arith.cmpi sge, %iota3A, %ge3A_818 : vector<16xi32>
        %jit3A_820 = arith.constant 0.000000e+00 : f32
        %broadcast_in_dim3A_821 = vector.broadcast %jit3A_820 : f32 to vector<16xf32>
        %select_n3A_822 = arith.select %ge3A_819, %select_n3A_816, %broadcast_in_dim3A_821 : vector<16xi1>, vector<16xf32>
        %gt3A_823 = arith.constant 5.000000e-01 : f32
        %gt3A_824 = vector.broadcast %gt3A_823 : f32 to vector<16xf32>
        %gt3A_825 = arith.cmpf ogt, %select_n3A_822, %gt3A_824 : vector<16xf32>
        %select_n3A_826 = arith.select %gt3A_825, %add3A_664, %mul3A_661 : vector<16xi1>, vector<16xi32>
        %add3A_827 = arith.addi %add3A_786, %select_n3A_826 : vector<16xi32>
        %sub3A_828 = arith.constant 5 : i32
        %sub3A_829 = vector.broadcast %sub3A_828 : i32 to vector<16xi32>
        %sub3A_830 = arith.subi %iota3A, %sub3A_829 : vector<16xi32>
        %and3A_831 = arith.constant 15 : i32
        %and3A_832 = vector.broadcast %and3A_831 : i32 to vector<16xi32>
        %and3A_833 = arith.andi %sub3A_830, %and3A_832 : vector<16xi32>
        %lt3A_834 = arith.constant 0 : i32
        %lt3A_835 = vector.broadcast %lt3A_834 : i32 to vector<16xi32>
        %lt3A_836 = arith.cmpi slt, %and3A_833, %lt3A_835 : vector<16xi32>
        %add3A_837 = arith.constant 16 : i32
        %add3A_838 = vector.broadcast %add3A_837 : i32 to vector<16xi32>
        %add3A_839 = arith.addi %and3A_833, %add3A_838 : vector<16xi32>
        %select_n3A_840 = arith.select %lt3A_836, %add3A_839, %and3A_833 : vector<16xi1>, vector<16xi32>
        %broadcast_in_dim3A_841 = vector.shape_cast %select_n3A_840 : vector<16xi32> to vector<16x1xi32>
        %gather3A_842 = vector.shape_cast %broadcast_in_dim3A_841 : vector<16x1xi32> to vector<16xi32>
        %gather3A_843 = tpu.dynamic_gather %shift_right_arithmetic3A_657[%gather3A_842] in [0] : vector<16xi32>, vector<16xi32> -> vector<16xi32>
        %lt3A_844 = arith.constant 0 : i32
        %lt3A_845 = vector.broadcast %lt3A_844 : i32 to vector<16xi32>
        %lt3A_846 = arith.cmpi slt, %and3A_833, %lt3A_845 : vector<16xi32>
        %add3A_847 = arith.constant 16 : i32
        %add3A_848 = vector.broadcast %add3A_847 : i32 to vector<16xi32>
        %add3A_849 = arith.addi %and3A_833, %add3A_848 : vector<16xi32>
        %select_n3A_850 = arith.select %lt3A_846, %add3A_849, %and3A_833 : vector<16xi1>, vector<16xi32>
        %broadcast_in_dim3A_851 = vector.shape_cast %select_n3A_850 : vector<16xi32> to vector<16x1xi32>
        %gather3A_852 = vector.shape_cast %broadcast_in_dim3A_851 : vector<16x1xi32> to vector<16xi32>
        %gather3A_853 = tpu.dynamic_gather %get3A_654[%gather3A_852] in [0] : vector<16xf32>, vector<16xi32> -> vector<16xf32>
        %eq3A_854 = arith.cmpi eq, %shift_right_arithmetic3A_657, %gather3A_843 : vector<16xi32>
        %jit3A_855 = arith.constant 0.000000e+00 : f32
        %broadcast_in_dim3A_856 = vector.broadcast %jit3A_855 : f32 to vector<16xf32>
        %select_n3A_857 = arith.select %eq3A_854, %gather3A_853, %broadcast_in_dim3A_856 : vector<16xi1>, vector<16xf32>
        %ge3A_858 = arith.constant 5 : i32
        %ge3A_859 = vector.broadcast %ge3A_858 : i32 to vector<16xi32>
        %ge3A_860 = arith.cmpi sge, %iota3A, %ge3A_859 : vector<16xi32>
        %jit3A_861 = arith.constant 0.000000e+00 : f32
        %broadcast_in_dim3A_862 = vector.broadcast %jit3A_861 : f32 to vector<16xf32>
        %select_n3A_863 = arith.select %ge3A_860, %select_n3A_857, %broadcast_in_dim3A_862 : vector<16xi1>, vector<16xf32>
        %gt3A_864 = arith.constant 5.000000e-01 : f32
        %gt3A_865 = vector.broadcast %gt3A_864 : f32 to vector<16xf32>
        %gt3A_866 = arith.cmpf ogt, %select_n3A_863, %gt3A_865 : vector<16xf32>
        %select_n3A_867 = arith.select %gt3A_866, %add3A_664, %mul3A_661 : vector<16xi1>, vector<16xi32>
        %add3A_868 = arith.addi %add3A_827, %select_n3A_867 : vector<16xi32>
        %sub3A_869 = arith.constant 6 : i32
        %sub3A_870 = vector.broadcast %sub3A_869 : i32 to vector<16xi32>
        %sub3A_871 = arith.subi %iota3A, %sub3A_870 : vector<16xi32>
        %and3A_872 = arith.constant 15 : i32
        %and3A_873 = vector.broadcast %and3A_872 : i32 to vector<16xi32>
        %and3A_874 = arith.andi %sub3A_871, %and3A_873 : vector<16xi32>
        %lt3A_875 = arith.constant 0 : i32
        %lt3A_876 = vector.broadcast %lt3A_875 : i32 to vector<16xi32>
        %lt3A_877 = arith.cmpi slt, %and3A_874, %lt3A_876 : vector<16xi32>
        %add3A_878 = arith.constant 16 : i32
        %add3A_879 = vector.broadcast %add3A_878 : i32 to vector<16xi32>
        %add3A_880 = arith.addi %and3A_874, %add3A_879 : vector<16xi32>
        %select_n3A_881 = arith.select %lt3A_877, %add3A_880, %and3A_874 : vector<16xi1>, vector<16xi32>
        %broadcast_in_dim3A_882 = vector.shape_cast %select_n3A_881 : vector<16xi32> to vector<16x1xi32>
        %gather3A_883 = vector.shape_cast %broadcast_in_dim3A_882 : vector<16x1xi32> to vector<16xi32>
        %gather3A_884 = tpu.dynamic_gather %shift_right_arithmetic3A_657[%gather3A_883] in [0] : vector<16xi32>, vector<16xi32> -> vector<16xi32>
        %lt3A_885 = arith.constant 0 : i32
        %lt3A_886 = vector.broadcast %lt3A_885 : i32 to vector<16xi32>
        %lt3A_887 = arith.cmpi slt, %and3A_874, %lt3A_886 : vector<16xi32>
        %add3A_888 = arith.constant 16 : i32
        %add3A_889 = vector.broadcast %add3A_888 : i32 to vector<16xi32>
        %add3A_890 = arith.addi %and3A_874, %add3A_889 : vector<16xi32>
        %select_n3A_891 = arith.select %lt3A_887, %add3A_890, %and3A_874 : vector<16xi1>, vector<16xi32>
        %broadcast_in_dim3A_892 = vector.shape_cast %select_n3A_891 : vector<16xi32> to vector<16x1xi32>
        %gather3A_893 = vector.shape_cast %broadcast_in_dim3A_892 : vector<16x1xi32> to vector<16xi32>
        %gather3A_894 = tpu.dynamic_gather %get3A_654[%gather3A_893] in [0] : vector<16xf32>, vector<16xi32> -> vector<16xf32>
        %eq3A_895 = arith.cmpi eq, %shift_right_arithmetic3A_657, %gather3A_884 : vector<16xi32>
        %jit3A_896 = arith.constant 0.000000e+00 : f32
        %broadcast_in_dim3A_897 = vector.broadcast %jit3A_896 : f32 to vector<16xf32>
        %select_n3A_898 = arith.select %eq3A_895, %gather3A_894, %broadcast_in_dim3A_897 : vector<16xi1>, vector<16xf32>
        %ge3A_899 = arith.constant 6 : i32
        %ge3A_900 = vector.broadcast %ge3A_899 : i32 to vector<16xi32>
        %ge3A_901 = arith.cmpi sge, %iota3A, %ge3A_900 : vector<16xi32>
        %jit3A_902 = arith.constant 0.000000e+00 : f32
        %broadcast_in_dim3A_903 = vector.broadcast %jit3A_902 : f32 to vector<16xf32>
        %select_n3A_904 = arith.select %ge3A_901, %select_n3A_898, %broadcast_in_dim3A_903 : vector<16xi1>, vector<16xf32>
        %gt3A_905 = arith.constant 5.000000e-01 : f32
        %gt3A_906 = vector.broadcast %gt3A_905 : f32 to vector<16xf32>
        %gt3A_907 = arith.cmpf ogt, %select_n3A_904, %gt3A_906 : vector<16xf32>
        %select_n3A_908 = arith.select %gt3A_907, %add3A_664, %mul3A_661 : vector<16xi1>, vector<16xi32>
        %add3A_909 = arith.addi %add3A_868, %select_n3A_908 : vector<16xi32>
        %sub3A_910 = arith.constant 7 : i32
        %sub3A_911 = vector.broadcast %sub3A_910 : i32 to vector<16xi32>
        %sub3A_912 = arith.subi %iota3A, %sub3A_911 : vector<16xi32>
        %and3A_913 = arith.constant 15 : i32
        %and3A_914 = vector.broadcast %and3A_913 : i32 to vector<16xi32>
        %and3A_915 = arith.andi %sub3A_912, %and3A_914 : vector<16xi32>
        %lt3A_916 = arith.constant 0 : i32
        %lt3A_917 = vector.broadcast %lt3A_916 : i32 to vector<16xi32>
        %lt3A_918 = arith.cmpi slt, %and3A_915, %lt3A_917 : vector<16xi32>
        %add3A_919 = arith.constant 16 : i32
        %add3A_920 = vector.broadcast %add3A_919 : i32 to vector<16xi32>
        %add3A_921 = arith.addi %and3A_915, %add3A_920 : vector<16xi32>
        %select_n3A_922 = arith.select %lt3A_918, %add3A_921, %and3A_915 : vector<16xi1>, vector<16xi32>
        %broadcast_in_dim3A_923 = vector.shape_cast %select_n3A_922 : vector<16xi32> to vector<16x1xi32>
        %gather3A_924 = vector.shape_cast %broadcast_in_dim3A_923 : vector<16x1xi32> to vector<16xi32>
        %gather3A_925 = tpu.dynamic_gather %shift_right_arithmetic3A_657[%gather3A_924] in [0] : vector<16xi32>, vector<16xi32> -> vector<16xi32>
        %lt3A_926 = arith.constant 0 : i32
        %lt3A_927 = vector.broadcast %lt3A_926 : i32 to vector<16xi32>
        %lt3A_928 = arith.cmpi slt, %and3A_915, %lt3A_927 : vector<16xi32>
        %add3A_929 = arith.constant 16 : i32
        %add3A_930 = vector.broadcast %add3A_929 : i32 to vector<16xi32>
        %add3A_931 = arith.addi %and3A_915, %add3A_930 : vector<16xi32>
        %select_n3A_932 = arith.select %lt3A_928, %add3A_931, %and3A_915 : vector<16xi1>, vector<16xi32>
        %broadcast_in_dim3A_933 = vector.shape_cast %select_n3A_932 : vector<16xi32> to vector<16x1xi32>
        %gather3A_934 = vector.shape_cast %broadcast_in_dim3A_933 : vector<16x1xi32> to vector<16xi32>
        %gather3A_935 = tpu.dynamic_gather %get3A_654[%gather3A_934] in [0] : vector<16xf32>, vector<16xi32> -> vector<16xf32>
        %eq3A_936 = arith.cmpi eq, %shift_right_arithmetic3A_657, %gather3A_925 : vector<16xi32>
        %jit3A_937 = arith.constant 0.000000e+00 : f32
        %broadcast_in_dim3A_938 = vector.broadcast %jit3A_937 : f32 to vector<16xf32>
        %select_n3A_939 = arith.select %eq3A_936, %gather3A_935, %broadcast_in_dim3A_938 : vector<16xi1>, vector<16xf32>
        %ge3A_940 = arith.constant 7 : i32
        %ge3A_941 = vector.broadcast %ge3A_940 : i32 to vector<16xi32>
        %ge3A_942 = arith.cmpi sge, %iota3A, %ge3A_941 : vector<16xi32>
        %jit3A_943 = arith.constant 0.000000e+00 : f32
        %broadcast_in_dim3A_944 = vector.broadcast %jit3A_943 : f32 to vector<16xf32>
        %select_n3A_945 = arith.select %ge3A_942, %select_n3A_939, %broadcast_in_dim3A_944 : vector<16xi1>, vector<16xf32>
        %gt3A_946 = arith.constant 5.000000e-01 : f32
        %gt3A_947 = vector.broadcast %gt3A_946 : f32 to vector<16xf32>
        %gt3A_948 = arith.cmpf ogt, %select_n3A_945, %gt3A_947 : vector<16xf32>
        %select_n3A_949 = arith.select %gt3A_948, %add3A_664, %mul3A_661 : vector<16xi1>, vector<16xi32>
        %add3A_950 = arith.addi %add3A_909, %select_n3A_949 : vector<16xi32>
        %sub3A_951 = arith.constant 8 : i32
        %sub3A_952 = vector.broadcast %sub3A_951 : i32 to vector<16xi32>
        %sub3A_953 = arith.subi %iota3A, %sub3A_952 : vector<16xi32>
        %and3A_954 = arith.constant 15 : i32
        %and3A_955 = vector.broadcast %and3A_954 : i32 to vector<16xi32>
        %and3A_956 = arith.andi %sub3A_953, %and3A_955 : vector<16xi32>
        %lt3A_957 = arith.constant 0 : i32
        %lt3A_958 = vector.broadcast %lt3A_957 : i32 to vector<16xi32>
        %lt3A_959 = arith.cmpi slt, %and3A_956, %lt3A_958 : vector<16xi32>
        %add3A_960 = arith.constant 16 : i32
        %add3A_961 = vector.broadcast %add3A_960 : i32 to vector<16xi32>
        %add3A_962 = arith.addi %and3A_956, %add3A_961 : vector<16xi32>
        %select_n3A_963 = arith.select %lt3A_959, %add3A_962, %and3A_956 : vector<16xi1>, vector<16xi32>
        %broadcast_in_dim3A_964 = vector.shape_cast %select_n3A_963 : vector<16xi32> to vector<16x1xi32>
        %gather3A_965 = vector.shape_cast %broadcast_in_dim3A_964 : vector<16x1xi32> to vector<16xi32>
        %gather3A_966 = tpu.dynamic_gather %shift_right_arithmetic3A_657[%gather3A_965] in [0] : vector<16xi32>, vector<16xi32> -> vector<16xi32>
        %lt3A_967 = arith.constant 0 : i32
        %lt3A_968 = vector.broadcast %lt3A_967 : i32 to vector<16xi32>
        %lt3A_969 = arith.cmpi slt, %and3A_956, %lt3A_968 : vector<16xi32>
        %add3A_970 = arith.constant 16 : i32
        %add3A_971 = vector.broadcast %add3A_970 : i32 to vector<16xi32>
        %add3A_972 = arith.addi %and3A_956, %add3A_971 : vector<16xi32>
        %select_n3A_973 = arith.select %lt3A_969, %add3A_972, %and3A_956 : vector<16xi1>, vector<16xi32>
        %broadcast_in_dim3A_974 = vector.shape_cast %select_n3A_973 : vector<16xi32> to vector<16x1xi32>
        %gather3A_975 = vector.shape_cast %broadcast_in_dim3A_974 : vector<16x1xi32> to vector<16xi32>
        %gather3A_976 = tpu.dynamic_gather %get3A_654[%gather3A_975] in [0] : vector<16xf32>, vector<16xi32> -> vector<16xf32>
        %eq3A_977 = arith.cmpi eq, %shift_right_arithmetic3A_657, %gather3A_966 : vector<16xi32>
        %jit3A_978 = arith.constant 0.000000e+00 : f32
        %broadcast_in_dim3A_979 = vector.broadcast %jit3A_978 : f32 to vector<16xf32>
        %select_n3A_980 = arith.select %eq3A_977, %gather3A_976, %broadcast_in_dim3A_979 : vector<16xi1>, vector<16xf32>
        %ge3A_981 = arith.constant 8 : i32
        %ge3A_982 = vector.broadcast %ge3A_981 : i32 to vector<16xi32>
        %ge3A_983 = arith.cmpi sge, %iota3A, %ge3A_982 : vector<16xi32>
        %jit3A_984 = arith.constant 0.000000e+00 : f32
        %broadcast_in_dim3A_985 = vector.broadcast %jit3A_984 : f32 to vector<16xf32>
        %select_n3A_986 = arith.select %ge3A_983, %select_n3A_980, %broadcast_in_dim3A_985 : vector<16xi1>, vector<16xf32>
        %gt3A_987 = arith.constant 5.000000e-01 : f32
        %gt3A_988 = vector.broadcast %gt3A_987 : f32 to vector<16xf32>
        %gt3A_989 = arith.cmpf ogt, %select_n3A_986, %gt3A_988 : vector<16xf32>
        %select_n3A_990 = arith.select %gt3A_989, %add3A_664, %mul3A_661 : vector<16xi1>, vector<16xi32>
        %add3A_991 = arith.addi %add3A_950, %select_n3A_990 : vector<16xi32>
        %sub3A_992 = arith.constant 9 : i32
        %sub3A_993 = vector.broadcast %sub3A_992 : i32 to vector<16xi32>
        %sub3A_994 = arith.subi %iota3A, %sub3A_993 : vector<16xi32>
        %and3A_995 = arith.constant 15 : i32
        %and3A_996 = vector.broadcast %and3A_995 : i32 to vector<16xi32>
        %and3A_997 = arith.andi %sub3A_994, %and3A_996 : vector<16xi32>
        %lt3A_998 = arith.constant 0 : i32
        %lt3A_999 = vector.broadcast %lt3A_998 : i32 to vector<16xi32>
        %lt3A_1000 = arith.cmpi slt, %and3A_997, %lt3A_999 : vector<16xi32>
        %add3A_1001 = arith.constant 16 : i32
        %add3A_1002 = vector.broadcast %add3A_1001 : i32 to vector<16xi32>
        %add3A_1003 = arith.addi %and3A_997, %add3A_1002 : vector<16xi32>
        %select_n3A_1004 = arith.select %lt3A_1000, %add3A_1003, %and3A_997 : vector<16xi1>, vector<16xi32>
        %broadcast_in_dim3A_1005 = vector.shape_cast %select_n3A_1004 : vector<16xi32> to vector<16x1xi32>
        %gather3A_1006 = vector.shape_cast %broadcast_in_dim3A_1005 : vector<16x1xi32> to vector<16xi32>
        %gather3A_1007 = tpu.dynamic_gather %shift_right_arithmetic3A_657[%gather3A_1006] in [0] : vector<16xi32>, vector<16xi32> -> vector<16xi32>
        %lt3A_1008 = arith.constant 0 : i32
        %lt3A_1009 = vector.broadcast %lt3A_1008 : i32 to vector<16xi32>
        %lt3A_1010 = arith.cmpi slt, %and3A_997, %lt3A_1009 : vector<16xi32>
        %add3A_1011 = arith.constant 16 : i32
        %add3A_1012 = vector.broadcast %add3A_1011 : i32 to vector<16xi32>
        %add3A_1013 = arith.addi %and3A_997, %add3A_1012 : vector<16xi32>
        %select_n3A_1014 = arith.select %lt3A_1010, %add3A_1013, %and3A_997 : vector<16xi1>, vector<16xi32>
        %broadcast_in_dim3A_1015 = vector.shape_cast %select_n3A_1014 : vector<16xi32> to vector<16x1xi32>
        %gather3A_1016 = vector.shape_cast %broadcast_in_dim3A_1015 : vector<16x1xi32> to vector<16xi32>
        %gather3A_1017 = tpu.dynamic_gather %get3A_654[%gather3A_1016] in [0] : vector<16xf32>, vector<16xi32> -> vector<16xf32>
        %eq3A_1018 = arith.cmpi eq, %shift_right_arithmetic3A_657, %gather3A_1007 : vector<16xi32>
        %jit3A_1019 = arith.constant 0.000000e+00 : f32
        %broadcast_in_dim3A_1020 = vector.broadcast %jit3A_1019 : f32 to vector<16xf32>
        %select_n3A_1021 = arith.select %eq3A_1018, %gather3A_1017, %broadcast_in_dim3A_1020 : vector<16xi1>, vector<16xf32>
        %ge3A_1022 = arith.constant 9 : i32
        %ge3A_1023 = vector.broadcast %ge3A_1022 : i32 to vector<16xi32>
        %ge3A_1024 = arith.cmpi sge, %iota3A, %ge3A_1023 : vector<16xi32>
        %jit3A_1025 = arith.constant 0.000000e+00 : f32
        %broadcast_in_dim3A_1026 = vector.broadcast %jit3A_1025 : f32 to vector<16xf32>
        %select_n3A_1027 = arith.select %ge3A_1024, %select_n3A_1021, %broadcast_in_dim3A_1026 : vector<16xi1>, vector<16xf32>
        %gt3A_1028 = arith.constant 5.000000e-01 : f32
        %gt3A_1029 = vector.broadcast %gt3A_1028 : f32 to vector<16xf32>
        %gt3A_1030 = arith.cmpf ogt, %select_n3A_1027, %gt3A_1029 : vector<16xf32>
        %select_n3A_1031 = arith.select %gt3A_1030, %add3A_664, %mul3A_661 : vector<16xi1>, vector<16xi32>
        %add3A_1032 = arith.addi %add3A_991, %select_n3A_1031 : vector<16xi32>
        %sub3A_1033 = arith.constant 10 : i32
        %sub3A_1034 = vector.broadcast %sub3A_1033 : i32 to vector<16xi32>
        %sub3A_1035 = arith.subi %iota3A, %sub3A_1034 : vector<16xi32>
        %and3A_1036 = arith.constant 15 : i32
        %and3A_1037 = vector.broadcast %and3A_1036 : i32 to vector<16xi32>
        %and3A_1038 = arith.andi %sub3A_1035, %and3A_1037 : vector<16xi32>
        %lt3A_1039 = arith.constant 0 : i32
        %lt3A_1040 = vector.broadcast %lt3A_1039 : i32 to vector<16xi32>
        %lt3A_1041 = arith.cmpi slt, %and3A_1038, %lt3A_1040 : vector<16xi32>
        %add3A_1042 = arith.constant 16 : i32
        %add3A_1043 = vector.broadcast %add3A_1042 : i32 to vector<16xi32>
        %add3A_1044 = arith.addi %and3A_1038, %add3A_1043 : vector<16xi32>
        %select_n3A_1045 = arith.select %lt3A_1041, %add3A_1044, %and3A_1038 : vector<16xi1>, vector<16xi32>
        %broadcast_in_dim3A_1046 = vector.shape_cast %select_n3A_1045 : vector<16xi32> to vector<16x1xi32>
        %gather3A_1047 = vector.shape_cast %broadcast_in_dim3A_1046 : vector<16x1xi32> to vector<16xi32>
        %gather3A_1048 = tpu.dynamic_gather %shift_right_arithmetic3A_657[%gather3A_1047] in [0] : vector<16xi32>, vector<16xi32> -> vector<16xi32>
        %lt3A_1049 = arith.constant 0 : i32
        %lt3A_1050 = vector.broadcast %lt3A_1049 : i32 to vector<16xi32>
        %lt3A_1051 = arith.cmpi slt, %and3A_1038, %lt3A_1050 : vector<16xi32>
        %add3A_1052 = arith.constant 16 : i32
        %add3A_1053 = vector.broadcast %add3A_1052 : i32 to vector<16xi32>
        %add3A_1054 = arith.addi %and3A_1038, %add3A_1053 : vector<16xi32>
        %select_n3A_1055 = arith.select %lt3A_1051, %add3A_1054, %and3A_1038 : vector<16xi1>, vector<16xi32>
        %broadcast_in_dim3A_1056 = vector.shape_cast %select_n3A_1055 : vector<16xi32> to vector<16x1xi32>
        %gather3A_1057 = vector.shape_cast %broadcast_in_dim3A_1056 : vector<16x1xi32> to vector<16xi32>
        %gather3A_1058 = tpu.dynamic_gather %get3A_654[%gather3A_1057] in [0] : vector<16xf32>, vector<16xi32> -> vector<16xf32>
        %eq3A_1059 = arith.cmpi eq, %shift_right_arithmetic3A_657, %gather3A_1048 : vector<16xi32>
        %jit3A_1060 = arith.constant 0.000000e+00 : f32
        %broadcast_in_dim3A_1061 = vector.broadcast %jit3A_1060 : f32 to vector<16xf32>
        %select_n3A_1062 = arith.select %eq3A_1059, %gather3A_1058, %broadcast_in_dim3A_1061 : vector<16xi1>, vector<16xf32>
        %ge3A_1063 = arith.constant 10 : i32
        %ge3A_1064 = vector.broadcast %ge3A_1063 : i32 to vector<16xi32>
        %ge3A_1065 = arith.cmpi sge, %iota3A, %ge3A_1064 : vector<16xi32>
        %jit3A_1066 = arith.constant 0.000000e+00 : f32
        %broadcast_in_dim3A_1067 = vector.broadcast %jit3A_1066 : f32 to vector<16xf32>
        %select_n3A_1068 = arith.select %ge3A_1065, %select_n3A_1062, %broadcast_in_dim3A_1067 : vector<16xi1>, vector<16xf32>
        %gt3A_1069 = arith.constant 5.000000e-01 : f32
        %gt3A_1070 = vector.broadcast %gt3A_1069 : f32 to vector<16xf32>
        %gt3A_1071 = arith.cmpf ogt, %select_n3A_1068, %gt3A_1070 : vector<16xf32>
        %select_n3A_1072 = arith.select %gt3A_1071, %add3A_664, %mul3A_661 : vector<16xi1>, vector<16xi32>
        %add3A_1073 = arith.addi %add3A_1032, %select_n3A_1072 : vector<16xi32>
        %sub3A_1074 = arith.constant 11 : i32
        %sub3A_1075 = vector.broadcast %sub3A_1074 : i32 to vector<16xi32>
        %sub3A_1076 = arith.subi %iota3A, %sub3A_1075 : vector<16xi32>
        %and3A_1077 = arith.constant 15 : i32
        %and3A_1078 = vector.broadcast %and3A_1077 : i32 to vector<16xi32>
        %and3A_1079 = arith.andi %sub3A_1076, %and3A_1078 : vector<16xi32>
        %lt3A_1080 = arith.constant 0 : i32
        %lt3A_1081 = vector.broadcast %lt3A_1080 : i32 to vector<16xi32>
        %lt3A_1082 = arith.cmpi slt, %and3A_1079, %lt3A_1081 : vector<16xi32>
        %add3A_1083 = arith.constant 16 : i32
        %add3A_1084 = vector.broadcast %add3A_1083 : i32 to vector<16xi32>
        %add3A_1085 = arith.addi %and3A_1079, %add3A_1084 : vector<16xi32>
        %select_n3A_1086 = arith.select %lt3A_1082, %add3A_1085, %and3A_1079 : vector<16xi1>, vector<16xi32>
        %broadcast_in_dim3A_1087 = vector.shape_cast %select_n3A_1086 : vector<16xi32> to vector<16x1xi32>
        %gather3A_1088 = vector.shape_cast %broadcast_in_dim3A_1087 : vector<16x1xi32> to vector<16xi32>
        %gather3A_1089 = tpu.dynamic_gather %shift_right_arithmetic3A_657[%gather3A_1088] in [0] : vector<16xi32>, vector<16xi32> -> vector<16xi32>
        %lt3A_1090 = arith.constant 0 : i32
        %lt3A_1091 = vector.broadcast %lt3A_1090 : i32 to vector<16xi32>
        %lt3A_1092 = arith.cmpi slt, %and3A_1079, %lt3A_1091 : vector<16xi32>
        %add3A_1093 = arith.constant 16 : i32
        %add3A_1094 = vector.broadcast %add3A_1093 : i32 to vector<16xi32>
        %add3A_1095 = arith.addi %and3A_1079, %add3A_1094 : vector<16xi32>
        %select_n3A_1096 = arith.select %lt3A_1092, %add3A_1095, %and3A_1079 : vector<16xi1>, vector<16xi32>
        %broadcast_in_dim3A_1097 = vector.shape_cast %select_n3A_1096 : vector<16xi32> to vector<16x1xi32>
        %gather3A_1098 = vector.shape_cast %broadcast_in_dim3A_1097 : vector<16x1xi32> to vector<16xi32>
        %gather3A_1099 = tpu.dynamic_gather %get3A_654[%gather3A_1098] in [0] : vector<16xf32>, vector<16xi32> -> vector<16xf32>
        %eq3A_1100 = arith.cmpi eq, %shift_right_arithmetic3A_657, %gather3A_1089 : vector<16xi32>
        %jit3A_1101 = arith.constant 0.000000e+00 : f32
        %broadcast_in_dim3A_1102 = vector.broadcast %jit3A_1101 : f32 to vector<16xf32>
        %select_n3A_1103 = arith.select %eq3A_1100, %gather3A_1099, %broadcast_in_dim3A_1102 : vector<16xi1>, vector<16xf32>
        %ge3A_1104 = arith.constant 11 : i32
        %ge3A_1105 = vector.broadcast %ge3A_1104 : i32 to vector<16xi32>
        %ge3A_1106 = arith.cmpi sge, %iota3A, %ge3A_1105 : vector<16xi32>
        %jit3A_1107 = arith.constant 0.000000e+00 : f32
        %broadcast_in_dim3A_1108 = vector.broadcast %jit3A_1107 : f32 to vector<16xf32>
        %select_n3A_1109 = arith.select %ge3A_1106, %select_n3A_1103, %broadcast_in_dim3A_1108 : vector<16xi1>, vector<16xf32>
        %gt3A_1110 = arith.constant 5.000000e-01 : f32
        %gt3A_1111 = vector.broadcast %gt3A_1110 : f32 to vector<16xf32>
        %gt3A_1112 = arith.cmpf ogt, %select_n3A_1109, %gt3A_1111 : vector<16xf32>
        %select_n3A_1113 = arith.select %gt3A_1112, %add3A_664, %mul3A_661 : vector<16xi1>, vector<16xi32>
        %add3A_1114 = arith.addi %add3A_1073, %select_n3A_1113 : vector<16xi32>
        %sub3A_1115 = arith.constant 12 : i32
        %sub3A_1116 = vector.broadcast %sub3A_1115 : i32 to vector<16xi32>
        %sub3A_1117 = arith.subi %iota3A, %sub3A_1116 : vector<16xi32>
        %and3A_1118 = arith.constant 15 : i32
        %and3A_1119 = vector.broadcast %and3A_1118 : i32 to vector<16xi32>
        %and3A_1120 = arith.andi %sub3A_1117, %and3A_1119 : vector<16xi32>
        %lt3A_1121 = arith.constant 0 : i32
        %lt3A_1122 = vector.broadcast %lt3A_1121 : i32 to vector<16xi32>
        %lt3A_1123 = arith.cmpi slt, %and3A_1120, %lt3A_1122 : vector<16xi32>
        %add3A_1124 = arith.constant 16 : i32
        %add3A_1125 = vector.broadcast %add3A_1124 : i32 to vector<16xi32>
        %add3A_1126 = arith.addi %and3A_1120, %add3A_1125 : vector<16xi32>
        %select_n3A_1127 = arith.select %lt3A_1123, %add3A_1126, %and3A_1120 : vector<16xi1>, vector<16xi32>
        %broadcast_in_dim3A_1128 = vector.shape_cast %select_n3A_1127 : vector<16xi32> to vector<16x1xi32>
        %gather3A_1129 = vector.shape_cast %broadcast_in_dim3A_1128 : vector<16x1xi32> to vector<16xi32>
        %gather3A_1130 = tpu.dynamic_gather %shift_right_arithmetic3A_657[%gather3A_1129] in [0] : vector<16xi32>, vector<16xi32> -> vector<16xi32>
        %lt3A_1131 = arith.constant 0 : i32
        %lt3A_1132 = vector.broadcast %lt3A_1131 : i32 to vector<16xi32>
        %lt3A_1133 = arith.cmpi slt, %and3A_1120, %lt3A_1132 : vector<16xi32>
        %add3A_1134 = arith.constant 16 : i32
        %add3A_1135 = vector.broadcast %add3A_1134 : i32 to vector<16xi32>
        %add3A_1136 = arith.addi %and3A_1120, %add3A_1135 : vector<16xi32>
        %select_n3A_1137 = arith.select %lt3A_1133, %add3A_1136, %and3A_1120 : vector<16xi1>, vector<16xi32>
        %broadcast_in_dim3A_1138 = vector.shape_cast %select_n3A_1137 : vector<16xi32> to vector<16x1xi32>
        %gather3A_1139 = vector.shape_cast %broadcast_in_dim3A_1138 : vector<16x1xi32> to vector<16xi32>
        %gather3A_1140 = tpu.dynamic_gather %get3A_654[%gather3A_1139] in [0] : vector<16xf32>, vector<16xi32> -> vector<16xf32>
        %eq3A_1141 = arith.cmpi eq, %shift_right_arithmetic3A_657, %gather3A_1130 : vector<16xi32>
        %jit3A_1142 = arith.constant 0.000000e+00 : f32
        %broadcast_in_dim3A_1143 = vector.broadcast %jit3A_1142 : f32 to vector<16xf32>
        %select_n3A_1144 = arith.select %eq3A_1141, %gather3A_1140, %broadcast_in_dim3A_1143 : vector<16xi1>, vector<16xf32>
        %ge3A_1145 = arith.constant 12 : i32
        %ge3A_1146 = vector.broadcast %ge3A_1145 : i32 to vector<16xi32>
        %ge3A_1147 = arith.cmpi sge, %iota3A, %ge3A_1146 : vector<16xi32>
        %jit3A_1148 = arith.constant 0.000000e+00 : f32
        %broadcast_in_dim3A_1149 = vector.broadcast %jit3A_1148 : f32 to vector<16xf32>
        %select_n3A_1150 = arith.select %ge3A_1147, %select_n3A_1144, %broadcast_in_dim3A_1149 : vector<16xi1>, vector<16xf32>
        %gt3A_1151 = arith.constant 5.000000e-01 : f32
        %gt3A_1152 = vector.broadcast %gt3A_1151 : f32 to vector<16xf32>
        %gt3A_1153 = arith.cmpf ogt, %select_n3A_1150, %gt3A_1152 : vector<16xf32>
        %select_n3A_1154 = arith.select %gt3A_1153, %add3A_664, %mul3A_661 : vector<16xi1>, vector<16xi32>
        %add3A_1155 = arith.addi %add3A_1114, %select_n3A_1154 : vector<16xi32>
        %sub3A_1156 = arith.constant 13 : i32
        %sub3A_1157 = vector.broadcast %sub3A_1156 : i32 to vector<16xi32>
        %sub3A_1158 = arith.subi %iota3A, %sub3A_1157 : vector<16xi32>
        %and3A_1159 = arith.constant 15 : i32
        %and3A_1160 = vector.broadcast %and3A_1159 : i32 to vector<16xi32>
        %and3A_1161 = arith.andi %sub3A_1158, %and3A_1160 : vector<16xi32>
        %lt3A_1162 = arith.constant 0 : i32
        %lt3A_1163 = vector.broadcast %lt3A_1162 : i32 to vector<16xi32>
        %lt3A_1164 = arith.cmpi slt, %and3A_1161, %lt3A_1163 : vector<16xi32>
        %add3A_1165 = arith.constant 16 : i32
        %add3A_1166 = vector.broadcast %add3A_1165 : i32 to vector<16xi32>
        %add3A_1167 = arith.addi %and3A_1161, %add3A_1166 : vector<16xi32>
        %select_n3A_1168 = arith.select %lt3A_1164, %add3A_1167, %and3A_1161 : vector<16xi1>, vector<16xi32>
        %broadcast_in_dim3A_1169 = vector.shape_cast %select_n3A_1168 : vector<16xi32> to vector<16x1xi32>
        %gather3A_1170 = vector.shape_cast %broadcast_in_dim3A_1169 : vector<16x1xi32> to vector<16xi32>
        %gather3A_1171 = tpu.dynamic_gather %shift_right_arithmetic3A_657[%gather3A_1170] in [0] : vector<16xi32>, vector<16xi32> -> vector<16xi32>
        %lt3A_1172 = arith.constant 0 : i32
        %lt3A_1173 = vector.broadcast %lt3A_1172 : i32 to vector<16xi32>
        %lt3A_1174 = arith.cmpi slt, %and3A_1161, %lt3A_1173 : vector<16xi32>
        %add3A_1175 = arith.constant 16 : i32
        %add3A_1176 = vector.broadcast %add3A_1175 : i32 to vector<16xi32>
        %add3A_1177 = arith.addi %and3A_1161, %add3A_1176 : vector<16xi32>
        %select_n3A_1178 = arith.select %lt3A_1174, %add3A_1177, %and3A_1161 : vector<16xi1>, vector<16xi32>
        %broadcast_in_dim3A_1179 = vector.shape_cast %select_n3A_1178 : vector<16xi32> to vector<16x1xi32>
        %gather3A_1180 = vector.shape_cast %broadcast_in_dim3A_1179 : vector<16x1xi32> to vector<16xi32>
        %gather3A_1181 = tpu.dynamic_gather %get3A_654[%gather3A_1180] in [0] : vector<16xf32>, vector<16xi32> -> vector<16xf32>
        %eq3A_1182 = arith.cmpi eq, %shift_right_arithmetic3A_657, %gather3A_1171 : vector<16xi32>
        %jit3A_1183 = arith.constant 0.000000e+00 : f32
        %broadcast_in_dim3A_1184 = vector.broadcast %jit3A_1183 : f32 to vector<16xf32>
        %select_n3A_1185 = arith.select %eq3A_1182, %gather3A_1181, %broadcast_in_dim3A_1184 : vector<16xi1>, vector<16xf32>
        %ge3A_1186 = arith.constant 13 : i32
        %ge3A_1187 = vector.broadcast %ge3A_1186 : i32 to vector<16xi32>
        %ge3A_1188 = arith.cmpi sge, %iota3A, %ge3A_1187 : vector<16xi32>
        %jit3A_1189 = arith.constant 0.000000e+00 : f32
        %broadcast_in_dim3A_1190 = vector.broadcast %jit3A_1189 : f32 to vector<16xf32>
        %select_n3A_1191 = arith.select %ge3A_1188, %select_n3A_1185, %broadcast_in_dim3A_1190 : vector<16xi1>, vector<16xf32>
        %gt3A_1192 = arith.constant 5.000000e-01 : f32
        %gt3A_1193 = vector.broadcast %gt3A_1192 : f32 to vector<16xf32>
        %gt3A_1194 = arith.cmpf ogt, %select_n3A_1191, %gt3A_1193 : vector<16xf32>
        %select_n3A_1195 = arith.select %gt3A_1194, %add3A_664, %mul3A_661 : vector<16xi1>, vector<16xi32>
        %add3A_1196 = arith.addi %add3A_1155, %select_n3A_1195 : vector<16xi32>
        %sub3A_1197 = arith.constant 14 : i32
        %sub3A_1198 = vector.broadcast %sub3A_1197 : i32 to vector<16xi32>
        %sub3A_1199 = arith.subi %iota3A, %sub3A_1198 : vector<16xi32>
        %and3A_1200 = arith.constant 15 : i32
        %and3A_1201 = vector.broadcast %and3A_1200 : i32 to vector<16xi32>
        %and3A_1202 = arith.andi %sub3A_1199, %and3A_1201 : vector<16xi32>
        %lt3A_1203 = arith.constant 0 : i32
        %lt3A_1204 = vector.broadcast %lt3A_1203 : i32 to vector<16xi32>
        %lt3A_1205 = arith.cmpi slt, %and3A_1202, %lt3A_1204 : vector<16xi32>
        %add3A_1206 = arith.constant 16 : i32
        %add3A_1207 = vector.broadcast %add3A_1206 : i32 to vector<16xi32>
        %add3A_1208 = arith.addi %and3A_1202, %add3A_1207 : vector<16xi32>
        %select_n3A_1209 = arith.select %lt3A_1205, %add3A_1208, %and3A_1202 : vector<16xi1>, vector<16xi32>
        %broadcast_in_dim3A_1210 = vector.shape_cast %select_n3A_1209 : vector<16xi32> to vector<16x1xi32>
        %gather3A_1211 = vector.shape_cast %broadcast_in_dim3A_1210 : vector<16x1xi32> to vector<16xi32>
        %gather3A_1212 = tpu.dynamic_gather %shift_right_arithmetic3A_657[%gather3A_1211] in [0] : vector<16xi32>, vector<16xi32> -> vector<16xi32>
        %lt3A_1213 = arith.constant 0 : i32
        %lt3A_1214 = vector.broadcast %lt3A_1213 : i32 to vector<16xi32>
        %lt3A_1215 = arith.cmpi slt, %and3A_1202, %lt3A_1214 : vector<16xi32>
        %add3A_1216 = arith.constant 16 : i32
        %add3A_1217 = vector.broadcast %add3A_1216 : i32 to vector<16xi32>
        %add3A_1218 = arith.addi %and3A_1202, %add3A_1217 : vector<16xi32>
        %select_n3A_1219 = arith.select %lt3A_1215, %add3A_1218, %and3A_1202 : vector<16xi1>, vector<16xi32>
        %broadcast_in_dim3A_1220 = vector.shape_cast %select_n3A_1219 : vector<16xi32> to vector<16x1xi32>
        %gather3A_1221 = vector.shape_cast %broadcast_in_dim3A_1220 : vector<16x1xi32> to vector<16xi32>
        %gather3A_1222 = tpu.dynamic_gather %get3A_654[%gather3A_1221] in [0] : vector<16xf32>, vector<16xi32> -> vector<16xf32>
        %eq3A_1223 = arith.cmpi eq, %shift_right_arithmetic3A_657, %gather3A_1212 : vector<16xi32>
        %jit3A_1224 = arith.constant 0.000000e+00 : f32
        %broadcast_in_dim3A_1225 = vector.broadcast %jit3A_1224 : f32 to vector<16xf32>
        %select_n3A_1226 = arith.select %eq3A_1223, %gather3A_1222, %broadcast_in_dim3A_1225 : vector<16xi1>, vector<16xf32>
        %ge3A_1227 = arith.constant 14 : i32
        %ge3A_1228 = vector.broadcast %ge3A_1227 : i32 to vector<16xi32>
        %ge3A_1229 = arith.cmpi sge, %iota3A, %ge3A_1228 : vector<16xi32>
        %jit3A_1230 = arith.constant 0.000000e+00 : f32
        %broadcast_in_dim3A_1231 = vector.broadcast %jit3A_1230 : f32 to vector<16xf32>
        %select_n3A_1232 = arith.select %ge3A_1229, %select_n3A_1226, %broadcast_in_dim3A_1231 : vector<16xi1>, vector<16xf32>
        %gt3A_1233 = arith.constant 5.000000e-01 : f32
        %gt3A_1234 = vector.broadcast %gt3A_1233 : f32 to vector<16xf32>
        %gt3A_1235 = arith.cmpf ogt, %select_n3A_1232, %gt3A_1234 : vector<16xf32>
        %select_n3A_1236 = arith.select %gt3A_1235, %add3A_664, %mul3A_661 : vector<16xi1>, vector<16xi32>
        %add3A_1237 = arith.addi %add3A_1196, %select_n3A_1236 : vector<16xi32>
        %sub3A_1238 = arith.constant 15 : i32
        %sub3A_1239 = vector.broadcast %sub3A_1238 : i32 to vector<16xi32>
        %sub3A_1240 = arith.subi %iota3A, %sub3A_1239 : vector<16xi32>
        %and3A_1241 = arith.constant 15 : i32
        %and3A_1242 = vector.broadcast %and3A_1241 : i32 to vector<16xi32>
        %and3A_1243 = arith.andi %sub3A_1240, %and3A_1242 : vector<16xi32>
        %lt3A_1244 = arith.constant 0 : i32
        %lt3A_1245 = vector.broadcast %lt3A_1244 : i32 to vector<16xi32>
        %lt3A_1246 = arith.cmpi slt, %and3A_1243, %lt3A_1245 : vector<16xi32>
        %add3A_1247 = arith.constant 16 : i32
        %add3A_1248 = vector.broadcast %add3A_1247 : i32 to vector<16xi32>
        %add3A_1249 = arith.addi %and3A_1243, %add3A_1248 : vector<16xi32>
        %select_n3A_1250 = arith.select %lt3A_1246, %add3A_1249, %and3A_1243 : vector<16xi1>, vector<16xi32>
        %broadcast_in_dim3A_1251 = vector.shape_cast %select_n3A_1250 : vector<16xi32> to vector<16x1xi32>
        %gather3A_1252 = vector.shape_cast %broadcast_in_dim3A_1251 : vector<16x1xi32> to vector<16xi32>
        %gather3A_1253 = tpu.dynamic_gather %shift_right_arithmetic3A_657[%gather3A_1252] in [0] : vector<16xi32>, vector<16xi32> -> vector<16xi32>
        %lt3A_1254 = arith.constant 0 : i32
        %lt3A_1255 = vector.broadcast %lt3A_1254 : i32 to vector<16xi32>
        %lt3A_1256 = arith.cmpi slt, %and3A_1243, %lt3A_1255 : vector<16xi32>
        %add3A_1257 = arith.constant 16 : i32
        %add3A_1258 = vector.broadcast %add3A_1257 : i32 to vector<16xi32>
        %add3A_1259 = arith.addi %and3A_1243, %add3A_1258 : vector<16xi32>
        %select_n3A_1260 = arith.select %lt3A_1256, %add3A_1259, %and3A_1243 : vector<16xi1>, vector<16xi32>
        %broadcast_in_dim3A_1261 = vector.shape_cast %select_n3A_1260 : vector<16xi32> to vector<16x1xi32>
        %gather3A_1262 = vector.shape_cast %broadcast_in_dim3A_1261 : vector<16x1xi32> to vector<16xi32>
        %gather3A_1263 = tpu.dynamic_gather %get3A_654[%gather3A_1262] in [0] : vector<16xf32>, vector<16xi32> -> vector<16xf32>
        %eq3A_1264 = arith.cmpi eq, %shift_right_arithmetic3A_657, %gather3A_1253 : vector<16xi32>
        %jit3A_1265 = arith.constant 0.000000e+00 : f32
        %broadcast_in_dim3A_1266 = vector.broadcast %jit3A_1265 : f32 to vector<16xf32>
        %select_n3A_1267 = arith.select %eq3A_1264, %gather3A_1263, %broadcast_in_dim3A_1266 : vector<16xi1>, vector<16xf32>
        %ge3A_1268 = arith.constant 15 : i32
        %ge3A_1269 = vector.broadcast %ge3A_1268 : i32 to vector<16xi32>
        %ge3A_1270 = arith.cmpi sge, %iota3A, %ge3A_1269 : vector<16xi32>
        %jit3A_1271 = arith.constant 0.000000e+00 : f32
        %broadcast_in_dim3A_1272 = vector.broadcast %jit3A_1271 : f32 to vector<16xf32>
        %select_n3A_1273 = arith.select %ge3A_1270, %select_n3A_1267, %broadcast_in_dim3A_1272 : vector<16xi1>, vector<16xf32>
        %gt3A_1274 = arith.constant 5.000000e-01 : f32
        %gt3A_1275 = vector.broadcast %gt3A_1274 : f32 to vector<16xf32>
        %gt3A_1276 = arith.cmpf ogt, %select_n3A_1273, %gt3A_1275 : vector<16xf32>
        %select_n3A_1277 = arith.select %gt3A_1276, %add3A_664, %mul3A_661 : vector<16xi1>, vector<16xi32>
        %add3A_1278 = arith.addi %add3A_1237, %select_n3A_1277 : vector<16xi32>
        %add3A_1279 = arith.addi %gather3A_658, %add3A_1278 : vector<16xi32>
        %lt3A_1280 = arith.constant 4 : i32
        %lt3A_1281 = vector.broadcast %lt3A_1280 : i32 to vector<16xi32>
        %lt3A_1282 = arith.cmpi slt, %add3A_1279, %lt3A_1281 : vector<16xi32>
        %select_n3A_1283 = arith.select %lt3A_1282, %get3A_654, %broadcast_in_dim3A_2 : vector<16xi1>, vector<16xf32>
        %add3A_1284 = arith.addi %shift_left3A_160, %add3A_1279 : vector<16xi32>
        %gt3A_1285 = arith.constant 5.000000e-01 : f32
        %gt3A_1286 = vector.broadcast %gt3A_1285 : f32 to vector<16xf32>
        %gt3A_1287 = arith.cmpf ogt, %select_n3A_1283, %gt3A_1286 : vector<16xf32>
        tpu.vector_store_idx %arg11[%add3A_1284], %gather3A masked %gt3A_1287 : memref<16400xf32, #tpu.memory_space<vmem>>[vector<16xi32>], vector<16xf32>, vector<16xi1>
        %add3A_1288 = arith.addi %shift_left3A_160, %add3A_1279 : vector<16xi32>
        %gt3A_1289 = arith.constant 5.000000e-01 : f32
        %gt3A_1290 = vector.broadcast %gt3A_1289 : f32 to vector<16xf32>
        %gt3A_1291 = arith.cmpf ogt, %select_n3A_1283, %gt3A_1290 : vector<16xf32>
        tpu.vector_store_idx %arg12[%add3A_1288], %gather3A_83 masked %gt3A_1291 : memref<16400xf32, #tpu.memory_space<vmem>>[vector<16xi32>], vector<16xf32>, vector<16xi1>
        %gt3A_1292 = arith.constant 5.000000e-01 : f32
        %gt3A_1293 = vector.broadcast %gt3A_1292 : f32 to vector<16xf32>
        %gt3A_1294 = arith.cmpf ogt, %get3A_654, %gt3A_1293 : vector<16xf32>
        tpu.vector_store_idx %arg17[%shift_right_arithmetic3A_657], %add3A_664 masked %gt3A_1294 {add = true} : memref<4096xi32, #tpu.memory_space<vmem>>[vector<16xi32>], vector<16xi32>, vector<16xi1>
        %sub3A_1295 = arith.subf %get3A_654, %select_n3A_1283 : vector<16xf32>
        %slice3A_1296 = vector.extract_strided_slice %sub3A_1295 {offsets = [0], sizes = [1], strides = [1]} : vector<16xf32> to vector<1xf32>
        %squeeze3A_1297 = vector.extract %slice3A_1296[0] : f32 from vector<1xf32>
        %slice3A_1298 = vector.extract_strided_slice %sub3A_1295 {offsets = [1], sizes = [1], strides = [1]} : vector<16xf32> to vector<1xf32>
        %squeeze3A_1299 = vector.extract %slice3A_1298[0] : f32 from vector<1xf32>
        %add3A_1300 = arith.addf %squeeze3A_1297, %squeeze3A_1299 : f32
        %slice3A_1301 = vector.extract_strided_slice %sub3A_1295 {offsets = [2], sizes = [1], strides = [1]} : vector<16xf32> to vector<1xf32>
        %squeeze3A_1302 = vector.extract %slice3A_1301[0] : f32 from vector<1xf32>
        %add3A_1303 = arith.addf %add3A_1300, %squeeze3A_1302 : f32
        %slice3A_1304 = vector.extract_strided_slice %sub3A_1295 {offsets = [3], sizes = [1], strides = [1]} : vector<16xf32> to vector<1xf32>
        %squeeze3A_1305 = vector.extract %slice3A_1304[0] : f32 from vector<1xf32>
        %add3A_1306 = arith.addf %add3A_1303, %squeeze3A_1305 : f32
        %slice3A_1307 = vector.extract_strided_slice %sub3A_1295 {offsets = [4], sizes = [1], strides = [1]} : vector<16xf32> to vector<1xf32>
        %squeeze3A_1308 = vector.extract %slice3A_1307[0] : f32 from vector<1xf32>
        %add3A_1309 = arith.addf %add3A_1306, %squeeze3A_1308 : f32
        %slice3A_1310 = vector.extract_strided_slice %sub3A_1295 {offsets = [5], sizes = [1], strides = [1]} : vector<16xf32> to vector<1xf32>
        %squeeze3A_1311 = vector.extract %slice3A_1310[0] : f32 from vector<1xf32>
        %add3A_1312 = arith.addf %add3A_1309, %squeeze3A_1311 : f32
        %slice3A_1313 = vector.extract_strided_slice %sub3A_1295 {offsets = [6], sizes = [1], strides = [1]} : vector<16xf32> to vector<1xf32>
        %squeeze3A_1314 = vector.extract %slice3A_1313[0] : f32 from vector<1xf32>
        %add3A_1315 = arith.addf %add3A_1312, %squeeze3A_1314 : f32
        %slice3A_1316 = vector.extract_strided_slice %sub3A_1295 {offsets = [7], sizes = [1], strides = [1]} : vector<16xf32> to vector<1xf32>
        %squeeze3A_1317 = vector.extract %slice3A_1316[0] : f32 from vector<1xf32>
        %add3A_1318 = arith.addf %add3A_1315, %squeeze3A_1317 : f32
        %slice3A_1319 = vector.extract_strided_slice %sub3A_1295 {offsets = [8], sizes = [1], strides = [1]} : vector<16xf32> to vector<1xf32>
        %squeeze3A_1320 = vector.extract %slice3A_1319[0] : f32 from vector<1xf32>
        %add3A_1321 = arith.addf %add3A_1318, %squeeze3A_1320 : f32
        %slice3A_1322 = vector.extract_strided_slice %sub3A_1295 {offsets = [9], sizes = [1], strides = [1]} : vector<16xf32> to vector<1xf32>
        %squeeze3A_1323 = vector.extract %slice3A_1322[0] : f32 from vector<1xf32>
        %add3A_1324 = arith.addf %add3A_1321, %squeeze3A_1323 : f32
        %slice3A_1325 = vector.extract_strided_slice %sub3A_1295 {offsets = [10], sizes = [1], strides = [1]} : vector<16xf32> to vector<1xf32>
        %squeeze3A_1326 = vector.extract %slice3A_1325[0] : f32 from vector<1xf32>
        %add3A_1327 = arith.addf %add3A_1324, %squeeze3A_1326 : f32
        %slice3A_1328 = vector.extract_strided_slice %sub3A_1295 {offsets = [11], sizes = [1], strides = [1]} : vector<16xf32> to vector<1xf32>
        %squeeze3A_1329 = vector.extract %slice3A_1328[0] : f32 from vector<1xf32>
        %add3A_1330 = arith.addf %add3A_1327, %squeeze3A_1329 : f32
        %slice3A_1331 = vector.extract_strided_slice %sub3A_1295 {offsets = [12], sizes = [1], strides = [1]} : vector<16xf32> to vector<1xf32>
        %squeeze3A_1332 = vector.extract %slice3A_1331[0] : f32 from vector<1xf32>
        %add3A_1333 = arith.addf %add3A_1330, %squeeze3A_1332 : f32
        %slice3A_1334 = vector.extract_strided_slice %sub3A_1295 {offsets = [13], sizes = [1], strides = [1]} : vector<16xf32> to vector<1xf32>
        %squeeze3A_1335 = vector.extract %slice3A_1334[0] : f32 from vector<1xf32>
        %add3A_1336 = arith.addf %add3A_1333, %squeeze3A_1335 : f32
        %slice3A_1337 = vector.extract_strided_slice %sub3A_1295 {offsets = [14], sizes = [1], strides = [1]} : vector<16xf32> to vector<1xf32>
        %squeeze3A_1338 = vector.extract %slice3A_1337[0] : f32 from vector<1xf32>
        %add3A_1339 = arith.addf %add3A_1336, %squeeze3A_1338 : f32
        %slice3A_1340 = vector.extract_strided_slice %sub3A_1295 {offsets = [15], sizes = [1], strides = [1]} : vector<16xf32> to vector<1xf32>
        %squeeze3A_1341 = vector.extract %slice3A_1340[0] : f32 from vector<1xf32>
        %add3A_1342 = arith.addf %add3A_1339, %squeeze3A_1341 : f32
        %gt3A_1343 = arith.constant 5.000000e-01 : f32
        %gt3A_1344 = arith.cmpf ogt, %add3A_1342, %gt3A_1343 : f32
        %convert_element_type3A_1345 = arith.extui %gt3A_1344 : i1 to i32
        %cond3A_1346 = arith.constant 0 : i32
        %cond3A_1347 = arith.cmpi ne, %convert_element_type3A_1345, %cond3A_1346 : i32
        scf.if %cond3A_1347 {
          %slice3A_1368 = vector.extract_strided_slice %sub3A_1295 {offsets = [0], sizes = [1], strides = [1]} : vector<16xf32> to vector<1xf32>
          %squeeze3A_1369 = vector.extract %slice3A_1368[0] : f32 from vector<1xf32>
          %gt3A_1370 = arith.constant 5.000000e-01 : f32
          %gt3A_1371 = arith.cmpf ogt, %squeeze3A_1369, %gt3A_1370 : f32
          %convert_element_type3A_1372 = arith.extui %gt3A_1371 : i1 to i32
          %cond3A_1373 = arith.constant 0 : i32
          %cond3A_1374 = arith.cmpi ne, %convert_element_type3A_1372, %cond3A_1373 : i32
          scf.if %cond3A_1374 {
            %get3A_1480 = arith.constant 0 : i32
            %get3A_1481 = arith.index_cast %get3A_1480 : i32 to index
            %get3A_1482 = memref.load %arg18[%get3A_1481] : memref<1xi32, #tpu.memory_space<smem>>
            %lt3A_1483 = arith.constant 256 : i32
            %lt3A_1484 = arith.cmpi slt, %get3A_1482, %lt3A_1483 : i32
            %convert_element_type3A_1485 = arith.extui %lt3A_1484 : i1 to i32
            %cond3A_1486 = arith.constant 0 : i32
            %cond3A_1487 = arith.cmpi ne, %convert_element_type3A_1485, %cond3A_1486 : i32
            scf.if %cond3A_1487 {
              %shift_right_arithmetic3A_1493 = arith.constant 4 : i32
              %shift_right_arithmetic3A_1494 = arith.shrsi %get3A_1482, %shift_right_arithmetic3A_1493 : i32
              %shift_left3A_1495 = arith.constant 4 : i32
              %shift_left3A_1496 = arith.shli %shift_right_arithmetic3A_1494, %shift_left3A_1495 : i32
              %sub3A_1497 = arith.subi %get3A_1482, %shift_left3A_1496 : i32
              %eq3A_1498 = vector.broadcast %sub3A_1497 : i32 to vector<16xi32>
              %eq3A_1499 = arith.cmpi eq, %iota3A, %eq3A_1498 : vector<16xi32>
              %slice3A_1500 = vector.extract_strided_slice %gather3A {offsets = [0], sizes = [1], strides = [1]} : vector<16xf32> to vector<1xf32>
              %squeeze3A_1501 = vector.extract %slice3A_1500[0] : f32 from vector<1xf32>
              %get3A_1502 = arith.index_cast %shift_left3A_1496 : i32 to index
              %get3A_1503 = tpu.vector_load %arg13[%get3A_1502] {strides = array<i32>} : memref<272xf32, #tpu.memory_space<vmem>>, vector<16xf32>,
              %broadcast_in_dim3A_1504 = vector.broadcast %squeeze3A_1501 : f32 to vector<16xf32>
              %select_n3A_1505 = arith.select %eq3A_1499, %broadcast_in_dim3A_1504, %get3A_1503 : vector<16xi1>, vector<16xf32>
              %swap3A_1506 = arith.index_cast %shift_left3A_1496 : i32 to index
              %swap3A_1507 = tpu.vector_load %arg13[%swap3A_1506] {strides = array<i32>} : memref<272xf32, #tpu.memory_space<vmem>>, vector<16xf32>,
              tpu.vector_store %arg13[%swap3A_1506], %select_n3A_1505 {strides = array<i32>} : memref<272xf32, #tpu.memory_space<vmem>>, vector<16xf32>,
              %eq3A_1508 = vector.broadcast %sub3A_1497 : i32 to vector<16xi32>
              %eq3A_1509 = arith.cmpi eq, %iota3A, %eq3A_1508 : vector<16xi32>
              %slice3A_1510 = vector.extract_strided_slice %gather3A_83 {offsets = [0], sizes = [1], strides = [1]} : vector<16xf32> to vector<1xf32>
              %squeeze3A_1511 = vector.extract %slice3A_1510[0] : f32 from vector<1xf32>
              %get3A_1512 = arith.index_cast %shift_left3A_1496 : i32 to index
              %get3A_1513 = tpu.vector_load %arg14[%get3A_1512] {strides = array<i32>} : memref<272xf32, #tpu.memory_space<vmem>>, vector<16xf32>,
              %broadcast_in_dim3A_1514 = vector.broadcast %squeeze3A_1511 : f32 to vector<16xf32>
              %select_n3A_1515 = arith.select %eq3A_1509, %broadcast_in_dim3A_1514, %get3A_1513 : vector<16xi1>, vector<16xf32>
              %swap3A_1516 = arith.index_cast %shift_left3A_1496 : i32 to index
              %swap3A_1517 = tpu.vector_load %arg14[%swap3A_1516] {strides = array<i32>} : memref<272xf32, #tpu.memory_space<vmem>>, vector<16xf32>,
              tpu.vector_store %arg14[%swap3A_1516], %select_n3A_1515 {strides = array<i32>} : memref<272xf32, #tpu.memory_space<vmem>>, vector<16xf32>,
            } else {
            }
            %add3A_1488 = arith.constant 1 : i32
            %add3A_1489 = arith.addi %get3A_1482, %add3A_1488 : i32
            %swap3A_1490 = arith.constant 0 : i32
            %swap3A_1491 = arith.index_cast %swap3A_1490 : i32 to index
            %swap3A_1492 = memref.load %arg18[%swap3A_1491] : memref<1xi32, #tpu.memory_space<smem>>
            memref.store %add3A_1489, %arg18[%swap3A_1491] : memref<1xi32, #tpu.memory_space<smem>>
          } else {
          }
          %slice3A_1375 = vector.extract_strided_slice %sub3A_1295 {offsets = [1], sizes = [1], strides = [1]} : vector<16xf32> to vector<1xf32>
          %squeeze3A_1376 = vector.extract %slice3A_1375[0] : f32 from vector<1xf32>
          %gt3A_1377 = arith.constant 5.000000e-01 : f32
          %gt3A_1378 = arith.cmpf ogt, %squeeze3A_1376, %gt3A_1377 : f32
          %convert_element_type3A_1379 = arith.extui %gt3A_1378 : i1 to i32
          %cond3A_1380 = arith.constant 0 : i32
          %cond3A_1381 = arith.cmpi ne, %convert_element_type3A_1379, %cond3A_1380 : i32
          scf.if %cond3A_1381 {
            %get3A_1480 = arith.constant 0 : i32
            %get3A_1481 = arith.index_cast %get3A_1480 : i32 to index
            %get3A_1482 = memref.load %arg18[%get3A_1481] : memref<1xi32, #tpu.memory_space<smem>>
            %lt3A_1483 = arith.constant 256 : i32
            %lt3A_1484 = arith.cmpi slt, %get3A_1482, %lt3A_1483 : i32
            %convert_element_type3A_1485 = arith.extui %lt3A_1484 : i1 to i32
            %cond3A_1486 = arith.constant 0 : i32
            %cond3A_1487 = arith.cmpi ne, %convert_element_type3A_1485, %cond3A_1486 : i32
            scf.if %cond3A_1487 {
              %shift_right_arithmetic3A_1493 = arith.constant 4 : i32
              %shift_right_arithmetic3A_1494 = arith.shrsi %get3A_1482, %shift_right_arithmetic3A_1493 : i32
              %shift_left3A_1495 = arith.constant 4 : i32
              %shift_left3A_1496 = arith.shli %shift_right_arithmetic3A_1494, %shift_left3A_1495 : i32
              %sub3A_1497 = arith.subi %get3A_1482, %shift_left3A_1496 : i32
              %eq3A_1498 = vector.broadcast %sub3A_1497 : i32 to vector<16xi32>
              %eq3A_1499 = arith.cmpi eq, %iota3A, %eq3A_1498 : vector<16xi32>
              %slice3A_1500 = vector.extract_strided_slice %gather3A {offsets = [1], sizes = [1], strides = [1]} : vector<16xf32> to vector<1xf32>
              %squeeze3A_1501 = vector.extract %slice3A_1500[0] : f32 from vector<1xf32>
              %get3A_1502 = arith.index_cast %shift_left3A_1496 : i32 to index
              %get3A_1503 = tpu.vector_load %arg13[%get3A_1502] {strides = array<i32>} : memref<272xf32, #tpu.memory_space<vmem>>, vector<16xf32>,
              %broadcast_in_dim3A_1504 = vector.broadcast %squeeze3A_1501 : f32 to vector<16xf32>
              %select_n3A_1505 = arith.select %eq3A_1499, %broadcast_in_dim3A_1504, %get3A_1503 : vector<16xi1>, vector<16xf32>
              %swap3A_1506 = arith.index_cast %shift_left3A_1496 : i32 to index
              %swap3A_1507 = tpu.vector_load %arg13[%swap3A_1506] {strides = array<i32>} : memref<272xf32, #tpu.memory_space<vmem>>, vector<16xf32>,
              tpu.vector_store %arg13[%swap3A_1506], %select_n3A_1505 {strides = array<i32>} : memref<272xf32, #tpu.memory_space<vmem>>, vector<16xf32>,
              %eq3A_1508 = vector.broadcast %sub3A_1497 : i32 to vector<16xi32>
              %eq3A_1509 = arith.cmpi eq, %iota3A, %eq3A_1508 : vector<16xi32>
              %slice3A_1510 = vector.extract_strided_slice %gather3A_83 {offsets = [1], sizes = [1], strides = [1]} : vector<16xf32> to vector<1xf32>
              %squeeze3A_1511 = vector.extract %slice3A_1510[0] : f32 from vector<1xf32>
              %get3A_1512 = arith.index_cast %shift_left3A_1496 : i32 to index
              %get3A_1513 = tpu.vector_load %arg14[%get3A_1512] {strides = array<i32>} : memref<272xf32, #tpu.memory_space<vmem>>, vector<16xf32>,
              %broadcast_in_dim3A_1514 = vector.broadcast %squeeze3A_1511 : f32 to vector<16xf32>
              %select_n3A_1515 = arith.select %eq3A_1509, %broadcast_in_dim3A_1514, %get3A_1513 : vector<16xi1>, vector<16xf32>
              %swap3A_1516 = arith.index_cast %shift_left3A_1496 : i32 to index
              %swap3A_1517 = tpu.vector_load %arg14[%swap3A_1516] {strides = array<i32>} : memref<272xf32, #tpu.memory_space<vmem>>, vector<16xf32>,
              tpu.vector_store %arg14[%swap3A_1516], %select_n3A_1515 {strides = array<i32>} : memref<272xf32, #tpu.memory_space<vmem>>, vector<16xf32>,
            } else {
            }
            %add3A_1488 = arith.constant 1 : i32
            %add3A_1489 = arith.addi %get3A_1482, %add3A_1488 : i32
            %swap3A_1490 = arith.constant 0 : i32
            %swap3A_1491 = arith.index_cast %swap3A_1490 : i32 to index
            %swap3A_1492 = memref.load %arg18[%swap3A_1491] : memref<1xi32, #tpu.memory_space<smem>>
            memref.store %add3A_1489, %arg18[%swap3A_1491] : memref<1xi32, #tpu.memory_space<smem>>
          } else {
          }
          %slice3A_1382 = vector.extract_strided_slice %sub3A_1295 {offsets = [2], sizes = [1], strides = [1]} : vector<16xf32> to vector<1xf32>
          %squeeze3A_1383 = vector.extract %slice3A_1382[0] : f32 from vector<1xf32>
          %gt3A_1384 = arith.constant 5.000000e-01 : f32
          %gt3A_1385 = arith.cmpf ogt, %squeeze3A_1383, %gt3A_1384 : f32
          %convert_element_type3A_1386 = arith.extui %gt3A_1385 : i1 to i32
          %cond3A_1387 = arith.constant 0 : i32
          %cond3A_1388 = arith.cmpi ne, %convert_element_type3A_1386, %cond3A_1387 : i32
          scf.if %cond3A_1388 {
            %get3A_1480 = arith.constant 0 : i32
            %get3A_1481 = arith.index_cast %get3A_1480 : i32 to index
            %get3A_1482 = memref.load %arg18[%get3A_1481] : memref<1xi32, #tpu.memory_space<smem>>
            %lt3A_1483 = arith.constant 256 : i32
            %lt3A_1484 = arith.cmpi slt, %get3A_1482, %lt3A_1483 : i32
            %convert_element_type3A_1485 = arith.extui %lt3A_1484 : i1 to i32
            %cond3A_1486 = arith.constant 0 : i32
            %cond3A_1487 = arith.cmpi ne, %convert_element_type3A_1485, %cond3A_1486 : i32
            scf.if %cond3A_1487 {
              %shift_right_arithmetic3A_1493 = arith.constant 4 : i32
              %shift_right_arithmetic3A_1494 = arith.shrsi %get3A_1482, %shift_right_arithmetic3A_1493 : i32
              %shift_left3A_1495 = arith.constant 4 : i32
              %shift_left3A_1496 = arith.shli %shift_right_arithmetic3A_1494, %shift_left3A_1495 : i32
              %sub3A_1497 = arith.subi %get3A_1482, %shift_left3A_1496 : i32
              %eq3A_1498 = vector.broadcast %sub3A_1497 : i32 to vector<16xi32>
              %eq3A_1499 = arith.cmpi eq, %iota3A, %eq3A_1498 : vector<16xi32>
              %slice3A_1500 = vector.extract_strided_slice %gather3A {offsets = [2], sizes = [1], strides = [1]} : vector<16xf32> to vector<1xf32>
              %squeeze3A_1501 = vector.extract %slice3A_1500[0] : f32 from vector<1xf32>
              %get3A_1502 = arith.index_cast %shift_left3A_1496 : i32 to index
              %get3A_1503 = tpu.vector_load %arg13[%get3A_1502] {strides = array<i32>} : memref<272xf32, #tpu.memory_space<vmem>>, vector<16xf32>,
              %broadcast_in_dim3A_1504 = vector.broadcast %squeeze3A_1501 : f32 to vector<16xf32>
              %select_n3A_1505 = arith.select %eq3A_1499, %broadcast_in_dim3A_1504, %get3A_1503 : vector<16xi1>, vector<16xf32>
              %swap3A_1506 = arith.index_cast %shift_left3A_1496 : i32 to index
              %swap3A_1507 = tpu.vector_load %arg13[%swap3A_1506] {strides = array<i32>} : memref<272xf32, #tpu.memory_space<vmem>>, vector<16xf32>,
              tpu.vector_store %arg13[%swap3A_1506], %select_n3A_1505 {strides = array<i32>} : memref<272xf32, #tpu.memory_space<vmem>>, vector<16xf32>,
              %eq3A_1508 = vector.broadcast %sub3A_1497 : i32 to vector<16xi32>
              %eq3A_1509 = arith.cmpi eq, %iota3A, %eq3A_1508 : vector<16xi32>
              %slice3A_1510 = vector.extract_strided_slice %gather3A_83 {offsets = [2], sizes = [1], strides = [1]} : vector<16xf32> to vector<1xf32>
              %squeeze3A_1511 = vector.extract %slice3A_1510[0] : f32 from vector<1xf32>
              %get3A_1512 = arith.index_cast %shift_left3A_1496 : i32 to index
              %get3A_1513 = tpu.vector_load %arg14[%get3A_1512] {strides = array<i32>} : memref<272xf32, #tpu.memory_space<vmem>>, vector<16xf32>,
              %broadcast_in_dim3A_1514 = vector.broadcast %squeeze3A_1511 : f32 to vector<16xf32>
              %select_n3A_1515 = arith.select %eq3A_1509, %broadcast_in_dim3A_1514, %get3A_1513 : vector<16xi1>, vector<16xf32>
              %swap3A_1516 = arith.index_cast %shift_left3A_1496 : i32 to index
              %swap3A_1517 = tpu.vector_load %arg14[%swap3A_1516] {strides = array<i32>} : memref<272xf32, #tpu.memory_space<vmem>>, vector<16xf32>,
              tpu.vector_store %arg14[%swap3A_1516], %select_n3A_1515 {strides = array<i32>} : memref<272xf32, #tpu.memory_space<vmem>>, vector<16xf32>,
            } else {
            }
            %add3A_1488 = arith.constant 1 : i32
            %add3A_1489 = arith.addi %get3A_1482, %add3A_1488 : i32
            %swap3A_1490 = arith.constant 0 : i32
            %swap3A_1491 = arith.index_cast %swap3A_1490 : i32 to index
            %swap3A_1492 = memref.load %arg18[%swap3A_1491] : memref<1xi32, #tpu.memory_space<smem>>
            memref.store %add3A_1489, %arg18[%swap3A_1491] : memref<1xi32, #tpu.memory_space<smem>>
          } else {
          }
          %slice3A_1389 = vector.extract_strided_slice %sub3A_1295 {offsets = [3], sizes = [1], strides = [1]} : vector<16xf32> to vector<1xf32>
          %squeeze3A_1390 = vector.extract %slice3A_1389[0] : f32 from vector<1xf32>
          %gt3A_1391 = arith.constant 5.000000e-01 : f32
          %gt3A_1392 = arith.cmpf ogt, %squeeze3A_1390, %gt3A_1391 : f32
          %convert_element_type3A_1393 = arith.extui %gt3A_1392 : i1 to i32
          %cond3A_1394 = arith.constant 0 : i32
          %cond3A_1395 = arith.cmpi ne, %convert_element_type3A_1393, %cond3A_1394 : i32
          scf.if %cond3A_1395 {
            %get3A_1480 = arith.constant 0 : i32
            %get3A_1481 = arith.index_cast %get3A_1480 : i32 to index
            %get3A_1482 = memref.load %arg18[%get3A_1481] : memref<1xi32, #tpu.memory_space<smem>>
            %lt3A_1483 = arith.constant 256 : i32
            %lt3A_1484 = arith.cmpi slt, %get3A_1482, %lt3A_1483 : i32
            %convert_element_type3A_1485 = arith.extui %lt3A_1484 : i1 to i32
            %cond3A_1486 = arith.constant 0 : i32
            %cond3A_1487 = arith.cmpi ne, %convert_element_type3A_1485, %cond3A_1486 : i32
            scf.if %cond3A_1487 {
              %shift_right_arithmetic3A_1493 = arith.constant 4 : i32
              %shift_right_arithmetic3A_1494 = arith.shrsi %get3A_1482, %shift_right_arithmetic3A_1493 : i32
              %shift_left3A_1495 = arith.constant 4 : i32
              %shift_left3A_1496 = arith.shli %shift_right_arithmetic3A_1494, %shift_left3A_1495 : i32
              %sub3A_1497 = arith.subi %get3A_1482, %shift_left3A_1496 : i32
              %eq3A_1498 = vector.broadcast %sub3A_1497 : i32 to vector<16xi32>
              %eq3A_1499 = arith.cmpi eq, %iota3A, %eq3A_1498 : vector<16xi32>
              %slice3A_1500 = vector.extract_strided_slice %gather3A {offsets = [3], sizes = [1], strides = [1]} : vector<16xf32> to vector<1xf32>
              %squeeze3A_1501 = vector.extract %slice3A_1500[0] : f32 from vector<1xf32>
              %get3A_1502 = arith.index_cast %shift_left3A_1496 : i32 to index
              %get3A_1503 = tpu.vector_load %arg13[%get3A_1502] {strides = array<i32>} : memref<272xf32, #tpu.memory_space<vmem>>, vector<16xf32>,
              %broadcast_in_dim3A_1504 = vector.broadcast %squeeze3A_1501 : f32 to vector<16xf32>
              %select_n3A_1505 = arith.select %eq3A_1499, %broadcast_in_dim3A_1504, %get3A_1503 : vector<16xi1>, vector<16xf32>
              %swap3A_1506 = arith.index_cast %shift_left3A_1496 : i32 to index
              %swap3A_1507 = tpu.vector_load %arg13[%swap3A_1506] {strides = array<i32>} : memref<272xf32, #tpu.memory_space<vmem>>, vector<16xf32>,
              tpu.vector_store %arg13[%swap3A_1506], %select_n3A_1505 {strides = array<i32>} : memref<272xf32, #tpu.memory_space<vmem>>, vector<16xf32>,
              %eq3A_1508 = vector.broadcast %sub3A_1497 : i32 to vector<16xi32>
              %eq3A_1509 = arith.cmpi eq, %iota3A, %eq3A_1508 : vector<16xi32>
              %slice3A_1510 = vector.extract_strided_slice %gather3A_83 {offsets = [3], sizes = [1], strides = [1]} : vector<16xf32> to vector<1xf32>
              %squeeze3A_1511 = vector.extract %slice3A_1510[0] : f32 from vector<1xf32>
              %get3A_1512 = arith.index_cast %shift_left3A_1496 : i32 to index
              %get3A_1513 = tpu.vector_load %arg14[%get3A_1512] {strides = array<i32>} : memref<272xf32, #tpu.memory_space<vmem>>, vector<16xf32>,
              %broadcast_in_dim3A_1514 = vector.broadcast %squeeze3A_1511 : f32 to vector<16xf32>
              %select_n3A_1515 = arith.select %eq3A_1509, %broadcast_in_dim3A_1514, %get3A_1513 : vector<16xi1>, vector<16xf32>
              %swap3A_1516 = arith.index_cast %shift_left3A_1496 : i32 to index
              %swap3A_1517 = tpu.vector_load %arg14[%swap3A_1516] {strides = array<i32>} : memref<272xf32, #tpu.memory_space<vmem>>, vector<16xf32>,
              tpu.vector_store %arg14[%swap3A_1516], %select_n3A_1515 {strides = array<i32>} : memref<272xf32, #tpu.memory_space<vmem>>, vector<16xf32>,
            } else {
            }
            %add3A_1488 = arith.constant 1 : i32
            %add3A_1489 = arith.addi %get3A_1482, %add3A_1488 : i32
            %swap3A_1490 = arith.constant 0 : i32
            %swap3A_1491 = arith.index_cast %swap3A_1490 : i32 to index
            %swap3A_1492 = memref.load %arg18[%swap3A_1491] : memref<1xi32, #tpu.memory_space<smem>>
            memref.store %add3A_1489, %arg18[%swap3A_1491] : memref<1xi32, #tpu.memory_space<smem>>
          } else {
          }
          %slice3A_1396 = vector.extract_strided_slice %sub3A_1295 {offsets = [4], sizes = [1], strides = [1]} : vector<16xf32> to vector<1xf32>
          %squeeze3A_1397 = vector.extract %slice3A_1396[0] : f32 from vector<1xf32>
          %gt3A_1398 = arith.constant 5.000000e-01 : f32
          %gt3A_1399 = arith.cmpf ogt, %squeeze3A_1397, %gt3A_1398 : f32
          %convert_element_type3A_1400 = arith.extui %gt3A_1399 : i1 to i32
          %cond3A_1401 = arith.constant 0 : i32
          %cond3A_1402 = arith.cmpi ne, %convert_element_type3A_1400, %cond3A_1401 : i32
          scf.if %cond3A_1402 {
            %get3A_1480 = arith.constant 0 : i32
            %get3A_1481 = arith.index_cast %get3A_1480 : i32 to index
            %get3A_1482 = memref.load %arg18[%get3A_1481] : memref<1xi32, #tpu.memory_space<smem>>
            %lt3A_1483 = arith.constant 256 : i32
            %lt3A_1484 = arith.cmpi slt, %get3A_1482, %lt3A_1483 : i32
            %convert_element_type3A_1485 = arith.extui %lt3A_1484 : i1 to i32
            %cond3A_1486 = arith.constant 0 : i32
            %cond3A_1487 = arith.cmpi ne, %convert_element_type3A_1485, %cond3A_1486 : i32
            scf.if %cond3A_1487 {
              %shift_right_arithmetic3A_1493 = arith.constant 4 : i32
              %shift_right_arithmetic3A_1494 = arith.shrsi %get3A_1482, %shift_right_arithmetic3A_1493 : i32
              %shift_left3A_1495 = arith.constant 4 : i32
              %shift_left3A_1496 = arith.shli %shift_right_arithmetic3A_1494, %shift_left3A_1495 : i32
              %sub3A_1497 = arith.subi %get3A_1482, %shift_left3A_1496 : i32
              %eq3A_1498 = vector.broadcast %sub3A_1497 : i32 to vector<16xi32>
              %eq3A_1499 = arith.cmpi eq, %iota3A, %eq3A_1498 : vector<16xi32>
              %slice3A_1500 = vector.extract_strided_slice %gather3A {offsets = [4], sizes = [1], strides = [1]} : vector<16xf32> to vector<1xf32>
              %squeeze3A_1501 = vector.extract %slice3A_1500[0] : f32 from vector<1xf32>
              %get3A_1502 = arith.index_cast %shift_left3A_1496 : i32 to index
              %get3A_1503 = tpu.vector_load %arg13[%get3A_1502] {strides = array<i32>} : memref<272xf32, #tpu.memory_space<vmem>>, vector<16xf32>,
              %broadcast_in_dim3A_1504 = vector.broadcast %squeeze3A_1501 : f32 to vector<16xf32>
              %select_n3A_1505 = arith.select %eq3A_1499, %broadcast_in_dim3A_1504, %get3A_1503 : vector<16xi1>, vector<16xf32>
              %swap3A_1506 = arith.index_cast %shift_left3A_1496 : i32 to index
              %swap3A_1507 = tpu.vector_load %arg13[%swap3A_1506] {strides = array<i32>} : memref<272xf32, #tpu.memory_space<vmem>>, vector<16xf32>,
              tpu.vector_store %arg13[%swap3A_1506], %select_n3A_1505 {strides = array<i32>} : memref<272xf32, #tpu.memory_space<vmem>>, vector<16xf32>,
              %eq3A_1508 = vector.broadcast %sub3A_1497 : i32 to vector<16xi32>
              %eq3A_1509 = arith.cmpi eq, %iota3A, %eq3A_1508 : vector<16xi32>
              %slice3A_1510 = vector.extract_strided_slice %gather3A_83 {offsets = [4], sizes = [1], strides = [1]} : vector<16xf32> to vector<1xf32>
              %squeeze3A_1511 = vector.extract %slice3A_1510[0] : f32 from vector<1xf32>
              %get3A_1512 = arith.index_cast %shift_left3A_1496 : i32 to index
              %get3A_1513 = tpu.vector_load %arg14[%get3A_1512] {strides = array<i32>} : memref<272xf32, #tpu.memory_space<vmem>>, vector<16xf32>,
              %broadcast_in_dim3A_1514 = vector.broadcast %squeeze3A_1511 : f32 to vector<16xf32>
              %select_n3A_1515 = arith.select %eq3A_1509, %broadcast_in_dim3A_1514, %get3A_1513 : vector<16xi1>, vector<16xf32>
              %swap3A_1516 = arith.index_cast %shift_left3A_1496 : i32 to index
              %swap3A_1517 = tpu.vector_load %arg14[%swap3A_1516] {strides = array<i32>} : memref<272xf32, #tpu.memory_space<vmem>>, vector<16xf32>,
              tpu.vector_store %arg14[%swap3A_1516], %select_n3A_1515 {strides = array<i32>} : memref<272xf32, #tpu.memory_space<vmem>>, vector<16xf32>,
            } else {
            }
            %add3A_1488 = arith.constant 1 : i32
            %add3A_1489 = arith.addi %get3A_1482, %add3A_1488 : i32
            %swap3A_1490 = arith.constant 0 : i32
            %swap3A_1491 = arith.index_cast %swap3A_1490 : i32 to index
            %swap3A_1492 = memref.load %arg18[%swap3A_1491] : memref<1xi32, #tpu.memory_space<smem>>
            memref.store %add3A_1489, %arg18[%swap3A_1491] : memref<1xi32, #tpu.memory_space<smem>>
          } else {
          }
          %slice3A_1403 = vector.extract_strided_slice %sub3A_1295 {offsets = [5], sizes = [1], strides = [1]} : vector<16xf32> to vector<1xf32>
          %squeeze3A_1404 = vector.extract %slice3A_1403[0] : f32 from vector<1xf32>
          %gt3A_1405 = arith.constant 5.000000e-01 : f32
          %gt3A_1406 = arith.cmpf ogt, %squeeze3A_1404, %gt3A_1405 : f32
          %convert_element_type3A_1407 = arith.extui %gt3A_1406 : i1 to i32
          %cond3A_1408 = arith.constant 0 : i32
          %cond3A_1409 = arith.cmpi ne, %convert_element_type3A_1407, %cond3A_1408 : i32
          scf.if %cond3A_1409 {
            %get3A_1480 = arith.constant 0 : i32
            %get3A_1481 = arith.index_cast %get3A_1480 : i32 to index
            %get3A_1482 = memref.load %arg18[%get3A_1481] : memref<1xi32, #tpu.memory_space<smem>>
            %lt3A_1483 = arith.constant 256 : i32
            %lt3A_1484 = arith.cmpi slt, %get3A_1482, %lt3A_1483 : i32
            %convert_element_type3A_1485 = arith.extui %lt3A_1484 : i1 to i32
            %cond3A_1486 = arith.constant 0 : i32
            %cond3A_1487 = arith.cmpi ne, %convert_element_type3A_1485, %cond3A_1486 : i32
            scf.if %cond3A_1487 {
              %shift_right_arithmetic3A_1493 = arith.constant 4 : i32
              %shift_right_arithmetic3A_1494 = arith.shrsi %get3A_1482, %shift_right_arithmetic3A_1493 : i32
              %shift_left3A_1495 = arith.constant 4 : i32
              %shift_left3A_1496 = arith.shli %shift_right_arithmetic3A_1494, %shift_left3A_1495 : i32
              %sub3A_1497 = arith.subi %get3A_1482, %shift_left3A_1496 : i32
              %eq3A_1498 = vector.broadcast %sub3A_1497 : i32 to vector<16xi32>
              %eq3A_1499 = arith.cmpi eq, %iota3A, %eq3A_1498 : vector<16xi32>
              %slice3A_1500 = vector.extract_strided_slice %gather3A {offsets = [5], sizes = [1], strides = [1]} : vector<16xf32> to vector<1xf32>
              %squeeze3A_1501 = vector.extract %slice3A_1500[0] : f32 from vector<1xf32>
              %get3A_1502 = arith.index_cast %shift_left3A_1496 : i32 to index
              %get3A_1503 = tpu.vector_load %arg13[%get3A_1502] {strides = array<i32>} : memref<272xf32, #tpu.memory_space<vmem>>, vector<16xf32>,
              %broadcast_in_dim3A_1504 = vector.broadcast %squeeze3A_1501 : f32 to vector<16xf32>
              %select_n3A_1505 = arith.select %eq3A_1499, %broadcast_in_dim3A_1504, %get3A_1503 : vector<16xi1>, vector<16xf32>
              %swap3A_1506 = arith.index_cast %shift_left3A_1496 : i32 to index
              %swap3A_1507 = tpu.vector_load %arg13[%swap3A_1506] {strides = array<i32>} : memref<272xf32, #tpu.memory_space<vmem>>, vector<16xf32>,
              tpu.vector_store %arg13[%swap3A_1506], %select_n3A_1505 {strides = array<i32>} : memref<272xf32, #tpu.memory_space<vmem>>, vector<16xf32>,
              %eq3A_1508 = vector.broadcast %sub3A_1497 : i32 to vector<16xi32>
              %eq3A_1509 = arith.cmpi eq, %iota3A, %eq3A_1508 : vector<16xi32>
              %slice3A_1510 = vector.extract_strided_slice %gather3A_83 {offsets = [5], sizes = [1], strides = [1]} : vector<16xf32> to vector<1xf32>
              %squeeze3A_1511 = vector.extract %slice3A_1510[0] : f32 from vector<1xf32>
              %get3A_1512 = arith.index_cast %shift_left3A_1496 : i32 to index
              %get3A_1513 = tpu.vector_load %arg14[%get3A_1512] {strides = array<i32>} : memref<272xf32, #tpu.memory_space<vmem>>, vector<16xf32>,
              %broadcast_in_dim3A_1514 = vector.broadcast %squeeze3A_1511 : f32 to vector<16xf32>
              %select_n3A_1515 = arith.select %eq3A_1509, %broadcast_in_dim3A_1514, %get3A_1513 : vector<16xi1>, vector<16xf32>
              %swap3A_1516 = arith.index_cast %shift_left3A_1496 : i32 to index
              %swap3A_1517 = tpu.vector_load %arg14[%swap3A_1516] {strides = array<i32>} : memref<272xf32, #tpu.memory_space<vmem>>, vector<16xf32>,
              tpu.vector_store %arg14[%swap3A_1516], %select_n3A_1515 {strides = array<i32>} : memref<272xf32, #tpu.memory_space<vmem>>, vector<16xf32>,
            } else {
            }
            %add3A_1488 = arith.constant 1 : i32
            %add3A_1489 = arith.addi %get3A_1482, %add3A_1488 : i32
            %swap3A_1490 = arith.constant 0 : i32
            %swap3A_1491 = arith.index_cast %swap3A_1490 : i32 to index
            %swap3A_1492 = memref.load %arg18[%swap3A_1491] : memref<1xi32, #tpu.memory_space<smem>>
            memref.store %add3A_1489, %arg18[%swap3A_1491] : memref<1xi32, #tpu.memory_space<smem>>
          } else {
          }
          %slice3A_1410 = vector.extract_strided_slice %sub3A_1295 {offsets = [6], sizes = [1], strides = [1]} : vector<16xf32> to vector<1xf32>
          %squeeze3A_1411 = vector.extract %slice3A_1410[0] : f32 from vector<1xf32>
          %gt3A_1412 = arith.constant 5.000000e-01 : f32
          %gt3A_1413 = arith.cmpf ogt, %squeeze3A_1411, %gt3A_1412 : f32
          %convert_element_type3A_1414 = arith.extui %gt3A_1413 : i1 to i32
          %cond3A_1415 = arith.constant 0 : i32
          %cond3A_1416 = arith.cmpi ne, %convert_element_type3A_1414, %cond3A_1415 : i32
          scf.if %cond3A_1416 {
            %get3A_1480 = arith.constant 0 : i32
            %get3A_1481 = arith.index_cast %get3A_1480 : i32 to index
            %get3A_1482 = memref.load %arg18[%get3A_1481] : memref<1xi32, #tpu.memory_space<smem>>
            %lt3A_1483 = arith.constant 256 : i32
            %lt3A_1484 = arith.cmpi slt, %get3A_1482, %lt3A_1483 : i32
            %convert_element_type3A_1485 = arith.extui %lt3A_1484 : i1 to i32
            %cond3A_1486 = arith.constant 0 : i32
            %cond3A_1487 = arith.cmpi ne, %convert_element_type3A_1485, %cond3A_1486 : i32
            scf.if %cond3A_1487 {
              %shift_right_arithmetic3A_1493 = arith.constant 4 : i32
              %shift_right_arithmetic3A_1494 = arith.shrsi %get3A_1482, %shift_right_arithmetic3A_1493 : i32
              %shift_left3A_1495 = arith.constant 4 : i32
              %shift_left3A_1496 = arith.shli %shift_right_arithmetic3A_1494, %shift_left3A_1495 : i32
              %sub3A_1497 = arith.subi %get3A_1482, %shift_left3A_1496 : i32
              %eq3A_1498 = vector.broadcast %sub3A_1497 : i32 to vector<16xi32>
              %eq3A_1499 = arith.cmpi eq, %iota3A, %eq3A_1498 : vector<16xi32>
              %slice3A_1500 = vector.extract_strided_slice %gather3A {offsets = [6], sizes = [1], strides = [1]} : vector<16xf32> to vector<1xf32>
              %squeeze3A_1501 = vector.extract %slice3A_1500[0] : f32 from vector<1xf32>
              %get3A_1502 = arith.index_cast %shift_left3A_1496 : i32 to index
              %get3A_1503 = tpu.vector_load %arg13[%get3A_1502] {strides = array<i32>} : memref<272xf32, #tpu.memory_space<vmem>>, vector<16xf32>,
              %broadcast_in_dim3A_1504 = vector.broadcast %squeeze3A_1501 : f32 to vector<16xf32>
              %select_n3A_1505 = arith.select %eq3A_1499, %broadcast_in_dim3A_1504, %get3A_1503 : vector<16xi1>, vector<16xf32>
              %swap3A_1506 = arith.index_cast %shift_left3A_1496 : i32 to index
              %swap3A_1507 = tpu.vector_load %arg13[%swap3A_1506] {strides = array<i32>} : memref<272xf32, #tpu.memory_space<vmem>>, vector<16xf32>,
              tpu.vector_store %arg13[%swap3A_1506], %select_n3A_1505 {strides = array<i32>} : memref<272xf32, #tpu.memory_space<vmem>>, vector<16xf32>,
              %eq3A_1508 = vector.broadcast %sub3A_1497 : i32 to vector<16xi32>
              %eq3A_1509 = arith.cmpi eq, %iota3A, %eq3A_1508 : vector<16xi32>
              %slice3A_1510 = vector.extract_strided_slice %gather3A_83 {offsets = [6], sizes = [1], strides = [1]} : vector<16xf32> to vector<1xf32>
              %squeeze3A_1511 = vector.extract %slice3A_1510[0] : f32 from vector<1xf32>
              %get3A_1512 = arith.index_cast %shift_left3A_1496 : i32 to index
              %get3A_1513 = tpu.vector_load %arg14[%get3A_1512] {strides = array<i32>} : memref<272xf32, #tpu.memory_space<vmem>>, vector<16xf32>,
              %broadcast_in_dim3A_1514 = vector.broadcast %squeeze3A_1511 : f32 to vector<16xf32>
              %select_n3A_1515 = arith.select %eq3A_1509, %broadcast_in_dim3A_1514, %get3A_1513 : vector<16xi1>, vector<16xf32>
              %swap3A_1516 = arith.index_cast %shift_left3A_1496 : i32 to index
              %swap3A_1517 = tpu.vector_load %arg14[%swap3A_1516] {strides = array<i32>} : memref<272xf32, #tpu.memory_space<vmem>>, vector<16xf32>,
              tpu.vector_store %arg14[%swap3A_1516], %select_n3A_1515 {strides = array<i32>} : memref<272xf32, #tpu.memory_space<vmem>>, vector<16xf32>,
            } else {
            }
            %add3A_1488 = arith.constant 1 : i32
            %add3A_1489 = arith.addi %get3A_1482, %add3A_1488 : i32
            %swap3A_1490 = arith.constant 0 : i32
            %swap3A_1491 = arith.index_cast %swap3A_1490 : i32 to index
            %swap3A_1492 = memref.load %arg18[%swap3A_1491] : memref<1xi32, #tpu.memory_space<smem>>
            memref.store %add3A_1489, %arg18[%swap3A_1491] : memref<1xi32, #tpu.memory_space<smem>>
          } else {
          }
          %slice3A_1417 = vector.extract_strided_slice %sub3A_1295 {offsets = [7], sizes = [1], strides = [1]} : vector<16xf32> to vector<1xf32>
          %squeeze3A_1418 = vector.extract %slice3A_1417[0] : f32 from vector<1xf32>
          %gt3A_1419 = arith.constant 5.000000e-01 : f32
          %gt3A_1420 = arith.cmpf ogt, %squeeze3A_1418, %gt3A_1419 : f32
          %convert_element_type3A_1421 = arith.extui %gt3A_1420 : i1 to i32
          %cond3A_1422 = arith.constant 0 : i32
          %cond3A_1423 = arith.cmpi ne, %convert_element_type3A_1421, %cond3A_1422 : i32
          scf.if %cond3A_1423 {
            %get3A_1480 = arith.constant 0 : i32
            %get3A_1481 = arith.index_cast %get3A_1480 : i32 to index
            %get3A_1482 = memref.load %arg18[%get3A_1481] : memref<1xi32, #tpu.memory_space<smem>>
            %lt3A_1483 = arith.constant 256 : i32
            %lt3A_1484 = arith.cmpi slt, %get3A_1482, %lt3A_1483 : i32
            %convert_element_type3A_1485 = arith.extui %lt3A_1484 : i1 to i32
            %cond3A_1486 = arith.constant 0 : i32
            %cond3A_1487 = arith.cmpi ne, %convert_element_type3A_1485, %cond3A_1486 : i32
            scf.if %cond3A_1487 {
              %shift_right_arithmetic3A_1493 = arith.constant 4 : i32
              %shift_right_arithmetic3A_1494 = arith.shrsi %get3A_1482, %shift_right_arithmetic3A_1493 : i32
              %shift_left3A_1495 = arith.constant 4 : i32
              %shift_left3A_1496 = arith.shli %shift_right_arithmetic3A_1494, %shift_left3A_1495 : i32
              %sub3A_1497 = arith.subi %get3A_1482, %shift_left3A_1496 : i32
              %eq3A_1498 = vector.broadcast %sub3A_1497 : i32 to vector<16xi32>
              %eq3A_1499 = arith.cmpi eq, %iota3A, %eq3A_1498 : vector<16xi32>
              %slice3A_1500 = vector.extract_strided_slice %gather3A {offsets = [7], sizes = [1], strides = [1]} : vector<16xf32> to vector<1xf32>
              %squeeze3A_1501 = vector.extract %slice3A_1500[0] : f32 from vector<1xf32>
              %get3A_1502 = arith.index_cast %shift_left3A_1496 : i32 to index
              %get3A_1503 = tpu.vector_load %arg13[%get3A_1502] {strides = array<i32>} : memref<272xf32, #tpu.memory_space<vmem>>, vector<16xf32>,
              %broadcast_in_dim3A_1504 = vector.broadcast %squeeze3A_1501 : f32 to vector<16xf32>
              %select_n3A_1505 = arith.select %eq3A_1499, %broadcast_in_dim3A_1504, %get3A_1503 : vector<16xi1>, vector<16xf32>
              %swap3A_1506 = arith.index_cast %shift_left3A_1496 : i32 to index
              %swap3A_1507 = tpu.vector_load %arg13[%swap3A_1506] {strides = array<i32>} : memref<272xf32, #tpu.memory_space<vmem>>, vector<16xf32>,
              tpu.vector_store %arg13[%swap3A_1506], %select_n3A_1505 {strides = array<i32>} : memref<272xf32, #tpu.memory_space<vmem>>, vector<16xf32>,
              %eq3A_1508 = vector.broadcast %sub3A_1497 : i32 to vector<16xi32>
              %eq3A_1509 = arith.cmpi eq, %iota3A, %eq3A_1508 : vector<16xi32>
              %slice3A_1510 = vector.extract_strided_slice %gather3A_83 {offsets = [7], sizes = [1], strides = [1]} : vector<16xf32> to vector<1xf32>
              %squeeze3A_1511 = vector.extract %slice3A_1510[0] : f32 from vector<1xf32>
              %get3A_1512 = arith.index_cast %shift_left3A_1496 : i32 to index
              %get3A_1513 = tpu.vector_load %arg14[%get3A_1512] {strides = array<i32>} : memref<272xf32, #tpu.memory_space<vmem>>, vector<16xf32>,
              %broadcast_in_dim3A_1514 = vector.broadcast %squeeze3A_1511 : f32 to vector<16xf32>
              %select_n3A_1515 = arith.select %eq3A_1509, %broadcast_in_dim3A_1514, %get3A_1513 : vector<16xi1>, vector<16xf32>
              %swap3A_1516 = arith.index_cast %shift_left3A_1496 : i32 to index
              %swap3A_1517 = tpu.vector_load %arg14[%swap3A_1516] {strides = array<i32>} : memref<272xf32, #tpu.memory_space<vmem>>, vector<16xf32>,
              tpu.vector_store %arg14[%swap3A_1516], %select_n3A_1515 {strides = array<i32>} : memref<272xf32, #tpu.memory_space<vmem>>, vector<16xf32>,
            } else {
            }
            %add3A_1488 = arith.constant 1 : i32
            %add3A_1489 = arith.addi %get3A_1482, %add3A_1488 : i32
            %swap3A_1490 = arith.constant 0 : i32
            %swap3A_1491 = arith.index_cast %swap3A_1490 : i32 to index
            %swap3A_1492 = memref.load %arg18[%swap3A_1491] : memref<1xi32, #tpu.memory_space<smem>>
            memref.store %add3A_1489, %arg18[%swap3A_1491] : memref<1xi32, #tpu.memory_space<smem>>
          } else {
          }
          %slice3A_1424 = vector.extract_strided_slice %sub3A_1295 {offsets = [8], sizes = [1], strides = [1]} : vector<16xf32> to vector<1xf32>
          %squeeze3A_1425 = vector.extract %slice3A_1424[0] : f32 from vector<1xf32>
          %gt3A_1426 = arith.constant 5.000000e-01 : f32
          %gt3A_1427 = arith.cmpf ogt, %squeeze3A_1425, %gt3A_1426 : f32
          %convert_element_type3A_1428 = arith.extui %gt3A_1427 : i1 to i32
          %cond3A_1429 = arith.constant 0 : i32
          %cond3A_1430 = arith.cmpi ne, %convert_element_type3A_1428, %cond3A_1429 : i32
          scf.if %cond3A_1430 {
            %get3A_1480 = arith.constant 0 : i32
            %get3A_1481 = arith.index_cast %get3A_1480 : i32 to index
            %get3A_1482 = memref.load %arg18[%get3A_1481] : memref<1xi32, #tpu.memory_space<smem>>
            %lt3A_1483 = arith.constant 256 : i32
            %lt3A_1484 = arith.cmpi slt, %get3A_1482, %lt3A_1483 : i32
            %convert_element_type3A_1485 = arith.extui %lt3A_1484 : i1 to i32
            %cond3A_1486 = arith.constant 0 : i32
            %cond3A_1487 = arith.cmpi ne, %convert_element_type3A_1485, %cond3A_1486 : i32
            scf.if %cond3A_1487 {
              %shift_right_arithmetic3A_1493 = arith.constant 4 : i32
              %shift_right_arithmetic3A_1494 = arith.shrsi %get3A_1482, %shift_right_arithmetic3A_1493 : i32
              %shift_left3A_1495 = arith.constant 4 : i32
              %shift_left3A_1496 = arith.shli %shift_right_arithmetic3A_1494, %shift_left3A_1495 : i32
              %sub3A_1497 = arith.subi %get3A_1482, %shift_left3A_1496 : i32
              %eq3A_1498 = vector.broadcast %sub3A_1497 : i32 to vector<16xi32>
              %eq3A_1499 = arith.cmpi eq, %iota3A, %eq3A_1498 : vector<16xi32>
              %slice3A_1500 = vector.extract_strided_slice %gather3A {offsets = [8], sizes = [1], strides = [1]} : vector<16xf32> to vector<1xf32>
              %squeeze3A_1501 = vector.extract %slice3A_1500[0] : f32 from vector<1xf32>
              %get3A_1502 = arith.index_cast %shift_left3A_1496 : i32 to index
              %get3A_1503 = tpu.vector_load %arg13[%get3A_1502] {strides = array<i32>} : memref<272xf32, #tpu.memory_space<vmem>>, vector<16xf32>,
              %broadcast_in_dim3A_1504 = vector.broadcast %squeeze3A_1501 : f32 to vector<16xf32>
              %select_n3A_1505 = arith.select %eq3A_1499, %broadcast_in_dim3A_1504, %get3A_1503 : vector<16xi1>, vector<16xf32>
              %swap3A_1506 = arith.index_cast %shift_left3A_1496 : i32 to index
              %swap3A_1507 = tpu.vector_load %arg13[%swap3A_1506] {strides = array<i32>} : memref<272xf32, #tpu.memory_space<vmem>>, vector<16xf32>,
              tpu.vector_store %arg13[%swap3A_1506], %select_n3A_1505 {strides = array<i32>} : memref<272xf32, #tpu.memory_space<vmem>>, vector<16xf32>,
              %eq3A_1508 = vector.broadcast %sub3A_1497 : i32 to vector<16xi32>
              %eq3A_1509 = arith.cmpi eq, %iota3A, %eq3A_1508 : vector<16xi32>
              %slice3A_1510 = vector.extract_strided_slice %gather3A_83 {offsets = [8], sizes = [1], strides = [1]} : vector<16xf32> to vector<1xf32>
              %squeeze3A_1511 = vector.extract %slice3A_1510[0] : f32 from vector<1xf32>
              %get3A_1512 = arith.index_cast %shift_left3A_1496 : i32 to index
              %get3A_1513 = tpu.vector_load %arg14[%get3A_1512] {strides = array<i32>} : memref<272xf32, #tpu.memory_space<vmem>>, vector<16xf32>,
              %broadcast_in_dim3A_1514 = vector.broadcast %squeeze3A_1511 : f32 to vector<16xf32>
              %select_n3A_1515 = arith.select %eq3A_1509, %broadcast_in_dim3A_1514, %get3A_1513 : vector<16xi1>, vector<16xf32>
              %swap3A_1516 = arith.index_cast %shift_left3A_1496 : i32 to index
              %swap3A_1517 = tpu.vector_load %arg14[%swap3A_1516] {strides = array<i32>} : memref<272xf32, #tpu.memory_space<vmem>>, vector<16xf32>,
              tpu.vector_store %arg14[%swap3A_1516], %select_n3A_1515 {strides = array<i32>} : memref<272xf32, #tpu.memory_space<vmem>>, vector<16xf32>,
            } else {
            }
            %add3A_1488 = arith.constant 1 : i32
            %add3A_1489 = arith.addi %get3A_1482, %add3A_1488 : i32
            %swap3A_1490 = arith.constant 0 : i32
            %swap3A_1491 = arith.index_cast %swap3A_1490 : i32 to index
            %swap3A_1492 = memref.load %arg18[%swap3A_1491] : memref<1xi32, #tpu.memory_space<smem>>
            memref.store %add3A_1489, %arg18[%swap3A_1491] : memref<1xi32, #tpu.memory_space<smem>>
          } else {
          }
          %slice3A_1431 = vector.extract_strided_slice %sub3A_1295 {offsets = [9], sizes = [1], strides = [1]} : vector<16xf32> to vector<1xf32>
          %squeeze3A_1432 = vector.extract %slice3A_1431[0] : f32 from vector<1xf32>
          %gt3A_1433 = arith.constant 5.000000e-01 : f32
          %gt3A_1434 = arith.cmpf ogt, %squeeze3A_1432, %gt3A_1433 : f32
          %convert_element_type3A_1435 = arith.extui %gt3A_1434 : i1 to i32
          %cond3A_1436 = arith.constant 0 : i32
          %cond3A_1437 = arith.cmpi ne, %convert_element_type3A_1435, %cond3A_1436 : i32
          scf.if %cond3A_1437 {
            %get3A_1480 = arith.constant 0 : i32
            %get3A_1481 = arith.index_cast %get3A_1480 : i32 to index
            %get3A_1482 = memref.load %arg18[%get3A_1481] : memref<1xi32, #tpu.memory_space<smem>>
            %lt3A_1483 = arith.constant 256 : i32
            %lt3A_1484 = arith.cmpi slt, %get3A_1482, %lt3A_1483 : i32
            %convert_element_type3A_1485 = arith.extui %lt3A_1484 : i1 to i32
            %cond3A_1486 = arith.constant 0 : i32
            %cond3A_1487 = arith.cmpi ne, %convert_element_type3A_1485, %cond3A_1486 : i32
            scf.if %cond3A_1487 {
              %shift_right_arithmetic3A_1493 = arith.constant 4 : i32
              %shift_right_arithmetic3A_1494 = arith.shrsi %get3A_1482, %shift_right_arithmetic3A_1493 : i32
              %shift_left3A_1495 = arith.constant 4 : i32
              %shift_left3A_1496 = arith.shli %shift_right_arithmetic3A_1494, %shift_left3A_1495 : i32
              %sub3A_1497 = arith.subi %get3A_1482, %shift_left3A_1496 : i32
              %eq3A_1498 = vector.broadcast %sub3A_1497 : i32 to vector<16xi32>
              %eq3A_1499 = arith.cmpi eq, %iota3A, %eq3A_1498 : vector<16xi32>
              %slice3A_1500 = vector.extract_strided_slice %gather3A {offsets = [9], sizes = [1], strides = [1]} : vector<16xf32> to vector<1xf32>
              %squeeze3A_1501 = vector.extract %slice3A_1500[0] : f32 from vector<1xf32>
              %get3A_1502 = arith.index_cast %shift_left3A_1496 : i32 to index
              %get3A_1503 = tpu.vector_load %arg13[%get3A_1502] {strides = array<i32>} : memref<272xf32, #tpu.memory_space<vmem>>, vector<16xf32>,
              %broadcast_in_dim3A_1504 = vector.broadcast %squeeze3A_1501 : f32 to vector<16xf32>
              %select_n3A_1505 = arith.select %eq3A_1499, %broadcast_in_dim3A_1504, %get3A_1503 : vector<16xi1>, vector<16xf32>
              %swap3A_1506 = arith.index_cast %shift_left3A_1496 : i32 to index
              %swap3A_1507 = tpu.vector_load %arg13[%swap3A_1506] {strides = array<i32>} : memref<272xf32, #tpu.memory_space<vmem>>, vector<16xf32>,
              tpu.vector_store %arg13[%swap3A_1506], %select_n3A_1505 {strides = array<i32>} : memref<272xf32, #tpu.memory_space<vmem>>, vector<16xf32>,
              %eq3A_1508 = vector.broadcast %sub3A_1497 : i32 to vector<16xi32>
              %eq3A_1509 = arith.cmpi eq, %iota3A, %eq3A_1508 : vector<16xi32>
              %slice3A_1510 = vector.extract_strided_slice %gather3A_83 {offsets = [9], sizes = [1], strides = [1]} : vector<16xf32> to vector<1xf32>
              %squeeze3A_1511 = vector.extract %slice3A_1510[0] : f32 from vector<1xf32>
              %get3A_1512 = arith.index_cast %shift_left3A_1496 : i32 to index
              %get3A_1513 = tpu.vector_load %arg14[%get3A_1512] {strides = array<i32>} : memref<272xf32, #tpu.memory_space<vmem>>, vector<16xf32>,
              %broadcast_in_dim3A_1514 = vector.broadcast %squeeze3A_1511 : f32 to vector<16xf32>
              %select_n3A_1515 = arith.select %eq3A_1509, %broadcast_in_dim3A_1514, %get3A_1513 : vector<16xi1>, vector<16xf32>
              %swap3A_1516 = arith.index_cast %shift_left3A_1496 : i32 to index
              %swap3A_1517 = tpu.vector_load %arg14[%swap3A_1516] {strides = array<i32>} : memref<272xf32, #tpu.memory_space<vmem>>, vector<16xf32>,
              tpu.vector_store %arg14[%swap3A_1516], %select_n3A_1515 {strides = array<i32>} : memref<272xf32, #tpu.memory_space<vmem>>, vector<16xf32>,
            } else {
            }
            %add3A_1488 = arith.constant 1 : i32
            %add3A_1489 = arith.addi %get3A_1482, %add3A_1488 : i32
            %swap3A_1490 = arith.constant 0 : i32
            %swap3A_1491 = arith.index_cast %swap3A_1490 : i32 to index
            %swap3A_1492 = memref.load %arg18[%swap3A_1491] : memref<1xi32, #tpu.memory_space<smem>>
            memref.store %add3A_1489, %arg18[%swap3A_1491] : memref<1xi32, #tpu.memory_space<smem>>
          } else {
          }
          %slice3A_1438 = vector.extract_strided_slice %sub3A_1295 {offsets = [10], sizes = [1], strides = [1]} : vector<16xf32> to vector<1xf32>
          %squeeze3A_1439 = vector.extract %slice3A_1438[0] : f32 from vector<1xf32>
          %gt3A_1440 = arith.constant 5.000000e-01 : f32
          %gt3A_1441 = arith.cmpf ogt, %squeeze3A_1439, %gt3A_1440 : f32
          %convert_element_type3A_1442 = arith.extui %gt3A_1441 : i1 to i32
          %cond3A_1443 = arith.constant 0 : i32
          %cond3A_1444 = arith.cmpi ne, %convert_element_type3A_1442, %cond3A_1443 : i32
          scf.if %cond3A_1444 {
            %get3A_1480 = arith.constant 0 : i32
            %get3A_1481 = arith.index_cast %get3A_1480 : i32 to index
            %get3A_1482 = memref.load %arg18[%get3A_1481] : memref<1xi32, #tpu.memory_space<smem>>
            %lt3A_1483 = arith.constant 256 : i32
            %lt3A_1484 = arith.cmpi slt, %get3A_1482, %lt3A_1483 : i32
            %convert_element_type3A_1485 = arith.extui %lt3A_1484 : i1 to i32
            %cond3A_1486 = arith.constant 0 : i32
            %cond3A_1487 = arith.cmpi ne, %convert_element_type3A_1485, %cond3A_1486 : i32
            scf.if %cond3A_1487 {
              %shift_right_arithmetic3A_1493 = arith.constant 4 : i32
              %shift_right_arithmetic3A_1494 = arith.shrsi %get3A_1482, %shift_right_arithmetic3A_1493 : i32
              %shift_left3A_1495 = arith.constant 4 : i32
              %shift_left3A_1496 = arith.shli %shift_right_arithmetic3A_1494, %shift_left3A_1495 : i32
              %sub3A_1497 = arith.subi %get3A_1482, %shift_left3A_1496 : i32
              %eq3A_1498 = vector.broadcast %sub3A_1497 : i32 to vector<16xi32>
              %eq3A_1499 = arith.cmpi eq, %iota3A, %eq3A_1498 : vector<16xi32>
              %slice3A_1500 = vector.extract_strided_slice %gather3A {offsets = [10], sizes = [1], strides = [1]} : vector<16xf32> to vector<1xf32>
              %squeeze3A_1501 = vector.extract %slice3A_1500[0] : f32 from vector<1xf32>
              %get3A_1502 = arith.index_cast %shift_left3A_1496 : i32 to index
              %get3A_1503 = tpu.vector_load %arg13[%get3A_1502] {strides = array<i32>} : memref<272xf32, #tpu.memory_space<vmem>>, vector<16xf32>,
              %broadcast_in_dim3A_1504 = vector.broadcast %squeeze3A_1501 : f32 to vector<16xf32>
              %select_n3A_1505 = arith.select %eq3A_1499, %broadcast_in_dim3A_1504, %get3A_1503 : vector<16xi1>, vector<16xf32>
              %swap3A_1506 = arith.index_cast %shift_left3A_1496 : i32 to index
              %swap3A_1507 = tpu.vector_load %arg13[%swap3A_1506] {strides = array<i32>} : memref<272xf32, #tpu.memory_space<vmem>>, vector<16xf32>,
              tpu.vector_store %arg13[%swap3A_1506], %select_n3A_1505 {strides = array<i32>} : memref<272xf32, #tpu.memory_space<vmem>>, vector<16xf32>,
              %eq3A_1508 = vector.broadcast %sub3A_1497 : i32 to vector<16xi32>
              %eq3A_1509 = arith.cmpi eq, %iota3A, %eq3A_1508 : vector<16xi32>
              %slice3A_1510 = vector.extract_strided_slice %gather3A_83 {offsets = [10], sizes = [1], strides = [1]} : vector<16xf32> to vector<1xf32>
              %squeeze3A_1511 = vector.extract %slice3A_1510[0] : f32 from vector<1xf32>
              %get3A_1512 = arith.index_cast %shift_left3A_1496 : i32 to index
              %get3A_1513 = tpu.vector_load %arg14[%get3A_1512] {strides = array<i32>} : memref<272xf32, #tpu.memory_space<vmem>>, vector<16xf32>,
              %broadcast_in_dim3A_1514 = vector.broadcast %squeeze3A_1511 : f32 to vector<16xf32>
              %select_n3A_1515 = arith.select %eq3A_1509, %broadcast_in_dim3A_1514, %get3A_1513 : vector<16xi1>, vector<16xf32>
              %swap3A_1516 = arith.index_cast %shift_left3A_1496 : i32 to index
              %swap3A_1517 = tpu.vector_load %arg14[%swap3A_1516] {strides = array<i32>} : memref<272xf32, #tpu.memory_space<vmem>>, vector<16xf32>,
              tpu.vector_store %arg14[%swap3A_1516], %select_n3A_1515 {strides = array<i32>} : memref<272xf32, #tpu.memory_space<vmem>>, vector<16xf32>,
            } else {
            }
            %add3A_1488 = arith.constant 1 : i32
            %add3A_1489 = arith.addi %get3A_1482, %add3A_1488 : i32
            %swap3A_1490 = arith.constant 0 : i32
            %swap3A_1491 = arith.index_cast %swap3A_1490 : i32 to index
            %swap3A_1492 = memref.load %arg18[%swap3A_1491] : memref<1xi32, #tpu.memory_space<smem>>
            memref.store %add3A_1489, %arg18[%swap3A_1491] : memref<1xi32, #tpu.memory_space<smem>>
          } else {
          }
          %slice3A_1445 = vector.extract_strided_slice %sub3A_1295 {offsets = [11], sizes = [1], strides = [1]} : vector<16xf32> to vector<1xf32>
          %squeeze3A_1446 = vector.extract %slice3A_1445[0] : f32 from vector<1xf32>
          %gt3A_1447 = arith.constant 5.000000e-01 : f32
          %gt3A_1448 = arith.cmpf ogt, %squeeze3A_1446, %gt3A_1447 : f32
          %convert_element_type3A_1449 = arith.extui %gt3A_1448 : i1 to i32
          %cond3A_1450 = arith.constant 0 : i32
          %cond3A_1451 = arith.cmpi ne, %convert_element_type3A_1449, %cond3A_1450 : i32
          scf.if %cond3A_1451 {
            %get3A_1480 = arith.constant 0 : i32
            %get3A_1481 = arith.index_cast %get3A_1480 : i32 to index
            %get3A_1482 = memref.load %arg18[%get3A_1481] : memref<1xi32, #tpu.memory_space<smem>>
            %lt3A_1483 = arith.constant 256 : i32
            %lt3A_1484 = arith.cmpi slt, %get3A_1482, %lt3A_1483 : i32
            %convert_element_type3A_1485 = arith.extui %lt3A_1484 : i1 to i32
            %cond3A_1486 = arith.constant 0 : i32
            %cond3A_1487 = arith.cmpi ne, %convert_element_type3A_1485, %cond3A_1486 : i32
            scf.if %cond3A_1487 {
              %shift_right_arithmetic3A_1493 = arith.constant 4 : i32
              %shift_right_arithmetic3A_1494 = arith.shrsi %get3A_1482, %shift_right_arithmetic3A_1493 : i32
              %shift_left3A_1495 = arith.constant 4 : i32
              %shift_left3A_1496 = arith.shli %shift_right_arithmetic3A_1494, %shift_left3A_1495 : i32
              %sub3A_1497 = arith.subi %get3A_1482, %shift_left3A_1496 : i32
              %eq3A_1498 = vector.broadcast %sub3A_1497 : i32 to vector<16xi32>
              %eq3A_1499 = arith.cmpi eq, %iota3A, %eq3A_1498 : vector<16xi32>
              %slice3A_1500 = vector.extract_strided_slice %gather3A {offsets = [11], sizes = [1], strides = [1]} : vector<16xf32> to vector<1xf32>
              %squeeze3A_1501 = vector.extract %slice3A_1500[0] : f32 from vector<1xf32>
              %get3A_1502 = arith.index_cast %shift_left3A_1496 : i32 to index
              %get3A_1503 = tpu.vector_load %arg13[%get3A_1502] {strides = array<i32>} : memref<272xf32, #tpu.memory_space<vmem>>, vector<16xf32>,
              %broadcast_in_dim3A_1504 = vector.broadcast %squeeze3A_1501 : f32 to vector<16xf32>
              %select_n3A_1505 = arith.select %eq3A_1499, %broadcast_in_dim3A_1504, %get3A_1503 : vector<16xi1>, vector<16xf32>
              %swap3A_1506 = arith.index_cast %shift_left3A_1496 : i32 to index
              %swap3A_1507 = tpu.vector_load %arg13[%swap3A_1506] {strides = array<i32>} : memref<272xf32, #tpu.memory_space<vmem>>, vector<16xf32>,
              tpu.vector_store %arg13[%swap3A_1506], %select_n3A_1505 {strides = array<i32>} : memref<272xf32, #tpu.memory_space<vmem>>, vector<16xf32>,
              %eq3A_1508 = vector.broadcast %sub3A_1497 : i32 to vector<16xi32>
              %eq3A_1509 = arith.cmpi eq, %iota3A, %eq3A_1508 : vector<16xi32>
              %slice3A_1510 = vector.extract_strided_slice %gather3A_83 {offsets = [11], sizes = [1], strides = [1]} : vector<16xf32> to vector<1xf32>
              %squeeze3A_1511 = vector.extract %slice3A_1510[0] : f32 from vector<1xf32>
              %get3A_1512 = arith.index_cast %shift_left3A_1496 : i32 to index
              %get3A_1513 = tpu.vector_load %arg14[%get3A_1512] {strides = array<i32>} : memref<272xf32, #tpu.memory_space<vmem>>, vector<16xf32>,
              %broadcast_in_dim3A_1514 = vector.broadcast %squeeze3A_1511 : f32 to vector<16xf32>
              %select_n3A_1515 = arith.select %eq3A_1509, %broadcast_in_dim3A_1514, %get3A_1513 : vector<16xi1>, vector<16xf32>
              %swap3A_1516 = arith.index_cast %shift_left3A_1496 : i32 to index
              %swap3A_1517 = tpu.vector_load %arg14[%swap3A_1516] {strides = array<i32>} : memref<272xf32, #tpu.memory_space<vmem>>, vector<16xf32>,
              tpu.vector_store %arg14[%swap3A_1516], %select_n3A_1515 {strides = array<i32>} : memref<272xf32, #tpu.memory_space<vmem>>, vector<16xf32>,
            } else {
            }
            %add3A_1488 = arith.constant 1 : i32
            %add3A_1489 = arith.addi %get3A_1482, %add3A_1488 : i32
            %swap3A_1490 = arith.constant 0 : i32
            %swap3A_1491 = arith.index_cast %swap3A_1490 : i32 to index
            %swap3A_1492 = memref.load %arg18[%swap3A_1491] : memref<1xi32, #tpu.memory_space<smem>>
            memref.store %add3A_1489, %arg18[%swap3A_1491] : memref<1xi32, #tpu.memory_space<smem>>
          } else {
          }
          %slice3A_1452 = vector.extract_strided_slice %sub3A_1295 {offsets = [12], sizes = [1], strides = [1]} : vector<16xf32> to vector<1xf32>
          %squeeze3A_1453 = vector.extract %slice3A_1452[0] : f32 from vector<1xf32>
          %gt3A_1454 = arith.constant 5.000000e-01 : f32
          %gt3A_1455 = arith.cmpf ogt, %squeeze3A_1453, %gt3A_1454 : f32
          %convert_element_type3A_1456 = arith.extui %gt3A_1455 : i1 to i32
          %cond3A_1457 = arith.constant 0 : i32
          %cond3A_1458 = arith.cmpi ne, %convert_element_type3A_1456, %cond3A_1457 : i32
          scf.if %cond3A_1458 {
            %get3A_1480 = arith.constant 0 : i32
            %get3A_1481 = arith.index_cast %get3A_1480 : i32 to index
            %get3A_1482 = memref.load %arg18[%get3A_1481] : memref<1xi32, #tpu.memory_space<smem>>
            %lt3A_1483 = arith.constant 256 : i32
            %lt3A_1484 = arith.cmpi slt, %get3A_1482, %lt3A_1483 : i32
            %convert_element_type3A_1485 = arith.extui %lt3A_1484 : i1 to i32
            %cond3A_1486 = arith.constant 0 : i32
            %cond3A_1487 = arith.cmpi ne, %convert_element_type3A_1485, %cond3A_1486 : i32
            scf.if %cond3A_1487 {
              %shift_right_arithmetic3A_1493 = arith.constant 4 : i32
              %shift_right_arithmetic3A_1494 = arith.shrsi %get3A_1482, %shift_right_arithmetic3A_1493 : i32
              %shift_left3A_1495 = arith.constant 4 : i32
              %shift_left3A_1496 = arith.shli %shift_right_arithmetic3A_1494, %shift_left3A_1495 : i32
              %sub3A_1497 = arith.subi %get3A_1482, %shift_left3A_1496 : i32
              %eq3A_1498 = vector.broadcast %sub3A_1497 : i32 to vector<16xi32>
              %eq3A_1499 = arith.cmpi eq, %iota3A, %eq3A_1498 : vector<16xi32>
              %slice3A_1500 = vector.extract_strided_slice %gather3A {offsets = [12], sizes = [1], strides = [1]} : vector<16xf32> to vector<1xf32>
              %squeeze3A_1501 = vector.extract %slice3A_1500[0] : f32 from vector<1xf32>
              %get3A_1502 = arith.index_cast %shift_left3A_1496 : i32 to index
              %get3A_1503 = tpu.vector_load %arg13[%get3A_1502] {strides = array<i32>} : memref<272xf32, #tpu.memory_space<vmem>>, vector<16xf32>,
              %broadcast_in_dim3A_1504 = vector.broadcast %squeeze3A_1501 : f32 to vector<16xf32>
              %select_n3A_1505 = arith.select %eq3A_1499, %broadcast_in_dim3A_1504, %get3A_1503 : vector<16xi1>, vector<16xf32>
              %swap3A_1506 = arith.index_cast %shift_left3A_1496 : i32 to index
              %swap3A_1507 = tpu.vector_load %arg13[%swap3A_1506] {strides = array<i32>} : memref<272xf32, #tpu.memory_space<vmem>>, vector<16xf32>,
              tpu.vector_store %arg13[%swap3A_1506], %select_n3A_1505 {strides = array<i32>} : memref<272xf32, #tpu.memory_space<vmem>>, vector<16xf32>,
              %eq3A_1508 = vector.broadcast %sub3A_1497 : i32 to vector<16xi32>
              %eq3A_1509 = arith.cmpi eq, %iota3A, %eq3A_1508 : vector<16xi32>
              %slice3A_1510 = vector.extract_strided_slice %gather3A_83 {offsets = [12], sizes = [1], strides = [1]} : vector<16xf32> to vector<1xf32>
              %squeeze3A_1511 = vector.extract %slice3A_1510[0] : f32 from vector<1xf32>
              %get3A_1512 = arith.index_cast %shift_left3A_1496 : i32 to index
              %get3A_1513 = tpu.vector_load %arg14[%get3A_1512] {strides = array<i32>} : memref<272xf32, #tpu.memory_space<vmem>>, vector<16xf32>,
              %broadcast_in_dim3A_1514 = vector.broadcast %squeeze3A_1511 : f32 to vector<16xf32>
              %select_n3A_1515 = arith.select %eq3A_1509, %broadcast_in_dim3A_1514, %get3A_1513 : vector<16xi1>, vector<16xf32>
              %swap3A_1516 = arith.index_cast %shift_left3A_1496 : i32 to index
              %swap3A_1517 = tpu.vector_load %arg14[%swap3A_1516] {strides = array<i32>} : memref<272xf32, #tpu.memory_space<vmem>>, vector<16xf32>,
              tpu.vector_store %arg14[%swap3A_1516], %select_n3A_1515 {strides = array<i32>} : memref<272xf32, #tpu.memory_space<vmem>>, vector<16xf32>,
            } else {
            }
            %add3A_1488 = arith.constant 1 : i32
            %add3A_1489 = arith.addi %get3A_1482, %add3A_1488 : i32
            %swap3A_1490 = arith.constant 0 : i32
            %swap3A_1491 = arith.index_cast %swap3A_1490 : i32 to index
            %swap3A_1492 = memref.load %arg18[%swap3A_1491] : memref<1xi32, #tpu.memory_space<smem>>
            memref.store %add3A_1489, %arg18[%swap3A_1491] : memref<1xi32, #tpu.memory_space<smem>>
          } else {
          }
          %slice3A_1459 = vector.extract_strided_slice %sub3A_1295 {offsets = [13], sizes = [1], strides = [1]} : vector<16xf32> to vector<1xf32>
          %squeeze3A_1460 = vector.extract %slice3A_1459[0] : f32 from vector<1xf32>
          %gt3A_1461 = arith.constant 5.000000e-01 : f32
          %gt3A_1462 = arith.cmpf ogt, %squeeze3A_1460, %gt3A_1461 : f32
          %convert_element_type3A_1463 = arith.extui %gt3A_1462 : i1 to i32
          %cond3A_1464 = arith.constant 0 : i32
          %cond3A_1465 = arith.cmpi ne, %convert_element_type3A_1463, %cond3A_1464 : i32
          scf.if %cond3A_1465 {
            %get3A_1480 = arith.constant 0 : i32
            %get3A_1481 = arith.index_cast %get3A_1480 : i32 to index
            %get3A_1482 = memref.load %arg18[%get3A_1481] : memref<1xi32, #tpu.memory_space<smem>>
            %lt3A_1483 = arith.constant 256 : i32
            %lt3A_1484 = arith.cmpi slt, %get3A_1482, %lt3A_1483 : i32
            %convert_element_type3A_1485 = arith.extui %lt3A_1484 : i1 to i32
            %cond3A_1486 = arith.constant 0 : i32
            %cond3A_1487 = arith.cmpi ne, %convert_element_type3A_1485, %cond3A_1486 : i32
            scf.if %cond3A_1487 {
              %shift_right_arithmetic3A_1493 = arith.constant 4 : i32
              %shift_right_arithmetic3A_1494 = arith.shrsi %get3A_1482, %shift_right_arithmetic3A_1493 : i32
              %shift_left3A_1495 = arith.constant 4 : i32
              %shift_left3A_1496 = arith.shli %shift_right_arithmetic3A_1494, %shift_left3A_1495 : i32
              %sub3A_1497 = arith.subi %get3A_1482, %shift_left3A_1496 : i32
              %eq3A_1498 = vector.broadcast %sub3A_1497 : i32 to vector<16xi32>
              %eq3A_1499 = arith.cmpi eq, %iota3A, %eq3A_1498 : vector<16xi32>
              %slice3A_1500 = vector.extract_strided_slice %gather3A {offsets = [13], sizes = [1], strides = [1]} : vector<16xf32> to vector<1xf32>
              %squeeze3A_1501 = vector.extract %slice3A_1500[0] : f32 from vector<1xf32>
              %get3A_1502 = arith.index_cast %shift_left3A_1496 : i32 to index
              %get3A_1503 = tpu.vector_load %arg13[%get3A_1502] {strides = array<i32>} : memref<272xf32, #tpu.memory_space<vmem>>, vector<16xf32>,
              %broadcast_in_dim3A_1504 = vector.broadcast %squeeze3A_1501 : f32 to vector<16xf32>
              %select_n3A_1505 = arith.select %eq3A_1499, %broadcast_in_dim3A_1504, %get3A_1503 : vector<16xi1>, vector<16xf32>
              %swap3A_1506 = arith.index_cast %shift_left3A_1496 : i32 to index
              %swap3A_1507 = tpu.vector_load %arg13[%swap3A_1506] {strides = array<i32>} : memref<272xf32, #tpu.memory_space<vmem>>, vector<16xf32>,
              tpu.vector_store %arg13[%swap3A_1506], %select_n3A_1505 {strides = array<i32>} : memref<272xf32, #tpu.memory_space<vmem>>, vector<16xf32>,
              %eq3A_1508 = vector.broadcast %sub3A_1497 : i32 to vector<16xi32>
              %eq3A_1509 = arith.cmpi eq, %iota3A, %eq3A_1508 : vector<16xi32>
              %slice3A_1510 = vector.extract_strided_slice %gather3A_83 {offsets = [13], sizes = [1], strides = [1]} : vector<16xf32> to vector<1xf32>
              %squeeze3A_1511 = vector.extract %slice3A_1510[0] : f32 from vector<1xf32>
              %get3A_1512 = arith.index_cast %shift_left3A_1496 : i32 to index
              %get3A_1513 = tpu.vector_load %arg14[%get3A_1512] {strides = array<i32>} : memref<272xf32, #tpu.memory_space<vmem>>, vector<16xf32>,
              %broadcast_in_dim3A_1514 = vector.broadcast %squeeze3A_1511 : f32 to vector<16xf32>
              %select_n3A_1515 = arith.select %eq3A_1509, %broadcast_in_dim3A_1514, %get3A_1513 : vector<16xi1>, vector<16xf32>
              %swap3A_1516 = arith.index_cast %shift_left3A_1496 : i32 to index
              %swap3A_1517 = tpu.vector_load %arg14[%swap3A_1516] {strides = array<i32>} : memref<272xf32, #tpu.memory_space<vmem>>, vector<16xf32>,
              tpu.vector_store %arg14[%swap3A_1516], %select_n3A_1515 {strides = array<i32>} : memref<272xf32, #tpu.memory_space<vmem>>, vector<16xf32>,
            } else {
            }
            %add3A_1488 = arith.constant 1 : i32
            %add3A_1489 = arith.addi %get3A_1482, %add3A_1488 : i32
            %swap3A_1490 = arith.constant 0 : i32
            %swap3A_1491 = arith.index_cast %swap3A_1490 : i32 to index
            %swap3A_1492 = memref.load %arg18[%swap3A_1491] : memref<1xi32, #tpu.memory_space<smem>>
            memref.store %add3A_1489, %arg18[%swap3A_1491] : memref<1xi32, #tpu.memory_space<smem>>
          } else {
          }
          %slice3A_1466 = vector.extract_strided_slice %sub3A_1295 {offsets = [14], sizes = [1], strides = [1]} : vector<16xf32> to vector<1xf32>
          %squeeze3A_1467 = vector.extract %slice3A_1466[0] : f32 from vector<1xf32>
          %gt3A_1468 = arith.constant 5.000000e-01 : f32
          %gt3A_1469 = arith.cmpf ogt, %squeeze3A_1467, %gt3A_1468 : f32
          %convert_element_type3A_1470 = arith.extui %gt3A_1469 : i1 to i32
          %cond3A_1471 = arith.constant 0 : i32
          %cond3A_1472 = arith.cmpi ne, %convert_element_type3A_1470, %cond3A_1471 : i32
          scf.if %cond3A_1472 {
            %get3A_1480 = arith.constant 0 : i32
            %get3A_1481 = arith.index_cast %get3A_1480 : i32 to index
            %get3A_1482 = memref.load %arg18[%get3A_1481] : memref<1xi32, #tpu.memory_space<smem>>
            %lt3A_1483 = arith.constant 256 : i32
            %lt3A_1484 = arith.cmpi slt, %get3A_1482, %lt3A_1483 : i32
            %convert_element_type3A_1485 = arith.extui %lt3A_1484 : i1 to i32
            %cond3A_1486 = arith.constant 0 : i32
            %cond3A_1487 = arith.cmpi ne, %convert_element_type3A_1485, %cond3A_1486 : i32
            scf.if %cond3A_1487 {
              %shift_right_arithmetic3A_1493 = arith.constant 4 : i32
              %shift_right_arithmetic3A_1494 = arith.shrsi %get3A_1482, %shift_right_arithmetic3A_1493 : i32
              %shift_left3A_1495 = arith.constant 4 : i32
              %shift_left3A_1496 = arith.shli %shift_right_arithmetic3A_1494, %shift_left3A_1495 : i32
              %sub3A_1497 = arith.subi %get3A_1482, %shift_left3A_1496 : i32
              %eq3A_1498 = vector.broadcast %sub3A_1497 : i32 to vector<16xi32>
              %eq3A_1499 = arith.cmpi eq, %iota3A, %eq3A_1498 : vector<16xi32>
              %slice3A_1500 = vector.extract_strided_slice %gather3A {offsets = [14], sizes = [1], strides = [1]} : vector<16xf32> to vector<1xf32>
              %squeeze3A_1501 = vector.extract %slice3A_1500[0] : f32 from vector<1xf32>
              %get3A_1502 = arith.index_cast %shift_left3A_1496 : i32 to index
              %get3A_1503 = tpu.vector_load %arg13[%get3A_1502] {strides = array<i32>} : memref<272xf32, #tpu.memory_space<vmem>>, vector<16xf32>,
              %broadcast_in_dim3A_1504 = vector.broadcast %squeeze3A_1501 : f32 to vector<16xf32>
              %select_n3A_1505 = arith.select %eq3A_1499, %broadcast_in_dim3A_1504, %get3A_1503 : vector<16xi1>, vector<16xf32>
              %swap3A_1506 = arith.index_cast %shift_left3A_1496 : i32 to index
              %swap3A_1507 = tpu.vector_load %arg13[%swap3A_1506] {strides = array<i32>} : memref<272xf32, #tpu.memory_space<vmem>>, vector<16xf32>,
              tpu.vector_store %arg13[%swap3A_1506], %select_n3A_1505 {strides = array<i32>} : memref<272xf32, #tpu.memory_space<vmem>>, vector<16xf32>,
              %eq3A_1508 = vector.broadcast %sub3A_1497 : i32 to vector<16xi32>
              %eq3A_1509 = arith.cmpi eq, %iota3A, %eq3A_1508 : vector<16xi32>
              %slice3A_1510 = vector.extract_strided_slice %gather3A_83 {offsets = [14], sizes = [1], strides = [1]} : vector<16xf32> to vector<1xf32>
              %squeeze3A_1511 = vector.extract %slice3A_1510[0] : f32 from vector<1xf32>
              %get3A_1512 = arith.index_cast %shift_left3A_1496 : i32 to index
              %get3A_1513 = tpu.vector_load %arg14[%get3A_1512] {strides = array<i32>} : memref<272xf32, #tpu.memory_space<vmem>>, vector<16xf32>,
              %broadcast_in_dim3A_1514 = vector.broadcast %squeeze3A_1511 : f32 to vector<16xf32>
              %select_n3A_1515 = arith.select %eq3A_1509, %broadcast_in_dim3A_1514, %get3A_1513 : vector<16xi1>, vector<16xf32>
              %swap3A_1516 = arith.index_cast %shift_left3A_1496 : i32 to index
              %swap3A_1517 = tpu.vector_load %arg14[%swap3A_1516] {strides = array<i32>} : memref<272xf32, #tpu.memory_space<vmem>>, vector<16xf32>,
              tpu.vector_store %arg14[%swap3A_1516], %select_n3A_1515 {strides = array<i32>} : memref<272xf32, #tpu.memory_space<vmem>>, vector<16xf32>,
            } else {
            }
            %add3A_1488 = arith.constant 1 : i32
            %add3A_1489 = arith.addi %get3A_1482, %add3A_1488 : i32
            %swap3A_1490 = arith.constant 0 : i32
            %swap3A_1491 = arith.index_cast %swap3A_1490 : i32 to index
            %swap3A_1492 = memref.load %arg18[%swap3A_1491] : memref<1xi32, #tpu.memory_space<smem>>
            memref.store %add3A_1489, %arg18[%swap3A_1491] : memref<1xi32, #tpu.memory_space<smem>>
          } else {
          }
          %slice3A_1473 = vector.extract_strided_slice %sub3A_1295 {offsets = [15], sizes = [1], strides = [1]} : vector<16xf32> to vector<1xf32>
          %squeeze3A_1474 = vector.extract %slice3A_1473[0] : f32 from vector<1xf32>
          %gt3A_1475 = arith.constant 5.000000e-01 : f32
          %gt3A_1476 = arith.cmpf ogt, %squeeze3A_1474, %gt3A_1475 : f32
          %convert_element_type3A_1477 = arith.extui %gt3A_1476 : i1 to i32
          %cond3A_1478 = arith.constant 0 : i32
          %cond3A_1479 = arith.cmpi ne, %convert_element_type3A_1477, %cond3A_1478 : i32
          scf.if %cond3A_1479 {
            %get3A_1480 = arith.constant 0 : i32
            %get3A_1481 = arith.index_cast %get3A_1480 : i32 to index
            %get3A_1482 = memref.load %arg18[%get3A_1481] : memref<1xi32, #tpu.memory_space<smem>>
            %lt3A_1483 = arith.constant 256 : i32
            %lt3A_1484 = arith.cmpi slt, %get3A_1482, %lt3A_1483 : i32
            %convert_element_type3A_1485 = arith.extui %lt3A_1484 : i1 to i32
            %cond3A_1486 = arith.constant 0 : i32
            %cond3A_1487 = arith.cmpi ne, %convert_element_type3A_1485, %cond3A_1486 : i32
            scf.if %cond3A_1487 {
              %shift_right_arithmetic3A_1493 = arith.constant 4 : i32
              %shift_right_arithmetic3A_1494 = arith.shrsi %get3A_1482, %shift_right_arithmetic3A_1493 : i32
              %shift_left3A_1495 = arith.constant 4 : i32
              %shift_left3A_1496 = arith.shli %shift_right_arithmetic3A_1494, %shift_left3A_1495 : i32
              %sub3A_1497 = arith.subi %get3A_1482, %shift_left3A_1496 : i32
              %eq3A_1498 = vector.broadcast %sub3A_1497 : i32 to vector<16xi32>
              %eq3A_1499 = arith.cmpi eq, %iota3A, %eq3A_1498 : vector<16xi32>
              %slice3A_1500 = vector.extract_strided_slice %gather3A {offsets = [15], sizes = [1], strides = [1]} : vector<16xf32> to vector<1xf32>
              %squeeze3A_1501 = vector.extract %slice3A_1500[0] : f32 from vector<1xf32>
              %get3A_1502 = arith.index_cast %shift_left3A_1496 : i32 to index
              %get3A_1503 = tpu.vector_load %arg13[%get3A_1502] {strides = array<i32>} : memref<272xf32, #tpu.memory_space<vmem>>, vector<16xf32>,
              %broadcast_in_dim3A_1504 = vector.broadcast %squeeze3A_1501 : f32 to vector<16xf32>
              %select_n3A_1505 = arith.select %eq3A_1499, %broadcast_in_dim3A_1504, %get3A_1503 : vector<16xi1>, vector<16xf32>
              %swap3A_1506 = arith.index_cast %shift_left3A_1496 : i32 to index
              %swap3A_1507 = tpu.vector_load %arg13[%swap3A_1506] {strides = array<i32>} : memref<272xf32, #tpu.memory_space<vmem>>, vector<16xf32>,
              tpu.vector_store %arg13[%swap3A_1506], %select_n3A_1505 {strides = array<i32>} : memref<272xf32, #tpu.memory_space<vmem>>, vector<16xf32>,
              %eq3A_1508 = vector.broadcast %sub3A_1497 : i32 to vector<16xi32>
              %eq3A_1509 = arith.cmpi eq, %iota3A, %eq3A_1508 : vector<16xi32>
              %slice3A_1510 = vector.extract_strided_slice %gather3A_83 {offsets = [15], sizes = [1], strides = [1]} : vector<16xf32> to vector<1xf32>
              %squeeze3A_1511 = vector.extract %slice3A_1510[0] : f32 from vector<1xf32>
              %get3A_1512 = arith.index_cast %shift_left3A_1496 : i32 to index
              %get3A_1513 = tpu.vector_load %arg14[%get3A_1512] {strides = array<i32>} : memref<272xf32, #tpu.memory_space<vmem>>, vector<16xf32>,
              %broadcast_in_dim3A_1514 = vector.broadcast %squeeze3A_1511 : f32 to vector<16xf32>
              %select_n3A_1515 = arith.select %eq3A_1509, %broadcast_in_dim3A_1514, %get3A_1513 : vector<16xi1>, vector<16xf32>
              %swap3A_1516 = arith.index_cast %shift_left3A_1496 : i32 to index
              %swap3A_1517 = tpu.vector_load %arg14[%swap3A_1516] {strides = array<i32>} : memref<272xf32, #tpu.memory_space<vmem>>, vector<16xf32>,
              tpu.vector_store %arg14[%swap3A_1516], %select_n3A_1515 {strides = array<i32>} : memref<272xf32, #tpu.memory_space<vmem>>, vector<16xf32>,
            } else {
            }
            %add3A_1488 = arith.constant 1 : i32
            %add3A_1489 = arith.addi %get3A_1482, %add3A_1488 : i32
            %swap3A_1490 = arith.constant 0 : i32
            %swap3A_1491 = arith.index_cast %swap3A_1490 : i32 to index
            %swap3A_1492 = memref.load %arg18[%swap3A_1491] : memref<1xi32, #tpu.memory_space<smem>>
            memref.store %add3A_1489, %arg18[%swap3A_1491] : memref<1xi32, #tpu.memory_space<smem>>
          } else {
          }
        } else {
        }
        %gt3A_1348 = arith.constant 5.000000e-01 : f32
        %gt3A_1349 = vector.broadcast %gt3A_1348 : f32 to vector<16xf32>
        %gt3A_1350 = arith.cmpf ogt, %get3A_654, %gt3A_1349 : vector<16xf32>
        %sub3A_1351 = arith.constant 1 : i32
        %sub3A_1352 = vector.broadcast %sub3A_1351 : i32 to vector<16xi32>
        %sub3A_1353 = arith.subi %mul3A_661, %sub3A_1352 : vector<16xi32>
        %select_n3A_1354 = arith.select %gt3A_1350, %get3A_74, %sub3A_1353 : vector<16xi1>, vector<16xi32>
        %swap3A_1355 = arith.index_cast %mul3A_73 : i32 to index
        %swap3A_1356 = tpu.vector_load %arg16[%swap3A_1355] {strides = array<i32>} : memref<5008xi32, #tpu.memory_space<vmem>>, vector<16xi32>,
        tpu.vector_store %arg16[%swap3A_1355], %select_n3A_1354 {strides = array<i32>} : memref<5008xi32, #tpu.memory_space<vmem>>, vector<16xi32>,
        %add3A_1357 = vector.broadcast %mul3A_73 : i32 to vector<16xi32>
        %add3A_1358 = arith.addi %add3A_1357, %iota3A : vector<16xi32>
        %shift_left3A_1359 = arith.constant 1 : i32
        %shift_left3A_1360 = vector.broadcast %shift_left3A_1359 : i32 to vector<16xi32>
        %shift_left3A_1361 = arith.shli %add3A_1358, %shift_left3A_1360 : vector<16xi32>
        %mul3A_1362 = arith.mulf %gather3A, %get3A_654 : vector<16xf32>
        tpu.vector_store_idx %arg15[%shift_left3A_1361], %mul3A_1362 : memref<10016xf32, #tpu.memory_space<vmem>>[vector<16xi32>], vector<16xf32>,
        %add3A_1363 = arith.constant 1 : i32
        %add3A_1364 = vector.broadcast %add3A_1363 : i32 to vector<16xi32>
        %add3A_1365 = arith.addi %shift_left3A_1361, %add3A_1364 : vector<16xi32>
        %mul3A_1366 = arith.mulf %gather3A_83, %get3A_654 : vector<16xf32>
        tpu.vector_store_idx %arg15[%add3A_1365], %mul3A_1366 : memref<10016xf32, #tpu.memory_space<vmem>>[vector<16xi32>], vector<16xf32>,
        %add3A_1367 = arith.addf %scan3A_72, %get3A_654 : vector<16xf32>
        scf.yield %add3A_1367 : vector<16xf32>
      }
      %scan3A_20 = arith.constant 313 : i32
      %slice3A = vector.extract_strided_slice %scan3A_19 {offsets = [0], sizes = [1], strides = [1]} : vector<16xf32> to vector<1xf32>
      %squeeze3A = vector.extract %slice3A[0] : f32 from vector<1xf32>
      %slice3A_21 = vector.extract_strided_slice %scan3A_19 {offsets = [1], sizes = [1], strides = [1]} : vector<16xf32> to vector<1xf32>
      %squeeze3A_22 = vector.extract %slice3A_21[0] : f32 from vector<1xf32>
      %add3A = arith.addf %squeeze3A, %squeeze3A_22 : f32
      %slice3A_23 = vector.extract_strided_slice %scan3A_19 {offsets = [2], sizes = [1], strides = [1]} : vector<16xf32> to vector<1xf32>
      %squeeze3A_24 = vector.extract %slice3A_23[0] : f32 from vector<1xf32>
      %add3A_25 = arith.addf %add3A, %squeeze3A_24 : f32
      %slice3A_26 = vector.extract_strided_slice %scan3A_19 {offsets = [3], sizes = [1], strides = [1]} : vector<16xf32> to vector<1xf32>
      %squeeze3A_27 = vector.extract %slice3A_26[0] : f32 from vector<1xf32>
      %add3A_28 = arith.addf %add3A_25, %squeeze3A_27 : f32
      %slice3A_29 = vector.extract_strided_slice %scan3A_19 {offsets = [4], sizes = [1], strides = [1]} : vector<16xf32> to vector<1xf32>
      %squeeze3A_30 = vector.extract %slice3A_29[0] : f32 from vector<1xf32>
      %add3A_31 = arith.addf %add3A_28, %squeeze3A_30 : f32
      %slice3A_32 = vector.extract_strided_slice %scan3A_19 {offsets = [5], sizes = [1], strides = [1]} : vector<16xf32> to vector<1xf32>
      %squeeze3A_33 = vector.extract %slice3A_32[0] : f32 from vector<1xf32>
      %add3A_34 = arith.addf %add3A_31, %squeeze3A_33 : f32
      %slice3A_35 = vector.extract_strided_slice %scan3A_19 {offsets = [6], sizes = [1], strides = [1]} : vector<16xf32> to vector<1xf32>
      %squeeze3A_36 = vector.extract %slice3A_35[0] : f32 from vector<1xf32>
      %add3A_37 = arith.addf %add3A_34, %squeeze3A_36 : f32
      %slice3A_38 = vector.extract_strided_slice %scan3A_19 {offsets = [7], sizes = [1], strides = [1]} : vector<16xf32> to vector<1xf32>
      %squeeze3A_39 = vector.extract %slice3A_38[0] : f32 from vector<1xf32>
      %add3A_40 = arith.addf %add3A_37, %squeeze3A_39 : f32
      %slice3A_41 = vector.extract_strided_slice %scan3A_19 {offsets = [8], sizes = [1], strides = [1]} : vector<16xf32> to vector<1xf32>
      %squeeze3A_42 = vector.extract %slice3A_41[0] : f32 from vector<1xf32>
      %add3A_43 = arith.addf %add3A_40, %squeeze3A_42 : f32
      %slice3A_44 = vector.extract_strided_slice %scan3A_19 {offsets = [9], sizes = [1], strides = [1]} : vector<16xf32> to vector<1xf32>
      %squeeze3A_45 = vector.extract %slice3A_44[0] : f32 from vector<1xf32>
      %add3A_46 = arith.addf %add3A_43, %squeeze3A_45 : f32
      %slice3A_47 = vector.extract_strided_slice %scan3A_19 {offsets = [10], sizes = [1], strides = [1]} : vector<16xf32> to vector<1xf32>
      %squeeze3A_48 = vector.extract %slice3A_47[0] : f32 from vector<1xf32>
      %add3A_49 = arith.addf %add3A_46, %squeeze3A_48 : f32
      %slice3A_50 = vector.extract_strided_slice %scan3A_19 {offsets = [11], sizes = [1], strides = [1]} : vector<16xf32> to vector<1xf32>
      %squeeze3A_51 = vector.extract %slice3A_50[0] : f32 from vector<1xf32>
      %add3A_52 = arith.addf %add3A_49, %squeeze3A_51 : f32
      %slice3A_53 = vector.extract_strided_slice %scan3A_19 {offsets = [12], sizes = [1], strides = [1]} : vector<16xf32> to vector<1xf32>
      %squeeze3A_54 = vector.extract %slice3A_53[0] : f32 from vector<1xf32>
      %add3A_55 = arith.addf %add3A_52, %squeeze3A_54 : f32
      %slice3A_56 = vector.extract_strided_slice %scan3A_19 {offsets = [13], sizes = [1], strides = [1]} : vector<16xf32> to vector<1xf32>
      %squeeze3A_57 = vector.extract %slice3A_56[0] : f32 from vector<1xf32>
      %add3A_58 = arith.addf %add3A_55, %squeeze3A_57 : f32
      %slice3A_59 = vector.extract_strided_slice %scan3A_19 {offsets = [14], sizes = [1], strides = [1]} : vector<16xf32> to vector<1xf32>
      %squeeze3A_60 = vector.extract %slice3A_59[0] : f32 from vector<1xf32>
      %add3A_61 = arith.addf %add3A_58, %squeeze3A_60 : f32
      %slice3A_62 = vector.extract_strided_slice %scan3A_19 {offsets = [15], sizes = [1], strides = [1]} : vector<16xf32> to vector<1xf32>
      %squeeze3A_63 = vector.extract %slice3A_62[0] : f32 from vector<1xf32>
      %add3A_64 = arith.addf %add3A_61, %squeeze3A_63 : f32
      %sub3A = arith.constant 6.000000e+00 : f32
      %sub3A_65 = arith.subf %sub3A, %add3A_64 : f32
      %max3A = arith.constant 0.000000e+00 : f32
      %max3A_66 = arith.maximumf %sub3A_65, %max3A : f32
      %gt3A = arith.constant 5.000000e-01 : f32
      %gt3A_67 = arith.cmpf ogt, %max3A_66, %gt3A : f32
      %convert_element_type3A_68 = arith.extui %gt3A_67 : i1 to i32
      %cond3A_69 = arith.constant 0 : i32
      %cond3A_70 = arith.cmpi ne, %convert_element_type3A_68, %cond3A_69 : i32
      scf.if %cond3A_70 {
        %scan3A_71 = arith.constant 0.000000e+00 : f32
        %scan3A_72 = arith.constant 0 : i32
        %scan3A_73 = arith.constant 313 : i32
        %scan3A_74 = arith.addi %scan3A_72, %scan3A_73 : i32
        %scan3A_75 = arith.constant 1 : i32
        %scan3A_76 = scf.for %scan3A_78 = %scan3A_72 to %scan3A_74 step %scan3A_75 iter_args(%scan3A_79 = %scan3A_71) -> (f32)  : i32 {
          %mul3A = arith.constant 16 : i32
          %mul3A_80 = arith.muli %scan3A_78, %mul3A : i32
          %get3A = arith.index_cast %mul3A_80 : i32 to index
          %get3A_81 = tpu.vector_load %arg10[%get3A] {strides = array<i32>} : memref<5008xf32, #tpu.memory_space<vmem>>, vector<16xf32>,
          %add3A_82 = arith.constant 0 : i32
          %add3A_83 = arith.addi %mul3A_80, %add3A_82 : i32
          %lt3A = arith.constant 5000 : i32
          %lt3A_84 = arith.cmpi slt, %add3A_83, %lt3A : i32
          %slice3A_85 = vector.extract_strided_slice %get3A_81 {offsets = [0], sizes = [1], strides = [1]} : vector<16xf32> to vector<1xf32>
          %squeeze3A_86 = vector.extract %slice3A_85[0] : f32 from vector<1xf32>
          %lt3A_87 = arith.constant 5.000000e-01 : f32
          %lt3A_88 = arith.cmpf olt, %squeeze3A_86, %lt3A_87 : f32
          %and3A_89 = arith.andi %lt3A_84, %lt3A_88 : i1
          %lt3A_90 = arith.cmpf olt, %scan3A_79, %max3A_66 : f32
          %and3A_91 = arith.andi %and3A_89, %lt3A_90 : i1
          %jit3A = arith.constant 1.000000e+00 : f32
          %jit3A_92 = arith.constant 0.000000e+00 : f32
          %select_n3A = arith.select %and3A_91, %jit3A, %jit3A_92 : f32
          %eq3A_93 = arith.constant 0 : i32
          %eq3A_94 = vector.broadcast %eq3A_93 : i32 to vector<16xi32>
          %eq3A_95 = arith.cmpi eq, %iota3A, %eq3A_94 : vector<16xi32>
          %jit3A_96 = arith.constant 0.000000e+00 : f32
          %broadcast_in_dim3A_97 = vector.broadcast %select_n3A : f32 to vector<16xf32>
          %broadcast_in_dim3A_98 = vector.broadcast %jit3A_96 : f32 to vector<16xf32>
          %select_n3A_99 = arith.select %eq3A_95, %broadcast_in_dim3A_97, %broadcast_in_dim3A_98 : vector<16xi1>, vector<16xf32>
          %add3A_100 = arith.addf %get3A_81, %select_n3A_99 : vector<16xf32>
          %jit3A_101 = arith.constant 1.000000e+00 : f32
          %jit3A_102 = arith.constant 0.000000e+00 : f32
          %select_n3A_103 = arith.select %and3A_89, %jit3A_101, %jit3A_102 : f32
          %add3A_104 = arith.addf %scan3A_79, %select_n3A_103 : f32
          %add3A_105 = arith.constant 1 : i32
          %add3A_106 = arith.addi %mul3A_80, %add3A_105 : i32
          %lt3A_107 = arith.constant 5000 : i32
          %lt3A_108 = arith.cmpi slt, %add3A_106, %lt3A_107 : i32
          %slice3A_109 = vector.extract_strided_slice %get3A_81 {offsets = [1], sizes = [1], strides = [1]} : vector<16xf32> to vector<1xf32>
          %squeeze3A_110 = vector.extract %slice3A_109[0] : f32 from vector<1xf32>
          %lt3A_111 = arith.constant 5.000000e-01 : f32
          %lt3A_112 = arith.cmpf olt, %squeeze3A_110, %lt3A_111 : f32
          %and3A_113 = arith.andi %lt3A_108, %lt3A_112 : i1
          %lt3A_114 = arith.cmpf olt, %add3A_104, %max3A_66 : f32
          %and3A_115 = arith.andi %and3A_113, %lt3A_114 : i1
          %jit3A_116 = arith.constant 1.000000e+00 : f32
          %jit3A_117 = arith.constant 0.000000e+00 : f32
          %select_n3A_118 = arith.select %and3A_115, %jit3A_116, %jit3A_117 : f32
          %eq3A_119 = arith.constant 1 : i32
          %eq3A_120 = vector.broadcast %eq3A_119 : i32 to vector<16xi32>
          %eq3A_121 = arith.cmpi eq, %iota3A, %eq3A_120 : vector<16xi32>
          %jit3A_122 = arith.constant 0.000000e+00 : f32
          %broadcast_in_dim3A_123 = vector.broadcast %select_n3A_118 : f32 to vector<16xf32>
          %broadcast_in_dim3A_124 = vector.broadcast %jit3A_122 : f32 to vector<16xf32>
          %select_n3A_125 = arith.select %eq3A_121, %broadcast_in_dim3A_123, %broadcast_in_dim3A_124 : vector<16xi1>, vector<16xf32>
          %add3A_126 = arith.addf %add3A_100, %select_n3A_125 : vector<16xf32>
          %jit3A_127 = arith.constant 1.000000e+00 : f32
          %jit3A_128 = arith.constant 0.000000e+00 : f32
          %select_n3A_129 = arith.select %and3A_113, %jit3A_127, %jit3A_128 : f32
          %add3A_130 = arith.addf %add3A_104, %select_n3A_129 : f32
          %add3A_131 = arith.constant 2 : i32
          %add3A_132 = arith.addi %mul3A_80, %add3A_131 : i32
          %lt3A_133 = arith.constant 5000 : i32
          %lt3A_134 = arith.cmpi slt, %add3A_132, %lt3A_133 : i32
          %slice3A_135 = vector.extract_strided_slice %get3A_81 {offsets = [2], sizes = [1], strides = [1]} : vector<16xf32> to vector<1xf32>
          %squeeze3A_136 = vector.extract %slice3A_135[0] : f32 from vector<1xf32>
          %lt3A_137 = arith.constant 5.000000e-01 : f32
          %lt3A_138 = arith.cmpf olt, %squeeze3A_136, %lt3A_137 : f32
          %and3A_139 = arith.andi %lt3A_134, %lt3A_138 : i1
          %lt3A_140 = arith.cmpf olt, %add3A_130, %max3A_66 : f32
          %and3A_141 = arith.andi %and3A_139, %lt3A_140 : i1
          %jit3A_142 = arith.constant 1.000000e+00 : f32
          %jit3A_143 = arith.constant 0.000000e+00 : f32
          %select_n3A_144 = arith.select %and3A_141, %jit3A_142, %jit3A_143 : f32
          %eq3A_145 = arith.constant 2 : i32
          %eq3A_146 = vector.broadcast %eq3A_145 : i32 to vector<16xi32>
          %eq3A_147 = arith.cmpi eq, %iota3A, %eq3A_146 : vector<16xi32>
          %jit3A_148 = arith.constant 0.000000e+00 : f32
          %broadcast_in_dim3A_149 = vector.broadcast %select_n3A_144 : f32 to vector<16xf32>
          %broadcast_in_dim3A_150 = vector.broadcast %jit3A_148 : f32 to vector<16xf32>
          %select_n3A_151 = arith.select %eq3A_147, %broadcast_in_dim3A_149, %broadcast_in_dim3A_150 : vector<16xi1>, vector<16xf32>
          %add3A_152 = arith.addf %add3A_126, %select_n3A_151 : vector<16xf32>
          %jit3A_153 = arith.constant 1.000000e+00 : f32
          %jit3A_154 = arith.constant 0.000000e+00 : f32
          %select_n3A_155 = arith.select %and3A_139, %jit3A_153, %jit3A_154 : f32
          %add3A_156 = arith.addf %add3A_130, %select_n3A_155 : f32
          %add3A_157 = arith.constant 3 : i32
          %add3A_158 = arith.addi %mul3A_80, %add3A_157 : i32
          %lt3A_159 = arith.constant 5000 : i32
          %lt3A_160 = arith.cmpi slt, %add3A_158, %lt3A_159 : i32
          %slice3A_161 = vector.extract_strided_slice %get3A_81 {offsets = [3], sizes = [1], strides = [1]} : vector<16xf32> to vector<1xf32>
          %squeeze3A_162 = vector.extract %slice3A_161[0] : f32 from vector<1xf32>
          %lt3A_163 = arith.constant 5.000000e-01 : f32
          %lt3A_164 = arith.cmpf olt, %squeeze3A_162, %lt3A_163 : f32
          %and3A_165 = arith.andi %lt3A_160, %lt3A_164 : i1
          %lt3A_166 = arith.cmpf olt, %add3A_156, %max3A_66 : f32
          %and3A_167 = arith.andi %and3A_165, %lt3A_166 : i1
          %jit3A_168 = arith.constant 1.000000e+00 : f32
          %jit3A_169 = arith.constant 0.000000e+00 : f32
          %select_n3A_170 = arith.select %and3A_167, %jit3A_168, %jit3A_169 : f32
          %eq3A_171 = arith.constant 3 : i32
          %eq3A_172 = vector.broadcast %eq3A_171 : i32 to vector<16xi32>
          %eq3A_173 = arith.cmpi eq, %iota3A, %eq3A_172 : vector<16xi32>
          %jit3A_174 = arith.constant 0.000000e+00 : f32
          %broadcast_in_dim3A_175 = vector.broadcast %select_n3A_170 : f32 to vector<16xf32>
          %broadcast_in_dim3A_176 = vector.broadcast %jit3A_174 : f32 to vector<16xf32>
          %select_n3A_177 = arith.select %eq3A_173, %broadcast_in_dim3A_175, %broadcast_in_dim3A_176 : vector<16xi1>, vector<16xf32>
          %add3A_178 = arith.addf %add3A_152, %select_n3A_177 : vector<16xf32>
          %jit3A_179 = arith.constant 1.000000e+00 : f32
          %jit3A_180 = arith.constant 0.000000e+00 : f32
          %select_n3A_181 = arith.select %and3A_165, %jit3A_179, %jit3A_180 : f32
          %add3A_182 = arith.addf %add3A_156, %select_n3A_181 : f32
          %add3A_183 = arith.constant 4 : i32
          %add3A_184 = arith.addi %mul3A_80, %add3A_183 : i32
          %lt3A_185 = arith.constant 5000 : i32
          %lt3A_186 = arith.cmpi slt, %add3A_184, %lt3A_185 : i32
          %slice3A_187 = vector.extract_strided_slice %get3A_81 {offsets = [4], sizes = [1], strides = [1]} : vector<16xf32> to vector<1xf32>
          %squeeze3A_188 = vector.extract %slice3A_187[0] : f32 from vector<1xf32>
          %lt3A_189 = arith.constant 5.000000e-01 : f32
          %lt3A_190 = arith.cmpf olt, %squeeze3A_188, %lt3A_189 : f32
          %and3A_191 = arith.andi %lt3A_186, %lt3A_190 : i1
          %lt3A_192 = arith.cmpf olt, %add3A_182, %max3A_66 : f32
          %and3A_193 = arith.andi %and3A_191, %lt3A_192 : i1
          %jit3A_194 = arith.constant 1.000000e+00 : f32
          %jit3A_195 = arith.constant 0.000000e+00 : f32
          %select_n3A_196 = arith.select %and3A_193, %jit3A_194, %jit3A_195 : f32
          %eq3A_197 = arith.constant 4 : i32
          %eq3A_198 = vector.broadcast %eq3A_197 : i32 to vector<16xi32>
          %eq3A_199 = arith.cmpi eq, %iota3A, %eq3A_198 : vector<16xi32>
          %jit3A_200 = arith.constant 0.000000e+00 : f32
          %broadcast_in_dim3A_201 = vector.broadcast %select_n3A_196 : f32 to vector<16xf32>
          %broadcast_in_dim3A_202 = vector.broadcast %jit3A_200 : f32 to vector<16xf32>
          %select_n3A_203 = arith.select %eq3A_199, %broadcast_in_dim3A_201, %broadcast_in_dim3A_202 : vector<16xi1>, vector<16xf32>
          %add3A_204 = arith.addf %add3A_178, %select_n3A_203 : vector<16xf32>
          %jit3A_205 = arith.constant 1.000000e+00 : f32
          %jit3A_206 = arith.constant 0.000000e+00 : f32
          %select_n3A_207 = arith.select %and3A_191, %jit3A_205, %jit3A_206 : f32
          %add3A_208 = arith.addf %add3A_182, %select_n3A_207 : f32
          %add3A_209 = arith.constant 5 : i32
          %add3A_210 = arith.addi %mul3A_80, %add3A_209 : i32
          %lt3A_211 = arith.constant 5000 : i32
          %lt3A_212 = arith.cmpi slt, %add3A_210, %lt3A_211 : i32
          %slice3A_213 = vector.extract_strided_slice %get3A_81 {offsets = [5], sizes = [1], strides = [1]} : vector<16xf32> to vector<1xf32>
          %squeeze3A_214 = vector.extract %slice3A_213[0] : f32 from vector<1xf32>
          %lt3A_215 = arith.constant 5.000000e-01 : f32
          %lt3A_216 = arith.cmpf olt, %squeeze3A_214, %lt3A_215 : f32
          %and3A_217 = arith.andi %lt3A_212, %lt3A_216 : i1
          %lt3A_218 = arith.cmpf olt, %add3A_208, %max3A_66 : f32
          %and3A_219 = arith.andi %and3A_217, %lt3A_218 : i1
          %jit3A_220 = arith.constant 1.000000e+00 : f32
          %jit3A_221 = arith.constant 0.000000e+00 : f32
          %select_n3A_222 = arith.select %and3A_219, %jit3A_220, %jit3A_221 : f32
          %eq3A_223 = arith.constant 5 : i32
          %eq3A_224 = vector.broadcast %eq3A_223 : i32 to vector<16xi32>
          %eq3A_225 = arith.cmpi eq, %iota3A, %eq3A_224 : vector<16xi32>
          %jit3A_226 = arith.constant 0.000000e+00 : f32
          %broadcast_in_dim3A_227 = vector.broadcast %select_n3A_222 : f32 to vector<16xf32>
          %broadcast_in_dim3A_228 = vector.broadcast %jit3A_226 : f32 to vector<16xf32>
          %select_n3A_229 = arith.select %eq3A_225, %broadcast_in_dim3A_227, %broadcast_in_dim3A_228 : vector<16xi1>, vector<16xf32>
          %add3A_230 = arith.addf %add3A_204, %select_n3A_229 : vector<16xf32>
          %jit3A_231 = arith.constant 1.000000e+00 : f32
          %jit3A_232 = arith.constant 0.000000e+00 : f32
          %select_n3A_233 = arith.select %and3A_217, %jit3A_231, %jit3A_232 : f32
          %add3A_234 = arith.addf %add3A_208, %select_n3A_233 : f32
          %add3A_235 = arith.constant 6 : i32
          %add3A_236 = arith.addi %mul3A_80, %add3A_235 : i32
          %lt3A_237 = arith.constant 5000 : i32
          %lt3A_238 = arith.cmpi slt, %add3A_236, %lt3A_237 : i32
          %slice3A_239 = vector.extract_strided_slice %get3A_81 {offsets = [6], sizes = [1], strides = [1]} : vector<16xf32> to vector<1xf32>
          %squeeze3A_240 = vector.extract %slice3A_239[0] : f32 from vector<1xf32>
          %lt3A_241 = arith.constant 5.000000e-01 : f32
          %lt3A_242 = arith.cmpf olt, %squeeze3A_240, %lt3A_241 : f32
          %and3A_243 = arith.andi %lt3A_238, %lt3A_242 : i1
          %lt3A_244 = arith.cmpf olt, %add3A_234, %max3A_66 : f32
          %and3A_245 = arith.andi %and3A_243, %lt3A_244 : i1
          %jit3A_246 = arith.constant 1.000000e+00 : f32
          %jit3A_247 = arith.constant 0.000000e+00 : f32
          %select_n3A_248 = arith.select %and3A_245, %jit3A_246, %jit3A_247 : f32
          %eq3A_249 = arith.constant 6 : i32
          %eq3A_250 = vector.broadcast %eq3A_249 : i32 to vector<16xi32>
          %eq3A_251 = arith.cmpi eq, %iota3A, %eq3A_250 : vector<16xi32>
          %jit3A_252 = arith.constant 0.000000e+00 : f32
          %broadcast_in_dim3A_253 = vector.broadcast %select_n3A_248 : f32 to vector<16xf32>
          %broadcast_in_dim3A_254 = vector.broadcast %jit3A_252 : f32 to vector<16xf32>
          %select_n3A_255 = arith.select %eq3A_251, %broadcast_in_dim3A_253, %broadcast_in_dim3A_254 : vector<16xi1>, vector<16xf32>
          %add3A_256 = arith.addf %add3A_230, %select_n3A_255 : vector<16xf32>
          %jit3A_257 = arith.constant 1.000000e+00 : f32
          %jit3A_258 = arith.constant 0.000000e+00 : f32
          %select_n3A_259 = arith.select %and3A_243, %jit3A_257, %jit3A_258 : f32
          %add3A_260 = arith.addf %add3A_234, %select_n3A_259 : f32
          %add3A_261 = arith.constant 7 : i32
          %add3A_262 = arith.addi %mul3A_80, %add3A_261 : i32
          %lt3A_263 = arith.constant 5000 : i32
          %lt3A_264 = arith.cmpi slt, %add3A_262, %lt3A_263 : i32
          %slice3A_265 = vector.extract_strided_slice %get3A_81 {offsets = [7], sizes = [1], strides = [1]} : vector<16xf32> to vector<1xf32>
          %squeeze3A_266 = vector.extract %slice3A_265[0] : f32 from vector<1xf32>
          %lt3A_267 = arith.constant 5.000000e-01 : f32
          %lt3A_268 = arith.cmpf olt, %squeeze3A_266, %lt3A_267 : f32
          %and3A_269 = arith.andi %lt3A_264, %lt3A_268 : i1
          %lt3A_270 = arith.cmpf olt, %add3A_260, %max3A_66 : f32
          %and3A_271 = arith.andi %and3A_269, %lt3A_270 : i1
          %jit3A_272 = arith.constant 1.000000e+00 : f32
          %jit3A_273 = arith.constant 0.000000e+00 : f32
          %select_n3A_274 = arith.select %and3A_271, %jit3A_272, %jit3A_273 : f32
          %eq3A_275 = arith.constant 7 : i32
          %eq3A_276 = vector.broadcast %eq3A_275 : i32 to vector<16xi32>
          %eq3A_277 = arith.cmpi eq, %iota3A, %eq3A_276 : vector<16xi32>
          %jit3A_278 = arith.constant 0.000000e+00 : f32
          %broadcast_in_dim3A_279 = vector.broadcast %select_n3A_274 : f32 to vector<16xf32>
          %broadcast_in_dim3A_280 = vector.broadcast %jit3A_278 : f32 to vector<16xf32>
          %select_n3A_281 = arith.select %eq3A_277, %broadcast_in_dim3A_279, %broadcast_in_dim3A_280 : vector<16xi1>, vector<16xf32>
          %add3A_282 = arith.addf %add3A_256, %select_n3A_281 : vector<16xf32>
          %jit3A_283 = arith.constant 1.000000e+00 : f32
          %jit3A_284 = arith.constant 0.000000e+00 : f32
          %select_n3A_285 = arith.select %and3A_269, %jit3A_283, %jit3A_284 : f32
          %add3A_286 = arith.addf %add3A_260, %select_n3A_285 : f32
          %add3A_287 = arith.constant 8 : i32
          %add3A_288 = arith.addi %mul3A_80, %add3A_287 : i32
          %lt3A_289 = arith.constant 5000 : i32
          %lt3A_290 = arith.cmpi slt, %add3A_288, %lt3A_289 : i32
          %slice3A_291 = vector.extract_strided_slice %get3A_81 {offsets = [8], sizes = [1], strides = [1]} : vector<16xf32> to vector<1xf32>
          %squeeze3A_292 = vector.extract %slice3A_291[0] : f32 from vector<1xf32>
          %lt3A_293 = arith.constant 5.000000e-01 : f32
          %lt3A_294 = arith.cmpf olt, %squeeze3A_292, %lt3A_293 : f32
          %and3A_295 = arith.andi %lt3A_290, %lt3A_294 : i1
          %lt3A_296 = arith.cmpf olt, %add3A_286, %max3A_66 : f32
          %and3A_297 = arith.andi %and3A_295, %lt3A_296 : i1
          %jit3A_298 = arith.constant 1.000000e+00 : f32
          %jit3A_299 = arith.constant 0.000000e+00 : f32
          %select_n3A_300 = arith.select %and3A_297, %jit3A_298, %jit3A_299 : f32
          %eq3A_301 = arith.constant 8 : i32
          %eq3A_302 = vector.broadcast %eq3A_301 : i32 to vector<16xi32>
          %eq3A_303 = arith.cmpi eq, %iota3A, %eq3A_302 : vector<16xi32>
          %jit3A_304 = arith.constant 0.000000e+00 : f32
          %broadcast_in_dim3A_305 = vector.broadcast %select_n3A_300 : f32 to vector<16xf32>
          %broadcast_in_dim3A_306 = vector.broadcast %jit3A_304 : f32 to vector<16xf32>
          %select_n3A_307 = arith.select %eq3A_303, %broadcast_in_dim3A_305, %broadcast_in_dim3A_306 : vector<16xi1>, vector<16xf32>
          %add3A_308 = arith.addf %add3A_282, %select_n3A_307 : vector<16xf32>
          %jit3A_309 = arith.constant 1.000000e+00 : f32
          %jit3A_310 = arith.constant 0.000000e+00 : f32
          %select_n3A_311 = arith.select %and3A_295, %jit3A_309, %jit3A_310 : f32
          %add3A_312 = arith.addf %add3A_286, %select_n3A_311 : f32
          %add3A_313 = arith.constant 9 : i32
          %add3A_314 = arith.addi %mul3A_80, %add3A_313 : i32
          %lt3A_315 = arith.constant 5000 : i32
          %lt3A_316 = arith.cmpi slt, %add3A_314, %lt3A_315 : i32
          %slice3A_317 = vector.extract_strided_slice %get3A_81 {offsets = [9], sizes = [1], strides = [1]} : vector<16xf32> to vector<1xf32>
          %squeeze3A_318 = vector.extract %slice3A_317[0] : f32 from vector<1xf32>
          %lt3A_319 = arith.constant 5.000000e-01 : f32
          %lt3A_320 = arith.cmpf olt, %squeeze3A_318, %lt3A_319 : f32
          %and3A_321 = arith.andi %lt3A_316, %lt3A_320 : i1
          %lt3A_322 = arith.cmpf olt, %add3A_312, %max3A_66 : f32
          %and3A_323 = arith.andi %and3A_321, %lt3A_322 : i1
          %jit3A_324 = arith.constant 1.000000e+00 : f32
          %jit3A_325 = arith.constant 0.000000e+00 : f32
          %select_n3A_326 = arith.select %and3A_323, %jit3A_324, %jit3A_325 : f32
          %eq3A_327 = arith.constant 9 : i32
          %eq3A_328 = vector.broadcast %eq3A_327 : i32 to vector<16xi32>
          %eq3A_329 = arith.cmpi eq, %iota3A, %eq3A_328 : vector<16xi32>
          %jit3A_330 = arith.constant 0.000000e+00 : f32
          %broadcast_in_dim3A_331 = vector.broadcast %select_n3A_326 : f32 to vector<16xf32>
          %broadcast_in_dim3A_332 = vector.broadcast %jit3A_330 : f32 to vector<16xf32>
          %select_n3A_333 = arith.select %eq3A_329, %broadcast_in_dim3A_331, %broadcast_in_dim3A_332 : vector<16xi1>, vector<16xf32>
          %add3A_334 = arith.addf %add3A_308, %select_n3A_333 : vector<16xf32>
          %jit3A_335 = arith.constant 1.000000e+00 : f32
          %jit3A_336 = arith.constant 0.000000e+00 : f32
          %select_n3A_337 = arith.select %and3A_321, %jit3A_335, %jit3A_336 : f32
          %add3A_338 = arith.addf %add3A_312, %select_n3A_337 : f32
          %add3A_339 = arith.constant 10 : i32
          %add3A_340 = arith.addi %mul3A_80, %add3A_339 : i32
          %lt3A_341 = arith.constant 5000 : i32
          %lt3A_342 = arith.cmpi slt, %add3A_340, %lt3A_341 : i32
          %slice3A_343 = vector.extract_strided_slice %get3A_81 {offsets = [10], sizes = [1], strides = [1]} : vector<16xf32> to vector<1xf32>
          %squeeze3A_344 = vector.extract %slice3A_343[0] : f32 from vector<1xf32>
          %lt3A_345 = arith.constant 5.000000e-01 : f32
          %lt3A_346 = arith.cmpf olt, %squeeze3A_344, %lt3A_345 : f32
          %and3A_347 = arith.andi %lt3A_342, %lt3A_346 : i1
          %lt3A_348 = arith.cmpf olt, %add3A_338, %max3A_66 : f32
          %and3A_349 = arith.andi %and3A_347, %lt3A_348 : i1
          %jit3A_350 = arith.constant 1.000000e+00 : f32
          %jit3A_351 = arith.constant 0.000000e+00 : f32
          %select_n3A_352 = arith.select %and3A_349, %jit3A_350, %jit3A_351 : f32
          %eq3A_353 = arith.constant 10 : i32
          %eq3A_354 = vector.broadcast %eq3A_353 : i32 to vector<16xi32>
          %eq3A_355 = arith.cmpi eq, %iota3A, %eq3A_354 : vector<16xi32>
          %jit3A_356 = arith.constant 0.000000e+00 : f32
          %broadcast_in_dim3A_357 = vector.broadcast %select_n3A_352 : f32 to vector<16xf32>
          %broadcast_in_dim3A_358 = vector.broadcast %jit3A_356 : f32 to vector<16xf32>
          %select_n3A_359 = arith.select %eq3A_355, %broadcast_in_dim3A_357, %broadcast_in_dim3A_358 : vector<16xi1>, vector<16xf32>
          %add3A_360 = arith.addf %add3A_334, %select_n3A_359 : vector<16xf32>
          %jit3A_361 = arith.constant 1.000000e+00 : f32
          %jit3A_362 = arith.constant 0.000000e+00 : f32
          %select_n3A_363 = arith.select %and3A_347, %jit3A_361, %jit3A_362 : f32
          %add3A_364 = arith.addf %add3A_338, %select_n3A_363 : f32
          %add3A_365 = arith.constant 11 : i32
          %add3A_366 = arith.addi %mul3A_80, %add3A_365 : i32
          %lt3A_367 = arith.constant 5000 : i32
          %lt3A_368 = arith.cmpi slt, %add3A_366, %lt3A_367 : i32
          %slice3A_369 = vector.extract_strided_slice %get3A_81 {offsets = [11], sizes = [1], strides = [1]} : vector<16xf32> to vector<1xf32>
          %squeeze3A_370 = vector.extract %slice3A_369[0] : f32 from vector<1xf32>
          %lt3A_371 = arith.constant 5.000000e-01 : f32
          %lt3A_372 = arith.cmpf olt, %squeeze3A_370, %lt3A_371 : f32
          %and3A_373 = arith.andi %lt3A_368, %lt3A_372 : i1
          %lt3A_374 = arith.cmpf olt, %add3A_364, %max3A_66 : f32
          %and3A_375 = arith.andi %and3A_373, %lt3A_374 : i1
          %jit3A_376 = arith.constant 1.000000e+00 : f32
          %jit3A_377 = arith.constant 0.000000e+00 : f32
          %select_n3A_378 = arith.select %and3A_375, %jit3A_376, %jit3A_377 : f32
          %eq3A_379 = arith.constant 11 : i32
          %eq3A_380 = vector.broadcast %eq3A_379 : i32 to vector<16xi32>
          %eq3A_381 = arith.cmpi eq, %iota3A, %eq3A_380 : vector<16xi32>
          %jit3A_382 = arith.constant 0.000000e+00 : f32
          %broadcast_in_dim3A_383 = vector.broadcast %select_n3A_378 : f32 to vector<16xf32>
          %broadcast_in_dim3A_384 = vector.broadcast %jit3A_382 : f32 to vector<16xf32>
          %select_n3A_385 = arith.select %eq3A_381, %broadcast_in_dim3A_383, %broadcast_in_dim3A_384 : vector<16xi1>, vector<16xf32>
          %add3A_386 = arith.addf %add3A_360, %select_n3A_385 : vector<16xf32>
          %jit3A_387 = arith.constant 1.000000e+00 : f32
          %jit3A_388 = arith.constant 0.000000e+00 : f32
          %select_n3A_389 = arith.select %and3A_373, %jit3A_387, %jit3A_388 : f32
          %add3A_390 = arith.addf %add3A_364, %select_n3A_389 : f32
          %add3A_391 = arith.constant 12 : i32
          %add3A_392 = arith.addi %mul3A_80, %add3A_391 : i32
          %lt3A_393 = arith.constant 5000 : i32
          %lt3A_394 = arith.cmpi slt, %add3A_392, %lt3A_393 : i32
          %slice3A_395 = vector.extract_strided_slice %get3A_81 {offsets = [12], sizes = [1], strides = [1]} : vector<16xf32> to vector<1xf32>
          %squeeze3A_396 = vector.extract %slice3A_395[0] : f32 from vector<1xf32>
          %lt3A_397 = arith.constant 5.000000e-01 : f32
          %lt3A_398 = arith.cmpf olt, %squeeze3A_396, %lt3A_397 : f32
          %and3A_399 = arith.andi %lt3A_394, %lt3A_398 : i1
          %lt3A_400 = arith.cmpf olt, %add3A_390, %max3A_66 : f32
          %and3A_401 = arith.andi %and3A_399, %lt3A_400 : i1
          %jit3A_402 = arith.constant 1.000000e+00 : f32
          %jit3A_403 = arith.constant 0.000000e+00 : f32
          %select_n3A_404 = arith.select %and3A_401, %jit3A_402, %jit3A_403 : f32
          %eq3A_405 = arith.constant 12 : i32
          %eq3A_406 = vector.broadcast %eq3A_405 : i32 to vector<16xi32>
          %eq3A_407 = arith.cmpi eq, %iota3A, %eq3A_406 : vector<16xi32>
          %jit3A_408 = arith.constant 0.000000e+00 : f32
          %broadcast_in_dim3A_409 = vector.broadcast %select_n3A_404 : f32 to vector<16xf32>
          %broadcast_in_dim3A_410 = vector.broadcast %jit3A_408 : f32 to vector<16xf32>
          %select_n3A_411 = arith.select %eq3A_407, %broadcast_in_dim3A_409, %broadcast_in_dim3A_410 : vector<16xi1>, vector<16xf32>
          %add3A_412 = arith.addf %add3A_386, %select_n3A_411 : vector<16xf32>
          %jit3A_413 = arith.constant 1.000000e+00 : f32
          %jit3A_414 = arith.constant 0.000000e+00 : f32
          %select_n3A_415 = arith.select %and3A_399, %jit3A_413, %jit3A_414 : f32
          %add3A_416 = arith.addf %add3A_390, %select_n3A_415 : f32
          %add3A_417 = arith.constant 13 : i32
          %add3A_418 = arith.addi %mul3A_80, %add3A_417 : i32
          %lt3A_419 = arith.constant 5000 : i32
          %lt3A_420 = arith.cmpi slt, %add3A_418, %lt3A_419 : i32
          %slice3A_421 = vector.extract_strided_slice %get3A_81 {offsets = [13], sizes = [1], strides = [1]} : vector<16xf32> to vector<1xf32>
          %squeeze3A_422 = vector.extract %slice3A_421[0] : f32 from vector<1xf32>
          %lt3A_423 = arith.constant 5.000000e-01 : f32
          %lt3A_424 = arith.cmpf olt, %squeeze3A_422, %lt3A_423 : f32
          %and3A_425 = arith.andi %lt3A_420, %lt3A_424 : i1
          %lt3A_426 = arith.cmpf olt, %add3A_416, %max3A_66 : f32
          %and3A_427 = arith.andi %and3A_425, %lt3A_426 : i1
          %jit3A_428 = arith.constant 1.000000e+00 : f32
          %jit3A_429 = arith.constant 0.000000e+00 : f32
          %select_n3A_430 = arith.select %and3A_427, %jit3A_428, %jit3A_429 : f32
          %eq3A_431 = arith.constant 13 : i32
          %eq3A_432 = vector.broadcast %eq3A_431 : i32 to vector<16xi32>
          %eq3A_433 = arith.cmpi eq, %iota3A, %eq3A_432 : vector<16xi32>
          %jit3A_434 = arith.constant 0.000000e+00 : f32
          %broadcast_in_dim3A_435 = vector.broadcast %select_n3A_430 : f32 to vector<16xf32>
          %broadcast_in_dim3A_436 = vector.broadcast %jit3A_434 : f32 to vector<16xf32>
          %select_n3A_437 = arith.select %eq3A_433, %broadcast_in_dim3A_435, %broadcast_in_dim3A_436 : vector<16xi1>, vector<16xf32>
          %add3A_438 = arith.addf %add3A_412, %select_n3A_437 : vector<16xf32>
          %jit3A_439 = arith.constant 1.000000e+00 : f32
          %jit3A_440 = arith.constant 0.000000e+00 : f32
          %select_n3A_441 = arith.select %and3A_425, %jit3A_439, %jit3A_440 : f32
          %add3A_442 = arith.addf %add3A_416, %select_n3A_441 : f32
          %add3A_443 = arith.constant 14 : i32
          %add3A_444 = arith.addi %mul3A_80, %add3A_443 : i32
          %lt3A_445 = arith.constant 5000 : i32
          %lt3A_446 = arith.cmpi slt, %add3A_444, %lt3A_445 : i32
          %slice3A_447 = vector.extract_strided_slice %get3A_81 {offsets = [14], sizes = [1], strides = [1]} : vector<16xf32> to vector<1xf32>
          %squeeze3A_448 = vector.extract %slice3A_447[0] : f32 from vector<1xf32>
          %lt3A_449 = arith.constant 5.000000e-01 : f32
          %lt3A_450 = arith.cmpf olt, %squeeze3A_448, %lt3A_449 : f32
          %and3A_451 = arith.andi %lt3A_446, %lt3A_450 : i1
          %lt3A_452 = arith.cmpf olt, %add3A_442, %max3A_66 : f32
          %and3A_453 = arith.andi %and3A_451, %lt3A_452 : i1
          %jit3A_454 = arith.constant 1.000000e+00 : f32
          %jit3A_455 = arith.constant 0.000000e+00 : f32
          %select_n3A_456 = arith.select %and3A_453, %jit3A_454, %jit3A_455 : f32
          %eq3A_457 = arith.constant 14 : i32
          %eq3A_458 = vector.broadcast %eq3A_457 : i32 to vector<16xi32>
          %eq3A_459 = arith.cmpi eq, %iota3A, %eq3A_458 : vector<16xi32>
          %jit3A_460 = arith.constant 0.000000e+00 : f32
          %broadcast_in_dim3A_461 = vector.broadcast %select_n3A_456 : f32 to vector<16xf32>
          %broadcast_in_dim3A_462 = vector.broadcast %jit3A_460 : f32 to vector<16xf32>
          %select_n3A_463 = arith.select %eq3A_459, %broadcast_in_dim3A_461, %broadcast_in_dim3A_462 : vector<16xi1>, vector<16xf32>
          %add3A_464 = arith.addf %add3A_438, %select_n3A_463 : vector<16xf32>
          %jit3A_465 = arith.constant 1.000000e+00 : f32
          %jit3A_466 = arith.constant 0.000000e+00 : f32
          %select_n3A_467 = arith.select %and3A_451, %jit3A_465, %jit3A_466 : f32
          %add3A_468 = arith.addf %add3A_442, %select_n3A_467 : f32
          %add3A_469 = arith.constant 15 : i32
          %add3A_470 = arith.addi %mul3A_80, %add3A_469 : i32
          %lt3A_471 = arith.constant 5000 : i32
          %lt3A_472 = arith.cmpi slt, %add3A_470, %lt3A_471 : i32
          %slice3A_473 = vector.extract_strided_slice %get3A_81 {offsets = [15], sizes = [1], strides = [1]} : vector<16xf32> to vector<1xf32>
          %squeeze3A_474 = vector.extract %slice3A_473[0] : f32 from vector<1xf32>
          %lt3A_475 = arith.constant 5.000000e-01 : f32
          %lt3A_476 = arith.cmpf olt, %squeeze3A_474, %lt3A_475 : f32
          %and3A_477 = arith.andi %lt3A_472, %lt3A_476 : i1
          %lt3A_478 = arith.cmpf olt, %add3A_468, %max3A_66 : f32
          %and3A_479 = arith.andi %and3A_477, %lt3A_478 : i1
          %jit3A_480 = arith.constant 1.000000e+00 : f32
          %jit3A_481 = arith.constant 0.000000e+00 : f32
          %select_n3A_482 = arith.select %and3A_479, %jit3A_480, %jit3A_481 : f32
          %eq3A_483 = arith.constant 15 : i32
          %eq3A_484 = vector.broadcast %eq3A_483 : i32 to vector<16xi32>
          %eq3A_485 = arith.cmpi eq, %iota3A, %eq3A_484 : vector<16xi32>
          %jit3A_486 = arith.constant 0.000000e+00 : f32
          %broadcast_in_dim3A_487 = vector.broadcast %select_n3A_482 : f32 to vector<16xf32>
          %broadcast_in_dim3A_488 = vector.broadcast %jit3A_486 : f32 to vector<16xf32>
          %select_n3A_489 = arith.select %eq3A_485, %broadcast_in_dim3A_487, %broadcast_in_dim3A_488 : vector<16xi1>, vector<16xf32>
          %add3A_490 = arith.addf %add3A_464, %select_n3A_489 : vector<16xf32>
          %jit3A_491 = arith.constant 1.000000e+00 : f32
          %jit3A_492 = arith.constant 0.000000e+00 : f32
          %select_n3A_493 = arith.select %and3A_477, %jit3A_491, %jit3A_492 : f32
          %add3A_494 = arith.addf %add3A_468, %select_n3A_493 : f32
          %swap3A_495 = arith.index_cast %mul3A_80 : i32 to index
          %swap3A_496 = tpu.vector_load %arg10[%swap3A_495] {strides = array<i32>} : memref<5008xf32, #tpu.memory_space<vmem>>, vector<16xf32>,
          tpu.vector_store %arg10[%swap3A_495], %add3A_490 {strides = array<i32>} : memref<5008xf32, #tpu.memory_space<vmem>>, vector<16xf32>,
          %get3A_497 = arith.index_cast %mul3A_80 : i32 to index
          %get3A_498 = tpu.vector_load %arg9[%get3A_497] {strides = array<i32>} : memref<5008xi32, #tpu.memory_space<vmem>>, vector<16xi32>,
          %shift_left3A = arith.constant 1 : i32
          %shift_left3A_499 = vector.broadcast %shift_left3A : i32 to vector<16xi32>
          %shift_left3A_500 = arith.shli %get3A_498, %shift_left3A_499 : vector<16xi32>
          %gather3A = tpu.vector_load_idx %arg8[%shift_left3A_500] : memref<10016xf32, #tpu.memory_space<vmem>>[vector<16xi32>], vector<16xf32>,
          %shift_left3A_501 = arith.constant 1 : i32
          %shift_left3A_502 = vector.broadcast %shift_left3A_501 : i32 to vector<16xi32>
          %shift_left3A_503 = arith.shli %get3A_498, %shift_left3A_502 : vector<16xi32>
          %add3A_504 = arith.constant 1 : i32
          %add3A_505 = vector.broadcast %add3A_504 : i32 to vector<16xi32>
          %add3A_506 = arith.addi %shift_left3A_503, %add3A_505 : vector<16xi32>
          %gather3A_507 = tpu.vector_load_idx %arg8[%add3A_506] : memref<10016xf32, #tpu.memory_space<vmem>>[vector<16xi32>], vector<16xf32>,
          %gt3A_508 = arith.constant 5.000000e-01 : f32
          %gt3A_509 = vector.broadcast %gt3A_508 : f32 to vector<16xf32>
          %gt3A_510 = arith.cmpf ogt, %add3A_490, %gt3A_509 : vector<16xf32>
          %mul3A_511 = arith.constant 0 : i32
          %mul3A_512 = vector.broadcast %mul3A_511 : i32 to vector<16xi32>
          %mul3A_513 = arith.muli %iota3A, %mul3A_512 : vector<16xi32>
          %sub3A_514 = arith.constant 1 : i32
          %sub3A_515 = vector.broadcast %sub3A_514 : i32 to vector<16xi32>
          %sub3A_516 = arith.subi %mul3A_513, %sub3A_515 : vector<16xi32>
          %select_n3A_517 = arith.select %gt3A_510, %get3A_498, %sub3A_516 : vector<16xi1>, vector<16xi32>
          %swap3A_518 = arith.index_cast %mul3A_80 : i32 to index
          %swap3A_519 = tpu.vector_load %arg16[%swap3A_518] {strides = array<i32>} : memref<5008xi32, #tpu.memory_space<vmem>>, vector<16xi32>,
          tpu.vector_store %arg16[%swap3A_518], %select_n3A_517 {strides = array<i32>} : memref<5008xi32, #tpu.memory_space<vmem>>, vector<16xi32>,
          %add3A_520 = vector.broadcast %mul3A_80 : i32 to vector<16xi32>
          %add3A_521 = arith.addi %add3A_520, %iota3A : vector<16xi32>
          %shift_left3A_522 = arith.constant 1 : i32
          %shift_left3A_523 = vector.broadcast %shift_left3A_522 : i32 to vector<16xi32>
          %shift_left3A_524 = arith.shli %add3A_521, %shift_left3A_523 : vector<16xi32>
          %mul3A_525 = arith.mulf %gather3A, %add3A_490 : vector<16xf32>
          tpu.vector_store_idx %arg15[%shift_left3A_524], %mul3A_525 : memref<10016xf32, #tpu.memory_space<vmem>>[vector<16xi32>], vector<16xf32>,
          %add3A_526 = arith.constant 1 : i32
          %add3A_527 = vector.broadcast %add3A_526 : i32 to vector<16xi32>
          %add3A_528 = arith.addi %shift_left3A_524, %add3A_527 : vector<16xi32>
          %mul3A_529 = arith.mulf %gather3A_507, %add3A_490 : vector<16xf32>
          tpu.vector_store_idx %arg15[%add3A_528], %mul3A_529 : memref<10016xf32, #tpu.memory_space<vmem>>[vector<16xi32>], vector<16xf32>,
          scf.yield %add3A_494 : f32
        }
        %scan3A_77 = arith.constant 313 : i32
      } else {
      }
      "tpu.region"() ({
        %run_scoped3A = tpu.sem_alloc : memref<!tpu.dma_semaphore, #tpu.memory_space<semaphore_mem>>
        %dma_start3A = arith.constant 0 : i32
        %dma_start3A_71 = tpu.memref_slice %arg10[%dma_start3A] : memref<5008xf32, #tpu.memory_space<vmem>> -> memref<5000xf32, #tpu.memory_space<vmem>>
        %dma_start3A_72 = arith.constant 0 : i32
        %dma_start3A_73 = tpu.memref_slice %arg10[%dma_start3A_72] : memref<5008xf32, #tpu.memory_space<vmem>> -> memref<5000xf32, #tpu.memory_space<vmem>>
        tpu.enqueue_dma source(%dma_start3A_73 : memref<5000xf32, #tpu.memory_space<vmem>>) target(%arg5 : memref<5000xf32, #tpu.memory_space<hbm>>) target_semaphore(%run_scoped3A : memref<!tpu.dma_semaphore, #tpu.memory_space<semaphore_mem>>)
        %dma_wait3A = arith.constant 0 : i32
        %dma_wait3A_74 = tpu.memref_slice %arg10[%dma_wait3A] : memref<5008xf32, #tpu.memory_space<vmem>> -> memref<5000xf32, #tpu.memory_space<vmem>>
        %dma_wait3A_75 = arith.constant 0 : i32
        %dma_wait3A_76 = tpu.memref_slice %arg10[%dma_wait3A_75] : memref<5008xf32, #tpu.memory_space<vmem>> -> memref<5000xf32, #tpu.memory_space<vmem>>
        tpu.wait_dma2 semaphore(%run_scoped3A : memref<!tpu.dma_semaphore, #tpu.memory_space<semaphore_mem>>) src(%dma_wait3A_76 : memref<5000xf32, #tpu.memory_space<vmem>>) dst(%arg5 : memref<5000xf32, #tpu.memory_space<hbm>>)
        tpu.yield
      }) : () -> ()
      "tpu.region"() ({
        %run_scoped3A = tpu.sem_alloc : memref<!tpu.dma_semaphore, #tpu.memory_space<semaphore_mem>>
        %dma_start3A = arith.constant 0 : i32
        %dma_start3A_71 = tpu.memref_slice %arg15[%dma_start3A] : memref<10016xf32, #tpu.memory_space<vmem>> -> memref<10000xf32, #tpu.memory_space<vmem>>
        %dma_start3A_72 = arith.constant 0 : i32
        %dma_start3A_73 = tpu.memref_slice %arg15[%dma_start3A_72] : memref<10016xf32, #tpu.memory_space<vmem>> -> memref<10000xf32, #tpu.memory_space<vmem>>
        tpu.enqueue_dma source(%dma_start3A_73 : memref<10000xf32, #tpu.memory_space<vmem>>) target(%arg6 : memref<10000xf32, #tpu.memory_space<hbm>>) target_semaphore(%run_scoped3A : memref<!tpu.dma_semaphore, #tpu.memory_space<semaphore_mem>>)
        %dma_wait3A = arith.constant 0 : i32
        %dma_wait3A_74 = tpu.memref_slice %arg15[%dma_wait3A] : memref<10016xf32, #tpu.memory_space<vmem>> -> memref<10000xf32, #tpu.memory_space<vmem>>
        %dma_wait3A_75 = arith.constant 0 : i32
        %dma_wait3A_76 = tpu.memref_slice %arg15[%dma_wait3A_75] : memref<10016xf32, #tpu.memory_space<vmem>> -> memref<10000xf32, #tpu.memory_space<vmem>>
        tpu.wait_dma2 semaphore(%run_scoped3A : memref<!tpu.dma_semaphore, #tpu.memory_space<semaphore_mem>>) src(%dma_wait3A_76 : memref<10000xf32, #tpu.memory_space<vmem>>) dst(%arg6 : memref<10000xf32, #tpu.memory_space<hbm>>)
        tpu.yield
      }) : () -> ()
      "tpu.region"() ({
        %run_scoped3A = tpu.sem_alloc : memref<!tpu.dma_semaphore, #tpu.memory_space<semaphore_mem>>
        %dma_start3A = arith.constant 0 : i32
        %dma_start3A_71 = tpu.memref_slice %arg16[%dma_start3A] : memref<5008xi32, #tpu.memory_space<vmem>> -> memref<5000xi32, #tpu.memory_space<vmem>>
        %dma_start3A_72 = arith.constant 0 : i32
        %dma_start3A_73 = tpu.memref_slice %arg16[%dma_start3A_72] : memref<5008xi32, #tpu.memory_space<vmem>> -> memref<5000xi32, #tpu.memory_space<vmem>>
        tpu.enqueue_dma source(%dma_start3A_73 : memref<5000xi32, #tpu.memory_space<vmem>>) target(%arg7 : memref<5000xi32, #tpu.memory_space<hbm>>) target_semaphore(%run_scoped3A : memref<!tpu.dma_semaphore, #tpu.memory_space<semaphore_mem>>)
        %dma_wait3A = arith.constant 0 : i32
        %dma_wait3A_74 = tpu.memref_slice %arg16[%dma_wait3A] : memref<5008xi32, #tpu.memory_space<vmem>> -> memref<5000xi32, #tpu.memory_space<vmem>>
        %dma_wait3A_75 = arith.constant 0 : i32
        %dma_wait3A_76 = tpu.memref_slice %arg16[%dma_wait3A_75] : memref<5008xi32, #tpu.memory_space<vmem>> -> memref<5000xi32, #tpu.memory_space<vmem>>
        tpu.wait_dma2 semaphore(%run_scoped3A : memref<!tpu.dma_semaphore, #tpu.memory_space<semaphore_mem>>) src(%dma_wait3A_76 : memref<5000xi32, #tpu.memory_space<vmem>>) dst(%arg7 : memref<5000xi32, #tpu.memory_space<hbm>>)
        tpu.yield
      }) : () -> ()
    } else {
    }
    return
  }
}

</mosaic_0001>

<sc_bundles>
// kernel: _nms_run.3.cloned.1.call-start
scs
__scs_entry_jumppad:
0x0: {  	(pc) =	sbr.rel $0x88, $3  }
0x1: {  	(tag) =	ssettag $0x0;
	lr =	simm.s32 $0x1  }
0x2: {  	[smem:$0x3F9E] =	sst lr;
	_ =	strace $0xD0000000  }
0x3: {  	_ = 	snop  }
0x4: {  	_ = 	snop  }
0x5: {  	_ = 	snop  }
0x6: {  	_ = 	snop  }
0x7: {  	_ = 	snop  }
__scs_overlays_trampoline_lowered:
0x8: {  	[smem:$0x3FAD] =	sst s0  }
0x9: {  	[smem:$0x3FAE] =	sst s1  }
0xa: {  	[smem:$0x3FAF] =	sst s2  }
0xb: {  	[smem:$0x3FB0] =	sst s3  }
0xc: {  	[smem:$0x3FB1] =	sst s4  }
0xd: {  	[smem:$0x3FB2] =	sst s5  }
0xe: {  	[smem:$0x3FB3] =	sst s6  }
0xf: {  	[smem:$0x3FB4] =	sst s7  }
0x10: {  	[smem:$0x3FB5] =	sst s8  }
0x11: {  	[smem:$0x3FB6] =	sst s9;
	s0 =	simm.s32 @!p0 $0x0  }
0x12: {  	s1 =	sld [smem:$0x3F9C];
	s0 =	simm.s32 @p0 $0x1  }
0x13: {  	[smem:$0x3FB7] =	sst s0;
	s0 =	simm.s32 @!p1 $0x0  }
0x14: {  	s2 =	sld [smem:$0x3F9B];
	s0 =	simm.s32 @p1 $0x1  }
0x15: {  	[smem:$0x3FB8] =	sst s0;
	s0 =	simm.s32 @!p2 $0x0  }
0x16: {  	s3 =	sld [smem:$0x3FDB];
	s0 =	simm.s32 @p2 $0x1  }
0x17: {  	s4 =	simm.s32 $0x1BF5;
	[smem:$0x3FBA] =	sst s0  }
0x18: {  	s0 =	sld [smem:$0x3F9D];
	_ =	swait.ge [sflag:s4], $0x0  }
0x19: {  	s7 =	sld [smem:$0x3F9E]  }
0x1a: {  	s8 =	sadd.s32 $0xFFFFE003, lr  }
0x1b: {  	s9 =	sadd.s32 $0xFFFFFEF7, lr;
	s5 =	simm.s32 $0xFFFFFFFF;
	p2 =	slt.u32 s8, $0xFFFFF086  }
0x1c: {  	p1 =	slt.u32 s9, $0xF7A;
	s5 =	simm.s32 @!p2 $0x0  }
0x1d: {  	s5 =	simm.s32 @p1 $0x1;
	p0 =	seq.s32 s7, s2  }
0x1e: {  	s7 =	smul.u32 @!p0 $0xF7A, s2;
	p2 =	seq.s32 @!p0 s5, $0x0  }
0x1f: {  	s9 =	smul.u32 $0xF7A, s1;
	s8 =	simm.s32 @!p0 $0x1BF5;
	p2 =	por !p2, p0  }
0x20: {  	[sflag:s8] =	ssyncset.s32 @!p0 $0xFFFFF086;
	s6 =	sadd.s32 @!p0 s3, s7;
	s7 =	simm.s32 @!p0 $0x108  }
0x21: {  	s3 =	sadd.s32 s3, s9;
	s6 =	sadd.s32 @!p0 $0x88, s6;
	s7 =	simm.s32 @p2 $0x1082  }
0x22: {  	[simem:s7], [sflag:s8] =	dma.local @!p0 [hbm:s6], $0xF7A  }
0x23: {  	s9 =	sor.u32 $0xD0000000, s2;
	s6 =	simm.s32 $0x108;
	_ =	swait.ge @!p0 [sflag:s8], $0x0  }
0x24: {  	s3 =	sadd.s32 $0x88, s3;
	s6 =	simm.s32 @!p1 $0x1082;
	[sflag:s4] =	ssyncset.s32 $0xFFFFF086  }
0x25: {  	[simem:s6], [sflag:s4] =	dma.local [hbm:s3], $0xF7A  }
0x26: {  	[smem:$0x3F9E] =	sst s1;
	(tag) =	ssettag s2;
	_ =	strace s9  }
0x27: {  	s1 =	sld [smem:$0x3FAE]  }
0x28: {  	s2 =	sld [smem:$0x3FAF]  }
0x29: {  	s4 =	sld [smem:$0x3FB1]  }
0x2a: {  	p0 =	seq.s32 s5, $0x0;
	s5 =	sld [smem:$0x3FB2]  }
0x2b: {  	s6 =	sld [smem:$0x3FB3]  }
0x2c: {  	s7 =	sld [smem:$0x3FB4]  }
0x2d: {  	s3 =	simm.s32 $0x108;
	s8 =	sld [smem:$0x3FB5]  }
0x2e: {  	s3 =	simm.s32 @!p0 $0x1082;
	s9 =	sld [smem:$0x3FB6]  }
0x2f: {  	lr =	sadd.s32 s0, s3;
	s0 =	sld [smem:$0x3FAD]  }
0x30: {  	s3 =	sld [smem:$0x3FB0]  }
0x31: {  	[smem:$0x3FB9] =	sst s10  }
0x32: {  	s10 =	sld [smem:$0x3FB7];
	_ =	sdelay $0x3  }
0x33: {  	p0 =	seq.s32 s10, $0x1;
	s10 =	sld [smem:$0x3FB9];
	_ =	sdelay $0x3  }
0x34: {  	[smem:$0x3FB9] =	sst s10  }
0x35: {  	s10 =	sld [smem:$0x3FB8];
	_ =	sdelay $0x3  }
0x36: {  	p1 =	seq.s32 s10, $0x1;
	s10 =	sld [smem:$0x3FB9];
	_ =	sdelay $0x3  }
0x37: {  	[smem:$0x3FB9] =	sst s10  }
0x38: {  	s10 =	sld [smem:$0x3FBA]  }
0x39: {  	_ = 	snop;
	(pc) =	sbr.ind lr, $3  }
0x3a: {  	_ = 	snop  }
0x3b: {  	_ = 	snop  }
0x3c: {  	p2 =	seq.s32 s10, $0x1;
	s10 =	sld [smem:$0x3FB9]  }
0x3d: {  	_ =	shalt  }
0x3e: {  	_ =	shalt  }
0x3f: {  	_ =	shalt  }
0x40: {  	_ =	shalt  }
0x41: {  	_ =	shalt  }
0x42: {  	_ =	shalt  }
0x43: {  	_ =	shalt  }
0x44: {  	_ =	shalt  }
0x45: {  	_ =	shalt  }
0x46: {  	_ =	shalt  }
0x47: {  	_ =	shalt  }
0x48: {  	_ =	shalt  }
0x49: {  	_ =	shalt  }
0x4a: {  	_ =	shalt  }
0x4b: {  	_ =	shalt  }
0x4c: {  	_ =	shalt  }
0x4d: {  	_ =	shalt  }
0x4e: {  	_ =	shalt  }
0x4f: {  	_ =	shalt  }
0x50: {  	_ =	shalt  }
0x51: {  	_ =	shalt  }
0x52: {  	_ =	shalt  }
0x53: {  	_ =	shalt  }
0x54: {  	_ =	shalt  }
0x55: {  	_ =	shalt  }
0x56: {  	_ =	shalt  }
0x57: {  	_ =	shalt  }
0x58: {  	_ =	shalt  }
0x59: {  	_ =	shalt  }
0x5a: {  	_ =	shalt  }
0x5b: {  	_ =	shalt  }
0x5c: {  	_ =	shalt  }
0x5d: {  	_ =	shalt  }
0x5e: {  	_ =	shalt  }
0x5f: {  	_ =	shalt  }
0x60: {  	_ =	shalt  }
0x61: {  	_ =	shalt  }
0x62: {  	_ =	shalt  }
0x63: {  	_ =	shalt  }
0x64: {  	_ =	shalt  }
0x65: {  	_ =	shalt  }
0x66: {  	_ =	shalt  }
0x67: {  	_ =	shalt  }
0x68: {  	_ =	shalt  }
0x69: {  	_ =	shalt  }
0x6a: {  	_ =	shalt  }
0x6b: {  	_ =	shalt  }
0x6c: {  	_ =	shalt  }
0x6d: {  	_ =	shalt  }
0x6e: {  	_ =	shalt  }
0x6f: {  	_ =	shalt  }
0x70: {  	_ =	shalt  }
0x71: {  	_ =	shalt  }
0x72: {  	_ =	shalt  }
0x73: {  	_ =	shalt  }
0x74: {  	_ =	shalt  }
0x75: {  	_ =	shalt  }
0x76: {  	_ =	shalt  }
0x77: {  	_ =	shalt  }
0x78: {  	_ =	shalt  }
0x79: {  	_ =	shalt  }
0x7a: {  	_ =	shalt  }
0x7b: {  	_ =	shalt  }
0x7c: {  	_ =	shalt  }
0x7d: {  	_ =	shalt  }
0x7e: {  	_ =	shalt  }
0x7f: {  	_ =	shalt  }
0x80: {  	_ =	shalt  }
0x81: {  	_ =	shalt  }
0x82: {  	_ =	shalt  }
0x83: {  	_ =	shalt  }
0x84: {  	_ =	shalt  }
0x85: {  	_ =	shalt  }
0x86: {  	_ =	shalt  }
0x87: {  	_ =	shalt  }
.Lfunc_end0:
.L_simem_size_0:
called_computation_lowered:
.L_overlay_start_0:
0x88: {  	s2 =	sld [smem:$0x3FD9]  }
0x89: {  	s3 =	sld [smem:$0x3FFE];
	_ =	sdelay $0x1  }
0x8a: {  	s1 =	srdreg.scid  }
0x8b: {  	s0 =	sand.u32 $0x1, s1  }
0x8c: {  	s15 =	sshll.u32 s0, $0xA;
	s2 =	sadd.s32 s3, s2  }
0x8d: {  	s2 =	sadd.s32 s2, s15  }
0x8e: {  	[smem:$0x3FC5] =	sst s2  }
0x8f: {  	_ = 	snop  }
0x90: {  	s2 =	sld [smem:$0x3FD0]  }
0x91: {  	s16 =	sld [smem:$0x3FC9]  }
0x92: {  	s4 =	sld [smem:$0x3FC8]  }
0x93: {  	s6 =	simm.s32 $0xA;
	s7 =	simm.s32 $0x10;
	s5 =	sld [smem:$0x3FC7]  }
0x94: {  	[smem:s7], [sflag:s6] =	dma.local [hbm:s2], $0x1  }
0x95: {  	_ =	swait.eq [sflag:s6], $0x1  }
0x96: {  	s17 =	sld [smem:$0x10];
	[sflag:s6] =	ssyncset.done $0x0  }
0x97: {  	s18 =	sld [smem:$0x11];
	[sflag:s6] =	ssyncadd.s32 $0xFFFFFFFF  }
0x98: {  	s19 =	sld [smem:$0x12];
	(tm) =	ssettm $0x1  }
0x99: {  	s8 =	sld [smem:$0x3FFB];
	_ =	sdelay $0x3  }
0x9a: {  	_ =	strace s8  }
0x9b: {  	s8 =	sld [smem:$0x3FFC];
	_ =	sdelay $0x3  }
0x9c: {  	_ =	strace s8  }
0x9d: {  	s8 =	sld [smem:$0x3FFD];
	_ =	sdelay $0x3  }
0x9e: {  	_ =	strace s8  }
0x9f: {  	_ =	strace $0x8FFFFFFF  }
0xa0: {  	s20 =	sld [smem:$0x3FDB];
	_ =	sdelay $0x1  }
0xa1: {  	s9 =	simm.s32 $_scs_section_size  }
0xa2: {  	s10 =	simm.s32 $_size__tile_overlayer_lowered;
	s11 =	simm.s32 $_tile_overlayer_lowered  }
0xa3: {  	s23 =	simm.s32 $0x1BFF;
	s22 =	sshll.u32 s11, $0x1;
	s8 =	sadd.s32 s9, s20  }
0xa4: {  	s12 =	simm.s32 $0x0;
	s21 =	sshll.u32 s10, $0x1;
	s10 =	sadd.s32 s22, s8  }
0xa5: {  	[timem:s12], [sflag:s23] =	dma.local [hbm:s10], s21  }
0xa6: {  	_ =	swait.ge [sflag:s23], s21  }
0xa7: {  	s9 =	ssub.s32 $0x0, s21;
	[sflag:s23] =	ssyncset.done $0x0  }
0xa8: {  	[sflag:s23] =	ssyncadd.s32 s9;
	_ =	sdelay $0x1  }
0xa9: {  	s24 =	simm.s32 $0x1B8B  }
0xaa: {  	_ =	swait.ge [sflag:s24], $0x1  }
0xab: {  	[sflag:s24] =	ssyncset.done $0x0  }
0xac: {  	s25 =	simm.s32 $0x1B8E;
	[sflag:s24] =	ssyncadd.s32 $0xFFFFFFFF  }
0xad: {  	s26 =	simm.s32 $execute0_lowered;
	[smem:$0x3FD2] =	sst s25  }
0xae: {  	s9 =	sshll.u32 s26, $0x1;
	_ =	strace $0x80000046;
	[dreg:$0x1] =	wrdreg $0xFFFFFFFF  }
0xaf: {  	s28 =	simm.s32 $_size_execute0_lowered;
	s8 =	sadd.s32 s8, s9;
	[dreg:$0x0] =	wrdreg $0x0  }
0xb0: {  	s9 =	sshll.u32 s28, $0x1;
	[dreg:$0x2] =	wrdreg s8  }
0xb1: {  	[dreg:$0x3] =	wrdreg s9  }
0xb2: {  	[dreg:$0x4] =	wrdreg $0xC0  }
0xb3: {  	_ =	task [dreg:s12], $0x5FFFF  }
0xb4: {  	[dreg:$0x1] =	wrdreg $0xFFFFFFFF  }
0xb5: {  	[dreg:$0x0] =	wrdreg $0x60  }
0xb6: {  	[dreg:$0x2] =	wrdreg s16  }
0xb7: {  	[dreg:$0x3] =	wrdreg s4  }
0xb8: {  	[dreg:$0x4] =	wrdreg s5  }
0xb9: {  	[dreg:$0x5] =	wrdreg s17  }
0xba: {  	[dreg:$0x6] =	wrdreg s18  }
0xbb: {  	[dreg:$0x7] =	wrdreg s19  }
0xbc: {  	[dreg:$0x8] =	wrdreg $0x9  }
0xbd: {  	_ =	task.clear_ibuf [dreg:s12], $0x9FFFF;
	_ =	strace $0x90000046  }
0xbe: {  	s29 =	simm.s32 $0x9;
	_ =	strace $0x80000048  }
0xbf: {  	_ =	swait.ge [sflag:s29], $0x1  }
0xc0: {  	[sflag:s29] =	ssyncadd.s32 $0xFFFFFFFF  }
0xc1: {  	_ =	strace $0x90000048  }
0xc2: {  	_ =	sfence  }
0xc3: {  	s30 =	sld [smem:$0x0];
	_ =	sdelay $0x2  }
0xc4: {  	s31 =	sshll.u32 s1, $0xD;
	s1 =	sshrl.u32 s1, $0x2  }
0xc5: {  	s3 =	sand.u32 $0x4000, s31;
	s1 =	sadd.s32 s1, s30  }
0xc6: {  	s0 =	sor.u32 s3, s0;
	s1 =	sshll.u32 s1, $0x11  }
0xc7: {  	s0 =	sor.u32 s1, s0  }
0xc8: {  	s0 =	sadd.s32 $0x8F2B, s0  }
0xc9: {  	[sflag:s0] =	ssyncadd.remote.s32 $0x1  }
0xca: {  	_ =	sfence.sel $0xFFFF  }
0xcb: {  	[dreg:$0x0] =	wrdreg $0xFFFFFFFF;
	(pc) =	sbr.abs _section_cstart, $3  }
0xcc: {  	[dreg:$0x1] =	wrdreg $0xFFFFFFFF  }
0xcd: {  	_ =	task.clear_ibuf [dreg:s12], $0x2FFFF;
	_ =	strace $0x9FFFFFFF  }
0xce: {  	(tm) =	ssettm $0x7FFFFFFF  }
0xcf: {  	_ =	shalt  }
tec
execute0_lowered:
.L_overlay_start_1:
0x0: {  	(tag) =	ssettag $0x1  }
0x1: {  	s0 =	srdreg.scid  }
0x2: {  	s1 =	stileid.u32;
	s0 =	sand.u32 $0x1, s0  }
0x3: {  	s1 =	sor.u32 s1, s0  }
0x4: {  	p0 =	sne.s32 s1, $0x0  }
.Ltmp0:
0x5: {  	_ = 	snop;
	(pc) =	sbr.rel @!p0 .LBB2_1-.Ltmp0, $2  }
0x6: {  	_ =	sdelay $0x2  }
0x7: {  	s2 =	rddreg [dreg:$0x2];
	_ =	strace $0x80000047  }
.LBB2_28:
0x8: {  	_ =	sfence.sel $0x180000  }
0x9: {  	[bflag:$0x0] =	sbarrier.arrive $0xFFFF  }
0xa: {  	_ =	strace $0x90000047  }
0xb: {  	s0 =	stileid.u32;
	[bflag:$0x2] =	sbarrier.arrive $0xFFFF  }
0xc: {  	p0 =	sne.s32 s0, $0x0;
	s0 =	rddreg [dreg:$0x6]  }
0xd: {  	s0 =	sadd.s32 @!p0 $0x100000, s0  }
0xe: {  	[sflag:s0] =	ssyncadd.tile.s32 @!p0 $0x1;
	_ =	shalt  }
.LBB2_1:
0xf: {  	v0 =	vimm.s32 $0xFEDCBA98  }
0x10: {  	v1 =	vimm.s32 $0x76543210;
	v2 =	vimm.s32 $0xBA98FEDC;
	v3 =	vimm.s32 $0x32107654  }
0x11: {  	v4 =	vimm.s32 $0xDCFE98BA;
	v5 =	vimm.s32 $0x54761032;
	v6 =	vimm.s32 $0xEFCDAB89  }
0x12: {  	v7 =	vimm.s32 $0x67452301;
	v8 =	vimm.s32 $0xFEDCBA9;
	v9 =	vimm.s32 $0x98765432  }
0x13: {  	v10 =	vimm.s32 $0x210FEDCB;
	v11 =	vimm.s32 $0xA9876543;
	v12 =	vimm.s32 $0x3210FEDC  }
0x14: {  	v13 =	vimm.s32 $0xBA987654;
	v16 =	vimm.s32 $0xCBA98765;
	v17 =	vimm.s32 $0x543210FE  }
0x15: {  	v18 =	vimm.s32 $0xDCBA9876;
	v19 =	vimm.s32 $0x6543210F;
	v20 =	vimm.s32 $0xEDCBA987  }
0x16: {  	v28 =	vimm.s32 $0x1;
	vm4 =	vcmask $0x300;
	vm5 =	vcmask $0x704  }
0x17: {  	vm6 =	vcmask $0xB08;
	vm7 =	vcmask $0xF0C;
	vm8 =	vcmask $0x1310  }
0x18: {  	vm9 =	vcmask $0x1714;
	vm10 =	vcmask $0x1B18;
	vm11 =	vcmask $0x1F1C  }
0x19: {  	vm12 =	vcmask $0x2320;
	vm13 =	vcmask $0x2724;
	vm15 =	vcmask $0x3330  }
0x1a: {  	v0 =	vunpack.c.l.s4.s8 v0;
	v1 =	vunpack.c.l.s4.s8 v1;
	v2 =	vunpack.c.l.s4.s8 v2  }
0x1b: {  	v3 =	vunpack.c.l.s4.s8 v3;
	v4 =	vunpack.c.l.s4.s8 v4;
	v5 =	vunpack.c.l.s4.s8 v5  }
0x1c: {  	v6 =	vunpack.c.l.s4.s8 v6;
	v7 =	vunpack.c.l.s4.s8 v7;
	v8 =	vunpack.c.l.s4.s8 v8  }
0x1d: {  	v9 =	vunpack.c.l.s4.s8 v9;
	v10 =	vunpack.c.l.s4.s8 v10;
	v11 =	vunpack.c.l.s4.s8 v11  }
0x1e: {  	v14 =	vunpack.c.l.s4.s8 v12;
	v15 =	vunpack.c.l.s4.s8 v13;
	v12 =	vimm.f32 $0.0e+00  }
0x1f: {  	v16 =	vunpack.c.l.s4.s8 v16;
	v17 =	vunpack.c.l.s4.s8 v17;
	v18 =	vunpack.c.l.s4.s8 v18  }
0x20: {  	v19 =	vunpack.c.l.s4.s8 v19;
	v20 =	vunpack.c.l.s4.s8 v20;
	v0 =	vunpack.c.0.s8.s32 v0  }
0x21: {  	v1 =	vunpack.c.0.s8.s32 v1;
	v2 =	vunpack.c.0.s8.s32 v2;
	v3 =	vunpack.c.0.s8.s32 v3  }
0x22: {  	v4 =	vunpack.c.0.s8.s32 v4;
	v5 =	vunpack.c.0.s8.s32 v5;
	v6 =	vunpack.c.0.s8.s32 v6  }
0x23: {  	v7 =	vunpack.c.0.s8.s32 v7;
	v9 =	vunpack.c.0.s8.s32 v9;
	v10 =	vunpack.c.0.s8.s32 v10  }
0x24: {  	v11 =	vunpack.c.0.s8.s32 v11;
	v13 =	vunpack.c.0.s8.s32 v14;
	v14 =	vunpack.c.0.s8.s32 v15  }
0x25: {  	v15 =	vimm.s32 $0x43210FED;
	v16 =	vunpack.c.0.s8.s32 v16;
	v17 =	vunpack.c.0.s8.s32 v17  }
0x26: {  	v18 =	vunpack.c.0.s8.s32 v18;
	v19 =	vunpack.c.0.s8.s32 v19;
	v0 =	vand.u32 $0xF, v0  }
0x27: {  	v20 =	vunpack.c.0.s8.s32 v20;
	v0 =	vcombine.low v0, v1;
	v1 =	vcombine.low v3, v2  }
0x28: {  	v15 =	vunpack.c.l.s4.s8 v15;
	v3 =	vcombine.low v5, v4;
	v4 =	vcombine.low v7, v6  }
0x29: {  	v6 =	vunpack.c.0.s8.s32 v8;
	v7 =	vimm.s32 $0x87654321;
	v8 =	vimm.s32 $0x10FEDCBA  }
0x2a: {  	v23 =	vcombine.low v11, v10;
	v7 =	vunpack.c.l.s4.s8 v7;
	v8 =	vunpack.c.l.s4.s8 v8  }
0x2b: {  	v24 =	vcombine.low v14, v13;
	v26 =	vcombine.low v18, v17;
	v15 =	vunpack.c.0.s8.s32 v15  }
.Ltmp1:
0x2c: {  	v27 =	vcombine.low v20, v19;
	v7 =	vunpack.c.0.s8.s32 v7;
	v8 =	vunpack.c.0.s8.s32 v8;
	(pc) =	sbr.rel .LBB2_2-.Ltmp1, $4  }
0x2d: {  	s0 =	ssub.s32 $0x2, s0;
	s9 =	simm.s32 $0x0;
	s10 =	simm.s32 $0x1;
	v2 =	vimm.s32 $0x0;
	v5 =	vlaneseq.u32;
	v25 =	vcombine.low v16, v15  }
0x2e: {  	s12 =	simm.s32 $0x4F80;
	s13 =	simm.s32 $0x9000;
	s16 =	simm.s32 $0x10F00;
	v23 =	vand.u32 $0xF, v23;
	v21 =	vcombine.low v7, v6;
	v22 =	vcombine.low v9, v8  }
0x2f: {  	s17 =	simm.s32 $0xD380;
	s18 =	simm.s32 $0x3B80;
	s1 =	sshrl.u32 s0, $0x1;
	v24 =	vand.u32 $0xF, v24;
	v26 =	vand.u32 $0xF, v26;
	v27 =	vand.u32 $0xF, v27  }
0x30: {  	s19 =	simm.s32 $0xFB00;
	s20 =	simm.s32 $0x0;
	s8 =	ssub.s32 s0, s1;
	v25 =	vand.u32 $0xF, v25;
	v21 =	vand.u32 $0xF, v21;
	v22 =	vand.u32 $0xF, v22  }
.LBB2_27:
0x31: {  	s0 =	rddreg [dreg:$0x3]  }
0x32: {  	[hbm4b:s0+s9] =	stream.linear.scatter [tilespmem:s18], [sflag:$0x1], $0x1388, $0x38;
	[tilespmem:$0x11F00] =	vst v63  }
0x33: {  	_ =	swait.ge [sflag:s10], $0x1388  }
0x34: {  	[sflag:s10] =	ssyncset.done $0x0  }
0x35: {  	[sflag:s10] =	ssyncadd.s32 $0xFFFFEC78  }
0x36: {  	s30 =	rddreg [dreg:$0x4]  }
0x37: {  	[hbm4b:s30+s9] =	stream.linear.scatter [tilespmem:s17], [sflag:$0x1], $0x2710, $0x38;
	[tilespmem:$0x11F00] =	vst v63  }
0x38: {  	_ =	swait.ge [sflag:s10], $0x2710  }
0x39: {  	s20 =	sadd.s32 $0x1, s20;
	[sflag:s10] =	ssyncset.done $0x0  }
0x3a: {  	p0 =	sne.s32 s20, s8;
	[sflag:s10] =	ssyncadd.s32 $0xFFFFD8F0  }
.Ltmp2:
0x3b: {  	s31 =	rddreg [dreg:$0x5];
	(pc) =	sbr.rel @!p0 .LBB2_28-.Ltmp2, $4  }
0x3c: {  	[hbm4b:s31+s9] =	stream.linear.scatter [tilespmem:s19], [sflag:$0x1], $0x1388, $0x38;
	[tilespmem:$0x11F00] =	vst v63  }
0x3d: {  	_ =	swait.ge [sflag:s10], $0x1388  }
0x3e: {  	[sflag:s10] =	ssyncset.done $0x0  }
0x3f: {  	[sflag:s10] =	ssyncadd.s32 $0xFFFFEC78  }
.LBB2_2:
0x40: {  	s0 =	rddreg [dreg:$0x0]  }
0x41: {  	[tilespmem:s9], [sflag:$0x1] =	stream.linear.gather [hbm4b:s0+s9], $0x2780, $0x38;
	[tilespmem:$0x11F00] =	vst v63  }
0x42: {  	_ =	swait.ge [sflag:s10], $0x2780  }
0x43: {  	[sflag:s10] =	ssyncset.done $0x0  }
0x44: {  	[sflag:s10] =	ssyncadd.s32 $0xFFFFD880  }
0x45: {  	s1 =	simm.s32 $0x2780;
	s29 =	rddreg [dreg:$0x1]  }
0x46: {  	[tilespmem:s1], [sflag:$0x1] =	stream.linear.gather [hbm4b:s29+s9], $0x1400, $0x38;
	[tilespmem:$0x11F00] =	vst v63  }
0x47: {  	_ =	swait.ge [sflag:s10], $0x1400  }
0x48: {  	[sflag:s10] =	ssyncset.done $0x0  }
0x49: {  	[sflag:s10] =	ssyncadd.s32 $0xFFFFEC00  }
0x4a: {  	[tilespmem:s12], [sflag:$0x1] =	stream.linear.gather [hbm4b:s2+s9], $0x4080, $0x38;
	[tilespmem:$0x11F00] =	vst v63  }
0x4b: {  	_ =	swait.ge [sflag:s10], $0x4080  }
0x4c: {  	[sflag:s10] =	ssyncset.done $0x0  }
0x4d: {  	[sflag:s10] =	ssyncadd.s32 $0xFFFFBF80  }
0x4e: {  	[tilespmem:s13], [sflag:$0x1] =	stream.linear.gather [hbm4b:s2+s9], $0x4080, $0x38;
	[tilespmem:$0x11F00] =	vst v63  }
0x4f: {  	_ =	swait.ge [sflag:s10], $0x4080  }
0x50: {  	[sflag:s10] =	ssyncset.done $0x0  }
0x51: {  	s30 =	simm.s32 $0xD080;
	[sflag:s10] =	ssyncadd.s32 $0xFFFFBF80  }
0x52: {  	[tilespmem:s30], [sflag:$0x1] =	stream.linear.gather [hbm4b:s2+s9], $0x110, $0x38;
	[tilespmem:$0x11F00] =	vst v63  }
0x53: {  	_ =	swait.ge [sflag:s10], $0x110  }
0x54: {  	[sflag:s10] =	ssyncset.done $0x0  }
0x55: {  	s31 =	simm.s32 $0xD200;
	[sflag:s10] =	ssyncadd.s32 $0xFFFFFEF0  }
0x56: {  	[tilespmem:s31], [sflag:$0x1] =	stream.linear.gather [hbm4b:s2+s9], $0x110, $0x38;
	[tilespmem:$0x11F00] =	vst v63  }
0x57: {  	_ =	swait.ge [sflag:s10], $0x110  }
0x58: {  	[sflag:s10] =	ssyncset.done $0x0  }
0x59: {  	[sflag:s10] =	ssyncadd.s32 $0xFFFFFEF0  }
0x5a: {  	s0 =	simm.s32 $0x0;
	[smem:$0x0] =	sst s9  }
.LBB2_3:
0x5b: {  	p0 =	sne.s32 s0, $0x3FC0  }
.Ltmp3:
0x5c: {  	_ = 	snop;
	(pc) =	sbr.rel @p0 .LBB2_3-.Ltmp3, $3  }
0x5d: {  	_ =	sdelay $0x1  }
0x5e: {  	s1 =	sshra.s32 s0, $0x2  }
0x5f: {  	s0 =	sadd.s32 $0x40, s0;
	[tilespmem:s1+$0x10F00] =	vst v2  }
.Ltmp4:
0x60: {  	(pc) =	sbr.rel .LBB2_5-.Ltmp4, $2  }
0x61: {  	_ =	sdelay $0x2  }
0x62: {  	s21 =	simm.s32 $0x0;
	v29 =	vimm.f32 $0.0e+00  }
.LBB2_22:
0x63: {  	v33 =	vshll.u32 v36, $0x1;
	s21 =	sadd.s32 $0x1, s21  }
0x64: {  	v34 =	vor.u32 $0x1, v33;
	p0 =	sne.s32 s21, $0x139  }
.Ltmp5:
0x65: {  	_ = 	snop;
	(pc) =	sbr.rel @!p0 .LBB2_23-.Ltmp5, $4  }
0x66: {  	v30 =	vnsel vm14, $0xFFFFFFFF, v30;
	v32 =	vmul.f32 v37, v32  }
0x67: {  	[tilespmem:s22+$0xFB00] =	vst v30;
	v30 =	vmul.f32 v37, v31  }
0x68: {  	[tilespmem:v33+s17+$0x0] =	vst.idx.msk $0xffff, v32  }
0x69: {  	vm2 =	vcmask $0x3734;
	vm14 =	vcmask $0x3B38;
	v29 =	vadd.f32 v37, v29;
	[tilespmem:v34+s17+$0x0] =	vst.idx.msk $0xffff, v30  }
.LBB2_5:
0x6a: {  	s22 =	sshll.u32 s21, $0x4  }
0x6b: {  	v30 =	vld [tilespmem:s22+$0x2780];
	_ =	sdelay $0x4  }
0x6c: {  	v32 =	vshll.u32 v30, $0x1  }
0x6d: {  	v31 =	vor.u32 $0x1, v32;
	_ =	sdelay $0x4  }
0x6e: {  	v31 =	vld.idx.msk [tilespmem:v31+s9+$0x0], $0xffff  }
0x6f: {  	v32 =	vld.idx.msk [tilespmem:v32+s9+$0x0], $0xffff;
	_ =	sdelay $0x3  }
0x70: {  	v33 =	vmul.f32 $5.000000000e-01, v31  }
0x71: {  	v34 =	vmul.f32 $5.000000000e-01, v32  }
0x72: {  	v35 =	vtrunc.f32 v33  }
0x73: {  	v36 =	vtrunc.f32 v34;
	v37 =	vcvt.f32.s32 v35;
	vm0 =	vlt.f32 v33, v35  }
0x74: {  	v62 =	vcvt.f32.s32 v36;
	v35 =	vsel vm0, $0xFFFFFFFF, v2;
	vm0 =	vlt.f32 v34, v36  }
0x75: {  	v34 =	vsel vm0, $0xFFFFFFFF, v2;
	v35 =	vadd.s32 v37, v35  }
0x76: {  	v33 =	vadd.s32 v62, v34;
	v63 =	vshll.u32 v35, $0x6  }
0x77: {  	v35 =	vadd.s32 $0xFC0, v63;
	v51 =	vadd.s32 $0xFFFFFFFF, v33  }
0x78: {  	v52 =	vand.u32 $0xFC0, v35;
	v39 =	vand.u32 $0x3F, v51  }
0x79: {  	v42 =	vand.u32 $0x3F, v33;
	v33 =	vadd.s32 $0x1, v33;
	v38 =	vor.u32 v39, v52  }
0x7a: {  	v35 =	vand.u32 $0xF80, v35;
	v36 =	vor.u32 v42, v52;
	v40 =	vand.u32 $0x7F, v38  }
0x7b: {  	v46 =	vand.u32 $0x3F, v33;
	v41 =	vand.u32 $0x7F, v36;
	v53 =	vor.u32 v35, v40  }
0x7c: {  	v40 =	vor.u32 v46, v52;
	v54 =	vor.u32 v35, v41  }
0x7d: {  	v43 =	vand.u32 $0xFC0, v63;
	v44 =	vand.u32 $0x7F, v40  }
0x7e: {  	v41 =	vor.u32 v39, v43;
	v44 =	vor.u32 v35, v44  }
0x7f: {  	v45 =	vand.u32 $0xF80, v63;
	v47 =	vand.u32 $0x7F, v41  }
0x80: {  	v35 =	vor.u32 v42, v43;
	v47 =	vor.u32 v45, v47;
	v48 =	vld.idx.msk [tilespmem:v53+s16+$0x0], $0xffff  }
0x81: {  	v55 =	vand.u32 $0x7F, v35;
	v37 =	vld.idx.msk [tilespmem:v54+s16+$0x0], $0xffff  }
0x82: {  	v34 =	vadd.s32 $0x40, v63;
	v43 =	vor.u32 v46, v43;
	v33 =	vor.u32 v45, v55  }
0x83: {  	v49 =	vand.u32 $0xFC0, v34;
	v51 =	vand.u32 $0x7F, v43;
	v50 =	vld.idx.msk [tilespmem:v44+s16+$0x0], $0xffff  }
0x84: {  	v56 =	vor.u32 v45, v51;
	v44 =	vor.u32 v39, v49  }
0x85: {  	v34 =	vand.u32 $0xF80, v34;
	v47 =	vld.idx.msk [tilespmem:v47+s16+$0x0], $0xffff;
	v57 =	vand.u32 $0x7F, v44  }
0x86: {  	v45 =	vor.u32 v42, v49;
	v58 =	vor.u32 v34, v57;
	vm0 =	vgt.s32 v48, v37  }
0x87: {  	v60 =	vand.u32 $0x7F, v45;
	v59 =	vld.idx.msk [tilespmem:v33+s16+$0x0], $0xffff;
	v37 =	vsel vm0, v48, v37  }
0x88: {  	v46 =	vor.u32 v46, v49;
	v61 =	vor.u32 v34, v60;
	vm0 =	vgt.s32 v37, v50  }
0x89: {  	v62 =	vand.u32 $0x7F, v46;
	v39 =	vld.idx.msk [tilespmem:v56+s16+$0x0], $0xffff;
	v37 =	vsel vm0, v37, v50  }
0x8a: {  	v34 =	vor.u32 v34, v62;
	vm0 =	vgt.s32 v37, v47  }
0x8b: {  	v42 =	vld.idx.msk [tilespmem:v58+s16+$0x0], $0xffff;
	v37 =	vsel vm0, v37, v47  }
0x8c: {  	vm0 =	vgt.s32 v37, v59  }
0x8d: {  	v63 =	vld.idx.msk [tilespmem:v61+s16+$0x0], $0xffff;
	v37 =	vsel vm0, v37, v59  }
0x8e: {  	vm0 =	vgt.s32 v37, v39  }
0x8f: {  	v34 =	vld.idx.msk [tilespmem:v34+s16+$0x0], $0xffff;
	v37 =	vsel vm0, v37, v39  }
0x90: {  	vm0 =	vgt.s32 v37, v42  }
0x91: {  	v37 =	vsel vm0, v37, v42  }
0x92: {  	vm0 =	vgt.s32 v37, v63  }
0x93: {  	v37 =	vsel vm0, v37, v63  }
0x94: {  	vm0 =	vgt.s32 v37, v34  }
0x95: {  	v34 =	vsel vm0, v37, v34  }
0x96: {  	v37 =	vperm.xlane v34, v0;
	_ =	sdelay $0x1  }
0x97: {  	vm0 =	vgt.s32 v34, v37  }
0x98: {  	v34 =	vsel vm0, v34, v37  }
0x99: {  	v37 =	vperm.xlane v34, v1;
	_ =	sdelay $0x1  }
0x9a: {  	vm0 =	vgt.s32 v34, v37  }
0x9b: {  	v34 =	vsel vm0, v34, v37  }
0x9c: {  	v37 =	vperm.xlane v34, v3;
	_ =	sdelay $0x1  }
0x9d: {  	vm0 =	vgt.s32 v34, v37  }
0x9e: {  	v34 =	vsel vm0, v34, v37  }
0x9f: {  	v37 =	vperm.xlane v34, v4;
	_ =	sdelay $0x1  }
0xa0: {  	vm0 =	vgt.s32 v34, v37  }
0xa1: {  	v34 =	vsel vm0, v34, v37  }
0xa2: {  	(v2sf) =	vpush v34, $0x0;
	_ =	sdelay $0xe  }
0xa3: {  	s23 =	spop (v2sf)  }
0xa4: {  	p0 =	slt.s32 s23, $0x1  }
.Ltmp6:
0xa5: {  	_ = 	snop;
	(pc) =	sbr.rel @p0 .LBB2_13-.Ltmp6, $2  }
0xa6: {  	_ =	sdelay $0x2  }
0xa7: {  	v37 =	vimm.f32 $0.0e+00;
	v34 =	vshll.u32 v35, $0x2  }
0xa8: {  	p0 =	slt.s32 s23, $0x4  }
0xa9: {  	s23 =	simm.s32 @!p0 $0x4  }
0xaa: {  	p1 =	sne.s32 s23, $0x1  }
.Ltmp7:
0xab: {  	v42 =	vshll.u32 v38, $0x2;
	(pc) =	sbr.rel @!p1 .LBB2_7-.Ltmp7, $4  }
0xac: {  	v39 =	vshll.u32 v36, $0x2;
	v37 =	vshll.u32 v40, $0x2;
	v38 =	vshll.u32 v41, $0x2  }
0xad: {  	v41 =	vshll.u32 v43, $0x2;
	v43 =	vshll.u32 v44, $0x2;
	v44 =	vshll.u32 v45, $0x2;
	s0 =	simm.s32 $0x0  }
0xae: {  	v45 =	vshll.u32 v46, $0x2;
	v36 =	vimm.f32 $0.0e+00;
	v46 =	vadd.s32 s0, v42  }
0xaf: {  	s24 =	simm.s32 $0x1;
	v48 =	vadd.s32 s0, v44;
	v50 =	vadd.s32 s0, v45;
	v49 =	vadd.s32 s0, v43;
	p0 =	por $0x0, $0x0  }
0xb0: {  	_ =	sdelay $0x3  }
0xb1: {  	v40 =	vld.idx.msk [tilespmem:v50+s13+$0x0], $0xffff  }
0xb2: {  	v51 =	vld.idx.msk [tilespmem:v49+s13+$0x0], $0xffff  }
0xb3: {  	v60 =	vld.idx.msk [tilespmem:v50+s12+$0x0], $0xffff  }
0xb4: {  	v47 =	vadd.s32 s0, v41;
	v53 =	vld.idx.msk [tilespmem:v48+s13+$0x0], $0xffff  }
0xb5: {  	v52 =	vadd.s32 s0, v34;
	v61 =	vld.idx.msk [tilespmem:v48+s12+$0x0], $0xffff  }
0xb6: {  	v62 =	vld.idx.msk [tilespmem:v49+s12+$0x0], $0xffff;
	_ =	sdelay $0x1  }
0xb7: {  	v40 =	vsub.f32 v40, v31  }
0xb8: {  	v55 =	vadd.s32 s0, v37;
	v54 =	vld.idx.msk [tilespmem:v47+s12+$0x0], $0xffff;
	v50 =	vsub.f32 v60, v32;
	v51 =	vsub.f32 v51, v31  }
0xb9: {  	v58 =	vadd.s32 s0, v38;
	v57 =	vld.idx.msk [tilespmem:v52+s12+$0x0], $0xffff;
	v63 =	vsub.f32 v53, v31;
	v48 =	vsub.f32 v61, v32  }
0xba: {  	v59 =	vld.idx.msk [tilespmem:v47+s13+$0x0], $0xffff;
	v49 =	vsub.f32 v62, v32;
	v40 =	vmul.f32 v40, v40;
	v50 =	vmul.f32 v50, v50  }
0xbb: {  	v52 =	vld.idx.msk [tilespmem:v52+s13+$0x0], $0xffff;
	v53 =	vmul.f32 v51, v51;
	v51 =	vmul.f32 v63, v63  }
0xbc: {  	v48 =	vmul.f32 v48, v48;
	v49 =	vmul.f32 v49, v49  }
0xbd: {  	v56 =	vadd.s32 s0, v39;
	v40 =	vadd.f32 v40, v50  }
0xbe: {  	v60 =	vld.idx.msk [tilespmem:v55+s13+$0x0], $0xffff;
	v47 =	vadd.s32 s24, v42;
	v48 =	vadd.f32 v51, v48;
	v49 =	vadd.f32 v53, v49  }
0xbf: {  	v61 =	vld.idx.msk [tilespmem:v58+s12+$0x0], $0xffff;
	v50 =	vadd.s32 s24, v45;
	v54 =	vsub.f32 v54, v32;
	v57 =	vsub.f32 v57, v32  }
0xc0: {  	p1 =	sne.s32 s23, $0x2;
	v51 =	vld.idx.msk [tilespmem:v55+s12+$0x0], $0xffff;
	v63 =	vsub.f32 v52, v31;
	vm0 =	vlt.f32 v40, $3.999999760e+00;
	v40 =	vsub.f32 v59, v31  }
.Ltmp8:
0xc1: {  	vm1 =	vlt.f32 v48, $3.999999760e+00;
	vm2 =	vlt.f32 v49, $3.999999760e+00;
	v62 =	vmul.f32 v54, v54;
	v54 =	vld.idx.msk [tilespmem:v58+s13+$0x0], $0xffff;
	(pc) =	sbr.rel @!p1 .LBB2_9-.Ltmp8, $4  }
0xc2: {  	v53 =	vld.idx.msk [tilespmem:v56+s12+$0x0], $0xffff;
	v48 =	vadd.s32 s24, v44;
	v59 =	vmul.f32 v57, v57;
	vm0 =	vmor vm0, vm1  }
0xc3: {  	v52 =	vld.idx.msk [tilespmem:v56+s13+$0x0], $0xffff;
	v57 =	vsub.f32 v60, v31;
	v60 =	vmul.f32 v63, v63;
	v40 =	vmul.f32 v40, v40  }
0xc4: {  	v55 =	vld.idx.msk [tilespmem:v46+s13+$0x0], $0xffff;
	v49 =	vadd.s32 s24, v43;
	v58 =	vsub.f32 v61, v32;
	vm14 =	vmor vm0, vm2  }
0xc5: {  	s0 =	simm.s32 $0x2;
	p0 =	por $0x1, $0x1;
	v56 =	vld.idx.msk [tilespmem:v46+s12+$0x0], $0xffff;
	v59 =	vadd.f32 v60, v59;
	v60 =	vadd.f32 v40, v62;
	v40 =	vimm.f32 $0.0e+00  }
.LBB2_10:
0xc6: {  	v46 =	vsub.f32 v51, v32;
	v51 =	vsub.f32 v54, v31;
	v54 =	vmul.f32 v58, v58;
	s1 =	smov.u32 s0;
	s0 =	sadd.s32 $0x1, s0  }
0xc7: {  	v57 =	vmul.f32 v57, v57;
	p1 =	sne.s32 s23, s0;
	vm0 =	vlt.f32 v59, $3.999999760e+00;
	vm1 =	vlt.f32 v60, $3.999999760e+00  }
0xc8: {  	v52 =	vsub.f32 v52, v31;
	v46 =	vmul.f32 v46, v46;
	v51 =	vmul.f32 v51, v51  }
0xc9: {  	v53 =	vsub.f32 v53, v32;
	v55 =	vsub.f32 v55, v31;
	vm1 =	vmor vm14, vm1;
	v58 =	vld.idx.msk [tilespmem:v50+s13+$0x0], $0xffff  }
0xca: {  	v59 =	vadd.s32 s24, v41;
	v56 =	vsub.f32 v56, v32;
	v60 =	vld.idx.msk [tilespmem:v49+s13+$0x0], $0xffff;
	v46 =	vadd.f32 v57, v46  }
0xcb: {  	vm0 =	vmor vm1, vm0;
	v57 =	vadd.s32 s24, v34;
	v51 =	vadd.f32 v51, v54;
	v50 =	vld.idx.msk [tilespmem:v50+s12+$0x0], $0xffff  }
0xcc: {  	v61 =	vadd.s32 s24, v39;
	v52 =	vmul.f32 v52, v52;
	v53 =	vmul.f32 v53, v53;
	v54 =	vld.idx.msk [tilespmem:v48+s13+$0x0], $0xffff  }
0xcd: {  	v56 =	vmul.f32 v56, v56;
	vm1 =	vlt.f32 v46, $3.999999760e+00;
	vm2 =	vlt.f32 v51, $3.999999760e+00;
	v48 =	vld.idx.msk [tilespmem:v48+s12+$0x0], $0xffff  }
0xce: {  	v51 =	vadd.f32 v52, v53;
	vm0 =	vmor vm0, vm2;
	v46 =	vld.idx.msk [tilespmem:v49+s12+$0x0], $0xffff;
	v49 =	vmul.f32 v55, v55  }
0xcf: {  	v52 =	vadd.s32 s24, v38;
	v55 =	vsub.f32 v58, v31;
	vm0 =	vmor vm0, vm1;
	v53 =	vld.idx.msk [tilespmem:v59+s12+$0x0], $0xffff  }
0xd0: {  	v58 =	vadd.s32 s24, v37;
	s24 =	smov.u32 s1;
	v60 =	vsub.f32 v60, v31;
	v62 =	vld.idx.msk [tilespmem:v57+s12+$0x0], $0xffff;
	v49 =	vadd.f32 v49, v56  }
0xd1: {  	vm1 =	vlt.f32 v51, $3.999999760e+00;
	v50 =	vsub.f32 v50, v32;
	v55 =	vmul.f32 v55, v55;
	v56 =	vld.idx.msk [tilespmem:v57+s13+$0x0], $0xffff  }
0xd2: {  	vm0 =	vmor vm0, vm1;
	v51 =	vsub.f32 v54, v31;
	v57 =	vld.idx.msk [tilespmem:v59+s13+$0x0], $0xffff;
	v59 =	vmul.f32 v60, v60  }
0xd3: {  	v48 =	vsub.f32 v48, v32;
	v50 =	vmul.f32 v50, v50;
	vm1 =	vlt.f32 v49, $3.999999760e+00  }
0xd4: {  	v46 =	vsub.f32 v46, v32;
	v54 =	vmul.f32 v51, v51;
	vm0 =	vmor vm0, vm1;
	v49 =	vld.idx.msk [tilespmem:v52+s12+$0x0], $0xffff  }
0xd5: {  	v53 =	vsub.f32 v53, v32;
	v48 =	vmul.f32 v48, v48;
	v50 =	vadd.f32 v55, v50;
	v60 =	vld.idx.msk [tilespmem:v58+s13+$0x0], $0xffff  }
0xd6: {  	v40 =	vsel vm0, $0x3F800000, v40;
	v55 =	vsub.f32 v62, v32;
	v46 =	vmul.f32 v46, v46;
	v51 =	vld.idx.msk [tilespmem:v58+s12+$0x0], $0xffff  }
0xd7: {  	v62 =	vadd.s32 s24, v42;
	v48 =	vadd.f32 v54, v48;
	vm0 =	vlt.f32 v50, $3.999999760e+00  }
0xd8: {  	v63 =	vmul.f32 v53, v53;
	v50 =	vsub.f32 v57, v31;
	v46 =	vadd.f32 v59, v46;
	v54 =	vld.idx.msk [tilespmem:v52+s13+$0x0], $0xffff  }
.Ltmp9:
0xd9: {  	v56 =	vsub.f32 v56, v31;
	v59 =	vmul.f32 v55, v55;
	vm1 =	vlt.f32 v48, $3.999999760e+00;
	v52 =	vld.idx.msk [tilespmem:v61+s13+$0x0], $0xffff;
	(pc) =	sbr.rel @p1 .LBB2_10-.Ltmp9, $4  }
0xda: {  	vm2 =	vlt.f32 v46, $3.999999760e+00;
	vm0 =	vmor vm0, vm1;
	v53 =	vld.idx.msk [tilespmem:v61+s12+$0x0], $0xffff;
	v61 =	vmul.f32 v50, v50  }
0xdb: {  	v46 =	vmul.f32 v56, v56;
	v57 =	vsub.f32 v60, v31;
	vm14 =	vmor vm0, vm2;
	v55 =	vld.idx.msk [tilespmem:v47+s13+$0x0], $0xffff  }
0xdc: {  	v48 =	vadd.s32 s24, v44;
	v58 =	vsub.f32 v49, v32;
	v50 =	vadd.s32 s24, v45;
	v56 =	vld.idx.msk [tilespmem:v47+s12+$0x0], $0xffff;
	v47 =	vmovc v62  }
0xdd: {  	v49 =	vadd.s32 s24, v43;
	v59 =	vadd.f32 v46, v59;
	v60 =	vadd.f32 v61, v63  }
0xde: {  	s0 =	smov.u32 s24;
	v46 =	vmov v47  }
.LBB2_12:
0xdf: {  	_ =	sdelay $0x2  }
0xe0: {  	v42 =	vsub.f32 @p0 v51, v32  }
0xe1: {  	v43 =	vsub.f32 @p0 v54, v31;
	v44 =	vmul.f32 @p0 v58, v58;
	v45 =	vmul.f32 @p0 v57, v57;
	v63 =	vld.idx.msk [tilespmem:v50+s13+$0x0], $0xffff  }
0xe2: {  	vm0 =	vlt.f32 @p0 v59, $3.999999760e+00;
	vm1 =	vlt.f32 @p0 v60, $3.999999760e+00;
	v47 =	vsub.f32 @p0 v52, v31;
	v57 =	vld.idx.msk [tilespmem:v49+s13+$0x0], $0xffff  }
0xe3: {  	v53 =	vsub.f32 @p0 v53, v32;
	v41 =	vadd.s32 s0, v41;
	v58 =	vld.idx.msk [tilespmem:v50+s12+$0x0], $0xffff;
	v39 =	vadd.s32 s0, v39  }
0xe4: {  	v59 =	vld.idx.msk [tilespmem:v48+s13+$0x0], $0xffff;
	v38 =	vadd.s32 s0, v38;
	v37 =	vadd.s32 s0, v37;
	v51 =	vsub.f32 @p0 v55, v31  }
0xe5: {  	v60 =	vld.idx.msk [tilespmem:v48+s12+$0x0], $0xffff;
	vm1 =	vmor @p0 vm14, vm1;
	v42 =	vmul.f32 @p0 v42, v42;
	v43 =	vmul.f32 @p0 v43, v43  }
0xe6: {  	v61 =	vld.idx.msk [tilespmem:v49+s12+$0x0], $0xffff;
	v55 =	vsub.f32 @p0 v56, v32;
	vm0 =	vmor @p0 vm1, vm0;
	v47 =	vmul.f32 @p0 v47, v47  }
0xe7: {  	v54 =	vld.idx.msk [tilespmem:v46+s13+$0x0], $0xffff;
	v42 =	vadd.f32 @p0 v45, v42;
	v45 =	vadd.s32 s0, v34;
	v43 =	vadd.f32 @p0 v43, v44  }
0xe8: {  	v44 =	vmul.f32 @p0 v53, v53;
	v62 =	vld.idx.msk [tilespmem:v41+s12+$0x0], $0xffff;
	v63 =	vsub.f32 v63, v31;
	v56 =	vsub.f32 v57, v31  }
0xe9: {  	v55 =	vmul.f32 @p0 v55, v55;
	v50 =	vsub.f32 v58, v32;
	v41 =	vld.idx.msk [tilespmem:v41+s13+$0x0], $0xffff;
	v59 =	vsub.f32 v59, v31  }
0xea: {  	v48 =	vsub.f32 v60, v32;
	v60 =	vld.idx.msk [tilespmem:v38+s12+$0x0], $0xffff;
	vm1 =	vlt.f32 @p0 v42, $3.999999760e+00;
	vm2 =	vlt.f32 @p0 v43, $3.999999760e+00  }
0xeb: {  	v38 =	vld.idx.msk [tilespmem:v38+s13+$0x0], $0xffff;
	v42 =	vmul.f32 @p0 v51, v51;
	v44 =	vadd.f32 @p0 v47, v44;
	v49 =	vmul.f32 v63, v63  }
0xec: {  	v43 =	vsub.f32 v61, v32;
	v61 =	vld.idx.msk [tilespmem:v37+s13+$0x0], $0xffff;
	v58 =	vmul.f32 v56, v56;
	v50 =	vmul.f32 v50, v50  }
0xed: {  	v37 =	vld.idx.msk [tilespmem:v37+s12+$0x0], $0xffff;
	vm0 =	vmor @p0 vm0, vm2;
	v51 =	vmul.f32 v59, v59;
	v48 =	vmul.f32 v48, v48  }
0xee: {  	v63 =	vld.idx.msk [tilespmem:v39+s13+$0x0], $0xffff;
	vm0 =	vmor @p0 vm0, vm1;
	v42 =	vadd.f32 @p0 v42, v55;
	vm1 =	vlt.f32 @p0 v44, $3.999999760e+00  }
0xef: {  	v39 =	vld.idx.msk [tilespmem:v39+s12+$0x0], $0xffff;
	v43 =	vmul.f32 v43, v43;
	v49 =	vadd.f32 v49, v50;
	v48 =	vadd.f32 v51, v48  }
0xf0: {  	v57 =	vld.idx.msk [tilespmem:v45+s12+$0x0], $0xffff;
	vm14 =	vmor @p0 vm0, vm1;
	v47 =	vsub.f32 v62, v32;
	v41 =	vsub.f32 v41, v31  }
0xf1: {  	v45 =	vld.idx.msk [tilespmem:v45+s13+$0x0], $0xffff;
	vm15 =	vlt.f32 @p0 v42, $3.999999760e+00;
	v43 =	vadd.f32 v58, v43;
	v42 =	vsub.f32 v60, v32  }
0xf2: {  	v56 =	vld.idx.msk [tilespmem:v46+s12+$0x0], $0xffff;
	v38 =	vsub.f32 v38, v31;
	v58 =	vsub.f32 v54, v31;
	vm0 =	vlt.f32 v49, $3.999999760e+00  }
0xf3: {  	vm1 =	vlt.f32 v48, $3.999999760e+00;
	v55 =	vsub.f32 v61, v31;
	v37 =	vsub.f32 v37, v32  }
0xf4: {  	v47 =	vmul.f32 v47, v47;
	v41 =	vmul.f32 v41, v41;
	vm0 =	vmor vm0, vm1  }
0xf5: {  	vm1 =	vlt.f32 v43, $3.999999760e+00;
	v42 =	vmul.f32 v42, v42;
	v44 =	vsub.f32 v63, v31  }
0xf6: {  	v38 =	vmul.f32 v38, v38;
	v62 =	vsub.f32 v57, v32;
	v45 =	vsub.f32 v45, v31  }
0xf7: {  	v39 =	vsub.f32 v39, v32;
	v43 =	vsub.f32 v56, v32;
	v61 =	vmul.f32 v58, v58  }
0xf8: {  	vm0 =	vmor vm0, vm1;
	v52 =	vmul.f32 v62, v62;
	v45 =	vmul.f32 v45, v45  }
0xf9: {  	v37 =	vmul.f32 v37, v37;
	v41 =	vadd.f32 v41, v47;
	v57 =	vmul.f32 v55, v55  }
0xfa: {  	v38 =	vadd.f32 v38, v42;
	v39 =	vmul.f32 v39, v39;
	v45 =	vadd.f32 v45, v52  }
0xfb: {  	v59 =	vmul.f32 v44, v44;
	v60 =	vmul.f32 v43, v43;
	vm1 =	vlt.f32 v41, $3.999999760e+00  }
0xfc: {  	v37 =	vadd.f32 v57, v37;
	vm0 =	vmor vm0, vm1;
	vm1 =	vlt.f32 v45, $3.999999760e+00  }
0xfd: {  	v62 =	vadd.f32 v59, v39;
	vm0 =	vmor vm0, vm1;
	vm1 =	vlt.f32 v38, $3.999999760e+00  }
0xfe: {  	v63 =	vadd.f32 v61, v60;
	vm0 =	vmor vm0, vm1;
	vm1 =	vlt.f32 v37, $3.999999760e+00  }
0xff: {  	vm2 =	vmor @p0 vm14, vm15;
	vm0 =	vmor vm0, vm1;
	vm1 =	vlt.f32 v62, $3.999999760e+00  }
0x100: {  	v38 =	vsel @p0 vm2, $0x3F800000, v40;
	vm0 =	vmor vm0, vm1;
	vm1 =	vlt.f32 v63, $3.999999760e+00  }
0x101: {  	v36 =	vpsel p0, v38, v36;
	vm0 =	vmor vm0, vm1  }
0x102: {  	vm15 =	vcmask $0x3330;
	v37 =	vsel vm0, $0x3F800000, v36  }
.LBB2_13:
0x103: {  	s23 =	sld [smem:$0x0];
	_ =	sdelay $0x2  }
0x104: {  	s0 =	sadd.s32 $0xF, s23  }
0x105: {  	s0 =	sshra.s32 s0, $0x4  }
0x106: {  	p0 =	slt.s32 s0, $0x1  }
.Ltmp10:
0x107: {  	_ = 	snop;
	(pc) =	sbr.rel @p0 .LBB2_17-.Ltmp10, $1  }
0x108: {  	_ =	sdelay $0x3  }
0x109: {  	s1 =	simm.s32 $0xD080  }
0x10a: {  	s31 =	simm.s32 $0xD200;
	v39 =	vld [tilespmem:s1+$0x0]  }
0x10b: {  	v40 =	vld [tilespmem:s31+$0x0];
	_ =	sdelay $0x3  }
0x10c: {  	vm13 =	vmmov vm11;
	vm12 =	vmmov vm10;
	v36 =	vbroadcast v39, $0xE  }
0x10d: {  	vm11 =	vmmov vm9;
	v38 =	vbroadcast v39, $0xF;
	v41 =	vbroadcast v40, $0xF  }
0x10e: {  	vm10 =	vmmov vm8;
	v42 =	vbroadcast v39, $0x0;
	v43 =	vbroadcast v39, $0x1  }
0x10f: {  	vm9 =	vmmov vm7;
	v44 =	vbroadcast v39, $0xA;
	v56 =	vbroadcast v40, $0x8  }
0x110: {  	vm8 =	vmmov vm6;
	v46 =	vbroadcast v40, $0xB;
	v47 =	vbroadcast v39, $0x2  }
0x111: {  	vm7 =	vmmov vm5;
	v48 =	vbroadcast v40, $0xD;
	v58 =	vbroadcast v40, $0x4  }
0x112: {  	vm6 =	vmmov vm4;
	v49 =	vbroadcast v40, $0x9;
	v50 =	vbroadcast v39, $0x3  }
0x113: {  	v59 =	vbroadcast v40, $0x2;
	v36 =	vsub.f32 v32, v36;
	v38 =	vsub.f32 v32, v38  }
0x114: {  	v61 =	vbroadcast v40, $0xE;
	v55 =	vsub.f32 v31, v41;
	v41 =	vsub.f32 v32, v43  }
0x115: {  	v52 =	vbroadcast v39, $0x4;
	v44 =	vsub.f32 v32, v44;
	v42 =	vsub.f32 v32, v42  }
0x116: {  	v53 =	vbroadcast v39, $0x8;
	v57 =	vsub.f32 v31, v46;
	v48 =	vsub.f32 v31, v48  }
0x117: {  	v54 =	vbroadcast v40, $0x5;
	v46 =	vsub.f32 v31, v58;
	v60 =	vsub.f32 v31, v56  }
0x118: {  	v62 =	vbroadcast v40, $0x6;
	v49 =	vsub.f32 v31, v49;
	v43 =	vsub.f32 v31, v61  }
0x119: {  	v50 =	vsub.f32 v32, v50;
	v52 =	vsub.f32 v32, v52;
	v56 =	vbroadcast v39, $0xD  }
0x11a: {  	v54 =	vsub.f32 v31, v54;
	v58 =	vbroadcast v39, $0x6;
	v61 =	vbroadcast v40, $0xC  }
0x11b: {  	v53 =	vsub.f32 v32, v53;
	v45 =	vmul.f32 v36, v36;
	v38 =	vmul.f32 v38, v38  }
0x11c: {  	v47 =	vsub.f32 v32, v47;
	v36 =	vmul.f32 v55, v55;
	v44 =	vmul.f32 v44, v44  }
0x11d: {  	v51 =	vmul.f32 v57, v57;
	v48 =	vmul.f32 v48, v48;
	v55 =	vsub.f32 v31, v59  }
0x11e: {  	v57 =	vbroadcast v39, $0x7;
	v43 =	vmul.f32 v43, v43;
	v59 =	vsub.f32 v31, v62  }
0x11f: {  	v63 =	vmul.f32 v53, v53;
	v53 =	vsub.f32 v32, v58;
	v62 =	vbroadcast v39, $0x5  }
0x120: {  	v56 =	vsub.f32 v32, v56;
	v46 =	vmul.f32 v46, v46;
	v54 =	vmul.f32 v54, v54  }
0x121: {  	v50 =	vmul.f32 v50, v50;
	v41 =	vmul.f32 v41, v41;
	v36 =	vadd.f32 v36, v38  }
0x122: {  	v38 =	vmul.f32 v52, v52;
	v43 =	vadd.f32 v43, v45;
	v52 =	vbroadcast v39, $0xC  }
0x123: {  	v45 =	vsub.f32 v31, v61;
	v61 =	vmul.f32 v56, v56;
	v56 =	vmul.f32 v49, v49  }
0x124: {  	v58 =	vsub.f32 v32, v62;
	vm0 =	vlt.f32 v36, $3.999999760e+00;
	v36 =	vmul.f32 v42, v42  }
0x125: {  	v42 =	vmul.f32 v60, v60;
	v60 =	vbroadcast v40, $0xA;
	vm1 =	vlt.f32 v43, $3.999999760e+00  }
0x126: {  	v52 =	vsub.f32 v32, v52;
	v38 =	vadd.f32 v46, v38;
	v46 =	vbroadcast v40, $0x7  }
0x127: {  	v43 =	vmul.f32 v45, v45;
	v45 =	vbroadcast v40, $0x3;
	vm0 =	vmor vm0, vm1  }
0x128: {  	v42 =	vadd.f32 v42, v63;
	v63 =	vbroadcast v39, $0xB;
	v49 =	vmul.f32 v52, v52  }
0x129: {  	v39 =	vbroadcast v39, $0x9;
	v45 =	vsub.f32 v31, v45;
	v46 =	vsub.f32 v31, v46  }
0x12a: {  	vm14 =	vlt.f32 v42, $3.999999760e+00;
	v42 =	vadd.f32 v48, v61;
	v48 =	vsub.f32 v31, v60  }
0x12b: {  	v52 =	vsub.f32 v32, v63;
	v60 =	vbroadcast v40, $0x1;
	v40 =	vbroadcast v40, $0x0  }
0x12c: {  	v39 =	vsub.f32 v32, v39;
	v45 =	vmul.f32 v45, v45;
	v46 =	vmul.f32 v46, v46  }
0x12d: {  	v63 =	vmul.f32 v58, v58;
	vm1 =	vlt.f32 v42, $3.999999760e+00;
	v42 =	vmul.f32 v59, v59  }
0x12e: {  	v43 =	vadd.f32 v43, v49;
	v48 =	vmul.f32 v48, v48;
	v62 =	vmul.f32 v52, v52  }
0x12f: {  	p0 =	sne.s32 s0, $0x1;
	v40 =	vsub.f32 v31, v40;
	v39 =	vmul.f32 v39, v39;
	v45 =	vadd.f32 v45, v50  }
.Ltmp11:
0x130: {  	v50 =	vmul.f32 v53, v53;
	vm0 =	vmor vm0, vm1;
	vm1 =	vlt.f32 v43, $3.999999760e+00;
	(pc) =	sbr.rel @!p0 .LBB2_16-.Ltmp11, $4  }
0x131: {  	v43 =	vmul.f32 v47, v47;
	v47 =	vmul.f32 v55, v55;
	v49 =	vadd.f32 v51, v62  }
0x132: {  	vm1 =	vmor vm0, vm1;
	v44 =	vadd.f32 v48, v44;
	v48 =	vsub.f32 v32, v57  }
0x133: {  	v51 =	vadd.f32 v56, v39;
	vm2 =	vlt.f32 v49, $3.999999760e+00;
	v49 =	vsub.f32 v31, v60  }
0x134: {  	s24 =	sadd.s32 $0xFFFFFFFF, s0;
	s25 =	simm.s32 $0xD090;
	s26 =	simm.s32 $0xD210;
	vm0 =	vlt.f32 v44, $3.999999760e+00;
	v44 =	vadd.f32 v54, v63;
	vm1 =	vmor vm1, vm2  }
.LBB2_15:
0x135: {  	v39 =	vld [tilespmem:s25+$0x0];
	p0 =	sne.s32 s24, $0x1;
	s24 =	sadd.s32 $0xFFFFFFFF, s24;
	v52 =	vmul.f32 v40, v40;
	v49 =	vmul.f32 v49, v49;
	v42 =	vadd.f32 v42, v50  }
0x136: {  	v48 =	vmul.f32 v48, v48;
	vm4 =	vmor vm1, vm0;
	v40 =	vld [tilespmem:s26+$0x0];
	vm3 =	vlt.f32 v51, $3.999999760e+00  }
0x137: {  	v36 =	vadd.f32 v52, v36;
	v41 =	vadd.f32 v49, v41;
	vm5 =	vlt.f32 v42, $3.999999760e+00  }
0x138: {  	vm15 =	vlt.f32 v45, $3.999999760e+00;
	v42 =	vadd.f32 v47, v43;
	v43 =	vadd.f32 v46, v48  }
0x139: {  	vm2 =	vlt.f32 v38, $3.999999760e+00;
	vm0 =	vlt.f32 v36, $3.999999760e+00;
	vm1 =	vlt.f32 v41, $3.999999760e+00  }
0x13a: {  	vm3 =	vmor vm4, vm3;
	v36 =	vbroadcast v39, $0x0;
	v38 =	vbroadcast v39, $0xE  }
0x13b: {  	vm4 =	vlt.f32 v43, $3.999999760e+00;
	v41 =	vbroadcast v39, $0x1;
	v45 =	vbroadcast v39, $0xF  }
0x13c: {  	vm3 =	vmor vm3, vm14;
	v43 =	vbroadcast v39, $0xA;
	v38 =	vsub.f32 v32, v38  }
0x13d: {  	vm3 =	vmor vm3, vm4;
	v46 =	vbroadcast v40, $0xF;
	v45 =	vsub.f32 v32, v45  }
0x13e: {  	vm4 =	vlt.f32 v42, $3.999999760e+00;
	v41 =	vsub.f32 v32, v41;
	v38 =	vmul.f32 v38, v38  }
0x13f: {  	vm3 =	vmor vm3, vm5;
	v42 =	vsub.f32 v31, v46;
	v45 =	vmul.f32 v45, v45  }
0x140: {  	vm5 =	vlt.f32 v44, $3.999999760e+00;
	v43 =	vsub.f32 v32, v43;
	v46 =	vbroadcast v40, $0x8  }
0x141: {  	v36 =	vsub.f32 v32, v36;
	vm3 =	vmor vm3, vm5;
	v42 =	vmul.f32 v42, v42  }
0x142: {  	v44 =	vbroadcast v39, $0x2;
	vm2 =	vmor vm3, vm2;
	v47 =	vmul.f32 v43, v43  }
0x143: {  	v43 =	vbroadcast v40, $0xB;
	vm2 =	vmor vm2, vm15;
	v42 =	vadd.f32 v42, v45  }
0x144: {  	v48 =	vbroadcast v40, $0xD;
	vm2 =	vmor vm2, vm4;
	v45 =	vbroadcast v40, $0x4  }
0x145: {  	v43 =	vsub.f32 v31, v43;
	vm1 =	vmor vm2, vm1;
	vm15 =	vlt.f32 v42, $3.999999760e+00  }
0x146: {  	v48 =	vsub.f32 v31, v48;
	vm0 =	vmor vm1, vm0;
	v42 =	vbroadcast v40, $0x9  }
0x147: {  	v49 =	vbroadcast v39, $0x3;
	v50 =	vmul.f32 v43, v43;
	v37 =	vsel vm0, $0x3F800000, v37  }
0x148: {  	v48 =	vmul.f32 v48, v48;
	v43 =	vbroadcast v40, $0x2;
	v45 =	vsub.f32 v31, v45  }
0x149: {  	v51 =	vbroadcast v40, $0xE;
	v36 =	vmul.f32 v36, v36;
	v46 =	vsub.f32 v31, v46  }
0x14a: {  	v52 =	vbroadcast v39, $0x4;
	v53 =	vbroadcast v39, $0x8;
	v42 =	vsub.f32 v31, v42  }
0x14b: {  	v54 =	vbroadcast v40, $0x5;
	v51 =	vsub.f32 v31, v51;
	v46 =	vmul.f32 v46, v46  }
0x14c: {  	v55 =	vsub.f32 v31, v43;
	v43 =	vsub.f32 v32, v49;
	v49 =	vbroadcast v40, $0x6  }
0x14d: {  	v56 =	vbroadcast v39, $0xD;
	v52 =	vsub.f32 v32, v52;
	v54 =	vsub.f32 v31, v54  }
0x14e: {  	v57 =	vbroadcast v39, $0x7;
	v53 =	vsub.f32 v32, v53;
	v51 =	vmul.f32 v51, v51  }
0x14f: {  	v58 =	vbroadcast v39, $0x6;
	v59 =	vbroadcast v40, $0xA;
	v49 =	vsub.f32 v31, v49  }
0x150: {  	v52 =	vmul.f32 v52, v52;
	v53 =	vmul.f32 v53, v53;
	v38 =	vadd.f32 v51, v38  }
0x151: {  	v56 =	vsub.f32 v32, v56;
	v51 =	vsub.f32 v32, v58;
	v58 =	vbroadcast v40, $0xC  }
0x152: {  	v46 =	vadd.f32 v46, v53;
	v53 =	vbroadcast v39, $0xC;
	vm0 =	vlt.f32 v38, $3.999999760e+00  }
0x153: {  	v60 =	vbroadcast v39, $0x5;
	v61 =	vbroadcast v39, $0xB;
	v58 =	vsub.f32 v31, v58  }
0x154: {  	v38 =	vmul.f32 v45, v45;
	vm14 =	vlt.f32 v46, $3.999999760e+00;
	v45 =	vmul.f32 v56, v56  }
0x155: {  	v54 =	vmul.f32 v54, v54;
	vm0 =	vmor vm15, vm0;
	v46 =	vsub.f32 v32, v53  }
0x156: {  	v38 =	vadd.f32 v38, v52;
	v52 =	vmul.f32 v42, v42;
	v42 =	vadd.f32 v48, v45  }
0x157: {  	v45 =	vbroadcast v40, $0x7;
	v48 =	vsub.f32 v31, v59;
	v46 =	vmul.f32 v46, v46  }
0x158: {  	v53 =	vmul.f32 v43, v43;
	v43 =	vsub.f32 v32, v61;
	vm1 =	vlt.f32 v42, $3.999999760e+00  }
0x159: {  	v44 =	vsub.f32 v32, v44;
	v56 =	vsub.f32 v32, v60;
	v58 =	vmul.f32 v58, v58  }
0x15a: {  	v39 =	vbroadcast v39, $0x9;
	v59 =	vbroadcast v40, $0x3;
	vm0 =	vmor vm0, vm1  }
0x15b: {  	v60 =	vbroadcast v40, $0x1;
	v42 =	vmul.f32 v49, v49;
	v46 =	vadd.f32 v58, v46  }
0x15c: {  	v39 =	vsub.f32 v32, v39;
	v40 =	vbroadcast v40, $0x0;
	v49 =	vsub.f32 v31, v59  }
0x15d: {  	v48 =	vmul.f32 v48, v48;
	v58 =	vmul.f32 v43, v43;
	vm1 =	vlt.f32 v46, $3.999999760e+00  }
0x15e: {  	v40 =	vsub.f32 v31, v40;
	v45 =	vsub.f32 v31, v45;
	v49 =	vmul.f32 v49, v49  }
0x15f: {  	v39 =	vmul.f32 v39, v39;
	v43 =	vmul.f32 v44, v44;
	vm1 =	vmor vm0, vm1  }
.Ltmp12:
0x160: {  	v46 =	vmul.f32 v45, v45;
	v44 =	vadd.f32 v48, v47;
	v58 =	vadd.f32 v50, v58;
	(pc) =	sbr.rel @p0 .LBB2_15-.Ltmp12, $4  }
0x161: {  	v48 =	vsub.f32 v32, v57;
	v45 =	vadd.f32 v49, v53;
	v53 =	vmul.f32 v56, v56  }
0x162: {  	v47 =	vmul.f32 v55, v55;
	v50 =	vmul.f32 v51, v51;
	vm2 =	vlt.f32 v58, $3.999999760e+00  }
0x163: {  	v49 =	vsub.f32 v31, v60;
	vm0 =	vlt.f32 v44, $3.999999760e+00;
	vm1 =	vmor vm1, vm2  }
0x164: {  	s25 =	sadd.s32 $0x10, s25;
	s26 =	sadd.s32 $0x10, s26;
	v41 =	vmul.f32 v41, v41;
	v51 =	vadd.f32 v52, v39;
	v44 =	vadd.f32 v54, v53  }
.LBB2_16:
0x165: {  	v39 =	vmul.f32 v48, v48  }
0x166: {  	vm0 =	vmor vm1, vm0;
	v42 =	vadd.f32 v42, v50;
	v60 =	vmul.f32 v40, v40  }
0x167: {  	v61 =	vmul.f32 v49, v49;
	vm2 =	vlt.f32 v51, $3.999999760e+00;
	v39 =	vadd.f32 v46, v39  }
0x168: {  	v62 =	vadd.f32 v47, v43;
	vm4 =	vmmov vm6;
	vm0 =	vmor vm0, vm2  }
0x169: {  	vm5 =	vmmov vm7;
	vm0 =	vmor vm0, vm14;
	vm1 =	vlt.f32 v39, $3.999999760e+00  }
0x16a: {  	vm6 =	vmmov vm8;
	vm2 =	vlt.f32 v42, $3.999999760e+00;
	vm0 =	vmor vm0, vm1  }
0x16b: {  	vm7 =	vmmov vm9;
	vm1 =	vlt.f32 v44, $3.999999760e+00;
	vm0 =	vmor vm0, vm2  }
0x16c: {  	vm8 =	vmmov vm10;
	vm2 =	vlt.f32 v38, $3.999999760e+00;
	vm0 =	vmor vm0, vm1  }
0x16d: {  	v63 =	vadd.f32 v61, v41;
	vm1 =	vlt.f32 v45, $3.999999760e+00;
	vm0 =	vmor vm0, vm2  }
0x16e: {  	v36 =	vadd.f32 v60, v36;
	vm2 =	vlt.f32 v62, $3.999999760e+00;
	vm0 =	vmor vm0, vm1  }
0x16f: {  	vm9 =	vmmov vm11;
	vm1 =	vlt.f32 v63, $3.999999760e+00;
	vm0 =	vmor vm0, vm2  }
0x170: {  	vm10 =	vmmov vm12;
	vm2 =	vlt.f32 v36, $3.999999760e+00;
	vm0 =	vmor vm0, vm1  }
0x171: {  	vm11 =	vmmov vm13;
	vm12 =	vcmask $0x2320;
	vm0 =	vmor vm0, vm2  }
0x172: {  	vm13 =	vcmask $0x2724;
	vm15 =	vcmask $0x3330;
	v37 =	vsel vm0, $0x3F800000, v37  }
.LBB2_17:
0x173: {  	v36 =	vperm.xlane v32, v23;
	v38 =	vperm.xlane v31, v23  }
0x174: {  	v39 =	vperm.xlane v32, v24;
	v40 =	vperm.xlane v31, v24  }
0x175: {  	v41 =	vperm.xlane v32, v25;
	v42 =	vperm.xlane v31, v25  }
0x176: {  	v43 =	vperm.xlane v32, v26;
	v47 =	vperm.xlane v31, v26  }
0x177: {  	v50 =	vperm.xlane v32, v27;
	v44 =	vperm.xlane v31, v27  }
0x178: {  	v51 =	vperm.xlane v32, v0;
	v45 =	vperm.xlane v31, v0  }
0x179: {  	v46 =	vperm.xlane v32, v22;
	v36 =	vsub.f32 v32, v36;
	v38 =	vsub.f32 v31, v38  }
0x17a: {  	v56 =	vperm.xlane v31, v22;
	v39 =	vsub.f32 v32, v39;
	v40 =	vsub.f32 v31, v40  }
0x17b: {  	v57 =	vperm.xlane v32, v21;
	v41 =	vsub.f32 v32, v41;
	v42 =	vsub.f32 v31, v42  }
0x17c: {  	v43 =	vsub.f32 v32, v43;
	v36 =	vmul.f32 v36, v36;
	v38 =	vmul.f32 v38, v38  }
0x17d: {  	v44 =	vsub.f32 v31, v44;
	v39 =	vmul.f32 v39, v39;
	v40 =	vmul.f32 v40, v40  }
0x17e: {  	v45 =	vsub.f32 v31, v45;
	v63 =	vmul.f32 v41, v41;
	v48 =	vmul.f32 v42, v42  }
0x17f: {  	v49 =	vmul.f32 v43, v43;
	v41 =	vsub.f32 v31, v47;
	v43 =	vsub.f32 v32, v50  }
0x180: {  	v53 =	vmul.f32 v44, v44;
	v39 =	vadd.f32 v40, v39;
	v40 =	vsub.f32 v32, v51  }
0x181: {  	v55 =	vmul.f32 v45, v45;
	v36 =	vadd.f32 v38, v36;
	v41 =	vmul.f32 v41, v41  }
0x182: {  	v38 =	vadd.f32 v48, v63;
	v52 =	vmul.f32 v43, v43;
	v54 =	vmul.f32 v40, v40  }
0x183: {  	v58 =	vperm.xlane v31, v21;
	v59 =	vsub.f32 v32, v46;
	v41 =	vadd.f32 v41, v49  }
0x184: {  	vm0 =	vlt.f32 v38, $3.999999760e+00;
	v42 =	vadd.f32 v53, v52;
	v38 =	vadd.f32 v55, v54  }
0x185: {  	v60 =	vsub.f32 v32, v57;
	vm1 =	vlt.f32 v41, $3.999999760e+00;
	v41 =	vsub.f32 v31, v56  }
0x186: {  	v40 =	vsub.f32 v31, v58;
	vm2 =	vlt.f32 v42, $3.999999760e+00;
	vm3 =	vlt.f32 v38, $3.999999760e+00  }
0x187: {  	v42 =	vmul.f32 v59, v59;
	v41 =	vmul.f32 v41, v41;
	vm2 =	vmor vm3, vm2  }
0x188: {  	v40 =	vmul.f32 v40, v40;
	v38 =	vmul.f32 v60, v60;
	vm1 =	vmor vm2, vm1  }
0x189: {  	v41 =	vadd.f32 v41, v42;
	vm2 =	vlt.f32 v39, $3.999999760e+00;
	vm0 =	vmor vm1, vm0  }
0x18a: {  	v38 =	vadd.f32 v40, v38;
	vm1 =	vlt.f32 v36, $3.999999760e+00;
	vm0 =	vmor vm0, vm2  }
0x18b: {  	vm2 =	vlt.f32 v41, $3.999999760e+00;
	vm0 =	vmor vm0, vm1  }
0x18c: {  	vm1 =	vlt.f32 v38, $3.999999760e+00;
	vm0 =	vmor vm0, vm2  }
0x18d: {  	vm0 =	vmor vm0, vm1  }
0x18e: {  	v61 =	vsel vm0, $0x3F800000, v12  }
0x18f: {  	v62 =	vperm.xlane v61, v0;
	_ =	sdelay $0x1  }
0x190: {  	v36 =	vmax.f32 v61, v62  }
0x191: {  	v38 =	vperm.xlane v36, v1;
	_ =	sdelay $0x1  }
0x192: {  	v36 =	vmax.f32 v36, v38  }
0x193: {  	v38 =	vperm.xlane v36, v3;
	_ =	sdelay $0x1  }
0x194: {  	v36 =	vmax.f32 v36, v38  }
0x195: {  	v38 =	vperm.xlane v36, v4;
	_ =	sdelay $0x1  }
0x196: {  	v36 =	vmax.f32 v36, v38  }
0x197: {  	(v2sf) =	vpush v36, $0x0;
	_ =	sdelay $0xe  }
0x198: {  	s0 =	spop (v2sf)  }
0x199: {  	p0 =	sgt.f32 s0, $5.000000000e-01  }
.Ltmp13:
0x19a: {  	_ = 	snop;
	(pc) =	sbr.rel @!p0 .LBB2_18-.Ltmp13, $4  }
0x19b: {  	v36 =	vor.u32 s22, v5  }
0x19c: {  	v37 =	vsub.f32 $1.000000000e+00, v37;
	vm0 =	vlt.u32 v36, $0x1388  }
0x19d: {  	v63 =	vsel vm0, $0x3F800000, v12  }
0x19e: {  	v37 =	vmul.f32 v37, v63  }
0x19f: {  	v38 =	vbroadcast v32, $0x0;
	v39 =	vbroadcast v31, $0x0;
	_ =	sdelay $0x1  }
0x1a0: {  	v38 =	vsub.f32 v32, v38;
	v39 =	vsub.f32 v31, v39  }
0x1a1: {  	v40 =	vbroadcast v37, $0x0  }
0x1a2: {  	v38 =	vmul.f32 v38, v38;
	v39 =	vmul.f32 v39, v39  }
0x1a3: {  	vm0 =	veq.s32 v5, $0x0  }
0x1a4: {  	v53 =	vsel vm0, $0x0, v40;
	v38 =	vadd.f32 v39, v38  }
0x1a5: {  	v54 =	vbroadcast v32, $0x1;
	v39 =	vsub.f32 $1.000000000e+00, v53  }
0x1a6: {  	v55 =	vbroadcast v31, $0x1;
	vm0 =	vlt.f32 v38, $3.999999760e+00  }
0x1a7: {  	v40 =	vsub.f32 v32, v54;
	v39 =	vnsel vm0, $0x3F800000, v39  }
0x1a8: {  	v38 =	vsub.f32 v31, v55;
	v56 =	vmul.f32 v39, v37  }
0x1a9: {  	v57 =	vmul.f32 v40, v40  }
0x1aa: {  	v38 =	vmul.f32 v38, v38;
	v58 =	vbroadcast v56, $0x1  }
0x1ab: {  	vm0 =	vcmask $0x3F08  }
0x1ac: {  	v38 =	vadd.f32 v38, v57;
	v59 =	vnsel vm0, $0x0, v58  }
0x1ad: {  	v60 =	vbroadcast v32, $0x2;
	v39 =	vsub.f32 $1.000000000e+00, v59  }
0x1ae: {  	v61 =	vbroadcast v31, $0x2;
	vm0 =	vlt.f32 v38, $3.999999760e+00  }
0x1af: {  	v40 =	vsub.f32 v32, v60;
	v39 =	vnsel vm0, $0x3F800000, v39  }
0x1b0: {  	v38 =	vsub.f32 v31, v61;
	v37 =	vmul.f32 v39, v56  }
0x1b1: {  	v62 =	vmul.f32 v40, v40  }
0x1b2: {  	v38 =	vmul.f32 v38, v38;
	v63 =	vbroadcast v37, $0x2  }
0x1b3: {  	vm0 =	vcmask $0x3F0C  }
0x1b4: {  	v38 =	vadd.f32 v38, v62;
	v44 =	vnsel vm0, $0x0, v63  }
0x1b5: {  	v45 =	vbroadcast v32, $0x3;
	v39 =	vsub.f32 $1.000000000e+00, v44  }
0x1b6: {  	v46 =	vbroadcast v31, $0x3;
	vm0 =	vlt.f32 v38, $3.999999760e+00  }
0x1b7: {  	v40 =	vsub.f32 v32, v45;
	v39 =	vnsel vm0, $0x3F800000, v39  }
0x1b8: {  	v38 =	vsub.f32 v31, v46;
	v37 =	vmul.f32 v39, v37  }
0x1b9: {  	v47 =	vmul.f32 v40, v40  }
0x1ba: {  	v38 =	vmul.f32 v38, v38;
	v48 =	vbroadcast v37, $0x3  }
0x1bb: {  	vm0 =	vcmask $0x3F10  }
0x1bc: {  	v38 =	vadd.f32 v38, v47;
	v49 =	vnsel vm0, $0x0, v48  }
0x1bd: {  	v50 =	vbroadcast v32, $0x4;
	v39 =	vsub.f32 $1.000000000e+00, v49  }
0x1be: {  	v51 =	vbroadcast v31, $0x4;
	vm0 =	vlt.f32 v38, $3.999999760e+00  }
0x1bf: {  	v40 =	vsub.f32 v32, v50;
	v39 =	vnsel vm0, $0x3F800000, v39  }
0x1c0: {  	v38 =	vsub.f32 v31, v51;
	v37 =	vmul.f32 v39, v37  }
0x1c1: {  	v52 =	vmul.f32 v40, v40  }
0x1c2: {  	v38 =	vmul.f32 v38, v38;
	v53 =	vbroadcast v37, $0x4  }
0x1c3: {  	vm0 =	vcmask $0x3F14  }
0x1c4: {  	v38 =	vadd.f32 v38, v52;
	v54 =	vnsel vm0, $0x0, v53  }
0x1c5: {  	v55 =	vbroadcast v32, $0x5;
	v39 =	vsub.f32 $1.000000000e+00, v54  }
0x1c6: {  	v56 =	vbroadcast v31, $0x5;
	vm0 =	vlt.f32 v38, $3.999999760e+00  }
0x1c7: {  	v40 =	vsub.f32 v32, v55;
	v39 =	vnsel vm0, $0x3F800000, v39  }
0x1c8: {  	v38 =	vsub.f32 v31, v56;
	v37 =	vmul.f32 v39, v37  }
0x1c9: {  	v57 =	vmul.f32 v40, v40  }
0x1ca: {  	v38 =	vmul.f32 v38, v38;
	v58 =	vbroadcast v37, $0x5  }
0x1cb: {  	vm0 =	vcmask $0x3F18  }
0x1cc: {  	v38 =	vadd.f32 v38, v57;
	v59 =	vnsel vm0, $0x0, v58  }
0x1cd: {  	v60 =	vbroadcast v32, $0x6;
	v39 =	vsub.f32 $1.000000000e+00, v59  }
0x1ce: {  	v61 =	vbroadcast v31, $0x6;
	vm0 =	vlt.f32 v38, $3.999999760e+00  }
0x1cf: {  	v40 =	vsub.f32 v32, v60;
	v39 =	vnsel vm0, $0x3F800000, v39  }
0x1d0: {  	v38 =	vsub.f32 v31, v61;
	v37 =	vmul.f32 v39, v37  }
0x1d1: {  	v62 =	vmul.f32 v40, v40  }
0x1d2: {  	v38 =	vmul.f32 v38, v38;
	v63 =	vbroadcast v37, $0x6  }
0x1d3: {  	vm0 =	vcmask $0x3F1C  }
0x1d4: {  	v38 =	vadd.f32 v38, v62;
	v44 =	vnsel vm0, $0x0, v63  }
0x1d5: {  	v45 =	vbroadcast v32, $0x7;
	v39 =	vsub.f32 $1.000000000e+00, v44  }
0x1d6: {  	v46 =	vbroadcast v31, $0x7;
	vm0 =	vlt.f32 v38, $3.999999760e+00  }
0x1d7: {  	v40 =	vsub.f32 v32, v45;
	v39 =	vnsel vm0, $0x3F800000, v39  }
0x1d8: {  	v38 =	vsub.f32 v31, v46;
	v37 =	vmul.f32 v39, v37  }
0x1d9: {  	v47 =	vmul.f32 v40, v40  }
0x1da: {  	v38 =	vmul.f32 v38, v38;
	v48 =	vbroadcast v37, $0x7  }
0x1db: {  	vm0 =	vcmask $0x3F20  }
0x1dc: {  	v38 =	vadd.f32 v38, v47;
	v49 =	vnsel vm0, $0x0, v48  }
0x1dd: {  	v50 =	vbroadcast v32, $0x8;
	v39 =	vsub.f32 $1.000000000e+00, v49  }
0x1de: {  	v51 =	vbroadcast v31, $0x8;
	vm0 =	vlt.f32 v38, $3.999999760e+00  }
0x1df: {  	v40 =	vsub.f32 v32, v50;
	v39 =	vnsel vm0, $0x3F800000, v39  }
0x1e0: {  	v38 =	vsub.f32 v31, v51;
	v37 =	vmul.f32 v39, v37  }
0x1e1: {  	v52 =	vmul.f32 v40, v40  }
0x1e2: {  	v38 =	vmul.f32 v38, v38;
	v53 =	vbroadcast v37, $0x8  }
0x1e3: {  	vm0 =	vcmask $0x3F24  }
0x1e4: {  	v38 =	vadd.f32 v38, v52;
	v54 =	vnsel vm0, $0x0, v53  }
0x1e5: {  	v55 =	vbroadcast v32, $0x9;
	v39 =	vsub.f32 $1.000000000e+00, v54  }
0x1e6: {  	v56 =	vbroadcast v31, $0x9;
	vm0 =	vlt.f32 v38, $3.999999760e+00  }
0x1e7: {  	v40 =	vsub.f32 v32, v55;
	v39 =	vnsel vm0, $0x3F800000, v39  }
0x1e8: {  	v38 =	vsub.f32 v31, v56;
	v37 =	vmul.f32 v39, v37  }
0x1e9: {  	v57 =	vmul.f32 v40, v40  }
0x1ea: {  	v38 =	vmul.f32 v38, v38;
	v58 =	vbroadcast v37, $0x9  }
0x1eb: {  	vm0 =	vcmask $0x3F28  }
0x1ec: {  	v38 =	vadd.f32 v38, v57;
	v59 =	vnsel vm0, $0x0, v58  }
0x1ed: {  	v60 =	vbroadcast v32, $0xA;
	v39 =	vsub.f32 $1.000000000e+00, v59  }
0x1ee: {  	v61 =	vbroadcast v31, $0xA;
	vm0 =	vlt.f32 v38, $3.999999760e+00  }
0x1ef: {  	v40 =	vsub.f32 v32, v60;
	v39 =	vnsel vm0, $0x3F800000, v39  }
0x1f0: {  	v38 =	vsub.f32 v31, v61;
	v37 =	vmul.f32 v39, v37  }
0x1f1: {  	v62 =	vmul.f32 v40, v40  }
0x1f2: {  	v38 =	vmul.f32 v38, v38;
	v63 =	vbroadcast v37, $0xA  }
0x1f3: {  	vm0 =	vcmask $0x3F2C  }
0x1f4: {  	v38 =	vadd.f32 v38, v62;
	v43 =	vnsel vm0, $0x0, v63  }
0x1f5: {  	v44 =	vbroadcast v32, $0xB;
	v39 =	vsub.f32 $1.000000000e+00, v43  }
0x1f6: {  	v45 =	vbroadcast v31, $0xB;
	vm0 =	vlt.f32 v38, $3.999999760e+00  }
0x1f7: {  	v40 =	vsub.f32 v32, v44;
	v39 =	vnsel vm0, $0x3F800000, v39  }
0x1f8: {  	v38 =	vsub.f32 v31, v45;
	v37 =	vmul.f32 v39, v37  }
0x1f9: {  	v46 =	vmul.f32 v40, v40  }
0x1fa: {  	v38 =	vmul.f32 v38, v38;
	v47 =	vbroadcast v37, $0xB  }
0x1fb: {  	vm0 =	vcmask $0x3F30  }
0x1fc: {  	v38 =	vadd.f32 v38, v46;
	v48 =	vnsel vm0, $0x0, v47  }
0x1fd: {  	v49 =	vbroadcast v32, $0xC;
	v39 =	vsub.f32 $1.000000000e+00, v48  }
0x1fe: {  	v50 =	vbroadcast v31, $0xC;
	vm0 =	vlt.f32 v38, $3.999999760e+00  }
0x1ff: {  	v40 =	vsub.f32 v32, v49;
	v39 =	vnsel vm0, $0x3F800000, v39  }
0x200: {  	v38 =	vsub.f32 v31, v50;
	v37 =	vmul.f32 v39, v37  }
0x201: {  	v51 =	vmul.f32 v40, v40  }
0x202: {  	v38 =	vmul.f32 v38, v38;
	v52 =	vbroadcast v37, $0xC  }
0x203: {  	vm0 =	vcmask $0x3F34  }
0x204: {  	v38 =	vadd.f32 v38, v51;
	v53 =	vnsel vm0, $0x0, v52  }
0x205: {  	v54 =	vbroadcast v32, $0xD;
	v39 =	vsub.f32 $1.000000000e+00, v53  }
0x206: {  	v55 =	vbroadcast v31, $0xD;
	vm0 =	vlt.f32 v38, $3.999999760e+00  }
0x207: {  	v40 =	vsub.f32 v32, v54;
	v39 =	vnsel vm0, $0x3F800000, v39  }
0x208: {  	v38 =	vsub.f32 v31, v55;
	v37 =	vmul.f32 v39, v37  }
0x209: {  	v56 =	vmul.f32 v40, v40  }
0x20a: {  	v38 =	vmul.f32 v38, v38;
	v57 =	vbroadcast v37, $0xD  }
0x20b: {  	vm0 =	vcmask $0x3F38  }
0x20c: {  	v38 =	vadd.f32 v38, v56;
	v58 =	vnsel vm0, $0x0, v57  }
0x20d: {  	v59 =	vbroadcast v32, $0xE;
	v39 =	vsub.f32 $1.000000000e+00, v58  }
0x20e: {  	v60 =	vbroadcast v31, $0xE;
	vm0 =	vlt.f32 v38, $3.999999760e+00  }
0x20f: {  	v40 =	vsub.f32 v32, v59;
	v39 =	vnsel vm0, $0x3F800000, v39  }
0x210: {  	v38 =	vsub.f32 v31, v60;
	v37 =	vmul.f32 v39, v37  }
0x211: {  	v61 =	vmul.f32 v40, v40  }
0x212: {  	v38 =	vmul.f32 v38, v38;
	v62 =	vbroadcast v37, $0xE  }
0x213: {  	vm0 =	vcmask $0x3F3C  }
.Ltmp14:
0x214: {  	v38 =	vadd.f32 v38, v61;
	v63 =	vnsel vm0, $0x0, v62;
	(pc) =	sbr.rel .LBB2_20-.Ltmp14, $4  }
0x215: {  	v39 =	vsub.f32 $1.000000000e+00, v63  }
0x216: {  	vm0 =	vlt.f32 v38, $3.999999760e+00  }
0x217: {  	v38 =	vnsel vm0, $0x3F800000, v39  }
0x218: {  	vm3 =	vcmask $0x2F2C;
	v37 =	vmul.f32 v38, v37  }
.LBB2_18:
0x219: {  	vm3 =	vcmask $0x2F2C  }
.LBB2_20:
0x21a: {  	v38 =	vcombine.low v19, v20  }
0x21b: {  	v39 =	vcombine.low v17, v18;
	v52 =	vcombine.low v15, v16  }
0x21c: {  	v55 =	vcombine.low v13, v14;
	v43 =	vcombine.low v10, v11  }
0x21d: {  	v61 =	vcombine.low v8, v9;
	v48 =	vcombine.low v6, v7  }
0x21e: {  	v38 =	vand.u32 $0xF, v38;
	v39 =	vand.u32 $0xF, v39;
	v54 =	vand.u32 $0xF, v52  }
0x21f: {  	v49 =	vand.u32 $0xF, v48;
	v52 =	vperm.xlane v37, v0;
	v48 =	vperm.xlane v37, v26  }
0x220: {  	v62 =	vand.u32 $0xF, v61;
	v61 =	vperm.xlane v35, v24;
	v40 =	vperm.xlane v35, v38  }
0x221: {  	v38 =	vperm.xlane v37, v38;
	v51 =	vperm.xlane v35, v39  }
0x222: {  	v58 =	vand.u32 $0xF, v43;
	v39 =	vperm.xlane v37, v39;
	v56 =	vperm.xlane v35, v54  }
0x223: {  	v60 =	vperm.xlane v35, v58;
	v63 =	vperm.xlane v35, v62  }
0x224: {  	v50 =	vperm.xlane v35, v49;
	vm0 =	veq.s32 v35, v40;
	v40 =	vand.u32 $0xF, v55  }
0x225: {  	v55 =	vperm.xlane v37, v27;
	v38 =	vnsel vm0, $0x0, v38;
	vm0 =	veq.s32 v5, $0x0  }
0x226: {  	v57 =	vperm.xlane v35, v40;
	v38 =	vsel vm0, $0x0, v38;
	vm0 =	veq.s32 v35, v51  }
0x227: {  	v40 =	vperm.xlane v37, v40;
	v53 =	vnsel vm0, $0x0, v39;
	vm0 =	vmmov $0x3  }
0x228: {  	v51 =	vperm.xlane v35, v0;
	vm1 =	vgt.f32 v38, $5.000000000e-01;
	v38 =	vsel vm0, $0x0, v53  }
0x229: {  	v39 =	vperm.xlane v37, v54;
	v41 =	vsel vm1, $0x1, v2;
	vm0 =	vgt.f32 v38, $5.000000000e-01  }
0x22a: {  	v53 =	vperm.xlane v35, v27;
	v42 =	vsel vm0, $0x1, v2;
	vm0 =	veq.s32 v35, v56  }
0x22b: {  	v38 =	vperm.xlane v37, v58;
	v39 =	vnsel vm0, $0x0, v39;
	vm0 =	vmmov $0x7  }
0x22c: {  	v39 =	vsel vm0, $0x0, v39;
	vm0 =	veq.s32 v35, v57;
	v57 =	vperm.xlane v35, v26  }
0x22d: {  	vm1 =	vgt.f32 v39, $5.000000000e-01;
	v59 =	vnsel vm0, $0x0, v40;
	vm0 =	vmmov $0xf  }
0x22e: {  	v44 =	vsel vm1, $0x1, v2;
	v39 =	vsel vm0, $0x0, v59;
	vm0 =	veq.s32 v35, v60  }
0x22f: {  	v59 =	vperm.xlane v35, v25;
	v60 =	vperm.xlane v37, v25;
	vm1 =	vgt.f32 v39, $5.000000000e-01  }
0x230: {  	v38 =	vnsel vm0, $0x0, v38;
	vm0 =	vmmov $0x1f;
	v39 =	vperm.xlane v37, v62  }
0x231: {  	v62 =	vperm.xlane v37, v24;
	v45 =	vsel vm1, $0x1, v2;
	v38 =	vsel vm0, $0x0, v38  }
0x232: {  	vm1 =	veq.s32 v35, v63;
	v63 =	vperm.xlane v35, v23;
	vm0 =	vgt.f32 v38, $5.000000000e-01  }
0x233: {  	[tilespmem:s22+$0x3B80] =	vst v37;
	v39 =	vnsel vm1, $0x0, v39;
	vm1 =	vmmov $0x3f;
	v38 =	vperm.xlane v37, v49  }
0x234: {  	v49 =	vld.idx.msk [tilespmem:v33+s16+$0x0], $0xffff;
	v43 =	vsel vm0, $0x1, v2;
	v39 =	vsel vm1, $0x0, v39;
	vm1 =	veq.s32 v35, v50  }
0x235: {  	vm0 =	vgt.f32 v39, $5.000000000e-01;
	v38 =	vnsel vm1, $0x0, v38;
	vm1 =	vmmov $0x7f  }
0x236: {  	v46 =	vsel vm0, $0x1, v2;
	v38 =	vsel vm1, $0x0, v38;
	vm0 =	veq.s32 v35, v51  }
0x237: {  	v39 =	vnsel vm0, $0x0, v52;
	vm0 =	vmmov $0xff;
	vm1 =	vgt.f32 v38, $5.000000000e-01  }
0x238: {  	v54 =	vsel vm0, $0x0, v39;
	v47 =	vsel vm1, $0x1, v2;
	vm1 =	veq.s32 v35, v53  }
0x239: {  	v41 =	vadd.s32 v41, v49;
	v56 =	vnsel vm1, $0x0, v55;
	vm1 =	vmmov $0x1ff  }
0x23a: {  	vm0 =	vgt.f32 v54, $5.000000000e-01;
	v38 =	vsel vm1, $0x0, v56;
	vm1 =	veq.s32 v35, v57  }
0x23b: {  	v58 =	vsel vm0, $0x1, v2;
	vm0 =	vgt.f32 v38, $5.000000000e-01;
	v39 =	vnsel vm1, $0x0, v48  }
0x23c: {  	vm1 =	vmmov $0x3ff;
	v50 =	vsel vm0, $0x1, v2;
	vm0 =	veq.s32 v35, v59  }
0x23d: {  	v39 =	vsel vm1, $0x0, v39;
	v38 =	vnsel vm0, $0x0, v60;
	vm0 =	vmmov $0x7ff  }
0x23e: {  	v41 =	vadd.s32 v42, v41;
	vm1 =	vgt.f32 v39, $5.000000000e-01;
	v38 =	vsel vm0, $0x0, v38  }
0x23f: {  	v51 =	vsel vm1, $0x1, v2;
	vm1 =	veq.s32 v35, v61;
	vm0 =	vgt.f32 v38, $5.000000000e-01  }
0x240: {  	v39 =	vnsel vm1, $0x0, v62;
	v38 =	vsel vm0, $0x1, v2;
	vm0 =	vmmov $0xfff  }
0x241: {  	v52 =	vperm.xlane v37, v23;
	v41 =	vadd.s32 v44, v41;
	v39 =	vsel vm0, $0x0, v39  }
0x242: {  	v54 =	vperm.xlane v35, v22;
	v41 =	vadd.s32 v45, v41;
	vm0 =	vgt.f32 v39, $5.000000000e-01  }
0x243: {  	v41 =	vadd.s32 v43, v41;
	v53 =	vsel vm0, $0x1, v2;
	vm0 =	veq.s32 v35, v63  }
0x244: {  	v41 =	vadd.s32 v46, v41;
	v39 =	vnsel vm0, $0x0, v52;
	vm0 =	vmmov $0x1fff  }
0x245: {  	v55 =	vperm.xlane v37, v22;
	v41 =	vadd.s32 v47, v41;
	v39 =	vsel vm0, $0x0, v39  }
0x246: {  	v57 =	vperm.xlane v35, v21;
	v40 =	vadd.s32 v58, v41;
	vm0 =	vgt.f32 v39, $5.000000000e-01  }
0x247: {  	v58 =	vperm.xlane v37, v21;
	v56 =	vsel vm0, $0x1, v2;
	vm0 =	veq.s32 v35, v54  }
0x248: {  	v40 =	vadd.s32 v50, v40;
	v39 =	vnsel vm0, $0x0, v55;
	vm0 =	vmmov $0x3fff  }
0x249: {  	v59 =	vadd.s32 v51, v40;
	v39 =	vsel vm0, $0x0, v39;
	vm0 =	veq.s32 v35, v57  }
0x24a: {  	v35 =	vadd.s32 v38, v59;
	v60 =	vnsel vm0, $0x0, v58;
	vm0 =	vmmov $0x7fff  }
0x24b: {  	vm1 =	vgt.f32 v39, $5.000000000e-01;
	v35 =	vadd.s32 v53, v35;
	v61 =	vsel vm0, $0x0, v60  }
0x24c: {  	v39 =	vsel vm1, $0x1, v2;
	v35 =	vadd.s32 v56, v35;
	vm0 =	vgt.f32 v61, $5.000000000e-01  }
0x24d: {  	v35 =	vadd.s32 v39, v35;
	v38 =	vsel vm0, $0x1, v2  }
0x24e: {  	v35 =	vadd.s32 v38, v35  }
0x24f: {  	vm0 =	vlt.s32 v35, $0x4  }
0x250: {  	v62 =	vnsel vm0, $0x0, v37  }
0x251: {  	v63 =	vsub.f32 v37, v62;
	_ =	sdelay $0x1  }
0x252: {  	(v2sf) =	vpush v63, $0x0  }
0x253: {  	(v2sf) =	vpush v63, $0x1;
	_ =	sdelay $0x1  }
0x254: {  	(v2sf) =	vpush v63, $0x2;
	_ =	sdelay $0x1  }
0x255: {  	(v2sf) =	vpush v63, $0x3;
	_ =	sdelay $0x1  }
0x256: {  	(v2sf) =	vpush v63, $0x4;
	_ =	sdelay $0x1  }
0x257: {  	(v2sf) =	vpush v63, $0x5;
	_ =	sdelay $0x1  }
0x258: {  	(v2sf) =	vpush v63, $0x6;
	_ =	sdelay $0x1  }
0x259: {  	(v2sf) =	vpush v63, $0x7;
	_ =	sdelay $0x1  }
0x25a: {  	s14 =	spop (v2sf);
	(v2sf) =	vpush v63, $0x8  }
0x25b: {  	s7 =	spop (v2sf)  }
0x25c: {  	(v2sf) =	vpush v63, $0x9;
	s0 =	sadd.f32 s7, s14  }
0x25d: {  	s11 =	spop (v2sf)  }
0x25e: {  	(v2sf) =	vpush v63, $0xA;
	s0 =	sadd.f32 s0, s11  }
0x25f: {  	s6 =	spop (v2sf)  }
0x260: {  	(v2sf) =	vpush v63, $0xB;
	s0 =	sadd.f32 s0, s6  }
0x261: {  	s4 =	spop (v2sf)  }
0x262: {  	(v2sf) =	vpush v63, $0xC;
	s0 =	sadd.f32 s0, s4  }
0x263: {  	s1 =	spop (v2sf)  }
0x264: {  	(v2sf) =	vpush v63, $0xD;
	s3 =	sadd.f32 s0, s1  }
0x265: {  	s0 =	spop (v2sf)  }
0x266: {  	(v2sf) =	vpush v63, $0xE;
	s5 =	sadd.f32 s3, s0  }
0x267: {  	s3 =	spop (v2sf)  }
0x268: {  	(v2sf) =	vpush v63, $0xF;
	s24 =	sadd.f32 s5, s3  }
0x269: {  	s5 =	spop (v2sf)  }
0x26a: {  	s24 =	sadd.f32 s24, s5  }
0x26b: {  	s31 =	spop (v2sf)  }
0x26c: {  	s24 =	sadd.f32 s24, s31  }
0x26d: {  	s30 =	spop (v2sf)  }
0x26e: {  	s24 =	sadd.f32 s24, s30  }
0x26f: {  	s29 =	spop (v2sf)  }
0x270: {  	s24 =	sadd.f32 s24, s29  }
0x271: {  	s28 =	spop (v2sf)  }
0x272: {  	s24 =	sadd.f32 s24, s28  }
0x273: {  	s26 =	spop (v2sf)  }
0x274: {  	s24 =	sadd.f32 s24, s26  }
0x275: {  	s25 =	spop (v2sf)  }
0x276: {  	s15 =	sadd.f32 s24, s25  }
0x277: {  	vm0 =	vgt.f32 v62, $5.000000000e-01;
	s24 =	spop (v2sf)  }
0x278: {  	v34 =	vadd.s32 v34, v35;
	s15 =	sadd.f32 s15, s24  }
0x279: {  	vm14 =	vgt.f32 v37, $5.000000000e-01  }
0x27a: {  	p0 =	sgt.f32 s15, $5.000000000e-01  }
.Ltmp15:
0x27b: {  	_ = 	snop;
	(pc) =	sbr.rel @!p0 .LBB2_22-.Ltmp15, $4  }
0x27c: {  	_ = 	snop  }
0x27d: {  	[tilespmem:v34+s12+$0x0] =	vst.idx.msk vm0, v32  }
0x27e: {  	[tilespmem:v34+s13+$0x0] =	vst.idx.msk vm0, v31  }
0x27f: {  	[tilespmem:v33+s16+$0x0] =	vst.idx.add.s32.msk vm14, v28  }
0x280: {  	p2 =	sgt.f32 s14, $5.000000000e-01;
	_ =	sdelay $0x1  }
0x281: {  	p0 =	sgt.s32 @p2 s23, $0xFF  }
0x282: {  	p1 =	por p0, !p2  }
0x283: {  	s14 =	sand.u32 @!p1 $0xFFFFFFF0, s23  }
0x284: {  	p0 =	sgt.f32 s7, $5.000000000e-01;
	s7 =	sadd.s32 @p2 $0x1, s23;
	v33 =	vld @!p1 [tilespmem:s14+$0xD080]  }
0x285: {  	[smem:$0x0] =	sst @p2 s7;
	v34 =	vld @!p1 [tilespmem:s14+$0xD200]  }
0x286: {  	s7 =	sand.u32 @!p1 $0xF, s23;
	s15 =	sld @p0 [smem:$0x0]  }
0x287: {  	v38 =	vlaneseq.u32 @!p1;
	v39 =	vbroadcast @!p1 v32, $0x0;
	v35 =	vmov @!p1 s7  }
0x288: {  	vm0 =	veq.s32 @!p1 v35, v38;
	v35 =	vbroadcast @!p1 v31, $0x0  }
0x289: {  	p2 =	sgt.s32 @p0 s15, $0xFF;
	v33 =	vsel @!p1 vm0, v39, v33  }
0x28a: {  	p3 =	por p2, !p0;
	[tilespmem:s14+$0xD080] =	vst @!p1 v33;
	v33 =	vsel @!p1 vm0, v35, v34  }
0x28b: {  	s7 =	sand.u32 @!p3 $0xFFFFFFF0, s15;
	[tilespmem:s14+$0xD200] =	vst @!p1 v33  }
0x28c: {  	s14 =	sadd.s32 @p0 $0x1, s15;
	p1 =	sgt.f32 s11, $5.000000000e-01;
	v33 =	vld @!p3 [tilespmem:s7+$0xD080]  }
0x28d: {  	v34 =	vld @!p3 [tilespmem:s7+$0xD200];
	[smem:$0x0] =	sst @p0 s14  }
0x28e: {  	s11 =	sand.u32 @!p3 $0xF, s15;
	s14 =	sld @p1 [smem:$0x0]  }
0x28f: {  	v38 =	vlaneseq.u32 @!p3;
	v39 =	vbroadcast @!p3 v32, $0x1;
	v35 =	vmov @!p3 s11  }
0x290: {  	vm0 =	veq.s32 @!p3 v35, v38;
	v35 =	vbroadcast @!p3 v31, $0x1  }
0x291: {  	p0 =	sgt.s32 @p1 s14, $0xFF;
	v33 =	vsel @!p3 vm0, v39, v33  }
0x292: {  	p2 =	por p0, !p1;
	[tilespmem:s7+$0xD080] =	vst @!p3 v33;
	v33 =	vsel @!p3 vm0, v35, v34  }
0x293: {  	[tilespmem:s7+$0xD200] =	vst @!p3 v33;
	s7 =	sand.u32 @!p2 $0xFFFFFFF0, s14  }
0x294: {  	s11 =	sadd.s32 @p1 $0x1, s14;
	p0 =	sgt.f32 s6, $5.000000000e-01;
	v33 =	vld @!p2 [tilespmem:s7+$0xD080]  }
0x295: {  	[smem:$0x0] =	sst @p1 s11;
	v34 =	vld @!p2 [tilespmem:s7+$0xD200]  }
0x296: {  	s6 =	sand.u32 @!p2 $0xF, s14;
	s11 =	sld @p0 [smem:$0x0]  }
0x297: {  	v38 =	vlaneseq.u32 @!p2;
	v39 =	vbroadcast @!p2 v32, $0x2;
	v35 =	vmov @!p2 s6  }
0x298: {  	vm0 =	veq.s32 @!p2 v35, v38;
	v35 =	vbroadcast @!p2 v31, $0x2  }
0x299: {  	p1 =	sgt.s32 @p0 s11, $0xFF;
	v33 =	vsel @!p2 vm0, v39, v33  }
0x29a: {  	p3 =	por p1, !p0;
	[tilespmem:s7+$0xD080] =	vst @!p2 v33;
	v33 =	vsel @!p2 vm0, v35, v34  }
0x29b: {  	s6 =	sand.u32 @!p3 $0xFFFFFFF0, s11;
	[tilespmem:s7+$0xD200] =	vst @!p2 v33  }
0x29c: {  	p1 =	sgt.f32 s4, $5.000000000e-01;
	s7 =	sadd.s32 @p0 $0x1, s11;
	v33 =	vld @!p3 [tilespmem:s6+$0xD080]  }
0x29d: {  	v34 =	vld @!p3 [tilespmem:s6+$0xD200];
	[smem:$0x0] =	sst @p0 s7  }
0x29e: {  	s4 =	sand.u32 @!p3 $0xF, s11;
	s7 =	sld @p1 [smem:$0x0]  }
0x29f: {  	v38 =	vlaneseq.u32 @!p3;
	v39 =	vbroadcast @!p3 v32, $0x3;
	v35 =	vmov @!p3 s4  }
0x2a0: {  	vm0 =	veq.s32 @!p3 v35, v38;
	v35 =	vbroadcast @!p3 v31, $0x3  }
0x2a1: {  	p0 =	sgt.s32 @p1 s7, $0xFF;
	v33 =	vsel @!p3 vm0, v39, v33  }
0x2a2: {  	p2 =	por p0, !p1;
	[tilespmem:s6+$0xD080] =	vst @!p3 v33;
	v33 =	vsel @!p3 vm0, v35, v34  }
0x2a3: {  	s4 =	sand.u32 @!p2 $0xFFFFFFF0, s7;
	[tilespmem:s6+$0xD200] =	vst @!p3 v33  }
0x2a4: {  	p0 =	sgt.f32 s1, $5.000000000e-01;
	s6 =	sadd.s32 @p1 $0x1, s7;
	v33 =	vld @!p2 [tilespmem:s4+$0xD080]  }
0x2a5: {  	v34 =	vld @!p2 [tilespmem:s4+$0xD200];
	[smem:$0x0] =	sst @p1 s6  }
0x2a6: {  	s1 =	sand.u32 @!p2 $0xF, s7;
	s6 =	sld @p0 [smem:$0x0]  }
0x2a7: {  	v38 =	vlaneseq.u32 @!p2;
	v39 =	vbroadcast @!p2 v32, $0x4;
	v35 =	vmov @!p2 s1  }
0x2a8: {  	vm0 =	veq.s32 @!p2 v35, v38;
	v35 =	vbroadcast @!p2 v31, $0x4  }
0x2a9: {  	p1 =	sgt.s32 @p0 s6, $0xFF;
	v33 =	vsel @!p2 vm0, v39, v33  }
0x2aa: {  	p3 =	por p1, !p0;
	[tilespmem:s4+$0xD080] =	vst @!p2 v33;
	v33 =	vsel @!p2 vm0, v35, v34  }
0x2ab: {  	s1 =	sand.u32 @!p3 $0xFFFFFFF0, s6;
	[tilespmem:s4+$0xD200] =	vst @!p2 v33  }
0x2ac: {  	p1 =	sgt.f32 s0, $5.000000000e-01;
	s4 =	sadd.s32 @p0 $0x1, s6;
	v33 =	vld @!p3 [tilespmem:s1+$0xD080]  }
0x2ad: {  	v34 =	vld @!p3 [tilespmem:s1+$0xD200];
	[smem:$0x0] =	sst @p0 s4  }
0x2ae: {  	s0 =	sand.u32 @!p3 $0xF, s6;
	s4 =	sld @p1 [smem:$0x0]  }
0x2af: {  	v38 =	vlaneseq.u32 @!p3;
	v39 =	vbroadcast @!p3 v32, $0x5;
	v35 =	vmov @!p3 s0  }
0x2b0: {  	vm0 =	veq.s32 @!p3 v35, v38;
	v35 =	vbroadcast @!p3 v31, $0x5  }
0x2b1: {  	p0 =	sgt.s32 @p1 s4, $0xFF;
	v33 =	vsel @!p3 vm0, v39, v33  }
0x2b2: {  	p2 =	por p0, !p1;
	[tilespmem:s1+$0xD080] =	vst @!p3 v33;
	v33 =	vsel @!p3 vm0, v35, v34  }
0x2b3: {  	s0 =	sand.u32 @!p2 $0xFFFFFFF0, s4;
	[tilespmem:s1+$0xD200] =	vst @!p3 v33  }
0x2b4: {  	p0 =	sgt.f32 s3, $5.000000000e-01;
	s1 =	sadd.s32 @p1 $0x1, s4;
	v33 =	vld @!p2 [tilespmem:s0+$0xD080]  }
0x2b5: {  	v34 =	vld @!p2 [tilespmem:s0+$0xD200];
	[smem:$0x0] =	sst @p1 s1  }
0x2b6: {  	s1 =	sand.u32 @!p2 $0xF, s4;
	s3 =	sld @p0 [smem:$0x0]  }
0x2b7: {  	v38 =	vlaneseq.u32 @!p2;
	v39 =	vbroadcast @!p2 v32, $0x6;
	v35 =	vmov @!p2 s1  }
0x2b8: {  	vm0 =	veq.s32 @!p2 v35, v38;
	v35 =	vbroadcast @!p2 v31, $0x6  }
0x2b9: {  	p1 =	sgt.s32 @p0 s3, $0xFF;
	v33 =	vsel @!p2 vm0, v39, v33  }
0x2ba: {  	p3 =	por p1, !p0;
	[tilespmem:s0+$0xD080] =	vst @!p2 v33;
	v33 =	vsel @!p2 vm0, v35, v34  }
0x2bb: {  	[tilespmem:s0+$0xD200] =	vst @!p2 v33;
	s0 =	sand.u32 @!p3 $0xFFFFFFF0, s3  }
0x2bc: {  	s1 =	sadd.s32 @p0 $0x1, s3;
	p1 =	sgt.f32 s5, $5.000000000e-01;
	v33 =	vld @!p3 [tilespmem:s0+$0xD080]  }
0x2bd: {  	[smem:$0x0] =	sst @p0 s1;
	v34 =	vld @!p3 [tilespmem:s0+$0xD200]  }
0x2be: {  	s1 =	sand.u32 @!p3 $0xF, s3;
	s3 =	sld @p1 [smem:$0x0]  }
0x2bf: {  	v38 =	vlaneseq.u32 @!p3;
	v39 =	vbroadcast @!p3 v32, $0x7;
	v35 =	vmov @!p3 s1  }
0x2c0: {  	vm0 =	veq.s32 @!p3 v35, v38;
	v35 =	vbroadcast @!p3 v31, $0x7  }
0x2c1: {  	p0 =	sgt.s32 @p1 s3, $0xFF;
	v33 =	vsel @!p3 vm0, v39, v33  }
0x2c2: {  	p2 =	por p0, !p1;
	[tilespmem:s0+$0xD080] =	vst @!p3 v33;
	v33 =	vsel @!p3 vm0, v35, v34  }
0x2c3: {  	[tilespmem:s0+$0xD200] =	vst @!p3 v33;
	s0 =	sand.u32 @!p2 $0xFFFFFFF0, s3  }
0x2c4: {  	s1 =	sadd.s32 @p1 $0x1, s3;
	p0 =	sgt.f32 s31, $5.000000000e-01;
	v33 =	vld @!p2 [tilespmem:s0+$0xD080]  }
0x2c5: {  	[smem:$0x0] =	sst @p1 s1;
	v34 =	vld @!p2 [tilespmem:s0+$0xD200]  }
0x2c6: {  	s1 =	sand.u32 @!p2 $0xF, s3;
	s3 =	sld @p0 [smem:$0x0]  }
0x2c7: {  	v38 =	vlaneseq.u32 @!p2;
	v39 =	vbroadcast @!p2 v32, $0x8;
	v35 =	vmov @!p2 s1  }
0x2c8: {  	vm0 =	veq.s32 @!p2 v35, v38;
	v35 =	vbroadcast @!p2 v31, $0x8  }
0x2c9: {  	p1 =	sgt.s32 @p0 s3, $0xFF;
	v33 =	vsel @!p2 vm0, v39, v33  }
0x2ca: {  	p3 =	por p1, !p0;
	[tilespmem:s0+$0xD080] =	vst @!p2 v33;
	v33 =	vsel @!p2 vm0, v35, v34  }
0x2cb: {  	[tilespmem:s0+$0xD200] =	vst @!p2 v33;
	s0 =	sand.u32 @!p3 $0xFFFFFFF0, s3  }
0x2cc: {  	s1 =	sadd.s32 @p0 $0x1, s3;
	p1 =	sgt.f32 s30, $5.000000000e-01;
	v33 =	vld @!p3 [tilespmem:s0+$0xD080]  }
0x2cd: {  	[smem:$0x0] =	sst @p0 s1;
	v34 =	vld @!p3 [tilespmem:s0+$0xD200]  }
0x2ce: {  	s1 =	sand.u32 @!p3 $0xF, s3;
	s3 =	sld @p1 [smem:$0x0]  }
0x2cf: {  	v38 =	vlaneseq.u32 @!p3;
	v39 =	vbroadcast @!p3 v32, $0x9;
	v35 =	vmov @!p3 s1  }
0x2d0: {  	vm0 =	veq.s32 @!p3 v35, v38;
	v35 =	vbroadcast @!p3 v31, $0x9  }
0x2d1: {  	p0 =	sgt.s32 @p1 s3, $0xFF;
	v33 =	vsel @!p3 vm0, v39, v33  }
0x2d2: {  	p2 =	por p0, !p1;
	[tilespmem:s0+$0xD080] =	vst @!p3 v33;
	v33 =	vsel @!p3 vm0, v35, v34  }
0x2d3: {  	[tilespmem:s0+$0xD200] =	vst @!p3 v33;
	s0 =	sand.u32 @!p2 $0xFFFFFFF0, s3  }
0x2d4: {  	s1 =	sadd.s32 @p1 $0x1, s3;
	p0 =	sgt.f32 s29, $5.000000000e-01;
	v33 =	vld @!p2 [tilespmem:s0+$0xD080]  }
0x2d5: {  	[smem:$0x0] =	sst @p1 s1;
	v34 =	vld @!p2 [tilespmem:s0+$0xD200]  }
0x2d6: {  	s1 =	sand.u32 @!p2 $0xF, s3;
	s3 =	sld @p0 [smem:$0x0]  }
0x2d7: {  	v38 =	vlaneseq.u32 @!p2;
	v39 =	vbroadcast @!p2 v32, $0xA;
	v35 =	vmov @!p2 s1  }
0x2d8: {  	vm0 =	veq.s32 @!p2 v35, v38;
	v35 =	vbroadcast @!p2 v31, $0xA  }
0x2d9: {  	p1 =	sgt.s32 @p0 s3, $0xFF;
	v33 =	vsel @!p2 vm0, v39, v33  }
0x2da: {  	p3 =	por p1, !p0;
	[tilespmem:s0+$0xD080] =	vst @!p2 v33;
	v33 =	vsel @!p2 vm0, v35, v34  }
0x2db: {  	[tilespmem:s0+$0xD200] =	vst @!p2 v33;
	s0 =	sand.u32 @!p3 $0xFFFFFFF0, s3  }
0x2dc: {  	s1 =	sadd.s32 @p0 $0x1, s3;
	p1 =	sgt.f32 s28, $5.000000000e-01;
	v33 =	vld @!p3 [tilespmem:s0+$0xD080]  }
0x2dd: {  	[smem:$0x0] =	sst @p0 s1;
	v34 =	vld @!p3 [tilespmem:s0+$0xD200]  }
0x2de: {  	s1 =	sand.u32 @!p3 $0xF, s3;
	s3 =	sld @p1 [smem:$0x0]  }
0x2df: {  	v38 =	vlaneseq.u32 @!p3;
	v39 =	vbroadcast @!p3 v32, $0xB;
	v35 =	vmov @!p3 s1  }
0x2e0: {  	vm0 =	veq.s32 @!p3 v35, v38;
	v35 =	vbroadcast @!p3 v31, $0xB  }
0x2e1: {  	p0 =	sgt.s32 @p1 s3, $0xFF;
	v33 =	vsel @!p3 vm0, v39, v33  }
0x2e2: {  	p2 =	por p0, !p1;
	[tilespmem:s0+$0xD080] =	vst @!p3 v33;
	v33 =	vsel @!p3 vm0, v35, v34  }
0x2e3: {  	[tilespmem:s0+$0xD200] =	vst @!p3 v33;
	s0 =	sand.u32 @!p2 $0xFFFFFFF0, s3  }
0x2e4: {  	s1 =	sadd.s32 @p1 $0x1, s3;
	p0 =	sgt.f32 s26, $5.000000000e-01;
	v33 =	vld @!p2 [tilespmem:s0+$0xD080]  }
0x2e5: {  	[smem:$0x0] =	sst @p1 s1;
	v34 =	vld @!p2 [tilespmem:s0+$0xD200]  }
0x2e6: {  	s1 =	sand.u32 @!p2 $0xF, s3;
	s3 =	sld @p0 [smem:$0x0]  }
0x2e7: {  	v38 =	vlaneseq.u32 @!p2;
	v39 =	vbroadcast @!p2 v32, $0xC;
	v35 =	vmov @!p2 s1  }
0x2e8: {  	vm0 =	veq.s32 @!p2 v35, v38;
	v35 =	vbroadcast @!p2 v31, $0xC  }
0x2e9: {  	p1 =	sgt.s32 @p0 s3, $0xFF;
	v33 =	vsel @!p2 vm0, v39, v33  }
0x2ea: {  	p3 =	por p1, !p0;
	[tilespmem:s0+$0xD080] =	vst @!p2 v33;
	v33 =	vsel @!p2 vm0, v35, v34  }
0x2eb: {  	[tilespmem:s0+$0xD200] =	vst @!p2 v33;
	s0 =	sand.u32 @!p3 $0xFFFFFFF0, s3  }
0x2ec: {  	s1 =	sadd.s32 @p0 $0x1, s3;
	p1 =	sgt.f32 s25, $5.000000000e-01;
	v33 =	vld @!p3 [tilespmem:s0+$0xD080]  }
0x2ed: {  	[smem:$0x0] =	sst @p0 s1;
	v34 =	vld @!p3 [tilespmem:s0+$0xD200]  }
0x2ee: {  	s1 =	sand.u32 @!p3 $0xF, s3;
	s3 =	sld @p1 [smem:$0x0]  }
0x2ef: {  	v38 =	vlaneseq.u32 @!p3;
	v39 =	vbroadcast @!p3 v32, $0xD;
	v35 =	vmov @!p3 s1  }
0x2f0: {  	vm0 =	veq.s32 @!p3 v35, v38;
	v35 =	vbroadcast @!p3 v31, $0xD  }
0x2f1: {  	p0 =	sgt.s32 @p1 s3, $0xFF;
	v33 =	vsel @!p3 vm0, v39, v33  }
0x2f2: {  	p2 =	por p0, !p1;
	[tilespmem:s0+$0xD080] =	vst @!p3 v33;
	v33 =	vsel @!p3 vm0, v35, v34  }
0x2f3: {  	[tilespmem:s0+$0xD200] =	vst @!p3 v33;
	s0 =	sand.u32 @!p2 $0xFFFFFFF0, s3  }
0x2f4: {  	s1 =	sadd.s32 @p1 $0x1, s3;
	p0 =	sgt.f32 s24, $5.000000000e-01;
	v33 =	vld @!p2 [tilespmem:s0+$0xD080]  }
0x2f5: {  	[smem:$0x0] =	sst @p1 s1;
	v34 =	vld @!p2 [tilespmem:s0+$0xD200]  }
0x2f6: {  	s1 =	sand.u32 @!p2 $0xF, s3;
	s3 =	sld @p0 [smem:$0x0]  }
0x2f7: {  	v38 =	vlaneseq.u32 @!p2;
	v39 =	vbroadcast @!p2 v32, $0xE;
	v35 =	vmov @!p2 s1  }
0x2f8: {  	vm0 =	veq.s32 @!p2 v35, v38;
	v35 =	vbroadcast @!p2 v31, $0xE  }
0x2f9: {  	p1 =	sgt.s32 @p0 s3, $0xFF;
	v33 =	vsel @!p2 vm0, v39, v33  }
0x2fa: {  	p1 =	por p1, !p0;
	[tilespmem:s0+$0xD080] =	vst @!p2 v33;
	v33 =	vsel @!p2 vm0, v35, v34  }
0x2fb: {  	[tilespmem:s0+$0xD200] =	vst @!p2 v33;
	s0 =	sand.u32 @!p1 $0xFFFFFFF0, s3  }
0x2fc: {  	v33 =	vld @!p1 [tilespmem:s0+$0xD080]  }
0x2fd: {  	v34 =	vld @!p1 [tilespmem:s0+$0xD200]  }
0x2fe: {  	s1 =	sand.u32 @!p1 $0xF, s3  }
.Ltmp16:
0x2ff: {  	v38 =	vlaneseq.u32 @!p1;
	v39 =	vbroadcast @!p1 v32, $0xF;
	v35 =	vmov @!p1 s1;
	(pc) =	sbr.rel .LBB2_22-.Ltmp16, $4  }
0x300: {  	vm0 =	veq.s32 @!p1 v35, v38;
	v35 =	vbroadcast @!p1 v31, $0xF  }
0x301: {  	v33 =	vsel @!p1 vm0, v39, v33  }
0x302: {  	s1 =	sadd.s32 @p0 $0x1, s3;
	[tilespmem:s0+$0xD080] =	vst @!p1 v33;
	v33 =	vsel @!p1 vm0, v35, v34  }
0x303: {  	[smem:$0x0] =	sst @p0 s1;
	[tilespmem:s0+$0xD200] =	vst @!p1 v33  }
.LBB2_7:
.Ltmp17:
0x304: {  	(pc) =	sbr.rel .LBB2_12-.Ltmp17, $2  }
0x305: {  	_ =	sdelay $0x2  }
0x306: {  	v40 =	vimm.f32 $0.0e+00  }
.LBB2_9:
.Ltmp18:
0x307: {  	(pc) =	sbr.rel .LBB2_12-.Ltmp18, $2  }
0x308: {  	_ =	sdelay $0x2  }
0x309: {  	s0 =	simm.s32 $0x1;
	v40 =	vimm.f32 $0.0e+00;
	v46 =	vmov v47  }
.LBB2_23:
0x30a: {  	_ = 	snop  }
0x30b: {  	(v2sf) =	vpush v29, $0x0  }
0x30c: {  	(v2sf) =	vpush v29, $0x1;
	_ =	sdelay $0x1  }
0x30d: {  	(v2sf) =	vpush v29, $0x2;
	_ =	sdelay $0x1  }
0x30e: {  	(v2sf) =	vpush v29, $0x3;
	_ =	sdelay $0x1  }
0x30f: {  	(v2sf) =	vpush v29, $0x4;
	_ =	sdelay $0x1  }
0x310: {  	(v2sf) =	vpush v29, $0x5;
	_ =	sdelay $0x1  }
0x311: {  	(v2sf) =	vpush v29, $0x6;
	_ =	sdelay $0x1  }
0x312: {  	(v2sf) =	vpush v29, $0x7;
	_ =	sdelay $0x1  }
0x313: {  	s0 =	spop (v2sf);
	(v2sf) =	vpush v29, $0x8  }
0x314: {  	s1 =	spop (v2sf)  }
0x315: {  	(v2sf) =	vpush v29, $0x9;
	s0 =	sadd.f32 s1, s0  }
0x316: {  	s7 =	spop (v2sf)  }
0x317: {  	(v2sf) =	vpush v29, $0xA;
	s0 =	sadd.f32 s0, s7  }
0x318: {  	s11 =	spop (v2sf)  }
0x319: {  	(v2sf) =	vpush v29, $0xB;
	s0 =	sadd.f32 s0, s11  }
0x31a: {  	s14 =	spop (v2sf)  }
0x31b: {  	(v2sf) =	vpush v29, $0xC;
	s0 =	sadd.f32 s0, s14  }
0x31c: {  	s15 =	spop (v2sf)  }
0x31d: {  	(v2sf) =	vpush v29, $0xD;
	s0 =	sadd.f32 s0, s15  }
0x31e: {  	s21 =	spop (v2sf)  }
0x31f: {  	(v2sf) =	vpush v29, $0xE;
	s0 =	sadd.f32 s0, s21  }
0x320: {  	s22 =	spop (v2sf)  }
0x321: {  	(v2sf) =	vpush v29, $0xF;
	s0 =	sadd.f32 s0, s22  }
0x322: {  	s23 =	spop (v2sf)  }
0x323: {  	s0 =	sadd.f32 s0, s23  }
0x324: {  	s24 =	spop (v2sf)  }
0x325: {  	s0 =	sadd.f32 s0, s24  }
0x326: {  	s25 =	spop (v2sf)  }
0x327: {  	s0 =	sadd.f32 s0, s25  }
0x328: {  	s26 =	spop (v2sf)  }
0x329: {  	s0 =	sadd.f32 s0, s26  }
0x32a: {  	s28 =	spop (v2sf)  }
0x32b: {  	s0 =	sadd.f32 s0, s28  }
0x32c: {  	s29 =	spop (v2sf)  }
0x32d: {  	s0 =	sadd.f32 s0, s29  }
0x32e: {  	s30 =	spop (v2sf)  }
0x32f: {  	s0 =	sadd.f32 s0, s30  }
0x330: {  	s31 =	spop (v2sf)  }
0x331: {  	s0 =	sadd.f32 s0, s31;
	_ =	sdelay $0x1  }
0x332: {  	s0 =	ssub.f32 $6.000000000e+00, s0;
	_ =	sdelay $0x1  }
0x333: {  	s21 =	smax.f32 s0, $0.0e+00  }
0x334: {  	p0 =	sgt.f32 s21, $5.000000000e-01  }
.Ltmp19:
0x335: {  	_ = 	snop;
	(pc) =	sbr.rel @!p0 .LBB2_27-.Ltmp19, $1  }
0x336: {  	_ =	sdelay $0x3  }
0x337: {  	s22 =	simm.s32 $0x3B80  }
0x338: {  	v29 =	vld [tilespmem:s22+$0x0];
	_ =	sdelay $0x4  }
0x339: {  	(v2sf) =	vpush v29, $0x5  }
0x33a: {  	(v2sf) =	vpush v29, $0x2  }
0x33b: {  	(v2sf) =	vpush v29, $0x1  }
0x33c: {  	(v2sf) =	vpush v29, $0x0  }
0x33d: {  	(v2sf) =	vpush v29, $0xA  }
0x33e: {  	(v2sf) =	vpush v29, $0x3;
	_ =	sdelay $0x1  }
0x33f: {  	(v2sf) =	vpush v29, $0x4;
	_ =	sdelay $0x7  }
0x340: {  	s4 =	simm.f32 $0.0e+00;
	s3 =	spop (v2sf);
	(v2sf) =	vpush v29, $0x9  }
0x341: {  	p1 =	slt.f32 s4, s21;
	s0 =	spop (v2sf)  }
0x342: {  	s5 =	simm.f32 $1.000000000e+00;
	(v2sf) =	vpush v29, $0x6;
	s1 =	spop (v2sf);
	p0 =	slt.f32 s0, $5.000000000e-01  }
0x343: {  	s11 =	simm.f32 $1.000000000e+00;
	(v2sf) =	vpush v29, $0x7;
	s24 =	spop (v2sf);
	p4 =	slt.f32 s1, $5.000000000e-01  }
0x344: {  	s23 =	simm.f32 $1.000000000e+00;
	p2 =	slt.f32 s24, $5.000000000e-01;
	s0 =	spop (v2sf)  }
0x345: {  	s1 =	simm.f32 $1.000000000e+00;
	s5 =	simm.s32 @!p0 $0x0;
	s6 =	spop (v2sf)  }
0x346: {  	(v2sf) =	vpush v29, $0x8;
	s1 =	simm.s32 @!p2 $0x0;
	p2 =	slt.f32 s6, $5.000000000e-01;
	s6 =	simm.f32 $1.000000000e+00  }
0x347: {  	s7 =	spop (v2sf);
	s4 =	sadd.f32 s1, s4;
	s1 =	simm.s32 @!p1 $0x0  }
0x348: {  	s6 =	simm.s32 @!p4 $0x0;
	p3 =	slt.f32 s7, $5.000000000e-01;
	p1 =	slt.f32 s3, $5.000000000e-01  }
0x349: {  	s3 =	simm.f32 $1.000000000e+00;
	p5 =	slt.f32 s4, s21;
	s4 =	sadd.f32 s4, s6  }
0x34a: {  	s7 =	simm.f32 $1.000000000e+00;
	s11 =	simm.s32 @!p2 $0x0;
	s6 =	simm.f32 $1.000000000e+00  }
0x34b: {  	v30 =	vmov s1;
	s1 =	simm.f32 $1.000000000e+00;
	s6 =	simm.s32 @!p5 $0x0;
	s5 =	sadd.f32 s4, s5  }
0x34c: {  	s3 =	simm.s32 @!p3 $0x0;
	s7 =	simm.s32 @!p1 $0x0;
	s6 =	simm.s32 @!p4 $0x0  }
0x34d: {  	p4 =	slt.f32 s4, s21;
	s4 =	simm.f32 $1.000000000e+00;
	p5 =	slt.f32 s5, s21  }
0x34e: {  	s5 =	sadd.f32 s5, s11;
	s11 =	simm.f32 $1.000000000e+00;
	v31 =	vmov s6;
	s6 =	simm.f32 $1.000000000e+00  }
0x34f: {  	s23 =	simm.s32 @!p4 $0x0;
	s14 =	spop (v2sf);
	s4 =	simm.s32 @!p5 $0x0  }
0x350: {  	s24 =	sadd.f32 s5, s3;
	p5 =	slt.f32 s5, s21;
	(v2sf) =	vpush v29, $0xB;
	s5 =	simm.f32 $1.000000000e+00  }
0x351: {  	s23 =	simm.s32 @!p0 $0x0;
	s3 =	simm.f32 $1.000000000e+00;
	s15 =	spop (v2sf)  }
0x352: {  	p0 =	por $0x1, $0x1;
	s4 =	simm.s32 @!p2 $0x0;
	s25 =	spop (v2sf)  }
0x353: {  	p4 =	slt.f32 s15, $5.000000000e-01;
	s5 =	simm.s32 @!p5 $0x0;
	p6 =	slt.f32 s24, s21  }
0x354: {  	(v2sf) =	vpush v29, $0xE;
	s7 =	sadd.f32 s24, s7;
	s15 =	simm.f32 $1.000000000e+00;
	s24 =	simm.f32 $1.000000000e+00  }
0x355: {  	(v2sf) =	vpush v29, $0xC;
	s26 =	spop (v2sf);
	p5 =	slt.f32 s25, $5.000000000e-01;
	s5 =	simm.s32 @!p3 $0x0  }
0x356: {  	s3 =	simm.s32 @!p6 $0x0;
	p6 =	slt.f32 s26, $5.000000000e-01;
	s11 =	simm.s32 @!p4 $0x0  }
0x357: {  	(v2sf) =	vpush v29, $0xD;
	p3 =	slt.f32 s7, s21;
	s15 =	simm.s32 @!p5 $0x0;
	s11 =	sadd.f32 s7, s11  }
0x358: {  	s7 =	simm.f32 $1.000000000e+00;
	s3 =	simm.s32 @!p1 $0x0;
	p6 =	por !p0, !p6  }
0x359: {  	s24 =	simm.s32 @!p3 $0x0;
	p2 =	por !p6, !p6;
	s15 =	sadd.f32 s11, s15  }
0x35a: {  	v30 =	vnsel vm4, $0x0, v30;
	p3 =	slt.f32 s11, s21;
	s24 =	simm.s32 @!p4 $0x0;
	s11 =	simm.f32 $1.000000000e+00  }
0x35b: {  	v30 =	vadd.f32 v30, v29;
	p6 =	slt.f32 s14, $5.000000000e-01;
	s14 =	simm.f32 $1.000000000e+00;
	s7 =	simm.s32 @!p2 $0x0  }
0x35c: {  	v31 =	vnsel vm5, $0x0, v31;
	s7 =	sadd.f32 s15, s7;
	s11 =	simm.s32 @!p3 $0x0;
	p4 =	slt.f32 s15, s21  }
0x35d: {  	v30 =	vadd.f32 v31, v30;
	v31 =	vmov s23;
	p3 =	por !p0, !p6;
	s15 =	simm.f32 $1.000000000e+00;
	s11 =	simm.s32 @!p5 $0x0  }
0x35e: {  	v31 =	vnsel vm6, $0x0, v31;
	p5 =	slt.f32 s0, $5.000000000e-01;
	p3 =	por !p3, !p3;
	p1 =	slt.f32 s7, s21  }
0x35f: {  	s6 =	simm.s32 @!p4 $0x0;
	s14 =	simm.s32 @!p3 $0x0;
	s25 =	spop (v2sf);
	(v2sf) =	vpush v29, $0xF;
	v29 =	vadd.f32 v31, v30;
	v30 =	vmov s4  }
0x360: {  	s7 =	sadd.f32 s7, s14;
	s1 =	simm.s32 @!p1 $0x0;
	p1 =	por !p0, !p5;
	v30 =	vnsel vm7, $0x0, v30  }
0x361: {  	s6 =	simm.s32 @!p2 $0x0;
	p1 =	por !p1, !p1;
	s1 =	simm.s32 @!p3 $0x0;
	v31 =	vmov s5;
	v29 =	vadd.f32 v30, v29  }
0x362: {  	p3 =	slt.f32 s7, s21;
	s15 =	simm.s32 @!p1 $0x0;
	p6 =	slt.f32 s25, $5.000000000e-01;
	v30 =	vnsel vm8, $0x0, v31  }
0x363: {  	s4 =	simm.f32 $1.000000000e+00;
	s0 =	spop (v2sf);
	s23 =	sadd.f32 s7, s15;
	v31 =	vmov s3;
	v29 =	vadd.f32 v30, v29  }
0x364: {  	s7 =	simm.f32 $1.000000000e+00;
	s26 =	spop (v2sf);
	s3 =	simm.f32 $1.000000000e+00;
	v30 =	vnsel vm9, $0x0, v31  }
0x365: {  	s7 =	simm.s32 @!p3 $0x0;
	p5 =	por !p0, !p6;
	p3 =	slt.f32 s23, s21;
	v31 =	vmov s24;
	v29 =	vadd.f32 v30, v29  }
0x366: {  	p6 =	slt.f32 s26, $5.000000000e-01;
	s25 =	spop (v2sf);
	p2 =	por !p5, !p5;
	v30 =	vnsel vm10, $0x0, v31  }
0x367: {  	s3 =	simm.s32 @!p2 $0x0;
	s4 =	simm.s32 @!p3 $0x0;
	p3 =	slt.f32 s25, $5.000000000e-01;
	v29 =	vadd.f32 v30, v29;
	v30 =	vmov s11  }
0x368: {  	p4 =	por !p0, !p6;
	p6 =	slt.f32 s0, $5.000000000e-01;
	s3 =	sadd.f32 s23, s3;
	v30 =	vnsel vm11, $0x0, v30  }
0x369: {  	s0 =	simm.f32 $1.000000000e+00;
	s4 =	simm.s32 @!p2 $0x0;
	p2 =	por !p4, !p4;
	v29 =	vadd.f32 v30, v29;
	v30 =	vmov s6  }
0x36a: {  	s7 =	simm.s32 @!p1 $0x0;
	s0 =	simm.s32 @!p2 $0x0;
	p1 =	slt.f32 s3, s21;
	v30 =	vnsel vm12, $0x0, v30  }
0x36b: {  	s5 =	simm.f32 $1.000000000e+00;
	p4 =	por !p0, !p3;
	s0 =	sadd.f32 s3, s0;
	v29 =	vadd.f32 v30, v29;
	v30 =	vmov s1  }
0x36c: {  	s5 =	simm.s32 @!p1 $0x0;
	p1 =	por !p4, !p4;
	s6 =	simm.f32 $1.000000000e+00;
	v30 =	vnsel vm13, $0x0, v30  }
0x36d: {  	vm0 =	vcmask $0x2B28;
	p5 =	por !p0, !p6;
	s6 =	simm.s32 @!p1 $0x0;
	v29 =	vadd.f32 v30, v29;
	v30 =	vmov s7  }
0x36e: {  	v31 =	vmov s4;
	s4 =	simm.f32 $1.000000000e+00;
	p3 =	slt.f32 s0, s21;
	s0 =	sadd.f32 s0, s6;
	v30 =	vnsel vm0, $0x0, v30  }
0x36f: {  	s3 =	simm.f32 $1.000000000e+00;
	s5 =	simm.s32 @!p2 $0x0;
	p2 =	por !p5, !p5;
	v29 =	vadd.f32 v30, v29  }
0x370: {  	vm1 =	vmmov vm15;
	s3 =	simm.s32 @!p3 $0x0;
	s4 =	simm.s32 @!p2 $0x0;
	p3 =	slt.f32 s0, s21;
	v30 =	vnsel vm3, $0x0, v31;
	v31 =	vmov s5  }
0x371: {  	s0 =	sadd.f32 s0, s4;
	s26 =	spop (v2sf);
	v29 =	vadd.f32 v30, v29;
	v30 =	vnsel vm15, $0x0, v31;
	vm15 =	vmmov vm13  }
0x372: {  	s1 =	simm.f32 $1.000000000e+00;
	s3 =	simm.s32 @!p1 $0x0;
	p6 =	slt.f32 s26, $5.000000000e-01;
	vm13 =	vmmov vm12;
	vm12 =	vmmov vm11;
	vm11 =	vmmov vm10  }
0x373: {  	s1 =	simm.s32 @!p3 $0x0;
	p3 =	slt.f32 s0, s21;
	vm10 =	vmmov vm9;
	v29 =	vadd.f32 v30, v29;
	v30 =	vmov s3  }
0x374: {  	s1 =	simm.s32 @!p2 $0x0;
	p0 =	por !p0, !p6;
	vm9 =	vmmov vm8;
	vm8 =	vmmov vm7;
	s3 =	simm.f32 $1.000000000e+00;
	v30 =	vnsel vm2, $0x0, v30  }
0x375: {  	vm7 =	vmmov vm6;
	p0 =	por !p0, !p0;
	s3 =	simm.s32 @!p3 $0x0;
	v29 =	vadd.f32 v30, v29;
	v30 =	vmov s1  }
0x376: {  	s28 =	simm.s32 $0x1;
	s29 =	simm.s32 $0x10;
	vm6 =	vmmov vm5;
	vm5 =	vmmov vm4;
	s3 =	simm.s32 @!p0 $0x0;
	v30 =	vnsel vm14, $0x0, v30  }
0x377: {  	s30 =	simm.s32 $0x3B80;
	s31 =	simm.s32 $0x2780;
	vm4 =	vcmask $0x3B00;
	s1 =	simm.f32 $1.000000000e+00;
	v29 =	vadd.f32 v30, v29;
	v30 =	vmov s3  }
0x378: {  	s24 =	simm.s32 $0xFB00;
	s25 =	simm.s32 $0x2780;
	s1 =	simm.s32 @!p0 $0x0;
	v30 =	vsel vm4, $0x0, v30  }
0x379: {  	s23 =	simm.s32 $0x0;
	s26 =	simm.s32 $0xFB00;
	s3 =	sadd.f32 s0, s1;
	v30 =	vadd.f32 v30, v29  }
.LBB2_25:
0x37a: {  	_ = 	snop  }
0x37b: {  	[tilespmem:s30+$0x0] =	vst v30  }
0x37c: {  	v31 =	vld [tilespmem:s31+$0x0];
	_ =	sdelay $0x4  }
0x37d: {  	v29 =	vshll.u32 v31, $0x1  }
0x37e: {  	v32 =	vor.u32 $0x1, v29;
	_ =	sdelay $0x2  }
0x37f: {  	vm0 =	vgt.f32 v30, $5.000000000e-01  }
0x380: {  	v34 =	vmov s23;
	v31 =	vnsel vm0, $0xFFFFFFFF, v31;
	v33 =	vld.idx.msk [tilespmem:v29+s9+$0x0], $0xffff;
	v29 =	vmul.u32 $0x2, v5  }
0x381: {  	v32 =	vld.idx.msk [tilespmem:v32+s9+$0x0], $0xffff;
	[tilespmem:s24+$0x0] =	vst v31;
	v31 =	vshll.u32 v34, $0x1  }
0x382: {  	v31 =	vor.u32 v29, v31  }
0x383: {  	v55 =	vor.u32 $0x1, v31;
	_ =	sdelay $0x1  }
0x384: {  	v33 =	vmul.f32 v30, v33  }
0x385: {  	v30 =	vmul.f32 v30, v32  }
0x386: {  	[tilespmem:v31+s17+$0x0] =	vst.idx.msk $0xffff, v33  }
0x387: {  	s22 =	sadd.s32 $0x10, s22;
	[tilespmem:v55+s17+$0x0] =	vst.idx.msk $0xffff, v30  }
0x388: {  	v30 =	vld [tilespmem:s22+$0x0];
	_ =	sdelay $0x4  }
0x389: {  	(v2sf) =	vpush v30, $0x5  }
0x38a: {  	(v2sf) =	vpush v30, $0x2  }
0x38b: {  	(v2sf) =	vpush v30, $0x1  }
0x38c: {  	(v2sf) =	vpush v30, $0x0;
	_ =	sdelay $0x2  }
0x38d: {  	(v2sf) =	vpush v30, $0xA  }
0x38e: {  	(v2sf) =	vpush v30, $0x3;
	_ =	sdelay $0x4  }
0x38f: {  	p0 =	sne.s32 s28, $0x138  }
0x390: {  	s1 =	simm.s32 @!p0 $0x0  }
0x391: {  	p1 =	slt.f32 s3, s21;
	s1 =	simm.s32 @p0 $0x1;
	(v2sf) =	vpush v30, $0x4  }
0x392: {  	[smem:$0x7FD] =	sst s1;
	s1 =	spop (v2sf)  }
0x393: {  	s4 =	spop (v2sf);
	p4 =	slt.f32 s1, $5.000000000e-01  }
0x394: {  	s0 =	smov.u32 s28;
	(v2sf) =	vpush v30, $0x9;
	p3 =	slt.f32 s4, $5.000000000e-01;
	s7 =	spop (v2sf)  }
0x395: {  	s5 =	simm.f32 $1.000000000e+00;
	(v2sf) =	vpush v30, $0x6;
	p0 =	slt.f32 s7, $5.000000000e-01;
	s11 =	spop (v2sf)  }
0x396: {  	s7 =	simm.f32 $1.000000000e+00;
	s1 =	simm.s32 @!p4 $0x0;
	s4 =	simm.s32 @!p3 $0x0  }
0x397: {  	(v2sf) =	vpush v30, $0x7;
	p2 =	slt.f32 s11, $5.000000000e-01;
	s5 =	simm.s32 @!p3 $0x0;
	s4 =	simm.s32 @p3 $0x1  }
0x398: {  	s1 =	simm.s32 @p4 $0x1;
	[smem:$0x7F3] =	sst s4;
	s4 =	spop (v2sf)  }
0x399: {  	[smem:$0x7F5] =	sst s1;
	s7 =	simm.s32 @!p2 $0x0;
	s6 =	spop (v2sf)  }
0x39a: {  	s11 =	simm.f32 $1.000000000e+00;
	s14 =	sadd.f32 s7, s3;
	p2 =	slt.f32 s6, $5.000000000e-01  }
0x39b: {  	s1 =	simm.f32 $1.000000000e+00;
	p3 =	slt.u32 s0, $0x138;
	s0 =	simm.f32 $1.000000000e+00  }
0x39c: {  	(v2sf) =	vpush v30, $0x8;
	s7 =	simm.s32 @!p1 $0x0;
	p1 =	slt.f32 s14, s21;
	s6 =	simm.s32 @!p2 $0x0  }
0x39d: {  	s0 =	simm.s32 @!p4 $0x0;
	p5 =	slt.f32 s4, $5.000000000e-01;
	s6 =	simm.s32 @p2 $0x1  }
0x39e: {  	s1 =	simm.s32 @!p1 $0x0;
	[smem:$0x7F4] =	sst s6;
	s6 =	simm.f32 $1.000000000e+00  }
0x39f: {  	s1 =	simm.s32 @!p0 $0x0;
	s6 =	simm.s32 @!p0 $0x0;
	p0 =	por !p3, !p5  }
0x3a0: {  	s15 =	spop (v2sf);
	s3 =	sadd.f32 s14, s6;
	s6 =	simm.s32 @!p0 $0x0  }
0x3a1: {  	s4 =	simm.f32 $1.000000000e+00;
	(v2sf) =	vpush v30, $0xB;
	p6 =	slt.f32 s15, $5.000000000e-01;
	s6 =	simm.s32 @p0 $0x1  }
0x3a2: {  	s11 =	simm.s32 @!p2 $0x0;
	[smem:$0x7F7] =	sst s6;
	p0 =	slt.f32 s3, s21  }
0x3a3: {  	s4 =	simm.s32 @!p6 $0x0;
	s5 =	sadd.f32 s3, s5;
	s6 =	spop (v2sf)  }
0x3a4: {  	v31 =	vmov s7;
	s3 =	simm.f32 $1.000000000e+00;
	s7 =	spop (v2sf);
	p2 =	slt.f32 s6, $5.000000000e-01  }
0x3a5: {  	v56 =	vmov s1;
	s6 =	simm.f32 $1.000000000e+00;
	p1 =	slt.f32 s5, s21;
	s1 =	sadd.f32 s5, s11  }
0x3a6: {  	p4 =	slt.f32 s7, $5.000000000e-01;
	s5 =	simm.f32 $1.000000000e+00;
	s14 =	spop (v2sf)  }
0x3a7: {  	s7 =	simm.f32 $1.000000000e+00;
	s5 =	simm.s32 @!p0 $0x0;
	p0 =	por !p3, !p2  }
0x3a8: {  	p2 =	slt.f32 s14, $5.000000000e-01;
	s14 =	sld [smem:$0x7F4];
	s11 =	simm.s32 @!p0 $0x0  }
0x3a9: {  	(v2sf) =	vpush v30, $0xE;
	s3 =	simm.s32 @!p1 $0x0;
	s4 =	sadd.f32 s1, s4;
	s11 =	simm.s32 @p0 $0x1  }
0x3aa: {  	(v2sf) =	vpush v30, $0xC;
	s7 =	simm.s32 @!p4 $0x0;
	p1 =	slt.f32 s1, s21;
	[smem:$0x7F6] =	sst s11  }
0x3ab: {  	s1 =	simm.f32 $1.000000000e+00;
	s15 =	spop (v2sf);
	s11 =	sld [smem:$0x7F3]  }
0x3ac: {  	p0 =	slt.f32 s4, s21;
	s0 =	sadd.f32 s4, s0;
	s4 =	simm.f32 $1.000000000e+00  }
0x3ad: {  	s6 =	simm.s32 @!p1 $0x0;
	p1 =	slt.f32 s15, $5.000000000e-01;
	s4 =	simm.s32 @!p2 $0x0  }
0x3ae: {  	s1 =	simm.s32 @!p0 $0x0;
	p0 =	slt.f32 s0, s21;
	s0 =	sadd.f32 s0, s7  }
0x3af: {  	s6 =	simm.s32 @!p6 $0x0;
	s15 =	sld [smem:$0x7F5];
	p5 =	seq.s32 s11, $0x1  }
0x3b0: {  	v59 =	vmov s6;
	s6 =	spop (v2sf);
	s5 =	simm.s32 @!p5 $0x0;
	s4 =	sadd.f32 s0, s4  }
0x3b1: {  	(v2sf) =	vpush v30, $0xD;
	p5 =	por !p3, !p1;
	p1 =	seq.s32 s14, $0x1;
	s14 =	sld [smem:$0x7F6]  }
0x3b2: {  	v31 =	vnsel vm5, $0x0, v31;
	s3 =	simm.s32 @!p1 $0x0;
	p1 =	por !p5, !p5;
	p5 =	slt.f32 s6, $5.000000000e-01  }
0x3b3: {  	v31 =	vadd.f32 v31, v30;
	v57 =	vmov s5;
	s6 =	sld [smem:$0x7F7];
	s5 =	simm.s32 @!p1 $0x0;
	v58 =	vmov s3;
	s3 =	simm.f32 $1.000000000e+00  }
0x3b4: {  	v32 =	vnsel vm6, $0x0, v56;
	s5 =	simm.s32 @p1 $0x1;
	s3 =	simm.s32 @!p1 $0x0;
	p1 =	seq.s32 s15, $0x1  }
0x3b5: {  	v31 =	vadd.f32 v32, v31;
	[smem:$0x7F9] =	sst s5;
	s1 =	simm.s32 @!p1 $0x0  }
0x3b6: {  	v32 =	vnsel vm7, $0x0, v57;
	p6 =	slt.f32 s4, s21;
	s7 =	sadd.f32 s4, s3;
	v60 =	vmov s1;
	s1 =	simm.f32 $1.000000000e+00  }
0x3b7: {  	v31 =	vadd.f32 v32, v31;
	s3 =	simm.f32 $1.000000000e+00;
	s5 =	simm.f32 $1.000000000e+00;
	s1 =	simm.s32 @!p0 $0x0  }
0x3b8: {  	v32 =	vnsel vm8, $0x0, v58;
	p0 =	slt.f32 s0, s21;
	s11 =	spop (v2sf);
	s1 =	simm.s32 @!p4 $0x0  }
0x3b9: {  	v31 =	vadd.f32 v32, v31;
	p4 =	seq.s32 s14, $0x1;
	s15 =	spop (v2sf);
	s14 =	sld [smem:$0x7F9]  }
0x3ba: {  	v33 =	vnsel vm9, $0x0, v59;
	s3 =	simm.s32 @!p0 $0x0;
	p0 =	por !p3, !p5;
	p4 =	por !p4, !p4  }
0x3bb: {  	v31 =	vadd.f32 v33, v31;
	p5 =	seq.s32 s6, $0x1;
	s4 =	simm.s32 @!p0 $0x0;
	s3 =	simm.s32 @!p2 $0x0  }
0x3bc: {  	v32 =	vnsel vm10, $0x0, v60;
	p5 =	por !p5, !p5;
	p2 =	slt.f32 s7, s21;
	s4 =	simm.s32 @p0 $0x1  }
0x3bd: {  	(v2sf) =	vpush v30, $0xF;
	v30 =	vadd.f32 v32, v31;
	v31 =	vmov s3;
	s3 =	simm.f32 $1.000000000e+00;
	p0 =	slt.f32 s15, $5.000000000e-01;
	[smem:$0x7F8] =	sst s4  }
0x3be: {  	s3 =	simm.s32 @!p4 $0x0;
	s4 =	simm.f32 $1.000000000e+00;
	s5 =	simm.s32 @!p2 $0x0  }
0x3bf: {  	s4 =	simm.s32 @!p5 $0x0;
	s0 =	sadd.f32 s7, s3;
	p1 =	por !p3, !p0  }
0x3c0: {  	s7 =	spop (v2sf);
	p0 =	por !p1, !p1;
	p1 =	slt.f32 s11, $5.000000000e-01  }
0x3c1: {  	s3 =	simm.f32 $1.000000000e+00;
	s11 =	sld [smem:$0x7F8];
	p2 =	slt.f32 s0, s21  }
0x3c2: {  	s5 =	simm.s32 @!p4 $0x0;
	s6 =	simm.s32 @!p0 $0x0;
	s0 =	sadd.f32 s0, s4  }
0x3c3: {  	v61 =	vmov s1;
	s4 =	simm.f32 $1.000000000e+00;
	s6 =	simm.s32 @p0 $0x1;
	s1 =	simm.s32 @!p2 $0x0  }
0x3c4: {  	s4 =	simm.s32 @!p0 $0x0;
	[smem:$0x7FB] =	sst s6;
	s1 =	simm.s32 @p2 $0x1  }
0x3c5: {  	p0 =	seq.s32 s14, $0x1;
	[smem:$0x7FA] =	sst s1;
	s1 =	simm.f32 $1.000000000e+00  }
0x3c6: {  	v33 =	vnsel vm11, $0x0, v61;
	p2 =	slt.f32 s7, $5.000000000e-01;
	s1 =	simm.s32 @!p6 $0x0;
	p6 =	seq.s32 s11, $0x1  }
0x3c7: {  	v30 =	vadd.f32 v33, v30;
	p1 =	por !p3, !p1;
	s15 =	sld [smem:$0x7FA];
	p6 =	por !p6, !p6  }
0x3c8: {  	v31 =	vnsel vm12, $0x0, v31;
	p2 =	por !p3, !p2;
	s1 =	simm.s32 @!p0 $0x0;
	s3 =	simm.s32 @!p6 $0x0  }
0x3c9: {  	v30 =	vadd.f32 v31, v30;
	p0 =	slt.f32 s0, s21;
	v31 =	vmov s1;
	s0 =	sadd.f32 s0, s3;
	s3 =	simm.s32 @!p1 $0x0  }
0x3ca: {  	s11 =	sld [smem:$0x7FB];
	v31 =	vnsel vm13, $0x0, v31;
	s3 =	simm.s32 @p1 $0x1;
	p1 =	seq.s32 s15, $0x1  }
0x3cb: {  	v30 =	vadd.f32 v31, v30;
	v31 =	vmov s5;
	s5 =	simm.f32 $1.000000000e+00;
	[smem:$0x7FC] =	sst s3;
	s3 =	simm.f32 $1.000000000e+00  }
0x3cc: {  	p2 =	por !p2, !p2;
	s5 =	simm.s32 @!p0 $0x0;
	s3 =	simm.s32 @!p1 $0x0  }
0x3cd: {  	v31 =	vnsel vm15, $0x0, v31;
	p0 =	slt.f32 s0, s21;
	s0 =	sadd.f32 s0, s4;
	s3 =	simm.s32 @!p5 $0x0  }
0x3ce: {  	vm0 =	vcmask $0x2B28;
	s1 =	simm.f32 $1.000000000e+00;
	s4 =	simm.f32 $1.000000000e+00;
	v30 =	vadd.f32 v31, v30;
	s14 =	sld [smem:$0x7FC];
	v31 =	vmov s3  }
0x3cf: {  	s1 =	simm.s32 @!p2 $0x0;
	s5 =	simm.s32 @!p6 $0x0;
	s4 =	simm.s32 @!p0 $0x0;
	v31 =	vnsel vm0, $0x0, v31  }
0x3d0: {  	v62 =	vmov s5;
	p1 =	slt.f32 s0, s21;
	p0 =	seq.s32 s11, $0x1;
	s0 =	sadd.f32 s0, s1;
	v30 =	vadd.f32 v31, v30  }
0x3d1: {  	s1 =	simm.f32 $1.000000000e+00;
	s4 =	simm.s32 @!p0 $0x0;
	p4 =	seq.s32 s14, $0x1;
	v31 =	vnsel vm3, $0x0, v62  }
0x3d2: {  	v63 =	vmov s4;
	s1 =	simm.s32 @!p1 $0x0;
	s4 =	simm.f32 $1.000000000e+00;
	p0 =	por !p4, !p4;
	v30 =	vadd.f32 v31, v30  }
0x3d3: {  	p1 =	slt.f32 s0, s21;
	s1 =	simm.s32 @!p2 $0x0;
	s4 =	simm.s32 @!p0 $0x0;
	v31 =	vnsel vm1, $0x0, v63  }
0x3d4: {  	s7 =	spop (v2sf);
	s0 =	sadd.f32 s0, s4;
	v30 =	vadd.f32 v31, v30;
	v31 =	vmov s1;
	s1 =	simm.f32 $1.000000000e+00  }
0x3d5: {  	p5 =	slt.f32 s7, $5.000000000e-01;
	s1 =	simm.s32 @!p1 $0x0  }
0x3d6: {  	s15 =	sld [smem:$0x7FD];
	p1 =	slt.f32 s0, s21;
	v31 =	vnsel vm2, $0x0, v31;
	s1 =	simm.s32 @!p0 $0x0  }
0x3d7: {  	p6 =	por !p3, !p5;
	v30 =	vadd.f32 v31, v30;
	v31 =	vmov s1;
	s1 =	simm.f32 $1.000000000e+00  }
0x3d8: {  	s3 =	simm.f32 $1.000000000e+00;
	p0 =	por !p6, !p6;
	s1 =	simm.s32 @!p1 $0x0  }
0x3d9: {  	s3 =	simm.s32 @!p0 $0x0;
	s1 =	simm.s32 @!p0 $0x0;
	p0 =	seq.s32 s15, $0x1  }
.Ltmp20:
0x3da: {  	_ = 	snop;
	(pc) =	sbr.rel @p0 .LBB2_25-.Ltmp20, $4  }
0x3db: {  	v31 =	vnsel vm14, $0x0, v31  }
0x3dc: {  	s25 =	sadd.s32 $0x10, s25;
	s26 =	sadd.s32 $0x10, s26;
	s28 =	sadd.s32 $0x1, s28;
	v30 =	vadd.f32 v31, v30;
	v31 =	vmov s1  }
0x3dd: {  	s23 =	smov.u32 s29;
	s29 =	sadd.s32 $0x10, s29;
	s30 =	smov.u32 s22;
	v31 =	vsel vm4, $0x0, v31  }
0x3de: {  	s31 =	smov.u32 s25;
	s24 =	smov.u32 s26;
	s3 =	sadd.f32 s0, s3;
	v30 =	vadd.f32 v31, v30  }
0x3df: {  	_ = 	snop  }
0x3e0: {  	[tilespmem:s30+$0x0] =	vst v30  }
0x3e1: {  	v31 =	vld [tilespmem:s31+$0x0];
	_ =	sdelay $0x4  }
0x3e2: {  	v32 =	vshll.u32 v31, $0x1  }
0x3e3: {  	v33 =	vor.u32 $0x1, v32;
	_ =	sdelay $0x3  }
0x3e4: {  	v34 =	vmov s23;
	v32 =	vld.idx.msk [tilespmem:v32+s9+$0x0], $0xffff  }
0x3e5: {  	v34 =	vshll.u32 v34, $0x1;
	v33 =	vld.idx.msk [tilespmem:v33+s9+$0x0], $0xffff  }
0x3e6: {  	v29 =	vor.u32 v29, v34  }
0x3e7: {  	v34 =	vor.u32 $0x1, v29  }
.Ltmp21:
0x3e8: {  	vm4 =	vmmov vm5;
	vm5 =	vmmov vm6;
	vm0 =	vgt.f32 v30, $5.000000000e-01;
	(pc) =	sbr.rel .LBB2_27-.Ltmp21, $4  }
0x3e9: {  	vm6 =	vmmov vm7;
	v31 =	vnsel vm0, $0xFFFFFFFF, v31;
	v32 =	vmul.f32 v30, v32  }
0x3ea: {  	vm7 =	vmmov vm8;
	vm8 =	vmmov vm9;
	[tilespmem:s24+$0x0] =	vst v31;
	v30 =	vmul.f32 v30, v33  }
0x3eb: {  	vm9 =	vmmov vm10;
	vm10 =	vmmov vm11;
	vm11 =	vmmov vm12;
	[tilespmem:v29+s17+$0x0] =	vst.idx.msk $0xffff, v32  }
0x3ec: {  	vm12 =	vmmov vm13;
	vm13 =	vmmov vm15;
	vm15 =	vmmov vm1;
	[tilespmem:v34+s17+$0x0] =	vst.idx.msk $0xffff, v30  }
.Lfunc_end2:
_tile_overlayer_lowered:
.L_overlay_start_2:
0x3ed: {  	(tag) =	ssettag $0x2  }
0x3ee: {  	s0 =	rddreg [dreg:$0x0];
	s2 =	stileid.u32  }
0x3ef: {  	s1 =	rddreg [dreg:$0x1];
	p0 =	sne.s32 s2, $0x0  }
0x3f0: {  	s3 =	rddreg [dreg:$0x2];
	[bflag:$0x3] =	sbarrier.arrive $0xFFFF;
	s2 =	simm.s32 @!p0 $0x1C01  }
0x3f1: {  	[timem:s3], [sflag:s2] =	dma.local @!p0 [hbm:s0], s1  }
0x3f2: {  	s0 =	simm.s32 @!p0 $0x1  }
0x3f3: {  	_ =	swait.ge @!p0 [sflag:s0], s1  }
0x3f4: {  	s1 =	ssub.s32 @!p0 $0x0, s1;
	[sflag:s0] =	ssyncset.done @!p0 $0x0  }
0x3f5: {  	[sflag:s0] =	ssyncadd.s32 @!p0 s1  }
0x3f6: {  	[bflag:$0x3] =	sbarrier.arrive $0xFFFF  }
0x3f7: {  	_ =	shalt  }

</sc_bundles>
